<compile_context>
chip_gen: v7x
topology: tpu7x:2x2x1
jax: 0.10.2.dev20260603
libtpu: 0.0.44.dev20260713+nightly
codegen_flags: <defaults>
</compile_context>

<pallas_src>
import functools

import jax
import jax.numpy as jnp
from jax import lax
from jax.experimental import pallas as pl
from jax.experimental.pallas import tpu as pltpu
from jax.experimental.pallas import tpu_sc as plsc

N = 10000
E = 320000
H = 128
L = 3

NC, NS = 2, 16
EPC = E // NC
EPT = E // (NC * NS)
WIN = 40


def _leaky(v):
    return jnp.where(v > 0, v, 0.1 * v)


def _node_mlp_body(x_ref, wa_ref, ba_ref, wb_ref, bb_ref, out_ref):
    t = jnp.dot(x_ref[...], wa_ref[...], preferred_element_type=jnp.float32)
    t = _leaky(t + ba_ref[...])
    out_ref[...] = (
        jnp.dot(t, wb_ref[...], preferred_element_type=jnp.float32) + bb_ref[...]
    )


_NB = 10
_BR = N // _NB


def _node_mlp(x, W0a, b0a, W0b, b0b):
    d_in = x.shape[1]
    return pl.pallas_call(
        _node_mlp_body,
        grid=(_NB,),
        in_specs=[
            pl.BlockSpec((_BR, d_in), lambda i: (i, 0)),
            pl.BlockSpec((d_in, H), lambda i: (0, 0)),
            pl.BlockSpec((1, H), lambda i: (0, 0)),
            pl.BlockSpec((H, H), lambda i: (0, 0)),
            pl.BlockSpec((1, H), lambda i: (0, 0)),
        ],
        out_specs=pl.BlockSpec((_BR, H), lambda i: (i, 0)),
        out_shape=jax.ShapeDtypeStruct((N, H), jnp.float32),
    )(x, W0a, b0a.reshape(1, H), W0b, b0b.reshape(1, H))


_EC = 8000


def _edge_mlp_body(ea_ref, w1_ref, b1_ref, w2_ref, b2_ref, out_ref):
    t = _leaky(
        jnp.dot(ea_ref[...], w1_ref[0], preferred_element_type=jnp.float32)
        + b1_ref[0]
    )
    out_ref[...] = (
        jnp.dot(t, w2_ref[0], preferred_element_type=jnp.float32) + b2_ref[0]
    )


def _edge_mlp(ea, We1, be1, We2, be2):
    d_e = ea.shape[1]
    return pl.pallas_call(
        _edge_mlp_body,
        grid=(L, E // _EC),
        in_specs=[
            pl.BlockSpec((_EC, d_e), lambda l, i: (i, 0)),
            pl.BlockSpec((1, d_e, H), lambda l, i: (l, 0, 0)),
            pl.BlockSpec((1, 1, H), lambda l, i: (l, 0, 0)),
            pl.BlockSpec((1, H, H), lambda l, i: (l, 0, 0)),
            pl.BlockSpec((1, 1, H), lambda l, i: (l, 0, 0)),
        ],
        out_specs=pl.BlockSpec((_EC, H), lambda l, i: (l * (E // _EC) + i, 0)),
        out_shape=jax.ShapeDtypeStruct((L * E, H), jnp.float32),
    )(ea, We1, be1, We2, be2)


ZR = 1000
NZT = N // ZR


KG = 5
GWIN = KG * WIN
NG = EPT // GWIN


def _sc_edge_agg_body(e_hbm, dst_hbm, zeros_hbm,
                      se_hbm,
                      didx0, didx1, didx2, didx3, didx4,
                      rows, acc_sh, isem, ssem):
    c = lax.axis_index("c")
    s = lax.axis_index("s")
    base = c * EPC + s * EPT
    r0 = s * ZR
    didx = (didx0, didx1, didx2, didx3, didx4)

    for l in range(L):
        @pl.when(s < NZT)
        def _():
            pltpu.sync_copy(zeros_hbm.at[pl.ds(r0, ZR)],
                            acc_sh.at[pl.ds(r0, ZR)])

        plsc.subcore_barrier()

        def grp_body(g, carry):
            goff = base + g * GWIN
            cps = [pltpu.async_copy(dst_hbm.at[pl.ds(goff + k * WIN, WIN)],
                                    didx[k], isem) for k in range(KG)]
            pltpu.sync_copy(e_hbm.at[pl.ds(l * E + goff, GWIN)], rows)
            for cp in cps:
                cp.wait()
            sps = [pltpu.async_copy(rows.at[pl.ds(k * WIN, WIN)],
                                    acc_sh.at[didx[k]], ssem, add=True)
                   for k in range(KG)]
            for sp in sps:
                sp.wait()
            return carry

        lax.fori_loop(0, NG, grp_body, 0)
        plsc.subcore_barrier()

        @pl.when(s < NZT)
        def _():
            pltpu.sync_copy(acc_sh.at[pl.ds(r0, ZR)],
                            se_hbm.at[pl.ds((l * NC + c) * N + r0, ZR)])

        plsc.subcore_barrier()


def _sc_edge_agg(e, dst):
    zeros = jnp.zeros((N, H), jnp.float32)
    f = pl.kernel(
        _sc_edge_agg_body,
        out_type=jax.ShapeDtypeStruct((L * NC * N, H), jnp.float32),
        mesh=plsc.VectorSubcoreMesh(core_axis_name="c", subcore_axis_name="s"),
        scratch_types=(
            [pltpu.VMEM((WIN,), jnp.int32) for _ in range(5)]
            + [
                pltpu.VMEM((GWIN, H), jnp.float32),
                pltpu.VMEM_SHARED((N, H), jnp.float32),
                pltpu.SemaphoreType.DMA,
                pltpu.SemaphoreType.DMA,
            ]
        ),
    )
    return f(e, dst, zeros).reshape(L, NC, N, H)


def _sc_msg_agg_body(h_hbm, src_hbm, dst_hbm, zeros_hbm,
                     sh_hbm,
                     sidx0, sidx1, sidx2, sidx3, sidx4,
                     didx0, didx1, didx2, didx3, didx4,
                     rows, acc_sh, isem, gsem, ssem):
    c = lax.axis_index("c")
    s = lax.axis_index("s")
    base = c * EPC + s * EPT
    r0 = s * ZR
    sidx = (sidx0, sidx1, sidx2, sidx3, sidx4)
    didx = (didx0, didx1, didx2, didx3, didx4)

    @pl.when(s < NZT)
    def _():
        pltpu.sync_copy(zeros_hbm.at[pl.ds(r0, ZR)],
                        acc_sh.at[pl.ds(r0, ZR)])

    plsc.subcore_barrier()

    def grp_body(g, carry):
        goff = base + g * GWIN
        cps = [pltpu.async_copy(src_hbm.at[pl.ds(goff + k * WIN, WIN)],
                                sidx[k], isem) for k in range(KG)]
        cps += [pltpu.async_copy(dst_hbm.at[pl.ds(goff + k * WIN, WIN)],
                                 didx[k], isem) for k in range(KG)]
        for cp in cps:
            cp.wait()
        gps = [pltpu.async_copy(h_hbm.at[sidx[k]],
                                rows.at[pl.ds(k * WIN, WIN)], gsem)
               for k in range(KG)]
        for gp in gps:
            gp.wait()
        sps = [pltpu.async_copy(rows.at[pl.ds(k * WIN, WIN)],
                                acc_sh.at[didx[k]], ssem, add=True)
               for k in range(KG)]
        for sp in sps:
            sp.wait()
        return carry

    lax.fori_loop(0, NG, grp_body, 0)
    plsc.subcore_barrier()

    @pl.when(s < NZT)
    def _():
        pltpu.sync_copy(acc_sh.at[pl.ds(r0, ZR)],
                        sh_hbm.at[pl.ds(c * N + r0, ZR)])


def _sc_msg_agg(h, src, dst):
    zeros = jnp.zeros((N, H), jnp.float32)
    f = pl.kernel(
        _sc_msg_agg_body,
        out_type=jax.ShapeDtypeStruct((NC * N, H), jnp.float32),
        mesh=plsc.VectorSubcoreMesh(core_axis_name="c", subcore_axis_name="s"),
        scratch_types=(
            [pltpu.VMEM((WIN,), jnp.int32) for _ in range(10)]
            + [
                pltpu.VMEM((GWIN, H), jnp.float32),
                pltpu.VMEM_SHARED((N, H), jnp.float32),
                pltpu.SemaphoreType.DMA,
                pltpu.SemaphoreType.DMA,
                pltpu.SemaphoreType.DMA,
            ]
        ),
    )
    return f(h, src, dst, zeros).reshape(NC, N, H)


def _dense1_body(sh_ref, h_ref, se_ref,
                 we2_ref, be1_ref, be2_ref,
                 wm1_ref, bm1_ref, wm2_ref, bm2_ref,
                 out_ref, stats_ref, acc_ref):
    i = pl.program_id(0)

    @pl.when(i == 0)
    def _():
        acc_ref[...] = jnp.zeros_like(acc_ref)

    h = h_ref[...]
    sh = sh_ref[0] + sh_ref[1]
    se = se_ref[0, 0] + se_ref[0, 1]
    c0 = (jnp.dot(_leaky(be1_ref[0]), we2_ref[0],
                  preferred_element_type=jnp.float32) + be2_ref[0])
    agg = sh + h + se + c0
    u = jnp.maximum(
        jnp.dot(agg, wm1_ref[0], preferred_element_type=jnp.float32)
        + bm1_ref[0], 0.0)
    h2 = (jnp.dot(u, wm2_ref[0], preferred_element_type=jnp.float32)
          + bm2_ref[0])
    out_ref[...] = h2
    acc_ref[0:1, :] += jnp.sum(h2, axis=0, keepdims=True)
    acc_ref[1:2, :] += jnp.sum(h2 * h2, axis=0, keepdims=True)

    @pl.when(i == _NB - 1)
    def _():
        stats_ref[...] = acc_ref[...]


def _dense2_body(h2_ref, stats_ref, gamma_ref, beta_ref, out_ref, *, last):
    h2 = h2_ref[...]
    mean = stats_ref[0:1, :] * (1.0 / N)
    var = stats_ref[1:2, :] * (1.0 / N) - mean * mean
    out = (h2 - mean) * lax.rsqrt(var + 1e-5) * gamma_ref[0] + beta_ref[0]
    if not last:
        out = jnp.maximum(out, 0.0)
    out_ref[...] = out


def _dense_layer(l, sh, h, se, We2, be1, be2, Wm1, bm1, Wm2, bm2,
                 gamma, beta):
    h2, stats = pl.pallas_call(
        _dense1_body,
        grid=(_NB,),
        in_specs=[
            pl.BlockSpec((NC, _BR, H), lambda i: (0, i, 0)),
            pl.BlockSpec((_BR, H), lambda i: (i, 0)),
            pl.BlockSpec((1, NC, _BR, H), lambda i: (l, 0, i, 0)),
            pl.BlockSpec((1, H, H), lambda i: (l, 0, 0)),
            pl.BlockSpec((1, 1, H), lambda i: (l, 0, 0)),
            pl.BlockSpec((1, 1, H), lambda i: (l, 0, 0)),
            pl.BlockSpec((1, H, 2 * H), lambda i: (l, 0, 0)),
            pl.BlockSpec((1, 1, 2 * H), lambda i: (l, 0, 0)),
            pl.BlockSpec((1, 2 * H, H), lambda i: (l, 0, 0)),
            pl.BlockSpec((1, 1, H), lambda i: (l, 0, 0)),
        ],
        out_specs=[
            pl.BlockSpec((_BR, H), lambda i: (i, 0)),
            pl.BlockSpec((8, H), lambda i: (0, 0)),
        ],
        out_shape=[
            jax.ShapeDtypeStruct((N, H), jnp.float32),
            jax.ShapeDtypeStruct((8, H), jnp.float32),
        ],
        scratch_shapes=[pltpu.VMEM((8, H), jnp.float32)],
    )(sh, h, se, We2, be1, be2, Wm1, bm1, Wm2, bm2)

    body2 = functools.partial(_dense2_body, last=(l == L - 1))
    return pl.pallas_call(
        body2,
        grid=(_NB,),
        in_specs=[
            pl.BlockSpec((_BR, H), lambda i: (i, 0)),
            pl.BlockSpec((8, H), lambda i: (0, 0)),
            pl.BlockSpec((1, 1, H), lambda i: (l, 0, 0)),
            pl.BlockSpec((1, 1, H), lambda i: (l, 0, 0)),
        ],
        out_specs=pl.BlockSpec((_BR, H), lambda i: (i, 0)),
        out_shape=jax.ShapeDtypeStruct((N, H), jnp.float32),
    )(h2, stats, gamma, beta)


def kernel(x, edge_index, edge_attr, W0a, b0a, W0b, b0b, Wm1, bm1, Wm2, bm2,
           We1, be1, We2, be2, gamma, beta):
    src = edge_index[0]
    dst = edge_index[1]

    be1 = be1.reshape(L, 1, H)
    be2 = be2.reshape(L, 1, H)
    bm1 = bm1.reshape(L, 1, 2 * H)
    bm2 = bm2.reshape(L, 1, H)
    gamma = gamma.reshape(L, 1, H)
    beta = beta.reshape(L, 1, H)

    h = _node_mlp(x, W0a, b0a, W0b, b0b)
    e = _edge_mlp(edge_attr, We1, be1, We2, be2)
    se = _sc_edge_agg(e, dst)

    for l in range(L):
        sh = _sc_msg_agg(h, src, dst)
        h = _dense_layer(l, sh, h, se, We2, be1, be2, Wm1, bm1,
                         Wm2, bm2, gamma, beta)
    return h

# --- scband reference (transcript-rebuilt; emitter-appended) ---
"""Pipeline reference for scband-gnn-56650618634369 (READ-ONLY COPY).

The authoritative reference and input builder live on the scoring server;
editing this copy changes nothing except your own understanding.
"""

import jax, jax.numpy as jnp
import numpy as np

N, E, D_IN, D_E, H, L = 10000, 320000, 178, 18, 128, 3

def leaky(v):
    return jnp.where(v > 0, v, 0.1 * v)

def setup_inputs(seed: int = 0):
    key = jax.random.key(seed)
    ks = jax.random.split(key, 20)
    s = 0.05
    inp = {}
    inp['x'] = jax.random.normal(ks[0], (N, D_IN), dtype=jnp.float32)
    inp['edge_index'] = jax.random.randint(ks[1], (2, E), 0, N, dtype=jnp.int32)
    inp['edge_attr'] = jax.random.normal(ks[2], (E, D_E), dtype=jnp.float32)
    # initial mlp: Linear(178,128) -> LeakyReLU(0.1) -> Linear(128,128)
    inp['W0a'] = jax.random.normal(ks[3], (D_IN, H), dtype=jnp.float32) * s
    inp['b0a'] = jnp.zeros((H,), dtype=jnp.float32)
    inp['W0b'] = jax.random.normal(ks[4], (H, H), dtype=jnp.float32) * s
    inp['b0b'] = jnp.zeros((H,), dtype=jnp.float32)
    # per-layer GINConv mlp: Linear(128,256) -> ReLU -> Linear(256,128)
    inp['Wm1'] = jax.random.normal(ks[5], (L, H, 2 * H), dtype=jnp.float32) * s
    inp['bm1'] = jnp.zeros((L, 2 * H), dtype=jnp.float32)
    inp['Wm2'] = jax.random.normal(ks[6], (L, 2 * H, H), dtype=jnp.float32) * s
    inp['bm2'] = jnp.zeros((L, H), dtype=jnp.float32)
    # per-layer edge_embedding: Linear(18,128) -> LeakyReLU(0.1) -> Linear(128,128)
    inp['We1'] = jax.random.normal(ks[7], (L, D_E, H), dtype=jnp.float32) * s
    inp['be1'] = jnp.zeros((L, H), dtype=jnp.float32)
    inp['We2'] = jax.random.normal(ks[8], (L, H, H), dtype=jnp.float32) * s
    inp['be2'] = jnp.zeros((L, H), dtype=jnp.float32)
    # per-layer BatchNorm1d affine params (training-mode batch stats)
    inp['gamma'] = jnp.ones((L, H), dtype=jnp.float32)
    inp['beta'] = jnp.zeros((L, H), dtype=jnp.float32)
    return inp

def reference(x, edge_index, edge_attr, W0a, b0a, W0b, b0b, Wm1, bm1, Wm2, bm2, We1, be1, We2, be2, gamma, beta):
    n = x.shape[0]
    # initial feature MLP
    h = leaky(x @ W0a + b0a) @ W0b + b0b
    # add self loops (appended, matching torch_geometric add_self_loops)
    self_idx = jnp.arange(n, dtype=edge_index.dtype)
    src = jnp.concatenate([edge_index[0], self_idx])
    dst = jnp.concatenate([edge_index[1], self_idx])
    ea_full = jnp.concatenate([edge_attr, jnp.zeros((n, edge_attr.shape[1]), dtype=edge_attr.dtype)], axis=0)
    for l in range(L):
        e = leaky(ea_full @ We1[l] + be1[l]) @ We2[l] + be2[l]
        msg = h[src] + e
        agg = jax.ops.segment_sum(msg, dst, num_segments=n)
        h2 = jax.nn.relu(agg @ Wm1[l] + bm1[l]) @ Wm2[l] + bm2[l]
        mean = jnp.mean(h2, axis=0)
        var = jnp.var(h2, axis=0)
        h2 = (h2 - mean) / jnp.sqrt(var + 1e-5) * gamma[l] + beta[l]
        if l < L - 1:
            h2 = jax.nn.relu(h2)
        h = h2
    return h

if __name__ == "__main__":
    import jax
    _d = setup_inputs()
    print(jax.jit(kernel)(*tuple(_d.values())))

</pallas_src>

<mosaic_0001>
#map = affine_map<(d0, d1) -> (0, 0)>
#map1 = affine_map<(d0, d1) -> (0)>
module attributes {stable_mosaic.version = 14 : i64} {
  func.func @_sc_msg_agg_body(%arg0: i32, %arg1: i32, %arg2: memref<10000x128xf32, #tpu.memory_space<hbm>>, %arg3: memref<320000xi32, #tpu.memory_space<hbm>>, %arg4: memref<320000xi32, #tpu.memory_space<hbm>>, %arg5: memref<10000x128xf32, #tpu.memory_space<hbm>>, %arg6: memref<20000x128xf32, #tpu.memory_space<hbm>>, %arg7: memref<40xi32, #tpu.memory_space<vmem>>, %arg8: memref<40xi32, #tpu.memory_space<vmem>>, %arg9: memref<40xi32, #tpu.memory_space<vmem>>, %arg10: memref<40xi32, #tpu.memory_space<vmem>>, %arg11: memref<40xi32, #tpu.memory_space<vmem>>, %arg12: memref<40xi32, #tpu.memory_space<vmem>>, %arg13: memref<40xi32, #tpu.memory_space<vmem>>, %arg14: memref<40xi32, #tpu.memory_space<vmem>>, %arg15: memref<40xi32, #tpu.memory_space<vmem>>, %arg16: memref<40xi32, #tpu.memory_space<vmem>>, %arg17: memref<200x128xf32, #tpu.memory_space<vmem>>, %arg18: memref<10000x128xf32, #tpu.memory_space<vmem_shared>>, %arg19: memref<!tpu.dma_semaphore, #tpu.memory_space<semaphore_mem>>, %arg20: memref<!tpu.dma_semaphore, #tpu.memory_space<semaphore_mem>>, %arg21: memref<!tpu.dma_semaphore, #tpu.memory_space<semaphore_mem>>) attributes {dimension_semantics = [#tpu.dimension_semantics<core_parallel>, #tpu.dimension_semantics<subcore_parallel>], iteration_bounds = array<i64: 2, 16>, scalar_prefetch = 0 : i64, scratch_operands = 15 : i64, tpu.core_type = #tpu.core_type<sc_vector_subcore>, window_params = [{transform_indices = #map}, {transform_indices = #map1}, {transform_indices = #map1}, {transform_indices = #map}, {transform_indices = #map}]} {
    %mul3A = arith.constant 160000 : i32
    %mul3A_0 = arith.muli %arg0, %mul3A : i32
    %mul3A_1 = arith.constant 10000 : i32
    %mul3A_2 = arith.muli %arg1, %mul3A_1 : i32
    %add3A = arith.addi %mul3A_0, %mul3A_2 : i32
    %mul3A_3 = arith.constant 1000 : i32
    %mul3A_4 = arith.muli %arg1, %mul3A_3 : i32
    %lt3A = arith.constant 10 : i32
    %lt3A_5 = arith.cmpi slt, %arg1, %lt3A : i32
    %convert_element_type3A = arith.extui %lt3A_5 : i1 to i32
    %cond3A = arith.constant 0 : i32
    %cond3A_6 = arith.cmpi ne, %convert_element_type3A, %cond3A : i32
    scf.if %cond3A_6 {
      "tpu.region"() ({
        %run_scoped3A = tpu.sem_alloc : memref<!tpu.dma_semaphore, #tpu.memory_space<semaphore_mem>>
        %dma_start3A = arith.constant 0 : i32
        %dma_start3A_18 = tpu.memref_slice %arg18[%mul3A_4, %dma_start3A] : memref<10000x128xf32, #tpu.memory_space<vmem_shared>> -> memref<1000x128xf32, #tpu.memory_space<vmem_shared>>
        %dma_start3A_19 = arith.constant 0 : i32
        %dma_start3A_20 = tpu.memref_slice %arg5[%mul3A_4, %dma_start3A_19] : memref<10000x128xf32, #tpu.memory_space<hbm>> -> memref<1000x128xf32, #tpu.memory_space<hbm>>
        tpu.enqueue_dma source(%dma_start3A_20 : memref<1000x128xf32, #tpu.memory_space<hbm>>) target(%dma_start3A_18 : memref<1000x128xf32, #tpu.memory_space<vmem_shared>>) target_semaphore(%run_scoped3A : memref<!tpu.dma_semaphore, #tpu.memory_space<semaphore_mem>>)
        %dma_wait3A = arith.constant 0 : i32
        %dma_wait3A_21 = tpu.memref_slice %arg18[%mul3A_4, %dma_wait3A] : memref<10000x128xf32, #tpu.memory_space<vmem_shared>> -> memref<1000x128xf32, #tpu.memory_space<vmem_shared>>
        %dma_wait3A_22 = arith.constant 0 : i32
        %dma_wait3A_23 = tpu.memref_slice %arg5[%mul3A_4, %dma_wait3A_22] : memref<10000x128xf32, #tpu.memory_space<hbm>> -> memref<1000x128xf32, #tpu.memory_space<hbm>>
        tpu.wait_dma2 semaphore(%run_scoped3A : memref<!tpu.dma_semaphore, #tpu.memory_space<semaphore_mem>>) src(%dma_wait3A_23 : memref<1000x128xf32, #tpu.memory_space<hbm>>) dst(%dma_wait3A_21 : memref<1000x128xf32, #tpu.memory_space<vmem_shared>>)
        tpu.yield
      }) : () -> ()
    } else {
    }
    %barrier3A = arith.constant 0 : index
    tpu.barrier barrier_id(%barrier3A)
    %scan3A = arith.constant 0 : i32
    %scan3A_7 = arith.constant 0 : i32
    %scan3A_8 = arith.constant 50 : i32
    %scan3A_9 = arith.addi %scan3A_7, %scan3A_8 : i32
    %scan3A_10 = arith.constant 1 : i32
    scf.for %scan3A_18 = %scan3A_7 to %scan3A_9 step %scan3A_10  : i32 {
      %mul3A_19 = arith.constant 200 : i32
      %mul3A_20 = arith.muli %scan3A_18, %mul3A_19 : i32
      %add3A_21 = arith.addi %add3A, %mul3A_20 : i32
      %add3A_22 = arith.constant 0 : i32
      %add3A_23 = arith.addi %add3A_21, %add3A_22 : i32
      %dma_start3A = tpu.memref_slice %arg3[%add3A_23] : memref<320000xi32, #tpu.memory_space<hbm>> -> memref<40xi32, #tpu.memory_space<hbm>>
      %dma_start3A_24 = tpu.memref_slice %arg3[%add3A_23] : memref<320000xi32, #tpu.memory_space<hbm>> -> memref<40xi32, #tpu.memory_space<hbm>>
      tpu.enqueue_dma source(%dma_start3A_24 : memref<40xi32, #tpu.memory_space<hbm>>) target(%arg7 : memref<40xi32, #tpu.memory_space<vmem>>) target_semaphore(%arg19 : memref<!tpu.dma_semaphore, #tpu.memory_space<semaphore_mem>>)
      %add3A_25 = arith.constant 40 : i32
      %add3A_26 = arith.addi %add3A_21, %add3A_25 : i32
      %dma_start3A_27 = tpu.memref_slice %arg3[%add3A_26] : memref<320000xi32, #tpu.memory_space<hbm>> -> memref<40xi32, #tpu.memory_space<hbm>>
      %dma_start3A_28 = tpu.memref_slice %arg3[%add3A_26] : memref<320000xi32, #tpu.memory_space<hbm>> -> memref<40xi32, #tpu.memory_space<hbm>>
      tpu.enqueue_dma source(%dma_start3A_28 : memref<40xi32, #tpu.memory_space<hbm>>) target(%arg8 : memref<40xi32, #tpu.memory_space<vmem>>) target_semaphore(%arg19 : memref<!tpu.dma_semaphore, #tpu.memory_space<semaphore_mem>>)
      %add3A_29 = arith.constant 80 : i32
      %add3A_30 = arith.addi %add3A_21, %add3A_29 : i32
      %dma_start3A_31 = tpu.memref_slice %arg3[%add3A_30] : memref<320000xi32, #tpu.memory_space<hbm>> -> memref<40xi32, #tpu.memory_space<hbm>>
      %dma_start3A_32 = tpu.memref_slice %arg3[%add3A_30] : memref<320000xi32, #tpu.memory_space<hbm>> -> memref<40xi32, #tpu.memory_space<hbm>>
      tpu.enqueue_dma source(%dma_start3A_32 : memref<40xi32, #tpu.memory_space<hbm>>) target(%arg9 : memref<40xi32, #tpu.memory_space<vmem>>) target_semaphore(%arg19 : memref<!tpu.dma_semaphore, #tpu.memory_space<semaphore_mem>>)
      %add3A_33 = arith.constant 120 : i32
      %add3A_34 = arith.addi %add3A_21, %add3A_33 : i32
      %dma_start3A_35 = tpu.memref_slice %arg3[%add3A_34] : memref<320000xi32, #tpu.memory_space<hbm>> -> memref<40xi32, #tpu.memory_space<hbm>>
      %dma_start3A_36 = tpu.memref_slice %arg3[%add3A_34] : memref<320000xi32, #tpu.memory_space<hbm>> -> memref<40xi32, #tpu.memory_space<hbm>>
      tpu.enqueue_dma source(%dma_start3A_36 : memref<40xi32, #tpu.memory_space<hbm>>) target(%arg10 : memref<40xi32, #tpu.memory_space<vmem>>) target_semaphore(%arg19 : memref<!tpu.dma_semaphore, #tpu.memory_space<semaphore_mem>>)
      %add3A_37 = arith.constant 160 : i32
      %add3A_38 = arith.addi %add3A_21, %add3A_37 : i32
      %dma_start3A_39 = tpu.memref_slice %arg3[%add3A_38] : memref<320000xi32, #tpu.memory_space<hbm>> -> memref<40xi32, #tpu.memory_space<hbm>>
      %dma_start3A_40 = tpu.memref_slice %arg3[%add3A_38] : memref<320000xi32, #tpu.memory_space<hbm>> -> memref<40xi32, #tpu.memory_space<hbm>>
      tpu.enqueue_dma source(%dma_start3A_40 : memref<40xi32, #tpu.memory_space<hbm>>) target(%arg11 : memref<40xi32, #tpu.memory_space<vmem>>) target_semaphore(%arg19 : memref<!tpu.dma_semaphore, #tpu.memory_space<semaphore_mem>>)
      %add3A_41 = arith.constant 0 : i32
      %add3A_42 = arith.addi %add3A_21, %add3A_41 : i32
      %dma_start3A_43 = tpu.memref_slice %arg4[%add3A_42] : memref<320000xi32, #tpu.memory_space<hbm>> -> memref<40xi32, #tpu.memory_space<hbm>>
      %dma_start3A_44 = tpu.memref_slice %arg4[%add3A_42] : memref<320000xi32, #tpu.memory_space<hbm>> -> memref<40xi32, #tpu.memory_space<hbm>>
      tpu.enqueue_dma source(%dma_start3A_44 : memref<40xi32, #tpu.memory_space<hbm>>) target(%arg12 : memref<40xi32, #tpu.memory_space<vmem>>) target_semaphore(%arg19 : memref<!tpu.dma_semaphore, #tpu.memory_space<semaphore_mem>>)
      %add3A_45 = arith.constant 40 : i32
      %add3A_46 = arith.addi %add3A_21, %add3A_45 : i32
      %dma_start3A_47 = tpu.memref_slice %arg4[%add3A_46] : memref<320000xi32, #tpu.memory_space<hbm>> -> memref<40xi32, #tpu.memory_space<hbm>>
      %dma_start3A_48 = tpu.memref_slice %arg4[%add3A_46] : memref<320000xi32, #tpu.memory_space<hbm>> -> memref<40xi32, #tpu.memory_space<hbm>>
      tpu.enqueue_dma source(%dma_start3A_48 : memref<40xi32, #tpu.memory_space<hbm>>) target(%arg13 : memref<40xi32, #tpu.memory_space<vmem>>) target_semaphore(%arg19 : memref<!tpu.dma_semaphore, #tpu.memory_space<semaphore_mem>>)
      %add3A_49 = arith.constant 80 : i32
      %add3A_50 = arith.addi %add3A_21, %add3A_49 : i32
      %dma_start3A_51 = tpu.memref_slice %arg4[%add3A_50] : memref<320000xi32, #tpu.memory_space<hbm>> -> memref<40xi32, #tpu.memory_space<hbm>>
      %dma_start3A_52 = tpu.memref_slice %arg4[%add3A_50] : memref<320000xi32, #tpu.memory_space<hbm>> -> memref<40xi32, #tpu.memory_space<hbm>>
      tpu.enqueue_dma source(%dma_start3A_52 : memref<40xi32, #tpu.memory_space<hbm>>) target(%arg14 : memref<40xi32, #tpu.memory_space<vmem>>) target_semaphore(%arg19 : memref<!tpu.dma_semaphore, #tpu.memory_space<semaphore_mem>>)
      %add3A_53 = arith.constant 120 : i32
      %add3A_54 = arith.addi %add3A_21, %add3A_53 : i32
      %dma_start3A_55 = tpu.memref_slice %arg4[%add3A_54] : memref<320000xi32, #tpu.memory_space<hbm>> -> memref<40xi32, #tpu.memory_space<hbm>>
      %dma_start3A_56 = tpu.memref_slice %arg4[%add3A_54] : memref<320000xi32, #tpu.memory_space<hbm>> -> memref<40xi32, #tpu.memory_space<hbm>>
      tpu.enqueue_dma source(%dma_start3A_56 : memref<40xi32, #tpu.memory_space<hbm>>) target(%arg15 : memref<40xi32, #tpu.memory_space<vmem>>) target_semaphore(%arg19 : memref<!tpu.dma_semaphore, #tpu.memory_space<semaphore_mem>>)
      %add3A_57 = arith.constant 160 : i32
      %add3A_58 = arith.addi %add3A_21, %add3A_57 : i32
      %dma_start3A_59 = tpu.memref_slice %arg4[%add3A_58] : memref<320000xi32, #tpu.memory_space<hbm>> -> memref<40xi32, #tpu.memory_space<hbm>>
      %dma_start3A_60 = tpu.memref_slice %arg4[%add3A_58] : memref<320000xi32, #tpu.memory_space<hbm>> -> memref<40xi32, #tpu.memory_space<hbm>>
      tpu.enqueue_dma source(%dma_start3A_60 : memref<40xi32, #tpu.memory_space<hbm>>) target(%arg16 : memref<40xi32, #tpu.memory_space<vmem>>) target_semaphore(%arg19 : memref<!tpu.dma_semaphore, #tpu.memory_space<semaphore_mem>>)
      %dma_wait3A = tpu.memref_slice %arg3[%add3A_23] : memref<320000xi32, #tpu.memory_space<hbm>> -> memref<40xi32, #tpu.memory_space<hbm>>
      %dma_wait3A_61 = tpu.memref_slice %arg3[%add3A_23] : memref<320000xi32, #tpu.memory_space<hbm>> -> memref<40xi32, #tpu.memory_space<hbm>>
      tpu.wait_dma2 semaphore(%arg19 : memref<!tpu.dma_semaphore, #tpu.memory_space<semaphore_mem>>) src(%dma_wait3A_61 : memref<40xi32, #tpu.memory_space<hbm>>) dst(%arg7 : memref<40xi32, #tpu.memory_space<vmem>>)
      %dma_wait3A_62 = tpu.memref_slice %arg3[%add3A_26] : memref<320000xi32, #tpu.memory_space<hbm>> -> memref<40xi32, #tpu.memory_space<hbm>>
      %dma_wait3A_63 = tpu.memref_slice %arg3[%add3A_26] : memref<320000xi32, #tpu.memory_space<hbm>> -> memref<40xi32, #tpu.memory_space<hbm>>
      tpu.wait_dma2 semaphore(%arg19 : memref<!tpu.dma_semaphore, #tpu.memory_space<semaphore_mem>>) src(%dma_wait3A_63 : memref<40xi32, #tpu.memory_space<hbm>>) dst(%arg8 : memref<40xi32, #tpu.memory_space<vmem>>)
      %dma_wait3A_64 = tpu.memref_slice %arg3[%add3A_30] : memref<320000xi32, #tpu.memory_space<hbm>> -> memref<40xi32, #tpu.memory_space<hbm>>
      %dma_wait3A_65 = tpu.memref_slice %arg3[%add3A_30] : memref<320000xi32, #tpu.memory_space<hbm>> -> memref<40xi32, #tpu.memory_space<hbm>>
      tpu.wait_dma2 semaphore(%arg19 : memref<!tpu.dma_semaphore, #tpu.memory_space<semaphore_mem>>) src(%dma_wait3A_65 : memref<40xi32, #tpu.memory_space<hbm>>) dst(%arg9 : memref<40xi32, #tpu.memory_space<vmem>>)
      %dma_wait3A_66 = tpu.memref_slice %arg3[%add3A_34] : memref<320000xi32, #tpu.memory_space<hbm>> -> memref<40xi32, #tpu.memory_space<hbm>>
      %dma_wait3A_67 = tpu.memref_slice %arg3[%add3A_34] : memref<320000xi32, #tpu.memory_space<hbm>> -> memref<40xi32, #tpu.memory_space<hbm>>
      tpu.wait_dma2 semaphore(%arg19 : memref<!tpu.dma_semaphore, #tpu.memory_space<semaphore_mem>>) src(%dma_wait3A_67 : memref<40xi32, #tpu.memory_space<hbm>>) dst(%arg10 : memref<40xi32, #tpu.memory_space<vmem>>)
      %dma_wait3A_68 = tpu.memref_slice %arg3[%add3A_38] : memref<320000xi32, #tpu.memory_space<hbm>> -> memref<40xi32, #tpu.memory_space<hbm>>
      %dma_wait3A_69 = tpu.memref_slice %arg3[%add3A_38] : memref<320000xi32, #tpu.memory_space<hbm>> -> memref<40xi32, #tpu.memory_space<hbm>>
      tpu.wait_dma2 semaphore(%arg19 : memref<!tpu.dma_semaphore, #tpu.memory_space<semaphore_mem>>) src(%dma_wait3A_69 : memref<40xi32, #tpu.memory_space<hbm>>) dst(%arg11 : memref<40xi32, #tpu.memory_space<vmem>>)
      %dma_wait3A_70 = tpu.memref_slice %arg4[%add3A_42] : memref<320000xi32, #tpu.memory_space<hbm>> -> memref<40xi32, #tpu.memory_space<hbm>>
      %dma_wait3A_71 = tpu.memref_slice %arg4[%add3A_42] : memref<320000xi32, #tpu.memory_space<hbm>> -> memref<40xi32, #tpu.memory_space<hbm>>
      tpu.wait_dma2 semaphore(%arg19 : memref<!tpu.dma_semaphore, #tpu.memory_space<semaphore_mem>>) src(%dma_wait3A_71 : memref<40xi32, #tpu.memory_space<hbm>>) dst(%arg12 : memref<40xi32, #tpu.memory_space<vmem>>)
      %dma_wait3A_72 = tpu.memref_slice %arg4[%add3A_46] : memref<320000xi32, #tpu.memory_space<hbm>> -> memref<40xi32, #tpu.memory_space<hbm>>
      %dma_wait3A_73 = tpu.memref_slice %arg4[%add3A_46] : memref<320000xi32, #tpu.memory_space<hbm>> -> memref<40xi32, #tpu.memory_space<hbm>>
      tpu.wait_dma2 semaphore(%arg19 : memref<!tpu.dma_semaphore, #tpu.memory_space<semaphore_mem>>) src(%dma_wait3A_73 : memref<40xi32, #tpu.memory_space<hbm>>) dst(%arg13 : memref<40xi32, #tpu.memory_space<vmem>>)
      %dma_wait3A_74 = tpu.memref_slice %arg4[%add3A_50] : memref<320000xi32, #tpu.memory_space<hbm>> -> memref<40xi32, #tpu.memory_space<hbm>>
      %dma_wait3A_75 = tpu.memref_slice %arg4[%add3A_50] : memref<320000xi32, #tpu.memory_space<hbm>> -> memref<40xi32, #tpu.memory_space<hbm>>
      tpu.wait_dma2 semaphore(%arg19 : memref<!tpu.dma_semaphore, #tpu.memory_space<semaphore_mem>>) src(%dma_wait3A_75 : memref<40xi32, #tpu.memory_space<hbm>>) dst(%arg14 : memref<40xi32, #tpu.memory_space<vmem>>)
      %dma_wait3A_76 = tpu.memref_slice %arg4[%add3A_54] : memref<320000xi32, #tpu.memory_space<hbm>> -> memref<40xi32, #tpu.memory_space<hbm>>
      %dma_wait3A_77 = tpu.memref_slice %arg4[%add3A_54] : memref<320000xi32, #tpu.memory_space<hbm>> -> memref<40xi32, #tpu.memory_space<hbm>>
      tpu.wait_dma2 semaphore(%arg19 : memref<!tpu.dma_semaphore, #tpu.memory_space<semaphore_mem>>) src(%dma_wait3A_77 : memref<40xi32, #tpu.memory_space<hbm>>) dst(%arg15 : memref<40xi32, #tpu.memory_space<vmem>>)
      %dma_wait3A_78 = tpu.memref_slice %arg4[%add3A_58] : memref<320000xi32, #tpu.memory_space<hbm>> -> memref<40xi32, #tpu.memory_space<hbm>>
      %dma_wait3A_79 = tpu.memref_slice %arg4[%add3A_58] : memref<320000xi32, #tpu.memory_space<hbm>> -> memref<40xi32, #tpu.memory_space<hbm>>
      tpu.wait_dma2 semaphore(%arg19 : memref<!tpu.dma_semaphore, #tpu.memory_space<semaphore_mem>>) src(%dma_wait3A_79 : memref<40xi32, #tpu.memory_space<hbm>>) dst(%arg16 : memref<40xi32, #tpu.memory_space<vmem>>)
      %dma_start3A_80 = arith.constant 0 : i32
      %dma_start3A_81 = arith.constant 0 : i32
      %dma_start3A_82 = tpu.memref_slice %arg17[%dma_start3A_80, %dma_start3A_81] : memref<200x128xf32, #tpu.memory_space<vmem>> -> memref<40x128xf32, #tpu.memory_space<vmem>>
      %dma_start3A_83 = arith.constant 0 : i32
      %dma_start3A_84 = arith.constant 0 : i32
      %dma_start3A_85 = tpu.memref_slice %arg2[%dma_start3A_83, %dma_start3A_84] : memref<10000x128xf32, #tpu.memory_space<hbm>> -> memref<10000x128xf32, #tpu.memory_space<hbm>>
      tpu.enqueue_indirect_dma source(%dma_start3A_85 : memref<10000x128xf32, #tpu.memory_space<hbm>>) target(%dma_start3A_82 : memref<40x128xf32, #tpu.memory_space<vmem>>) offsets(%arg7 : memref<40xi32, #tpu.memory_space<vmem>>) semaphore(%arg20 : memref<!tpu.dma_semaphore, #tpu.memory_space<semaphore_mem>>)
      %dma_start3A_86 = arith.constant 40 : i32
      %dma_start3A_87 = arith.constant 0 : i32
      %dma_start3A_88 = tpu.memref_slice %arg17[%dma_start3A_86, %dma_start3A_87] : memref<200x128xf32, #tpu.memory_space<vmem>> -> memref<40x128xf32, #tpu.memory_space<vmem>>
      %dma_start3A_89 = arith.constant 0 : i32
      %dma_start3A_90 = arith.constant 0 : i32
      %dma_start3A_91 = tpu.memref_slice %arg2[%dma_start3A_89, %dma_start3A_90] : memref<10000x128xf32, #tpu.memory_space<hbm>> -> memref<10000x128xf32, #tpu.memory_space<hbm>>
      tpu.enqueue_indirect_dma source(%dma_start3A_91 : memref<10000x128xf32, #tpu.memory_space<hbm>>) target(%dma_start3A_88 : memref<40x128xf32, #tpu.memory_space<vmem>>) offsets(%arg8 : memref<40xi32, #tpu.memory_space<vmem>>) semaphore(%arg20 : memref<!tpu.dma_semaphore, #tpu.memory_space<semaphore_mem>>)
      %dma_start3A_92 = arith.constant 80 : i32
      %dma_start3A_93 = arith.constant 0 : i32
      %dma_start3A_94 = tpu.memref_slice %arg17[%dma_start3A_92, %dma_start3A_93] : memref<200x128xf32, #tpu.memory_space<vmem>> -> memref<40x128xf32, #tpu.memory_space<vmem>>
      %dma_start3A_95 = arith.constant 0 : i32
      %dma_start3A_96 = arith.constant 0 : i32
      %dma_start3A_97 = tpu.memref_slice %arg2[%dma_start3A_95, %dma_start3A_96] : memref<10000x128xf32, #tpu.memory_space<hbm>> -> memref<10000x128xf32, #tpu.memory_space<hbm>>
      tpu.enqueue_indirect_dma source(%dma_start3A_97 : memref<10000x128xf32, #tpu.memory_space<hbm>>) target(%dma_start3A_94 : memref<40x128xf32, #tpu.memory_space<vmem>>) offsets(%arg9 : memref<40xi32, #tpu.memory_space<vmem>>) semaphore(%arg20 : memref<!tpu.dma_semaphore, #tpu.memory_space<semaphore_mem>>)
      %dma_start3A_98 = arith.constant 120 : i32
      %dma_start3A_99 = arith.constant 0 : i32
      %dma_start3A_100 = tpu.memref_slice %arg17[%dma_start3A_98, %dma_start3A_99] : memref<200x128xf32, #tpu.memory_space<vmem>> -> memref<40x128xf32, #tpu.memory_space<vmem>>
      %dma_start3A_101 = arith.constant 0 : i32
      %dma_start3A_102 = arith.constant 0 : i32
      %dma_start3A_103 = tpu.memref_slice %arg2[%dma_start3A_101, %dma_start3A_102] : memref<10000x128xf32, #tpu.memory_space<hbm>> -> memref<10000x128xf32, #tpu.memory_space<hbm>>
      tpu.enqueue_indirect_dma source(%dma_start3A_103 : memref<10000x128xf32, #tpu.memory_space<hbm>>) target(%dma_start3A_100 : memref<40x128xf32, #tpu.memory_space<vmem>>) offsets(%arg10 : memref<40xi32, #tpu.memory_space<vmem>>) semaphore(%arg20 : memref<!tpu.dma_semaphore, #tpu.memory_space<semaphore_mem>>)
      %dma_start3A_104 = arith.constant 160 : i32
      %dma_start3A_105 = arith.constant 0 : i32
      %dma_start3A_106 = tpu.memref_slice %arg17[%dma_start3A_104, %dma_start3A_105] : memref<200x128xf32, #tpu.memory_space<vmem>> -> memref<40x128xf32, #tpu.memory_space<vmem>>
      %dma_start3A_107 = arith.constant 0 : i32
      %dma_start3A_108 = arith.constant 0 : i32
      %dma_start3A_109 = tpu.memref_slice %arg2[%dma_start3A_107, %dma_start3A_108] : memref<10000x128xf32, #tpu.memory_space<hbm>> -> memref<10000x128xf32, #tpu.memory_space<hbm>>
      tpu.enqueue_indirect_dma source(%dma_start3A_109 : memref<10000x128xf32, #tpu.memory_space<hbm>>) target(%dma_start3A_106 : memref<40x128xf32, #tpu.memory_space<vmem>>) offsets(%arg11 : memref<40xi32, #tpu.memory_space<vmem>>) semaphore(%arg20 : memref<!tpu.dma_semaphore, #tpu.memory_space<semaphore_mem>>)
      %dma_wait3A_110 = arith.constant 0 : i32
      %dma_wait3A_111 = arith.constant 0 : i32
      %dma_wait3A_112 = tpu.memref_slice %arg17[%dma_wait3A_110, %dma_wait3A_111] : memref<200x128xf32, #tpu.memory_space<vmem>> -> memref<40x128xf32, #tpu.memory_space<vmem>>
      %dma_wait3A_113 = arith.constant 0 : i32
      %dma_wait3A_114 = arith.constant 0 : i32
      %dma_wait3A_115 = tpu.memref_slice %arg2[%dma_wait3A_113, %dma_wait3A_114] : memref<10000x128xf32, #tpu.memory_space<hbm>> -> memref<10000x128xf32, #tpu.memory_space<hbm>>
      tpu.wait_indirect_dma semaphore(%arg20 : memref<!tpu.dma_semaphore, #tpu.memory_space<semaphore_mem>>) src(%dma_wait3A_115 : memref<10000x128xf32, #tpu.memory_space<hbm>>) dst(%dma_wait3A_112 : memref<40x128xf32, #tpu.memory_space<vmem>>)
      %dma_wait3A_116 = arith.constant 40 : i32
      %dma_wait3A_117 = arith.constant 0 : i32
      %dma_wait3A_118 = tpu.memref_slice %arg17[%dma_wait3A_116, %dma_wait3A_117] : memref<200x128xf32, #tpu.memory_space<vmem>> -> memref<40x128xf32, #tpu.memory_space<vmem>>
      %dma_wait3A_119 = arith.constant 0 : i32
      %dma_wait3A_120 = arith.constant 0 : i32
      %dma_wait3A_121 = tpu.memref_slice %arg2[%dma_wait3A_119, %dma_wait3A_120] : memref<10000x128xf32, #tpu.memory_space<hbm>> -> memref<10000x128xf32, #tpu.memory_space<hbm>>
      tpu.wait_indirect_dma semaphore(%arg20 : memref<!tpu.dma_semaphore, #tpu.memory_space<semaphore_mem>>) src(%dma_wait3A_121 : memref<10000x128xf32, #tpu.memory_space<hbm>>) dst(%dma_wait3A_118 : memref<40x128xf32, #tpu.memory_space<vmem>>)
      %dma_wait3A_122 = arith.constant 80 : i32
      %dma_wait3A_123 = arith.constant 0 : i32
      %dma_wait3A_124 = tpu.memref_slice %arg17[%dma_wait3A_122, %dma_wait3A_123] : memref<200x128xf32, #tpu.memory_space<vmem>> -> memref<40x128xf32, #tpu.memory_space<vmem>>
      %dma_wait3A_125 = arith.constant 0 : i32
      %dma_wait3A_126 = arith.constant 0 : i32
      %dma_wait3A_127 = tpu.memref_slice %arg2[%dma_wait3A_125, %dma_wait3A_126] : memref<10000x128xf32, #tpu.memory_space<hbm>> -> memref<10000x128xf32, #tpu.memory_space<hbm>>
      tpu.wait_indirect_dma semaphore(%arg20 : memref<!tpu.dma_semaphore, #tpu.memory_space<semaphore_mem>>) src(%dma_wait3A_127 : memref<10000x128xf32, #tpu.memory_space<hbm>>) dst(%dma_wait3A_124 : memref<40x128xf32, #tpu.memory_space<vmem>>)
      %dma_wait3A_128 = arith.constant 120 : i32
      %dma_wait3A_129 = arith.constant 0 : i32
      %dma_wait3A_130 = tpu.memref_slice %arg17[%dma_wait3A_128, %dma_wait3A_129] : memref<200x128xf32, #tpu.memory_space<vmem>> -> memref<40x128xf32, #tpu.memory_space<vmem>>
      %dma_wait3A_131 = arith.constant 0 : i32
      %dma_wait3A_132 = arith.constant 0 : i32
      %dma_wait3A_133 = tpu.memref_slice %arg2[%dma_wait3A_131, %dma_wait3A_132] : memref<10000x128xf32, #tpu.memory_space<hbm>> -> memref<10000x128xf32, #tpu.memory_space<hbm>>
      tpu.wait_indirect_dma semaphore(%arg20 : memref<!tpu.dma_semaphore, #tpu.memory_space<semaphore_mem>>) src(%dma_wait3A_133 : memref<10000x128xf32, #tpu.memory_space<hbm>>) dst(%dma_wait3A_130 : memref<40x128xf32, #tpu.memory_space<vmem>>)
      %dma_wait3A_134 = arith.constant 160 : i32
      %dma_wait3A_135 = arith.constant 0 : i32
      %dma_wait3A_136 = tpu.memref_slice %arg17[%dma_wait3A_134, %dma_wait3A_135] : memref<200x128xf32, #tpu.memory_space<vmem>> -> memref<40x128xf32, #tpu.memory_space<vmem>>
      %dma_wait3A_137 = arith.constant 0 : i32
      %dma_wait3A_138 = arith.constant 0 : i32
      %dma_wait3A_139 = tpu.memref_slice %arg2[%dma_wait3A_137, %dma_wait3A_138] : memref<10000x128xf32, #tpu.memory_space<hbm>> -> memref<10000x128xf32, #tpu.memory_space<hbm>>
      tpu.wait_indirect_dma semaphore(%arg20 : memref<!tpu.dma_semaphore, #tpu.memory_space<semaphore_mem>>) src(%dma_wait3A_139 : memref<10000x128xf32, #tpu.memory_space<hbm>>) dst(%dma_wait3A_136 : memref<40x128xf32, #tpu.memory_space<vmem>>)
      %dma_start3A_140 = arith.constant 0 : i32
      %dma_start3A_141 = arith.constant 0 : i32
      %dma_start3A_142 = tpu.memref_slice %arg17[%dma_start3A_140, %dma_start3A_141] : memref<200x128xf32, #tpu.memory_space<vmem>> -> memref<40x128xf32, #tpu.memory_space<vmem>>
      %dma_start3A_143 = arith.constant 0 : i32
      %dma_start3A_144 = arith.constant 0 : i32
      %dma_start3A_145 = tpu.memref_slice %arg18[%dma_start3A_143, %dma_start3A_144] : memref<10000x128xf32, #tpu.memory_space<vmem_shared>> -> memref<10000x128xf32, #tpu.memory_space<vmem_shared>>
      tpu.enqueue_indirect_dma source(%dma_start3A_142 : memref<40x128xf32, #tpu.memory_space<vmem>>) target(%dma_start3A_145 : memref<10000x128xf32, #tpu.memory_space<vmem_shared>>) offsets(%arg12 : memref<40xi32, #tpu.memory_space<vmem>>) semaphore(%arg21 : memref<!tpu.dma_semaphore, #tpu.memory_space<semaphore_mem>>) {add = true}
      %dma_start3A_146 = arith.constant 40 : i32
      %dma_start3A_147 = arith.constant 0 : i32
      %dma_start3A_148 = tpu.memref_slice %arg17[%dma_start3A_146, %dma_start3A_147] : memref<200x128xf32, #tpu.memory_space<vmem>> -> memref<40x128xf32, #tpu.memory_space<vmem>>
      %dma_start3A_149 = arith.constant 0 : i32
      %dma_start3A_150 = arith.constant 0 : i32
      %dma_start3A_151 = tpu.memref_slice %arg18[%dma_start3A_149, %dma_start3A_150] : memref<10000x128xf32, #tpu.memory_space<vmem_shared>> -> memref<10000x128xf32, #tpu.memory_space<vmem_shared>>
      tpu.enqueue_indirect_dma source(%dma_start3A_148 : memref<40x128xf32, #tpu.memory_space<vmem>>) target(%dma_start3A_151 : memref<10000x128xf32, #tpu.memory_space<vmem_shared>>) offsets(%arg13 : memref<40xi32, #tpu.memory_space<vmem>>) semaphore(%arg21 : memref<!tpu.dma_semaphore, #tpu.memory_space<semaphore_mem>>) {add = true}
      %dma_start3A_152 = arith.constant 80 : i32
      %dma_start3A_153 = arith.constant 0 : i32
      %dma_start3A_154 = tpu.memref_slice %arg17[%dma_start3A_152, %dma_start3A_153] : memref<200x128xf32, #tpu.memory_space<vmem>> -> memref<40x128xf32, #tpu.memory_space<vmem>>
      %dma_start3A_155 = arith.constant 0 : i32
      %dma_start3A_156 = arith.constant 0 : i32
      %dma_start3A_157 = tpu.memref_slice %arg18[%dma_start3A_155, %dma_start3A_156] : memref<10000x128xf32, #tpu.memory_space<vmem_shared>> -> memref<10000x128xf32, #tpu.memory_space<vmem_shared>>
      tpu.enqueue_indirect_dma source(%dma_start3A_154 : memref<40x128xf32, #tpu.memory_space<vmem>>) target(%dma_start3A_157 : memref<10000x128xf32, #tpu.memory_space<vmem_shared>>) offsets(%arg14 : memref<40xi32, #tpu.memory_space<vmem>>) semaphore(%arg21 : memref<!tpu.dma_semaphore, #tpu.memory_space<semaphore_mem>>) {add = true}
      %dma_start3A_158 = arith.constant 120 : i32
      %dma_start3A_159 = arith.constant 0 : i32
      %dma_start3A_160 = tpu.memref_slice %arg17[%dma_start3A_158, %dma_start3A_159] : memref<200x128xf32, #tpu.memory_space<vmem>> -> memref<40x128xf32, #tpu.memory_space<vmem>>
      %dma_start3A_161 = arith.constant 0 : i32
      %dma_start3A_162 = arith.constant 0 : i32
      %dma_start3A_163 = tpu.memref_slice %arg18[%dma_start3A_161, %dma_start3A_162] : memref<10000x128xf32, #tpu.memory_space<vmem_shared>> -> memref<10000x128xf32, #tpu.memory_space<vmem_shared>>
      tpu.enqueue_indirect_dma source(%dma_start3A_160 : memref<40x128xf32, #tpu.memory_space<vmem>>) target(%dma_start3A_163 : memref<10000x128xf32, #tpu.memory_space<vmem_shared>>) offsets(%arg15 : memref<40xi32, #tpu.memory_space<vmem>>) semaphore(%arg21 : memref<!tpu.dma_semaphore, #tpu.memory_space<semaphore_mem>>) {add = true}
      %dma_start3A_164 = arith.constant 160 : i32
      %dma_start3A_165 = arith.constant 0 : i32
      %dma_start3A_166 = tpu.memref_slice %arg17[%dma_start3A_164, %dma_start3A_165] : memref<200x128xf32, #tpu.memory_space<vmem>> -> memref<40x128xf32, #tpu.memory_space<vmem>>
      %dma_start3A_167 = arith.constant 0 : i32
      %dma_start3A_168 = arith.constant 0 : i32
      %dma_start3A_169 = tpu.memref_slice %arg18[%dma_start3A_167, %dma_start3A_168] : memref<10000x128xf32, #tpu.memory_space<vmem_shared>> -> memref<10000x128xf32, #tpu.memory_space<vmem_shared>>
      tpu.enqueue_indirect_dma source(%dma_start3A_166 : memref<40x128xf32, #tpu.memory_space<vmem>>) target(%dma_start3A_169 : memref<10000x128xf32, #tpu.memory_space<vmem_shared>>) offsets(%arg16 : memref<40xi32, #tpu.memory_space<vmem>>) semaphore(%arg21 : memref<!tpu.dma_semaphore, #tpu.memory_space<semaphore_mem>>) {add = true}
      %dma_wait3A_170 = arith.constant 0 : i32
      %dma_wait3A_171 = arith.constant 0 : i32
      %dma_wait3A_172 = tpu.memref_slice %arg17[%dma_wait3A_170, %dma_wait3A_171] : memref<200x128xf32, #tpu.memory_space<vmem>> -> memref<40x128xf32, #tpu.memory_space<vmem>>
      %dma_wait3A_173 = arith.constant 0 : i32
      %dma_wait3A_174 = arith.constant 0 : i32
      %dma_wait3A_175 = tpu.memref_slice %arg18[%dma_wait3A_173, %dma_wait3A_174] : memref<10000x128xf32, #tpu.memory_space<vmem_shared>> -> memref<10000x128xf32, #tpu.memory_space<vmem_shared>>
      tpu.wait_indirect_dma semaphore(%arg21 : memref<!tpu.dma_semaphore, #tpu.memory_space<semaphore_mem>>) src(%dma_wait3A_172 : memref<40x128xf32, #tpu.memory_space<vmem>>) dst(%dma_wait3A_175 : memref<10000x128xf32, #tpu.memory_space<vmem_shared>>)
      %dma_wait3A_176 = arith.constant 40 : i32
      %dma_wait3A_177 = arith.constant 0 : i32
      %dma_wait3A_178 = tpu.memref_slice %arg17[%dma_wait3A_176, %dma_wait3A_177] : memref<200x128xf32, #tpu.memory_space<vmem>> -> memref<40x128xf32, #tpu.memory_space<vmem>>
      %dma_wait3A_179 = arith.constant 0 : i32
      %dma_wait3A_180 = arith.constant 0 : i32
      %dma_wait3A_181 = tpu.memref_slice %arg18[%dma_wait3A_179, %dma_wait3A_180] : memref<10000x128xf32, #tpu.memory_space<vmem_shared>> -> memref<10000x128xf32, #tpu.memory_space<vmem_shared>>
      tpu.wait_indirect_dma semaphore(%arg21 : memref<!tpu.dma_semaphore, #tpu.memory_space<semaphore_mem>>) src(%dma_wait3A_178 : memref<40x128xf32, #tpu.memory_space<vmem>>) dst(%dma_wait3A_181 : memref<10000x128xf32, #tpu.memory_space<vmem_shared>>)
      %dma_wait3A_182 = arith.constant 80 : i32
      %dma_wait3A_183 = arith.constant 0 : i32
      %dma_wait3A_184 = tpu.memref_slice %arg17[%dma_wait3A_182, %dma_wait3A_183] : memref<200x128xf32, #tpu.memory_space<vmem>> -> memref<40x128xf32, #tpu.memory_space<vmem>>
      %dma_wait3A_185 = arith.constant 0 : i32
      %dma_wait3A_186 = arith.constant 0 : i32
      %dma_wait3A_187 = tpu.memref_slice %arg18[%dma_wait3A_185, %dma_wait3A_186] : memref<10000x128xf32, #tpu.memory_space<vmem_shared>> -> memref<10000x128xf32, #tpu.memory_space<vmem_shared>>
      tpu.wait_indirect_dma semaphore(%arg21 : memref<!tpu.dma_semaphore, #tpu.memory_space<semaphore_mem>>) src(%dma_wait3A_184 : memref<40x128xf32, #tpu.memory_space<vmem>>) dst(%dma_wait3A_187 : memref<10000x128xf32, #tpu.memory_space<vmem_shared>>)
      %dma_wait3A_188 = arith.constant 120 : i32
      %dma_wait3A_189 = arith.constant 0 : i32
      %dma_wait3A_190 = tpu.memref_slice %arg17[%dma_wait3A_188, %dma_wait3A_189] : memref<200x128xf32, #tpu.memory_space<vmem>> -> memref<40x128xf32, #tpu.memory_space<vmem>>
      %dma_wait3A_191 = arith.constant 0 : i32
      %dma_wait3A_192 = arith.constant 0 : i32
      %dma_wait3A_193 = tpu.memref_slice %arg18[%dma_wait3A_191, %dma_wait3A_192] : memref<10000x128xf32, #tpu.memory_space<vmem_shared>> -> memref<10000x128xf32, #tpu.memory_space<vmem_shared>>
      tpu.wait_indirect_dma semaphore(%arg21 : memref<!tpu.dma_semaphore, #tpu.memory_space<semaphore_mem>>) src(%dma_wait3A_190 : memref<40x128xf32, #tpu.memory_space<vmem>>) dst(%dma_wait3A_193 : memref<10000x128xf32, #tpu.memory_space<vmem_shared>>)
      %dma_wait3A_194 = arith.constant 160 : i32
      %dma_wait3A_195 = arith.constant 0 : i32
      %dma_wait3A_196 = tpu.memref_slice %arg17[%dma_wait3A_194, %dma_wait3A_195] : memref<200x128xf32, #tpu.memory_space<vmem>> -> memref<40x128xf32, #tpu.memory_space<vmem>>
      %dma_wait3A_197 = arith.constant 0 : i32
      %dma_wait3A_198 = arith.constant 0 : i32
      %dma_wait3A_199 = tpu.memref_slice %arg18[%dma_wait3A_197, %dma_wait3A_198] : memref<10000x128xf32, #tpu.memory_space<vmem_shared>> -> memref<10000x128xf32, #tpu.memory_space<vmem_shared>>
      tpu.wait_indirect_dma semaphore(%arg21 : memref<!tpu.dma_semaphore, #tpu.memory_space<semaphore_mem>>) src(%dma_wait3A_196 : memref<40x128xf32, #tpu.memory_space<vmem>>) dst(%dma_wait3A_199 : memref<10000x128xf32, #tpu.memory_space<vmem_shared>>)
    }
    %scan3A_11 = arith.constant 50 : i32
    %barrier3A_12 = arith.constant 0 : index
    tpu.barrier barrier_id(%barrier3A_12)
    %lt3A_13 = arith.constant 10 : i32
    %lt3A_14 = arith.cmpi slt, %arg1, %lt3A_13 : i32
    %convert_element_type3A_15 = arith.extui %lt3A_14 : i1 to i32
    %cond3A_16 = arith.constant 0 : i32
    %cond3A_17 = arith.cmpi ne, %convert_element_type3A_15, %cond3A_16 : i32
    scf.if %cond3A_17 {
      %mul3A_18 = arith.constant 10000 : i32
      %mul3A_19 = arith.muli %arg0, %mul3A_18 : i32
      %add3A_20 = arith.addi %mul3A_19, %mul3A_4 : i32
      "tpu.region"() ({
        %run_scoped3A = tpu.sem_alloc : memref<!tpu.dma_semaphore, #tpu.memory_space<semaphore_mem>>
        %dma_start3A = arith.constant 0 : i32
        %dma_start3A_21 = tpu.memref_slice %arg6[%add3A_20, %dma_start3A] : memref<20000x128xf32, #tpu.memory_space<hbm>> -> memref<1000x128xf32, #tpu.memory_space<hbm>>
        %dma_start3A_22 = arith.constant 0 : i32
        %dma_start3A_23 = tpu.memref_slice %arg18[%mul3A_4, %dma_start3A_22] : memref<10000x128xf32, #tpu.memory_space<vmem_shared>> -> memref<1000x128xf32, #tpu.memory_space<vmem_shared>>
        tpu.enqueue_dma source(%dma_start3A_23 : memref<1000x128xf32, #tpu.memory_space<vmem_shared>>) target(%dma_start3A_21 : memref<1000x128xf32, #tpu.memory_space<hbm>>) target_semaphore(%run_scoped3A : memref<!tpu.dma_semaphore, #tpu.memory_space<semaphore_mem>>)
        %dma_wait3A = arith.constant 0 : i32
        %dma_wait3A_24 = tpu.memref_slice %arg6[%add3A_20, %dma_wait3A] : memref<20000x128xf32, #tpu.memory_space<hbm>> -> memref<1000x128xf32, #tpu.memory_space<hbm>>
        %dma_wait3A_25 = arith.constant 0 : i32
        %dma_wait3A_26 = tpu.memref_slice %arg18[%mul3A_4, %dma_wait3A_25] : memref<10000x128xf32, #tpu.memory_space<vmem_shared>> -> memref<1000x128xf32, #tpu.memory_space<vmem_shared>>
        tpu.wait_dma2 semaphore(%run_scoped3A : memref<!tpu.dma_semaphore, #tpu.memory_space<semaphore_mem>>) src(%dma_wait3A_26 : memref<1000x128xf32, #tpu.memory_space<vmem_shared>>) dst(%dma_wait3A_24 : memref<1000x128xf32, #tpu.memory_space<hbm>>)
        tpu.yield
      }) : () -> ()
    } else {
    }
    return
  }
}

#map = affine_map<(d0, d1) -> (0, 0)>
#map1 = affine_map<(d0, d1) -> (0)>
module attributes {stable_mosaic.version = 14 : i64} {
  func.func @_sc_msg_agg_body(%arg0: i32, %arg1: i32, %arg2: memref<10000x128xf32, #tpu.memory_space<hbm>>, %arg3: memref<320000xi32, #tpu.memory_space<hbm>>, %arg4: memref<320000xi32, #tpu.memory_space<hbm>>, %arg5: memref<10000x128xf32, #tpu.memory_space<hbm>>, %arg6: memref<20000x128xf32, #tpu.memory_space<hbm>>, %arg7: memref<40xi32, #tpu.memory_space<vmem>>, %arg8: memref<40xi32, #tpu.memory_space<vmem>>, %arg9: memref<40xi32, #tpu.memory_space<vmem>>, %arg10: memref<40xi32, #tpu.memory_space<vmem>>, %arg11: memref<40xi32, #tpu.memory_space<vmem>>, %arg12: memref<40xi32, #tpu.memory_space<vmem>>, %arg13: memref<40xi32, #tpu.memory_space<vmem>>, %arg14: memref<40xi32, #tpu.memory_space<vmem>>, %arg15: memref<40xi32, #tpu.memory_space<vmem>>, %arg16: memref<40xi32, #tpu.memory_space<vmem>>, %arg17: memref<200x128xf32, #tpu.memory_space<vmem>>, %arg18: memref<10000x128xf32, #tpu.memory_space<vmem_shared>>, %arg19: memref<!tpu.dma_semaphore, #tpu.memory_space<semaphore_mem>>, %arg20: memref<!tpu.dma_semaphore, #tpu.memory_space<semaphore_mem>>, %arg21: memref<!tpu.dma_semaphore, #tpu.memory_space<semaphore_mem>>) attributes {dimension_semantics = [#tpu.dimension_semantics<core_parallel>, #tpu.dimension_semantics<subcore_parallel>], iteration_bounds = array<i64: 2, 16>, scalar_prefetch = 0 : i64, scratch_operands = 15 : i64, tpu.core_type = #tpu.core_type<sc_vector_subcore>, window_params = [{transform_indices = #map}, {transform_indices = #map1}, {transform_indices = #map1}, {transform_indices = #map}, {transform_indices = #map}]} {
    %mul3A = arith.constant 160000 : i32
    %mul3A_0 = arith.muli %arg0, %mul3A : i32
    %mul3A_1 = arith.constant 10000 : i32
    %mul3A_2 = arith.muli %arg1, %mul3A_1 : i32
    %add3A = arith.addi %mul3A_0, %mul3A_2 : i32
    %mul3A_3 = arith.constant 1000 : i32
    %mul3A_4 = arith.muli %arg1, %mul3A_3 : i32
    %lt3A = arith.constant 10 : i32
    %lt3A_5 = arith.cmpi slt, %arg1, %lt3A : i32
    %convert_element_type3A = arith.extui %lt3A_5 : i1 to i32
    %cond3A = arith.constant 0 : i32
    %cond3A_6 = arith.cmpi ne, %convert_element_type3A, %cond3A : i32
    scf.if %cond3A_6 {
      "tpu.region"() ({
        %run_scoped3A = tpu.sem_alloc : memref<!tpu.dma_semaphore, #tpu.memory_space<semaphore_mem>>
        %dma_start3A = arith.constant 0 : i32
        %dma_start3A_18 = tpu.memref_slice %arg18[%mul3A_4, %dma_start3A] : memref<10000x128xf32, #tpu.memory_space<vmem_shared>> -> memref<1000x128xf32, #tpu.memory_space<vmem_shared>>
        %dma_start3A_19 = arith.constant 0 : i32
        %dma_start3A_20 = tpu.memref_slice %arg5[%mul3A_4, %dma_start3A_19] : memref<10000x128xf32, #tpu.memory_space<hbm>> -> memref<1000x128xf32, #tpu.memory_space<hbm>>
        tpu.enqueue_dma source(%dma_start3A_20 : memref<1000x128xf32, #tpu.memory_space<hbm>>) target(%dma_start3A_18 : memref<1000x128xf32, #tpu.memory_space<vmem_shared>>) target_semaphore(%run_scoped3A : memref<!tpu.dma_semaphore, #tpu.memory_space<semaphore_mem>>)
        %dma_wait3A = arith.constant 0 : i32
        %dma_wait3A_21 = tpu.memref_slice %arg18[%mul3A_4, %dma_wait3A] : memref<10000x128xf32, #tpu.memory_space<vmem_shared>> -> memref<1000x128xf32, #tpu.memory_space<vmem_shared>>
        %dma_wait3A_22 = arith.constant 0 : i32
        %dma_wait3A_23 = tpu.memref_slice %arg5[%mul3A_4, %dma_wait3A_22] : memref<10000x128xf32, #tpu.memory_space<hbm>> -> memref<1000x128xf32, #tpu.memory_space<hbm>>
        tpu.wait_dma2 semaphore(%run_scoped3A : memref<!tpu.dma_semaphore, #tpu.memory_space<semaphore_mem>>) src(%dma_wait3A_23 : memref<1000x128xf32, #tpu.memory_space<hbm>>) dst(%dma_wait3A_21 : memref<1000x128xf32, #tpu.memory_space<vmem_shared>>)
        tpu.yield
      }) : () -> ()
    } else {
    }
    %barrier3A = arith.constant 0 : index
    tpu.barrier barrier_id(%barrier3A)
    %scan3A = arith.constant 0 : i32
    %scan3A_7 = arith.constant 0 : i32
    %scan3A_8 = arith.constant 50 : i32
    %scan3A_9 = arith.addi %scan3A_7, %scan3A_8 : i32
    %scan3A_10 = arith.constant 1 : i32
    scf.for %scan3A_18 = %scan3A_7 to %scan3A_9 step %scan3A_10  : i32 {
      %mul3A_19 = arith.constant 200 : i32
      %mul3A_20 = arith.muli %scan3A_18, %mul3A_19 : i32
      %add3A_21 = arith.addi %add3A, %mul3A_20 : i32
      %add3A_22 = arith.constant 0 : i32
      %add3A_23 = arith.addi %add3A_21, %add3A_22 : i32
      %dma_start3A = tpu.memref_slice %arg3[%add3A_23] : memref<320000xi32, #tpu.memory_space<hbm>> -> memref<40xi32, #tpu.memory_space<hbm>>
      %dma_start3A_24 = tpu.memref_slice %arg3[%add3A_23] : memref<320000xi32, #tpu.memory_space<hbm>> -> memref<40xi32, #tpu.memory_space<hbm>>
      tpu.enqueue_dma source(%dma_start3A_24 : memref<40xi32, #tpu.memory_space<hbm>>) target(%arg7 : memref<40xi32, #tpu.memory_space<vmem>>) target_semaphore(%arg19 : memref<!tpu.dma_semaphore, #tpu.memory_space<semaphore_mem>>)
      %add3A_25 = arith.constant 40 : i32
      %add3A_26 = arith.addi %add3A_21, %add3A_25 : i32
      %dma_start3A_27 = tpu.memref_slice %arg3[%add3A_26] : memref<320000xi32, #tpu.memory_space<hbm>> -> memref<40xi32, #tpu.memory_space<hbm>>
      %dma_start3A_28 = tpu.memref_slice %arg3[%add3A_26] : memref<320000xi32, #tpu.memory_space<hbm>> -> memref<40xi32, #tpu.memory_space<hbm>>
      tpu.enqueue_dma source(%dma_start3A_28 : memref<40xi32, #tpu.memory_space<hbm>>) target(%arg8 : memref<40xi32, #tpu.memory_space<vmem>>) target_semaphore(%arg19 : memref<!tpu.dma_semaphore, #tpu.memory_space<semaphore_mem>>)
      %add3A_29 = arith.constant 80 : i32
      %add3A_30 = arith.addi %add3A_21, %add3A_29 : i32
      %dma_start3A_31 = tpu.memref_slice %arg3[%add3A_30] : memref<320000xi32, #tpu.memory_space<hbm>> -> memref<40xi32, #tpu.memory_space<hbm>>
      %dma_start3A_32 = tpu.memref_slice %arg3[%add3A_30] : memref<320000xi32, #tpu.memory_space<hbm>> -> memref<40xi32, #tpu.memory_space<hbm>>
      tpu.enqueue_dma source(%dma_start3A_32 : memref<40xi32, #tpu.memory_space<hbm>>) target(%arg9 : memref<40xi32, #tpu.memory_space<vmem>>) target_semaphore(%arg19 : memref<!tpu.dma_semaphore, #tpu.memory_space<semaphore_mem>>)
      %add3A_33 = arith.constant 120 : i32
      %add3A_34 = arith.addi %add3A_21, %add3A_33 : i32
      %dma_start3A_35 = tpu.memref_slice %arg3[%add3A_34] : memref<320000xi32, #tpu.memory_space<hbm>> -> memref<40xi32, #tpu.memory_space<hbm>>
      %dma_start3A_36 = tpu.memref_slice %arg3[%add3A_34] : memref<320000xi32, #tpu.memory_space<hbm>> -> memref<40xi32, #tpu.memory_space<hbm>>
      tpu.enqueue_dma source(%dma_start3A_36 : memref<40xi32, #tpu.memory_space<hbm>>) target(%arg10 : memref<40xi32, #tpu.memory_space<vmem>>) target_semaphore(%arg19 : memref<!tpu.dma_semaphore, #tpu.memory_space<semaphore_mem>>)
      %add3A_37 = arith.constant 160 : i32
      %add3A_38 = arith.addi %add3A_21, %add3A_37 : i32
      %dma_start3A_39 = tpu.memref_slice %arg3[%add3A_38] : memref<320000xi32, #tpu.memory_space<hbm>> -> memref<40xi32, #tpu.memory_space<hbm>>
      %dma_start3A_40 = tpu.memref_slice %arg3[%add3A_38] : memref<320000xi32, #tpu.memory_space<hbm>> -> memref<40xi32, #tpu.memory_space<hbm>>
      tpu.enqueue_dma source(%dma_start3A_40 : memref<40xi32, #tpu.memory_space<hbm>>) target(%arg11 : memref<40xi32, #tpu.memory_space<vmem>>) target_semaphore(%arg19 : memref<!tpu.dma_semaphore, #tpu.memory_space<semaphore_mem>>)
      %add3A_41 = arith.constant 0 : i32
      %add3A_42 = arith.addi %add3A_21, %add3A_41 : i32
      %dma_start3A_43 = tpu.memref_slice %arg4[%add3A_42] : memref<320000xi32, #tpu.memory_space<hbm>> -> memref<40xi32, #tpu.memory_space<hbm>>
      %dma_start3A_44 = tpu.memref_slice %arg4[%add3A_42] : memref<320000xi32, #tpu.memory_space<hbm>> -> memref<40xi32, #tpu.memory_space<hbm>>
      tpu.enqueue_dma source(%dma_start3A_44 : memref<40xi32, #tpu.memory_space<hbm>>) target(%arg12 : memref<40xi32, #tpu.memory_space<vmem>>) target_semaphore(%arg19 : memref<!tpu.dma_semaphore, #tpu.memory_space<semaphore_mem>>)
      %add3A_45 = arith.constant 40 : i32
      %add3A_46 = arith.addi %add3A_21, %add3A_45 : i32
      %dma_start3A_47 = tpu.memref_slice %arg4[%add3A_46] : memref<320000xi32, #tpu.memory_space<hbm>> -> memref<40xi32, #tpu.memory_space<hbm>>
      %dma_start3A_48 = tpu.memref_slice %arg4[%add3A_46] : memref<320000xi32, #tpu.memory_space<hbm>> -> memref<40xi32, #tpu.memory_space<hbm>>
      tpu.enqueue_dma source(%dma_start3A_48 : memref<40xi32, #tpu.memory_space<hbm>>) target(%arg13 : memref<40xi32, #tpu.memory_space<vmem>>) target_semaphore(%arg19 : memref<!tpu.dma_semaphore, #tpu.memory_space<semaphore_mem>>)
      %add3A_49 = arith.constant 80 : i32
      %add3A_50 = arith.addi %add3A_21, %add3A_49 : i32
      %dma_start3A_51 = tpu.memref_slice %arg4[%add3A_50] : memref<320000xi32, #tpu.memory_space<hbm>> -> memref<40xi32, #tpu.memory_space<hbm>>
      %dma_start3A_52 = tpu.memref_slice %arg4[%add3A_50] : memref<320000xi32, #tpu.memory_space<hbm>> -> memref<40xi32, #tpu.memory_space<hbm>>
      tpu.enqueue_dma source(%dma_start3A_52 : memref<40xi32, #tpu.memory_space<hbm>>) target(%arg14 : memref<40xi32, #tpu.memory_space<vmem>>) target_semaphore(%arg19 : memref<!tpu.dma_semaphore, #tpu.memory_space<semaphore_mem>>)
      %add3A_53 = arith.constant 120 : i32
      %add3A_54 = arith.addi %add3A_21, %add3A_53 : i32
      %dma_start3A_55 = tpu.memref_slice %arg4[%add3A_54] : memref<320000xi32, #tpu.memory_space<hbm>> -> memref<40xi32, #tpu.memory_space<hbm>>
      %dma_start3A_56 = tpu.memref_slice %arg4[%add3A_54] : memref<320000xi32, #tpu.memory_space<hbm>> -> memref<40xi32, #tpu.memory_space<hbm>>
      tpu.enqueue_dma source(%dma_start3A_56 : memref<40xi32, #tpu.memory_space<hbm>>) target(%arg15 : memref<40xi32, #tpu.memory_space<vmem>>) target_semaphore(%arg19 : memref<!tpu.dma_semaphore, #tpu.memory_space<semaphore_mem>>)
      %add3A_57 = arith.constant 160 : i32
      %add3A_58 = arith.addi %add3A_21, %add3A_57 : i32
      %dma_start3A_59 = tpu.memref_slice %arg4[%add3A_58] : memref<320000xi32, #tpu.memory_space<hbm>> -> memref<40xi32, #tpu.memory_space<hbm>>
      %dma_start3A_60 = tpu.memref_slice %arg4[%add3A_58] : memref<320000xi32, #tpu.memory_space<hbm>> -> memref<40xi32, #tpu.memory_space<hbm>>
      tpu.enqueue_dma source(%dma_start3A_60 : memref<40xi32, #tpu.memory_space<hbm>>) target(%arg16 : memref<40xi32, #tpu.memory_space<vmem>>) target_semaphore(%arg19 : memref<!tpu.dma_semaphore, #tpu.memory_space<semaphore_mem>>)
      %dma_wait3A = tpu.memref_slice %arg3[%add3A_23] : memref<320000xi32, #tpu.memory_space<hbm>> -> memref<40xi32, #tpu.memory_space<hbm>>
      %dma_wait3A_61 = tpu.memref_slice %arg3[%add3A_23] : memref<320000xi32, #tpu.memory_space<hbm>> -> memref<40xi32, #tpu.memory_space<hbm>>
      tpu.wait_dma2 semaphore(%arg19 : memref<!tpu.dma_semaphore, #tpu.memory_space<semaphore_mem>>) src(%dma_wait3A_61 : memref<40xi32, #tpu.memory_space<hbm>>) dst(%arg7 : memref<40xi32, #tpu.memory_space<vmem>>)
      %dma_wait3A_62 = tpu.memref_slice %arg3[%add3A_26] : memref<320000xi32, #tpu.memory_space<hbm>> -> memref<40xi32, #tpu.memory_space<hbm>>
      %dma_wait3A_63 = tpu.memref_slice %arg3[%add3A_26] : memref<320000xi32, #tpu.memory_space<hbm>> -> memref<40xi32, #tpu.memory_space<hbm>>
      tpu.wait_dma2 semaphore(%arg19 : memref<!tpu.dma_semaphore, #tpu.memory_space<semaphore_mem>>) src(%dma_wait3A_63 : memref<40xi32, #tpu.memory_space<hbm>>) dst(%arg8 : memref<40xi32, #tpu.memory_space<vmem>>)
      %dma_wait3A_64 = tpu.memref_slice %arg3[%add3A_30] : memref<320000xi32, #tpu.memory_space<hbm>> -> memref<40xi32, #tpu.memory_space<hbm>>
      %dma_wait3A_65 = tpu.memref_slice %arg3[%add3A_30] : memref<320000xi32, #tpu.memory_space<hbm>> -> memref<40xi32, #tpu.memory_space<hbm>>
      tpu.wait_dma2 semaphore(%arg19 : memref<!tpu.dma_semaphore, #tpu.memory_space<semaphore_mem>>) src(%dma_wait3A_65 : memref<40xi32, #tpu.memory_space<hbm>>) dst(%arg9 : memref<40xi32, #tpu.memory_space<vmem>>)
      %dma_wait3A_66 = tpu.memref_slice %arg3[%add3A_34] : memref<320000xi32, #tpu.memory_space<hbm>> -> memref<40xi32, #tpu.memory_space<hbm>>
      %dma_wait3A_67 = tpu.memref_slice %arg3[%add3A_34] : memref<320000xi32, #tpu.memory_space<hbm>> -> memref<40xi32, #tpu.memory_space<hbm>>
      tpu.wait_dma2 semaphore(%arg19 : memref<!tpu.dma_semaphore, #tpu.memory_space<semaphore_mem>>) src(%dma_wait3A_67 : memref<40xi32, #tpu.memory_space<hbm>>) dst(%arg10 : memref<40xi32, #tpu.memory_space<vmem>>)
      %dma_wait3A_68 = tpu.memref_slice %arg3[%add3A_38] : memref<320000xi32, #tpu.memory_space<hbm>> -> memref<40xi32, #tpu.memory_space<hbm>>
      %dma_wait3A_69 = tpu.memref_slice %arg3[%add3A_38] : memref<320000xi32, #tpu.memory_space<hbm>> -> memref<40xi32, #tpu.memory_space<hbm>>
      tpu.wait_dma2 semaphore(%arg19 : memref<!tpu.dma_semaphore, #tpu.memory_space<semaphore_mem>>) src(%dma_wait3A_69 : memref<40xi32, #tpu.memory_space<hbm>>) dst(%arg11 : memref<40xi32, #tpu.memory_space<vmem>>)
      %dma_wait3A_70 = tpu.memref_slice %arg4[%add3A_42] : memref<320000xi32, #tpu.memory_space<hbm>> -> memref<40xi32, #tpu.memory_space<hbm>>
      %dma_wait3A_71 = tpu.memref_slice %arg4[%add3A_42] : memref<320000xi32, #tpu.memory_space<hbm>> -> memref<40xi32, #tpu.memory_space<hbm>>
      tpu.wait_dma2 semaphore(%arg19 : memref<!tpu.dma_semaphore, #tpu.memory_space<semaphore_mem>>) src(%dma_wait3A_71 : memref<40xi32, #tpu.memory_space<hbm>>) dst(%arg12 : memref<40xi32, #tpu.memory_space<vmem>>)
      %dma_wait3A_72 = tpu.memref_slice %arg4[%add3A_46] : memref<320000xi32, #tpu.memory_space<hbm>> -> memref<40xi32, #tpu.memory_space<hbm>>
      %dma_wait3A_73 = tpu.memref_slice %arg4[%add3A_46] : memref<320000xi32, #tpu.memory_space<hbm>> -> memref<40xi32, #tpu.memory_space<hbm>>
      tpu.wait_dma2 semaphore(%arg19 : memref<!tpu.dma_semaphore, #tpu.memory_space<semaphore_mem>>) src(%dma_wait3A_73 : memref<40xi32, #tpu.memory_space<hbm>>) dst(%arg13 : memref<40xi32, #tpu.memory_space<vmem>>)
      %dma_wait3A_74 = tpu.memref_slice %arg4[%add3A_50] : memref<320000xi32, #tpu.memory_space<hbm>> -> memref<40xi32, #tpu.memory_space<hbm>>
      %dma_wait3A_75 = tpu.memref_slice %arg4[%add3A_50] : memref<320000xi32, #tpu.memory_space<hbm>> -> memref<40xi32, #tpu.memory_space<hbm>>
      tpu.wait_dma2 semaphore(%arg19 : memref<!tpu.dma_semaphore, #tpu.memory_space<semaphore_mem>>) src(%dma_wait3A_75 : memref<40xi32, #tpu.memory_space<hbm>>) dst(%arg14 : memref<40xi32, #tpu.memory_space<vmem>>)
      %dma_wait3A_76 = tpu.memref_slice %arg4[%add3A_54] : memref<320000xi32, #tpu.memory_space<hbm>> -> memref<40xi32, #tpu.memory_space<hbm>>
      %dma_wait3A_77 = tpu.memref_slice %arg4[%add3A_54] : memref<320000xi32, #tpu.memory_space<hbm>> -> memref<40xi32, #tpu.memory_space<hbm>>
      tpu.wait_dma2 semaphore(%arg19 : memref<!tpu.dma_semaphore, #tpu.memory_space<semaphore_mem>>) src(%dma_wait3A_77 : memref<40xi32, #tpu.memory_space<hbm>>) dst(%arg15 : memref<40xi32, #tpu.memory_space<vmem>>)
      %dma_wait3A_78 = tpu.memref_slice %arg4[%add3A_58] : memref<320000xi32, #tpu.memory_space<hbm>> -> memref<40xi32, #tpu.memory_space<hbm>>
      %dma_wait3A_79 = tpu.memref_slice %arg4[%add3A_58] : memref<320000xi32, #tpu.memory_space<hbm>> -> memref<40xi32, #tpu.memory_space<hbm>>
      tpu.wait_dma2 semaphore(%arg19 : memref<!tpu.dma_semaphore, #tpu.memory_space<semaphore_mem>>) src(%dma_wait3A_79 : memref<40xi32, #tpu.memory_space<hbm>>) dst(%arg16 : memref<40xi32, #tpu.memory_space<vmem>>)
      %dma_start3A_80 = arith.constant 0 : i32
      %dma_start3A_81 = arith.constant 0 : i32
      %dma_start3A_82 = tpu.memref_slice %arg17[%dma_start3A_80, %dma_start3A_81] : memref<200x128xf32, #tpu.memory_space<vmem>> -> memref<40x128xf32, #tpu.memory_space<vmem>>
      %dma_start3A_83 = arith.constant 0 : i32
      %dma_start3A_84 = arith.constant 0 : i32
      %dma_start3A_85 = tpu.memref_slice %arg2[%dma_start3A_83, %dma_start3A_84] : memref<10000x128xf32, #tpu.memory_space<hbm>> -> memref<10000x128xf32, #tpu.memory_space<hbm>>
      tpu.enqueue_indirect_dma source(%dma_start3A_85 : memref<10000x128xf32, #tpu.memory_space<hbm>>) target(%dma_start3A_82 : memref<40x128xf32, #tpu.memory_space<vmem>>) offsets(%arg7 : memref<40xi32, #tpu.memory_space<vmem>>) semaphore(%arg20 : memref<!tpu.dma_semaphore, #tpu.memory_space<semaphore_mem>>)
      %dma_start3A_86 = arith.constant 40 : i32
      %dma_start3A_87 = arith.constant 0 : i32
      %dma_start3A_88 = tpu.memref_slice %arg17[%dma_start3A_86, %dma_start3A_87] : memref<200x128xf32, #tpu.memory_space<vmem>> -> memref<40x128xf32, #tpu.memory_space<vmem>>
      %dma_start3A_89 = arith.constant 0 : i32
      %dma_start3A_90 = arith.constant 0 : i32
      %dma_start3A_91 = tpu.memref_slice %arg2[%dma_start3A_89, %dma_start3A_90] : memref<10000x128xf32, #tpu.memory_space<hbm>> -> memref<10000x128xf32, #tpu.memory_space<hbm>>
      tpu.enqueue_indirect_dma source(%dma_start3A_91 : memref<10000x128xf32, #tpu.memory_space<hbm>>) target(%dma_start3A_88 : memref<40x128xf32, #tpu.memory_space<vmem>>) offsets(%arg8 : memref<40xi32, #tpu.memory_space<vmem>>) semaphore(%arg20 : memref<!tpu.dma_semaphore, #tpu.memory_space<semaphore_mem>>)
      %dma_start3A_92 = arith.constant 80 : i32
      %dma_start3A_93 = arith.constant 0 : i32
      %dma_start3A_94 = tpu.memref_slice %arg17[%dma_start3A_92, %dma_start3A_93] : memref<200x128xf32, #tpu.memory_space<vmem>> -> memref<40x128xf32, #tpu.memory_space<vmem>>
      %dma_start3A_95 = arith.constant 0 : i32
      %dma_start3A_96 = arith.constant 0 : i32
      %dma_start3A_97 = tpu.memref_slice %arg2[%dma_start3A_95, %dma_start3A_96] : memref<10000x128xf32, #tpu.memory_space<hbm>> -> memref<10000x128xf32, #tpu.memory_space<hbm>>
      tpu.enqueue_indirect_dma source(%dma_start3A_97 : memref<10000x128xf32, #tpu.memory_space<hbm>>) target(%dma_start3A_94 : memref<40x128xf32, #tpu.memory_space<vmem>>) offsets(%arg9 : memref<40xi32, #tpu.memory_space<vmem>>) semaphore(%arg20 : memref<!tpu.dma_semaphore, #tpu.memory_space<semaphore_mem>>)
      %dma_start3A_98 = arith.constant 120 : i32
      %dma_start3A_99 = arith.constant 0 : i32
      %dma_start3A_100 = tpu.memref_slice %arg17[%dma_start3A_98, %dma_start3A_99] : memref<200x128xf32, #tpu.memory_space<vmem>> -> memref<40x128xf32, #tpu.memory_space<vmem>>
      %dma_start3A_101 = arith.constant 0 : i32
      %dma_start3A_102 = arith.constant 0 : i32
      %dma_start3A_103 = tpu.memref_slice %arg2[%dma_start3A_101, %dma_start3A_102] : memref<10000x128xf32, #tpu.memory_space<hbm>> -> memref<10000x128xf32, #tpu.memory_space<hbm>>
      tpu.enqueue_indirect_dma source(%dma_start3A_103 : memref<10000x128xf32, #tpu.memory_space<hbm>>) target(%dma_start3A_100 : memref<40x128xf32, #tpu.memory_space<vmem>>) offsets(%arg10 : memref<40xi32, #tpu.memory_space<vmem>>) semaphore(%arg20 : memref<!tpu.dma_semaphore, #tpu.memory_space<semaphore_mem>>)
      %dma_start3A_104 = arith.constant 160 : i32
      %dma_start3A_105 = arith.constant 0 : i32
      %dma_start3A_106 = tpu.memref_slice %arg17[%dma_start3A_104, %dma_start3A_105] : memref<200x128xf32, #tpu.memory_space<vmem>> -> memref<40x128xf32, #tpu.memory_space<vmem>>
      %dma_start3A_107 = arith.constant 0 : i32
      %dma_start3A_108 = arith.constant 0 : i32
      %dma_start3A_109 = tpu.memref_slice %arg2[%dma_start3A_107, %dma_start3A_108] : memref<10000x128xf32, #tpu.memory_space<hbm>> -> memref<10000x128xf32, #tpu.memory_space<hbm>>
      tpu.enqueue_indirect_dma source(%dma_start3A_109 : memref<10000x128xf32, #tpu.memory_space<hbm>>) target(%dma_start3A_106 : memref<40x128xf32, #tpu.memory_space<vmem>>) offsets(%arg11 : memref<40xi32, #tpu.memory_space<vmem>>) semaphore(%arg20 : memref<!tpu.dma_semaphore, #tpu.memory_space<semaphore_mem>>)
      %dma_wait3A_110 = arith.constant 0 : i32
      %dma_wait3A_111 = arith.constant 0 : i32
      %dma_wait3A_112 = tpu.memref_slice %arg17[%dma_wait3A_110, %dma_wait3A_111] : memref<200x128xf32, #tpu.memory_space<vmem>> -> memref<40x128xf32, #tpu.memory_space<vmem>>
      %dma_wait3A_113 = arith.constant 0 : i32
      %dma_wait3A_114 = arith.constant 0 : i32
      %dma_wait3A_115 = tpu.memref_slice %arg2[%dma_wait3A_113, %dma_wait3A_114] : memref<10000x128xf32, #tpu.memory_space<hbm>> -> memref<10000x128xf32, #tpu.memory_space<hbm>>
      tpu.wait_indirect_dma semaphore(%arg20 : memref<!tpu.dma_semaphore, #tpu.memory_space<semaphore_mem>>) src(%dma_wait3A_115 : memref<10000x128xf32, #tpu.memory_space<hbm>>) dst(%dma_wait3A_112 : memref<40x128xf32, #tpu.memory_space<vmem>>)
      %dma_wait3A_116 = arith.constant 40 : i32
      %dma_wait3A_117 = arith.constant 0 : i32
      %dma_wait3A_118 = tpu.memref_slice %arg17[%dma_wait3A_116, %dma_wait3A_117] : memref<200x128xf32, #tpu.memory_space<vmem>> -> memref<40x128xf32, #tpu.memory_space<vmem>>
      %dma_wait3A_119 = arith.constant 0 : i32
      %dma_wait3A_120 = arith.constant 0 : i32
      %dma_wait3A_121 = tpu.memref_slice %arg2[%dma_wait3A_119, %dma_wait3A_120] : memref<10000x128xf32, #tpu.memory_space<hbm>> -> memref<10000x128xf32, #tpu.memory_space<hbm>>
      tpu.wait_indirect_dma semaphore(%arg20 : memref<!tpu.dma_semaphore, #tpu.memory_space<semaphore_mem>>) src(%dma_wait3A_121 : memref<10000x128xf32, #tpu.memory_space<hbm>>) dst(%dma_wait3A_118 : memref<40x128xf32, #tpu.memory_space<vmem>>)
      %dma_wait3A_122 = arith.constant 80 : i32
      %dma_wait3A_123 = arith.constant 0 : i32
      %dma_wait3A_124 = tpu.memref_slice %arg17[%dma_wait3A_122, %dma_wait3A_123] : memref<200x128xf32, #tpu.memory_space<vmem>> -> memref<40x128xf32, #tpu.memory_space<vmem>>
      %dma_wait3A_125 = arith.constant 0 : i32
      %dma_wait3A_126 = arith.constant 0 : i32
      %dma_wait3A_127 = tpu.memref_slice %arg2[%dma_wait3A_125, %dma_wait3A_126] : memref<10000x128xf32, #tpu.memory_space<hbm>> -> memref<10000x128xf32, #tpu.memory_space<hbm>>
      tpu.wait_indirect_dma semaphore(%arg20 : memref<!tpu.dma_semaphore, #tpu.memory_space<semaphore_mem>>) src(%dma_wait3A_127 : memref<10000x128xf32, #tpu.memory_space<hbm>>) dst(%dma_wait3A_124 : memref<40x128xf32, #tpu.memory_space<vmem>>)
      %dma_wait3A_128 = arith.constant 120 : i32
      %dma_wait3A_129 = arith.constant 0 : i32
      %dma_wait3A_130 = tpu.memref_slice %arg17[%dma_wait3A_128, %dma_wait3A_129] : memref<200x128xf32, #tpu.memory_space<vmem>> -> memref<40x128xf32, #tpu.memory_space<vmem>>
      %dma_wait3A_131 = arith.constant 0 : i32
      %dma_wait3A_132 = arith.constant 0 : i32
      %dma_wait3A_133 = tpu.memref_slice %arg2[%dma_wait3A_131, %dma_wait3A_132] : memref<10000x128xf32, #tpu.memory_space<hbm>> -> memref<10000x128xf32, #tpu.memory_space<hbm>>
      tpu.wait_indirect_dma semaphore(%arg20 : memref<!tpu.dma_semaphore, #tpu.memory_space<semaphore_mem>>) src(%dma_wait3A_133 : memref<10000x128xf32, #tpu.memory_space<hbm>>) dst(%dma_wait3A_130 : memref<40x128xf32, #tpu.memory_space<vmem>>)
      %dma_wait3A_134 = arith.constant 160 : i32
      %dma_wait3A_135 = arith.constant 0 : i32
      %dma_wait3A_136 = tpu.memref_slice %arg17[%dma_wait3A_134, %dma_wait3A_135] : memref<200x128xf32, #tpu.memory_space<vmem>> -> memref<40x128xf32, #tpu.memory_space<vmem>>
      %dma_wait3A_137 = arith.constant 0 : i32
      %dma_wait3A_138 = arith.constant 0 : i32
      %dma_wait3A_139 = tpu.memref_slice %arg2[%dma_wait3A_137, %dma_wait3A_138] : memref<10000x128xf32, #tpu.memory_space<hbm>> -> memref<10000x128xf32, #tpu.memory_space<hbm>>
      tpu.wait_indirect_dma semaphore(%arg20 : memref<!tpu.dma_semaphore, #tpu.memory_space<semaphore_mem>>) src(%dma_wait3A_139 : memref<10000x128xf32, #tpu.memory_space<hbm>>) dst(%dma_wait3A_136 : memref<40x128xf32, #tpu.memory_space<vmem>>)
      %dma_start3A_140 = arith.constant 0 : i32
      %dma_start3A_141 = arith.constant 0 : i32
      %dma_start3A_142 = tpu.memref_slice %arg17[%dma_start3A_140, %dma_start3A_141] : memref<200x128xf32, #tpu.memory_space<vmem>> -> memref<40x128xf32, #tpu.memory_space<vmem>>
      %dma_start3A_143 = arith.constant 0 : i32
      %dma_start3A_144 = arith.constant 0 : i32
      %dma_start3A_145 = tpu.memref_slice %arg18[%dma_start3A_143, %dma_start3A_144] : memref<10000x128xf32, #tpu.memory_space<vmem_shared>> -> memref<10000x128xf32, #tpu.memory_space<vmem_shared>>
      tpu.enqueue_indirect_dma source(%dma_start3A_142 : memref<40x128xf32, #tpu.memory_space<vmem>>) target(%dma_start3A_145 : memref<10000x128xf32, #tpu.memory_space<vmem_shared>>) offsets(%arg12 : memref<40xi32, #tpu.memory_space<vmem>>) semaphore(%arg21 : memref<!tpu.dma_semaphore, #tpu.memory_space<semaphore_mem>>) {add = true}
      %dma_start3A_146 = arith.constant 40 : i32
      %dma_start3A_147 = arith.constant 0 : i32
      %dma_start3A_148 = tpu.memref_slice %arg17[%dma_start3A_146, %dma_start3A_147] : memref<200x128xf32, #tpu.memory_space<vmem>> -> memref<40x128xf32, #tpu.memory_space<vmem>>
      %dma_start3A_149 = arith.constant 0 : i32
      %dma_start3A_150 = arith.constant 0 : i32
      %dma_start3A_151 = tpu.memref_slice %arg18[%dma_start3A_149, %dma_start3A_150] : memref<10000x128xf32, #tpu.memory_space<vmem_shared>> -> memref<10000x128xf32, #tpu.memory_space<vmem_shared>>
      tpu.enqueue_indirect_dma source(%dma_start3A_148 : memref<40x128xf32, #tpu.memory_space<vmem>>) target(%dma_start3A_151 : memref<10000x128xf32, #tpu.memory_space<vmem_shared>>) offsets(%arg13 : memref<40xi32, #tpu.memory_space<vmem>>) semaphore(%arg21 : memref<!tpu.dma_semaphore, #tpu.memory_space<semaphore_mem>>) {add = true}
      %dma_start3A_152 = arith.constant 80 : i32
      %dma_start3A_153 = arith.constant 0 : i32
      %dma_start3A_154 = tpu.memref_slice %arg17[%dma_start3A_152, %dma_start3A_153] : memref<200x128xf32, #tpu.memory_space<vmem>> -> memref<40x128xf32, #tpu.memory_space<vmem>>
      %dma_start3A_155 = arith.constant 0 : i32
      %dma_start3A_156 = arith.constant 0 : i32
      %dma_start3A_157 = tpu.memref_slice %arg18[%dma_start3A_155, %dma_start3A_156] : memref<10000x128xf32, #tpu.memory_space<vmem_shared>> -> memref<10000x128xf32, #tpu.memory_space<vmem_shared>>
      tpu.enqueue_indirect_dma source(%dma_start3A_154 : memref<40x128xf32, #tpu.memory_space<vmem>>) target(%dma_start3A_157 : memref<10000x128xf32, #tpu.memory_space<vmem_shared>>) offsets(%arg14 : memref<40xi32, #tpu.memory_space<vmem>>) semaphore(%arg21 : memref<!tpu.dma_semaphore, #tpu.memory_space<semaphore_mem>>) {add = true}
      %dma_start3A_158 = arith.constant 120 : i32
      %dma_start3A_159 = arith.constant 0 : i32
      %dma_start3A_160 = tpu.memref_slice %arg17[%dma_start3A_158, %dma_start3A_159] : memref<200x128xf32, #tpu.memory_space<vmem>> -> memref<40x128xf32, #tpu.memory_space<vmem>>
      %dma_start3A_161 = arith.constant 0 : i32
      %dma_start3A_162 = arith.constant 0 : i32
      %dma_start3A_163 = tpu.memref_slice %arg18[%dma_start3A_161, %dma_start3A_162] : memref<10000x128xf32, #tpu.memory_space<vmem_shared>> -> memref<10000x128xf32, #tpu.memory_space<vmem_shared>>
      tpu.enqueue_indirect_dma source(%dma_start3A_160 : memref<40x128xf32, #tpu.memory_space<vmem>>) target(%dma_start3A_163 : memref<10000x128xf32, #tpu.memory_space<vmem_shared>>) offsets(%arg15 : memref<40xi32, #tpu.memory_space<vmem>>) semaphore(%arg21 : memref<!tpu.dma_semaphore, #tpu.memory_space<semaphore_mem>>) {add = true}
      %dma_start3A_164 = arith.constant 160 : i32
      %dma_start3A_165 = arith.constant 0 : i32
      %dma_start3A_166 = tpu.memref_slice %arg17[%dma_start3A_164, %dma_start3A_165] : memref<200x128xf32, #tpu.memory_space<vmem>> -> memref<40x128xf32, #tpu.memory_space<vmem>>
      %dma_start3A_167 = arith.constant 0 : i32
      %dma_start3A_168 = arith.constant 0 : i32
      %dma_start3A_169 = tpu.memref_slice %arg18[%dma_start3A_167, %dma_start3A_168] : memref<10000x128xf32, #tpu.memory_space<vmem_shared>> -> memref<10000x128xf32, #tpu.memory_space<vmem_shared>>
      tpu.enqueue_indirect_dma source(%dma_start3A_166 : memref<40x128xf32, #tpu.memory_space<vmem>>) target(%dma_start3A_169 : memref<10000x128xf32, #tpu.memory_space<vmem_shared>>) offsets(%arg16 : memref<40xi32, #tpu.memory_space<vmem>>) semaphore(%arg21 : memref<!tpu.dma_semaphore, #tpu.memory_space<semaphore_mem>>) {add = true}
      %dma_wait3A_170 = arith.constant 0 : i32
      %dma_wait3A_171 = arith.constant 0 : i32
      %dma_wait3A_172 = tpu.memref_slice %arg17[%dma_wait3A_170, %dma_wait3A_171] : memref<200x128xf32, #tpu.memory_space<vmem>> -> memref<40x128xf32, #tpu.memory_space<vmem>>
      %dma_wait3A_173 = arith.constant 0 : i32
      %dma_wait3A_174 = arith.constant 0 : i32
      %dma_wait3A_175 = tpu.memref_slice %arg18[%dma_wait3A_173, %dma_wait3A_174] : memref<10000x128xf32, #tpu.memory_space<vmem_shared>> -> memref<10000x128xf32, #tpu.memory_space<vmem_shared>>
      tpu.wait_indirect_dma semaphore(%arg21 : memref<!tpu.dma_semaphore, #tpu.memory_space<semaphore_mem>>) src(%dma_wait3A_172 : memref<40x128xf32, #tpu.memory_space<vmem>>) dst(%dma_wait3A_175 : memref<10000x128xf32, #tpu.memory_space<vmem_shared>>)
      %dma_wait3A_176 = arith.constant 40 : i32
      %dma_wait3A_177 = arith.constant 0 : i32
      %dma_wait3A_178 = tpu.memref_slice %arg17[%dma_wait3A_176, %dma_wait3A_177] : memref<200x128xf32, #tpu.memory_space<vmem>> -> memref<40x128xf32, #tpu.memory_space<vmem>>
      %dma_wait3A_179 = arith.constant 0 : i32
      %dma_wait3A_180 = arith.constant 0 : i32
      %dma_wait3A_181 = tpu.memref_slice %arg18[%dma_wait3A_179, %dma_wait3A_180] : memref<10000x128xf32, #tpu.memory_space<vmem_shared>> -> memref<10000x128xf32, #tpu.memory_space<vmem_shared>>
      tpu.wait_indirect_dma semaphore(%arg21 : memref<!tpu.dma_semaphore, #tpu.memory_space<semaphore_mem>>) src(%dma_wait3A_178 : memref<40x128xf32, #tpu.memory_space<vmem>>) dst(%dma_wait3A_181 : memref<10000x128xf32, #tpu.memory_space<vmem_shared>>)
      %dma_wait3A_182 = arith.constant 80 : i32
      %dma_wait3A_183 = arith.constant 0 : i32
      %dma_wait3A_184 = tpu.memref_slice %arg17[%dma_wait3A_182, %dma_wait3A_183] : memref<200x128xf32, #tpu.memory_space<vmem>> -> memref<40x128xf32, #tpu.memory_space<vmem>>
      %dma_wait3A_185 = arith.constant 0 : i32
      %dma_wait3A_186 = arith.constant 0 : i32
      %dma_wait3A_187 = tpu.memref_slice %arg18[%dma_wait3A_185, %dma_wait3A_186] : memref<10000x128xf32, #tpu.memory_space<vmem_shared>> -> memref<10000x128xf32, #tpu.memory_space<vmem_shared>>
      tpu.wait_indirect_dma semaphore(%arg21 : memref<!tpu.dma_semaphore, #tpu.memory_space<semaphore_mem>>) src(%dma_wait3A_184 : memref<40x128xf32, #tpu.memory_space<vmem>>) dst(%dma_wait3A_187 : memref<10000x128xf32, #tpu.memory_space<vmem_shared>>)
      %dma_wait3A_188 = arith.constant 120 : i32
      %dma_wait3A_189 = arith.constant 0 : i32
      %dma_wait3A_190 = tpu.memref_slice %arg17[%dma_wait3A_188, %dma_wait3A_189] : memref<200x128xf32, #tpu.memory_space<vmem>> -> memref<40x128xf32, #tpu.memory_space<vmem>>
      %dma_wait3A_191 = arith.constant 0 : i32
      %dma_wait3A_192 = arith.constant 0 : i32
      %dma_wait3A_193 = tpu.memref_slice %arg18[%dma_wait3A_191, %dma_wait3A_192] : memref<10000x128xf32, #tpu.memory_space<vmem_shared>> -> memref<10000x128xf32, #tpu.memory_space<vmem_shared>>
      tpu.wait_indirect_dma semaphore(%arg21 : memref<!tpu.dma_semaphore, #tpu.memory_space<semaphore_mem>>) src(%dma_wait3A_190 : memref<40x128xf32, #tpu.memory_space<vmem>>) dst(%dma_wait3A_193 : memref<10000x128xf32, #tpu.memory_space<vmem_shared>>)
      %dma_wait3A_194 = arith.constant 160 : i32
      %dma_wait3A_195 = arith.constant 0 : i32
      %dma_wait3A_196 = tpu.memref_slice %arg17[%dma_wait3A_194, %dma_wait3A_195] : memref<200x128xf32, #tpu.memory_space<vmem>> -> memref<40x128xf32, #tpu.memory_space<vmem>>
      %dma_wait3A_197 = arith.constant 0 : i32
      %dma_wait3A_198 = arith.constant 0 : i32
      %dma_wait3A_199 = tpu.memref_slice %arg18[%dma_wait3A_197, %dma_wait3A_198] : memref<10000x128xf32, #tpu.memory_space<vmem_shared>> -> memref<10000x128xf32, #tpu.memory_space<vmem_shared>>
      tpu.wait_indirect_dma semaphore(%arg21 : memref<!tpu.dma_semaphore, #tpu.memory_space<semaphore_mem>>) src(%dma_wait3A_196 : memref<40x128xf32, #tpu.memory_space<vmem>>) dst(%dma_wait3A_199 : memref<10000x128xf32, #tpu.memory_space<vmem_shared>>)
    }
    %scan3A_11 = arith.constant 50 : i32
    %barrier3A_12 = arith.constant 0 : index
    tpu.barrier barrier_id(%barrier3A_12)
    %lt3A_13 = arith.constant 10 : i32
    %lt3A_14 = arith.cmpi slt, %arg1, %lt3A_13 : i32
    %convert_element_type3A_15 = arith.extui %lt3A_14 : i1 to i32
    %cond3A_16 = arith.constant 0 : i32
    %cond3A_17 = arith.cmpi ne, %convert_element_type3A_15, %cond3A_16 : i32
    scf.if %cond3A_17 {
      %mul3A_18 = arith.constant 10000 : i32
      %mul3A_19 = arith.muli %arg0, %mul3A_18 : i32
      %add3A_20 = arith.addi %mul3A_19, %mul3A_4 : i32
      "tpu.region"() ({
        %run_scoped3A = tpu.sem_alloc : memref<!tpu.dma_semaphore, #tpu.memory_space<semaphore_mem>>
        %dma_start3A = arith.constant 0 : i32
        %dma_start3A_21 = tpu.memref_slice %arg6[%add3A_20, %dma_start3A] : memref<20000x128xf32, #tpu.memory_space<hbm>> -> memref<1000x128xf32, #tpu.memory_space<hbm>>
        %dma_start3A_22 = arith.constant 0 : i32
        %dma_start3A_23 = tpu.memref_slice %arg18[%mul3A_4, %dma_start3A_22] : memref<10000x128xf32, #tpu.memory_space<vmem_shared>> -> memref<1000x128xf32, #tpu.memory_space<vmem_shared>>
        tpu.enqueue_dma source(%dma_start3A_23 : memref<1000x128xf32, #tpu.memory_space<vmem_shared>>) target(%dma_start3A_21 : memref<1000x128xf32, #tpu.memory_space<hbm>>) target_semaphore(%run_scoped3A : memref<!tpu.dma_semaphore, #tpu.memory_space<semaphore_mem>>)
        %dma_wait3A = arith.constant 0 : i32
        %dma_wait3A_24 = tpu.memref_slice %arg6[%add3A_20, %dma_wait3A] : memref<20000x128xf32, #tpu.memory_space<hbm>> -> memref<1000x128xf32, #tpu.memory_space<hbm>>
        %dma_wait3A_25 = arith.constant 0 : i32
        %dma_wait3A_26 = tpu.memref_slice %arg18[%mul3A_4, %dma_wait3A_25] : memref<10000x128xf32, #tpu.memory_space<vmem_shared>> -> memref<1000x128xf32, #tpu.memory_space<vmem_shared>>
        tpu.wait_dma2 semaphore(%run_scoped3A : memref<!tpu.dma_semaphore, #tpu.memory_space<semaphore_mem>>) src(%dma_wait3A_26 : memref<1000x128xf32, #tpu.memory_space<vmem_shared>>) dst(%dma_wait3A_24 : memref<1000x128xf32, #tpu.memory_space<hbm>>)
        tpu.yield
      }) : () -> ()
    } else {
    }
    return
  }
}

#map = affine_map<(d0, d1) -> (0, 0)>
#map1 = affine_map<(d0, d1) -> (0)>
module attributes {stable_mosaic.version = 14 : i64} {
  func.func @_sc_msg_agg_body(%arg0: i32, %arg1: i32, %arg2: memref<10000x128xf32, #tpu.memory_space<hbm>>, %arg3: memref<320000xi32, #tpu.memory_space<hbm>>, %arg4: memref<320000xi32, #tpu.memory_space<hbm>>, %arg5: memref<10000x128xf32, #tpu.memory_space<hbm>>, %arg6: memref<20000x128xf32, #tpu.memory_space<hbm>>, %arg7: memref<40xi32, #tpu.memory_space<vmem>>, %arg8: memref<40xi32, #tpu.memory_space<vmem>>, %arg9: memref<40xi32, #tpu.memory_space<vmem>>, %arg10: memref<40xi32, #tpu.memory_space<vmem>>, %arg11: memref<40xi32, #tpu.memory_space<vmem>>, %arg12: memref<40xi32, #tpu.memory_space<vmem>>, %arg13: memref<40xi32, #tpu.memory_space<vmem>>, %arg14: memref<40xi32, #tpu.memory_space<vmem>>, %arg15: memref<40xi32, #tpu.memory_space<vmem>>, %arg16: memref<40xi32, #tpu.memory_space<vmem>>, %arg17: memref<200x128xf32, #tpu.memory_space<vmem>>, %arg18: memref<10000x128xf32, #tpu.memory_space<vmem_shared>>, %arg19: memref<!tpu.dma_semaphore, #tpu.memory_space<semaphore_mem>>, %arg20: memref<!tpu.dma_semaphore, #tpu.memory_space<semaphore_mem>>, %arg21: memref<!tpu.dma_semaphore, #tpu.memory_space<semaphore_mem>>) attributes {dimension_semantics = [#tpu.dimension_semantics<core_parallel>, #tpu.dimension_semantics<subcore_parallel>], iteration_bounds = array<i64: 2, 16>, scalar_prefetch = 0 : i64, scratch_operands = 15 : i64, tpu.core_type = #tpu.core_type<sc_vector_subcore>, window_params = [{transform_indices = #map}, {transform_indices = #map1}, {transform_indices = #map1}, {transform_indices = #map}, {transform_indices = #map}]} {
    %mul3A = arith.constant 160000 : i32
    %mul3A_0 = arith.muli %arg0, %mul3A : i32
    %mul3A_1 = arith.constant 10000 : i32
    %mul3A_2 = arith.muli %arg1, %mul3A_1 : i32
    %add3A = arith.addi %mul3A_0, %mul3A_2 : i32
    %mul3A_3 = arith.constant 1000 : i32
    %mul3A_4 = arith.muli %arg1, %mul3A_3 : i32
    %lt3A = arith.constant 10 : i32
    %lt3A_5 = arith.cmpi slt, %arg1, %lt3A : i32
    %convert_element_type3A = arith.extui %lt3A_5 : i1 to i32
    %cond3A = arith.constant 0 : i32
    %cond3A_6 = arith.cmpi ne, %convert_element_type3A, %cond3A : i32
    scf.if %cond3A_6 {
      "tpu.region"() ({
        %run_scoped3A = tpu.sem_alloc : memref<!tpu.dma_semaphore, #tpu.memory_space<semaphore_mem>>
        %dma_start3A = arith.constant 0 : i32
        %dma_start3A_18 = tpu.memref_slice %arg18[%mul3A_4, %dma_start3A] : memref<10000x128xf32, #tpu.memory_space<vmem_shared>> -> memref<1000x128xf32, #tpu.memory_space<vmem_shared>>
        %dma_start3A_19 = arith.constant 0 : i32
        %dma_start3A_20 = tpu.memref_slice %arg5[%mul3A_4, %dma_start3A_19] : memref<10000x128xf32, #tpu.memory_space<hbm>> -> memref<1000x128xf32, #tpu.memory_space<hbm>>
        tpu.enqueue_dma source(%dma_start3A_20 : memref<1000x128xf32, #tpu.memory_space<hbm>>) target(%dma_start3A_18 : memref<1000x128xf32, #tpu.memory_space<vmem_shared>>) target_semaphore(%run_scoped3A : memref<!tpu.dma_semaphore, #tpu.memory_space<semaphore_mem>>)
        %dma_wait3A = arith.constant 0 : i32
        %dma_wait3A_21 = tpu.memref_slice %arg18[%mul3A_4, %dma_wait3A] : memref<10000x128xf32, #tpu.memory_space<vmem_shared>> -> memref<1000x128xf32, #tpu.memory_space<vmem_shared>>
        %dma_wait3A_22 = arith.constant 0 : i32
        %dma_wait3A_23 = tpu.memref_slice %arg5[%mul3A_4, %dma_wait3A_22] : memref<10000x128xf32, #tpu.memory_space<hbm>> -> memref<1000x128xf32, #tpu.memory_space<hbm>>
        tpu.wait_dma2 semaphore(%run_scoped3A : memref<!tpu.dma_semaphore, #tpu.memory_space<semaphore_mem>>) src(%dma_wait3A_23 : memref<1000x128xf32, #tpu.memory_space<hbm>>) dst(%dma_wait3A_21 : memref<1000x128xf32, #tpu.memory_space<vmem_shared>>)
        tpu.yield
      }) : () -> ()
    } else {
    }
    %barrier3A = arith.constant 0 : index
    tpu.barrier barrier_id(%barrier3A)
    %scan3A = arith.constant 0 : i32
    %scan3A_7 = arith.constant 0 : i32
    %scan3A_8 = arith.constant 50 : i32
    %scan3A_9 = arith.addi %scan3A_7, %scan3A_8 : i32
    %scan3A_10 = arith.constant 1 : i32
    scf.for %scan3A_18 = %scan3A_7 to %scan3A_9 step %scan3A_10  : i32 {
      %mul3A_19 = arith.constant 200 : i32
      %mul3A_20 = arith.muli %scan3A_18, %mul3A_19 : i32
      %add3A_21 = arith.addi %add3A, %mul3A_20 : i32
      %add3A_22 = arith.constant 0 : i32
      %add3A_23 = arith.addi %add3A_21, %add3A_22 : i32
      %dma_start3A = tpu.memref_slice %arg3[%add3A_23] : memref<320000xi32, #tpu.memory_space<hbm>> -> memref<40xi32, #tpu.memory_space<hbm>>
      %dma_start3A_24 = tpu.memref_slice %arg3[%add3A_23] : memref<320000xi32, #tpu.memory_space<hbm>> -> memref<40xi32, #tpu.memory_space<hbm>>
      tpu.enqueue_dma source(%dma_start3A_24 : memref<40xi32, #tpu.memory_space<hbm>>) target(%arg7 : memref<40xi32, #tpu.memory_space<vmem>>) target_semaphore(%arg19 : memref<!tpu.dma_semaphore, #tpu.memory_space<semaphore_mem>>)
      %add3A_25 = arith.constant 40 : i32
      %add3A_26 = arith.addi %add3A_21, %add3A_25 : i32
      %dma_start3A_27 = tpu.memref_slice %arg3[%add3A_26] : memref<320000xi32, #tpu.memory_space<hbm>> -> memref<40xi32, #tpu.memory_space<hbm>>
      %dma_start3A_28 = tpu.memref_slice %arg3[%add3A_26] : memref<320000xi32, #tpu.memory_space<hbm>> -> memref<40xi32, #tpu.memory_space<hbm>>
      tpu.enqueue_dma source(%dma_start3A_28 : memref<40xi32, #tpu.memory_space<hbm>>) target(%arg8 : memref<40xi32, #tpu.memory_space<vmem>>) target_semaphore(%arg19 : memref<!tpu.dma_semaphore, #tpu.memory_space<semaphore_mem>>)
      %add3A_29 = arith.constant 80 : i32
      %add3A_30 = arith.addi %add3A_21, %add3A_29 : i32
      %dma_start3A_31 = tpu.memref_slice %arg3[%add3A_30] : memref<320000xi32, #tpu.memory_space<hbm>> -> memref<40xi32, #tpu.memory_space<hbm>>
      %dma_start3A_32 = tpu.memref_slice %arg3[%add3A_30] : memref<320000xi32, #tpu.memory_space<hbm>> -> memref<40xi32, #tpu.memory_space<hbm>>
      tpu.enqueue_dma source(%dma_start3A_32 : memref<40xi32, #tpu.memory_space<hbm>>) target(%arg9 : memref<40xi32, #tpu.memory_space<vmem>>) target_semaphore(%arg19 : memref<!tpu.dma_semaphore, #tpu.memory_space<semaphore_mem>>)
      %add3A_33 = arith.constant 120 : i32
      %add3A_34 = arith.addi %add3A_21, %add3A_33 : i32
      %dma_start3A_35 = tpu.memref_slice %arg3[%add3A_34] : memref<320000xi32, #tpu.memory_space<hbm>> -> memref<40xi32, #tpu.memory_space<hbm>>
      %dma_start3A_36 = tpu.memref_slice %arg3[%add3A_34] : memref<320000xi32, #tpu.memory_space<hbm>> -> memref<40xi32, #tpu.memory_space<hbm>>
      tpu.enqueue_dma source(%dma_start3A_36 : memref<40xi32, #tpu.memory_space<hbm>>) target(%arg10 : memref<40xi32, #tpu.memory_space<vmem>>) target_semaphore(%arg19 : memref<!tpu.dma_semaphore, #tpu.memory_space<semaphore_mem>>)
      %add3A_37 = arith.constant 160 : i32
      %add3A_38 = arith.addi %add3A_21, %add3A_37 : i32
      %dma_start3A_39 = tpu.memref_slice %arg3[%add3A_38] : memref<320000xi32, #tpu.memory_space<hbm>> -> memref<40xi32, #tpu.memory_space<hbm>>
      %dma_start3A_40 = tpu.memref_slice %arg3[%add3A_38] : memref<320000xi32, #tpu.memory_space<hbm>> -> memref<40xi32, #tpu.memory_space<hbm>>
      tpu.enqueue_dma source(%dma_start3A_40 : memref<40xi32, #tpu.memory_space<hbm>>) target(%arg11 : memref<40xi32, #tpu.memory_space<vmem>>) target_semaphore(%arg19 : memref<!tpu.dma_semaphore, #tpu.memory_space<semaphore_mem>>)
      %add3A_41 = arith.constant 0 : i32
      %add3A_42 = arith.addi %add3A_21, %add3A_41 : i32
      %dma_start3A_43 = tpu.memref_slice %arg4[%add3A_42] : memref<320000xi32, #tpu.memory_space<hbm>> -> memref<40xi32, #tpu.memory_space<hbm>>
      %dma_start3A_44 = tpu.memref_slice %arg4[%add3A_42] : memref<320000xi32, #tpu.memory_space<hbm>> -> memref<40xi32, #tpu.memory_space<hbm>>
      tpu.enqueue_dma source(%dma_start3A_44 : memref<40xi32, #tpu.memory_space<hbm>>) target(%arg12 : memref<40xi32, #tpu.memory_space<vmem>>) target_semaphore(%arg19 : memref<!tpu.dma_semaphore, #tpu.memory_space<semaphore_mem>>)
      %add3A_45 = arith.constant 40 : i32
      %add3A_46 = arith.addi %add3A_21, %add3A_45 : i32
      %dma_start3A_47 = tpu.memref_slice %arg4[%add3A_46] : memref<320000xi32, #tpu.memory_space<hbm>> -> memref<40xi32, #tpu.memory_space<hbm>>
      %dma_start3A_48 = tpu.memref_slice %arg4[%add3A_46] : memref<320000xi32, #tpu.memory_space<hbm>> -> memref<40xi32, #tpu.memory_space<hbm>>
      tpu.enqueue_dma source(%dma_start3A_48 : memref<40xi32, #tpu.memory_space<hbm>>) target(%arg13 : memref<40xi32, #tpu.memory_space<vmem>>) target_semaphore(%arg19 : memref<!tpu.dma_semaphore, #tpu.memory_space<semaphore_mem>>)
      %add3A_49 = arith.constant 80 : i32
      %add3A_50 = arith.addi %add3A_21, %add3A_49 : i32
      %dma_start3A_51 = tpu.memref_slice %arg4[%add3A_50] : memref<320000xi32, #tpu.memory_space<hbm>> -> memref<40xi32, #tpu.memory_space<hbm>>
      %dma_start3A_52 = tpu.memref_slice %arg4[%add3A_50] : memref<320000xi32, #tpu.memory_space<hbm>> -> memref<40xi32, #tpu.memory_space<hbm>>
      tpu.enqueue_dma source(%dma_start3A_52 : memref<40xi32, #tpu.memory_space<hbm>>) target(%arg14 : memref<40xi32, #tpu.memory_space<vmem>>) target_semaphore(%arg19 : memref<!tpu.dma_semaphore, #tpu.memory_space<semaphore_mem>>)
      %add3A_53 = arith.constant 120 : i32
      %add3A_54 = arith.addi %add3A_21, %add3A_53 : i32
      %dma_start3A_55 = tpu.memref_slice %arg4[%add3A_54] : memref<320000xi32, #tpu.memory_space<hbm>> -> memref<40xi32, #tpu.memory_space<hbm>>
      %dma_start3A_56 = tpu.memref_slice %arg4[%add3A_54] : memref<320000xi32, #tpu.memory_space<hbm>> -> memref<40xi32, #tpu.memory_space<hbm>>
      tpu.enqueue_dma source(%dma_start3A_56 : memref<40xi32, #tpu.memory_space<hbm>>) target(%arg15 : memref<40xi32, #tpu.memory_space<vmem>>) target_semaphore(%arg19 : memref<!tpu.dma_semaphore, #tpu.memory_space<semaphore_mem>>)
      %add3A_57 = arith.constant 160 : i32
      %add3A_58 = arith.addi %add3A_21, %add3A_57 : i32
      %dma_start3A_59 = tpu.memref_slice %arg4[%add3A_58] : memref<320000xi32, #tpu.memory_space<hbm>> -> memref<40xi32, #tpu.memory_space<hbm>>
      %dma_start3A_60 = tpu.memref_slice %arg4[%add3A_58] : memref<320000xi32, #tpu.memory_space<hbm>> -> memref<40xi32, #tpu.memory_space<hbm>>
      tpu.enqueue_dma source(%dma_start3A_60 : memref<40xi32, #tpu.memory_space<hbm>>) target(%arg16 : memref<40xi32, #tpu.memory_space<vmem>>) target_semaphore(%arg19 : memref<!tpu.dma_semaphore, #tpu.memory_space<semaphore_mem>>)
      %dma_wait3A = tpu.memref_slice %arg3[%add3A_23] : memref<320000xi32, #tpu.memory_space<hbm>> -> memref<40xi32, #tpu.memory_space<hbm>>
      %dma_wait3A_61 = tpu.memref_slice %arg3[%add3A_23] : memref<320000xi32, #tpu.memory_space<hbm>> -> memref<40xi32, #tpu.memory_space<hbm>>
      tpu.wait_dma2 semaphore(%arg19 : memref<!tpu.dma_semaphore, #tpu.memory_space<semaphore_mem>>) src(%dma_wait3A_61 : memref<40xi32, #tpu.memory_space<hbm>>) dst(%arg7 : memref<40xi32, #tpu.memory_space<vmem>>)
      %dma_wait3A_62 = tpu.memref_slice %arg3[%add3A_26] : memref<320000xi32, #tpu.memory_space<hbm>> -> memref<40xi32, #tpu.memory_space<hbm>>
      %dma_wait3A_63 = tpu.memref_slice %arg3[%add3A_26] : memref<320000xi32, #tpu.memory_space<hbm>> -> memref<40xi32, #tpu.memory_space<hbm>>
      tpu.wait_dma2 semaphore(%arg19 : memref<!tpu.dma_semaphore, #tpu.memory_space<semaphore_mem>>) src(%dma_wait3A_63 : memref<40xi32, #tpu.memory_space<hbm>>) dst(%arg8 : memref<40xi32, #tpu.memory_space<vmem>>)
      %dma_wait3A_64 = tpu.memref_slice %arg3[%add3A_30] : memref<320000xi32, #tpu.memory_space<hbm>> -> memref<40xi32, #tpu.memory_space<hbm>>
      %dma_wait3A_65 = tpu.memref_slice %arg3[%add3A_30] : memref<320000xi32, #tpu.memory_space<hbm>> -> memref<40xi32, #tpu.memory_space<hbm>>
      tpu.wait_dma2 semaphore(%arg19 : memref<!tpu.dma_semaphore, #tpu.memory_space<semaphore_mem>>) src(%dma_wait3A_65 : memref<40xi32, #tpu.memory_space<hbm>>) dst(%arg9 : memref<40xi32, #tpu.memory_space<vmem>>)
      %dma_wait3A_66 = tpu.memref_slice %arg3[%add3A_34] : memref<320000xi32, #tpu.memory_space<hbm>> -> memref<40xi32, #tpu.memory_space<hbm>>
      %dma_wait3A_67 = tpu.memref_slice %arg3[%add3A_34] : memref<320000xi32, #tpu.memory_space<hbm>> -> memref<40xi32, #tpu.memory_space<hbm>>
      tpu.wait_dma2 semaphore(%arg19 : memref<!tpu.dma_semaphore, #tpu.memory_space<semaphore_mem>>) src(%dma_wait3A_67 : memref<40xi32, #tpu.memory_space<hbm>>) dst(%arg10 : memref<40xi32, #tpu.memory_space<vmem>>)
      %dma_wait3A_68 = tpu.memref_slice %arg3[%add3A_38] : memref<320000xi32, #tpu.memory_space<hbm>> -> memref<40xi32, #tpu.memory_space<hbm>>
      %dma_wait3A_69 = tpu.memref_slice %arg3[%add3A_38] : memref<320000xi32, #tpu.memory_space<hbm>> -> memref<40xi32, #tpu.memory_space<hbm>>
      tpu.wait_dma2 semaphore(%arg19 : memref<!tpu.dma_semaphore, #tpu.memory_space<semaphore_mem>>) src(%dma_wait3A_69 : memref<40xi32, #tpu.memory_space<hbm>>) dst(%arg11 : memref<40xi32, #tpu.memory_space<vmem>>)
      %dma_wait3A_70 = tpu.memref_slice %arg4[%add3A_42] : memref<320000xi32, #tpu.memory_space<hbm>> -> memref<40xi32, #tpu.memory_space<hbm>>
      %dma_wait3A_71 = tpu.memref_slice %arg4[%add3A_42] : memref<320000xi32, #tpu.memory_space<hbm>> -> memref<40xi32, #tpu.memory_space<hbm>>
      tpu.wait_dma2 semaphore(%arg19 : memref<!tpu.dma_semaphore, #tpu.memory_space<semaphore_mem>>) src(%dma_wait3A_71 : memref<40xi32, #tpu.memory_space<hbm>>) dst(%arg12 : memref<40xi32, #tpu.memory_space<vmem>>)
      %dma_wait3A_72 = tpu.memref_slice %arg4[%add3A_46] : memref<320000xi32, #tpu.memory_space<hbm>> -> memref<40xi32, #tpu.memory_space<hbm>>
      %dma_wait3A_73 = tpu.memref_slice %arg4[%add3A_46] : memref<320000xi32, #tpu.memory_space<hbm>> -> memref<40xi32, #tpu.memory_space<hbm>>
      tpu.wait_dma2 semaphore(%arg19 : memref<!tpu.dma_semaphore, #tpu.memory_space<semaphore_mem>>) src(%dma_wait3A_73 : memref<40xi32, #tpu.memory_space<hbm>>) dst(%arg13 : memref<40xi32, #tpu.memory_space<vmem>>)
      %dma_wait3A_74 = tpu.memref_slice %arg4[%add3A_50] : memref<320000xi32, #tpu.memory_space<hbm>> -> memref<40xi32, #tpu.memory_space<hbm>>
      %dma_wait3A_75 = tpu.memref_slice %arg4[%add3A_50] : memref<320000xi32, #tpu.memory_space<hbm>> -> memref<40xi32, #tpu.memory_space<hbm>>
      tpu.wait_dma2 semaphore(%arg19 : memref<!tpu.dma_semaphore, #tpu.memory_space<semaphore_mem>>) src(%dma_wait3A_75 : memref<40xi32, #tpu.memory_space<hbm>>) dst(%arg14 : memref<40xi32, #tpu.memory_space<vmem>>)
      %dma_wait3A_76 = tpu.memref_slice %arg4[%add3A_54] : memref<320000xi32, #tpu.memory_space<hbm>> -> memref<40xi32, #tpu.memory_space<hbm>>
      %dma_wait3A_77 = tpu.memref_slice %arg4[%add3A_54] : memref<320000xi32, #tpu.memory_space<hbm>> -> memref<40xi32, #tpu.memory_space<hbm>>
      tpu.wait_dma2 semaphore(%arg19 : memref<!tpu.dma_semaphore, #tpu.memory_space<semaphore_mem>>) src(%dma_wait3A_77 : memref<40xi32, #tpu.memory_space<hbm>>) dst(%arg15 : memref<40xi32, #tpu.memory_space<vmem>>)
      %dma_wait3A_78 = tpu.memref_slice %arg4[%add3A_58] : memref<320000xi32, #tpu.memory_space<hbm>> -> memref<40xi32, #tpu.memory_space<hbm>>
      %dma_wait3A_79 = tpu.memref_slice %arg4[%add3A_58] : memref<320000xi32, #tpu.memory_space<hbm>> -> memref<40xi32, #tpu.memory_space<hbm>>
      tpu.wait_dma2 semaphore(%arg19 : memref<!tpu.dma_semaphore, #tpu.memory_space<semaphore_mem>>) src(%dma_wait3A_79 : memref<40xi32, #tpu.memory_space<hbm>>) dst(%arg16 : memref<40xi32, #tpu.memory_space<vmem>>)
      %dma_start3A_80 = arith.constant 0 : i32
      %dma_start3A_81 = arith.constant 0 : i32
      %dma_start3A_82 = tpu.memref_slice %arg17[%dma_start3A_80, %dma_start3A_81] : memref<200x128xf32, #tpu.memory_space<vmem>> -> memref<40x128xf32, #tpu.memory_space<vmem>>
      %dma_start3A_83 = arith.constant 0 : i32
      %dma_start3A_84 = arith.constant 0 : i32
      %dma_start3A_85 = tpu.memref_slice %arg2[%dma_start3A_83, %dma_start3A_84] : memref<10000x128xf32, #tpu.memory_space<hbm>> -> memref<10000x128xf32, #tpu.memory_space<hbm>>
      tpu.enqueue_indirect_dma source(%dma_start3A_85 : memref<10000x128xf32, #tpu.memory_space<hbm>>) target(%dma_start3A_82 : memref<40x128xf32, #tpu.memory_space<vmem>>) offsets(%arg7 : memref<40xi32, #tpu.memory_space<vmem>>) semaphore(%arg20 : memref<!tpu.dma_semaphore, #tpu.memory_space<semaphore_mem>>)
      %dma_start3A_86 = arith.constant 40 : i32
      %dma_start3A_87 = arith.constant 0 : i32
      %dma_start3A_88 = tpu.memref_slice %arg17[%dma_start3A_86, %dma_start3A_87] : memref<200x128xf32, #tpu.memory_space<vmem>> -> memref<40x128xf32, #tpu.memory_space<vmem>>
      %dma_start3A_89 = arith.constant 0 : i32
      %dma_start3A_90 = arith.constant 0 : i32
      %dma_start3A_91 = tpu.memref_slice %arg2[%dma_start3A_89, %dma_start3A_90] : memref<10000x128xf32, #tpu.memory_space<hbm>> -> memref<10000x128xf32, #tpu.memory_space<hbm>>
      tpu.enqueue_indirect_dma source(%dma_start3A_91 : memref<10000x128xf32, #tpu.memory_space<hbm>>) target(%dma_start3A_88 : memref<40x128xf32, #tpu.memory_space<vmem>>) offsets(%arg8 : memref<40xi32, #tpu.memory_space<vmem>>) semaphore(%arg20 : memref<!tpu.dma_semaphore, #tpu.memory_space<semaphore_mem>>)
      %dma_start3A_92 = arith.constant 80 : i32
      %dma_start3A_93 = arith.constant 0 : i32
      %dma_start3A_94 = tpu.memref_slice %arg17[%dma_start3A_92, %dma_start3A_93] : memref<200x128xf32, #tpu.memory_space<vmem>> -> memref<40x128xf32, #tpu.memory_space<vmem>>
      %dma_start3A_95 = arith.constant 0 : i32
      %dma_start3A_96 = arith.constant 0 : i32
      %dma_start3A_97 = tpu.memref_slice %arg2[%dma_start3A_95, %dma_start3A_96] : memref<10000x128xf32, #tpu.memory_space<hbm>> -> memref<10000x128xf32, #tpu.memory_space<hbm>>
      tpu.enqueue_indirect_dma source(%dma_start3A_97 : memref<10000x128xf32, #tpu.memory_space<hbm>>) target(%dma_start3A_94 : memref<40x128xf32, #tpu.memory_space<vmem>>) offsets(%arg9 : memref<40xi32, #tpu.memory_space<vmem>>) semaphore(%arg20 : memref<!tpu.dma_semaphore, #tpu.memory_space<semaphore_mem>>)
      %dma_start3A_98 = arith.constant 120 : i32
      %dma_start3A_99 = arith.constant 0 : i32
      %dma_start3A_100 = tpu.memref_slice %arg17[%dma_start3A_98, %dma_start3A_99] : memref<200x128xf32, #tpu.memory_space<vmem>> -> memref<40x128xf32, #tpu.memory_space<vmem>>
      %dma_start3A_101 = arith.constant 0 : i32
      %dma_start3A_102 = arith.constant 0 : i32
      %dma_start3A_103 = tpu.memref_slice %arg2[%dma_start3A_101, %dma_start3A_102] : memref<10000x128xf32, #tpu.memory_space<hbm>> -> memref<10000x128xf32, #tpu.memory_space<hbm>>
      tpu.enqueue_indirect_dma source(%dma_start3A_103 : memref<10000x128xf32, #tpu.memory_space<hbm>>) target(%dma_start3A_100 : memref<40x128xf32, #tpu.memory_space<vmem>>) offsets(%arg10 : memref<40xi32, #tpu.memory_space<vmem>>) semaphore(%arg20 : memref<!tpu.dma_semaphore, #tpu.memory_space<semaphore_mem>>)
      %dma_start3A_104 = arith.constant 160 : i32
      %dma_start3A_105 = arith.constant 0 : i32
      %dma_start3A_106 = tpu.memref_slice %arg17[%dma_start3A_104, %dma_start3A_105] : memref<200x128xf32, #tpu.memory_space<vmem>> -> memref<40x128xf32, #tpu.memory_space<vmem>>
      %dma_start3A_107 = arith.constant 0 : i32
      %dma_start3A_108 = arith.constant 0 : i32
      %dma_start3A_109 = tpu.memref_slice %arg2[%dma_start3A_107, %dma_start3A_108] : memref<10000x128xf32, #tpu.memory_space<hbm>> -> memref<10000x128xf32, #tpu.memory_space<hbm>>
      tpu.enqueue_indirect_dma source(%dma_start3A_109 : memref<10000x128xf32, #tpu.memory_space<hbm>>) target(%dma_start3A_106 : memref<40x128xf32, #tpu.memory_space<vmem>>) offsets(%arg11 : memref<40xi32, #tpu.memory_space<vmem>>) semaphore(%arg20 : memref<!tpu.dma_semaphore, #tpu.memory_space<semaphore_mem>>)
      %dma_wait3A_110 = arith.constant 0 : i32
      %dma_wait3A_111 = arith.constant 0 : i32
      %dma_wait3A_112 = tpu.memref_slice %arg17[%dma_wait3A_110, %dma_wait3A_111] : memref<200x128xf32, #tpu.memory_space<vmem>> -> memref<40x128xf32, #tpu.memory_space<vmem>>
      %dma_wait3A_113 = arith.constant 0 : i32
      %dma_wait3A_114 = arith.constant 0 : i32
      %dma_wait3A_115 = tpu.memref_slice %arg2[%dma_wait3A_113, %dma_wait3A_114] : memref<10000x128xf32, #tpu.memory_space<hbm>> -> memref<10000x128xf32, #tpu.memory_space<hbm>>
      tpu.wait_indirect_dma semaphore(%arg20 : memref<!tpu.dma_semaphore, #tpu.memory_space<semaphore_mem>>) src(%dma_wait3A_115 : memref<10000x128xf32, #tpu.memory_space<hbm>>) dst(%dma_wait3A_112 : memref<40x128xf32, #tpu.memory_space<vmem>>)
      %dma_wait3A_116 = arith.constant 40 : i32
      %dma_wait3A_117 = arith.constant 0 : i32
      %dma_wait3A_118 = tpu.memref_slice %arg17[%dma_wait3A_116, %dma_wait3A_117] : memref<200x128xf32, #tpu.memory_space<vmem>> -> memref<40x128xf32, #tpu.memory_space<vmem>>
      %dma_wait3A_119 = arith.constant 0 : i32
      %dma_wait3A_120 = arith.constant 0 : i32
      %dma_wait3A_121 = tpu.memref_slice %arg2[%dma_wait3A_119, %dma_wait3A_120] : memref<10000x128xf32, #tpu.memory_space<hbm>> -> memref<10000x128xf32, #tpu.memory_space<hbm>>
      tpu.wait_indirect_dma semaphore(%arg20 : memref<!tpu.dma_semaphore, #tpu.memory_space<semaphore_mem>>) src(%dma_wait3A_121 : memref<10000x128xf32, #tpu.memory_space<hbm>>) dst(%dma_wait3A_118 : memref<40x128xf32, #tpu.memory_space<vmem>>)
      %dma_wait3A_122 = arith.constant 80 : i32
      %dma_wait3A_123 = arith.constant 0 : i32
      %dma_wait3A_124 = tpu.memref_slice %arg17[%dma_wait3A_122, %dma_wait3A_123] : memref<200x128xf32, #tpu.memory_space<vmem>> -> memref<40x128xf32, #tpu.memory_space<vmem>>
      %dma_wait3A_125 = arith.constant 0 : i32
      %dma_wait3A_126 = arith.constant 0 : i32
      %dma_wait3A_127 = tpu.memref_slice %arg2[%dma_wait3A_125, %dma_wait3A_126] : memref<10000x128xf32, #tpu.memory_space<hbm>> -> memref<10000x128xf32, #tpu.memory_space<hbm>>
      tpu.wait_indirect_dma semaphore(%arg20 : memref<!tpu.dma_semaphore, #tpu.memory_space<semaphore_mem>>) src(%dma_wait3A_127 : memref<10000x128xf32, #tpu.memory_space<hbm>>) dst(%dma_wait3A_124 : memref<40x128xf32, #tpu.memory_space<vmem>>)
      %dma_wait3A_128 = arith.constant 120 : i32
      %dma_wait3A_129 = arith.constant 0 : i32
      %dma_wait3A_130 = tpu.memref_slice %arg17[%dma_wait3A_128, %dma_wait3A_129] : memref<200x128xf32, #tpu.memory_space<vmem>> -> memref<40x128xf32, #tpu.memory_space<vmem>>
      %dma_wait3A_131 = arith.constant 0 : i32
      %dma_wait3A_132 = arith.constant 0 : i32
      %dma_wait3A_133 = tpu.memref_slice %arg2[%dma_wait3A_131, %dma_wait3A_132] : memref<10000x128xf32, #tpu.memory_space<hbm>> -> memref<10000x128xf32, #tpu.memory_space<hbm>>
      tpu.wait_indirect_dma semaphore(%arg20 : memref<!tpu.dma_semaphore, #tpu.memory_space<semaphore_mem>>) src(%dma_wait3A_133 : memref<10000x128xf32, #tpu.memory_space<hbm>>) dst(%dma_wait3A_130 : memref<40x128xf32, #tpu.memory_space<vmem>>)
      %dma_wait3A_134 = arith.constant 160 : i32
      %dma_wait3A_135 = arith.constant 0 : i32
      %dma_wait3A_136 = tpu.memref_slice %arg17[%dma_wait3A_134, %dma_wait3A_135] : memref<200x128xf32, #tpu.memory_space<vmem>> -> memref<40x128xf32, #tpu.memory_space<vmem>>
      %dma_wait3A_137 = arith.constant 0 : i32
      %dma_wait3A_138 = arith.constant 0 : i32
      %dma_wait3A_139 = tpu.memref_slice %arg2[%dma_wait3A_137, %dma_wait3A_138] : memref<10000x128xf32, #tpu.memory_space<hbm>> -> memref<10000x128xf32, #tpu.memory_space<hbm>>
      tpu.wait_indirect_dma semaphore(%arg20 : memref<!tpu.dma_semaphore, #tpu.memory_space<semaphore_mem>>) src(%dma_wait3A_139 : memref<10000x128xf32, #tpu.memory_space<hbm>>) dst(%dma_wait3A_136 : memref<40x128xf32, #tpu.memory_space<vmem>>)
      %dma_start3A_140 = arith.constant 0 : i32
      %dma_start3A_141 = arith.constant 0 : i32
      %dma_start3A_142 = tpu.memref_slice %arg17[%dma_start3A_140, %dma_start3A_141] : memref<200x128xf32, #tpu.memory_space<vmem>> -> memref<40x128xf32, #tpu.memory_space<vmem>>
      %dma_start3A_143 = arith.constant 0 : i32
      %dma_start3A_144 = arith.constant 0 : i32
      %dma_start3A_145 = tpu.memref_slice %arg18[%dma_start3A_143, %dma_start3A_144] : memref<10000x128xf32, #tpu.memory_space<vmem_shared>> -> memref<10000x128xf32, #tpu.memory_space<vmem_shared>>
      tpu.enqueue_indirect_dma source(%dma_start3A_142 : memref<40x128xf32, #tpu.memory_space<vmem>>) target(%dma_start3A_145 : memref<10000x128xf32, #tpu.memory_space<vmem_shared>>) offsets(%arg12 : memref<40xi32, #tpu.memory_space<vmem>>) semaphore(%arg21 : memref<!tpu.dma_semaphore, #tpu.memory_space<semaphore_mem>>) {add = true}
      %dma_start3A_146 = arith.constant 40 : i32
      %dma_start3A_147 = arith.constant 0 : i32
      %dma_start3A_148 = tpu.memref_slice %arg17[%dma_start3A_146, %dma_start3A_147] : memref<200x128xf32, #tpu.memory_space<vmem>> -> memref<40x128xf32, #tpu.memory_space<vmem>>
      %dma_start3A_149 = arith.constant 0 : i32
      %dma_start3A_150 = arith.constant 0 : i32
      %dma_start3A_151 = tpu.memref_slice %arg18[%dma_start3A_149, %dma_start3A_150] : memref<10000x128xf32, #tpu.memory_space<vmem_shared>> -> memref<10000x128xf32, #tpu.memory_space<vmem_shared>>
      tpu.enqueue_indirect_dma source(%dma_start3A_148 : memref<40x128xf32, #tpu.memory_space<vmem>>) target(%dma_start3A_151 : memref<10000x128xf32, #tpu.memory_space<vmem_shared>>) offsets(%arg13 : memref<40xi32, #tpu.memory_space<vmem>>) semaphore(%arg21 : memref<!tpu.dma_semaphore, #tpu.memory_space<semaphore_mem>>) {add = true}
      %dma_start3A_152 = arith.constant 80 : i32
      %dma_start3A_153 = arith.constant 0 : i32
      %dma_start3A_154 = tpu.memref_slice %arg17[%dma_start3A_152, %dma_start3A_153] : memref<200x128xf32, #tpu.memory_space<vmem>> -> memref<40x128xf32, #tpu.memory_space<vmem>>
      %dma_start3A_155 = arith.constant 0 : i32
      %dma_start3A_156 = arith.constant 0 : i32
      %dma_start3A_157 = tpu.memref_slice %arg18[%dma_start3A_155, %dma_start3A_156] : memref<10000x128xf32, #tpu.memory_space<vmem_shared>> -> memref<10000x128xf32, #tpu.memory_space<vmem_shared>>
      tpu.enqueue_indirect_dma source(%dma_start3A_154 : memref<40x128xf32, #tpu.memory_space<vmem>>) target(%dma_start3A_157 : memref<10000x128xf32, #tpu.memory_space<vmem_shared>>) offsets(%arg14 : memref<40xi32, #tpu.memory_space<vmem>>) semaphore(%arg21 : memref<!tpu.dma_semaphore, #tpu.memory_space<semaphore_mem>>) {add = true}
      %dma_start3A_158 = arith.constant 120 : i32
      %dma_start3A_159 = arith.constant 0 : i32
      %dma_start3A_160 = tpu.memref_slice %arg17[%dma_start3A_158, %dma_start3A_159] : memref<200x128xf32, #tpu.memory_space<vmem>> -> memref<40x128xf32, #tpu.memory_space<vmem>>
      %dma_start3A_161 = arith.constant 0 : i32
      %dma_start3A_162 = arith.constant 0 : i32
      %dma_start3A_163 = tpu.memref_slice %arg18[%dma_start3A_161, %dma_start3A_162] : memref<10000x128xf32, #tpu.memory_space<vmem_shared>> -> memref<10000x128xf32, #tpu.memory_space<vmem_shared>>
      tpu.enqueue_indirect_dma source(%dma_start3A_160 : memref<40x128xf32, #tpu.memory_space<vmem>>) target(%dma_start3A_163 : memref<10000x128xf32, #tpu.memory_space<vmem_shared>>) offsets(%arg15 : memref<40xi32, #tpu.memory_space<vmem>>) semaphore(%arg21 : memref<!tpu.dma_semaphore, #tpu.memory_space<semaphore_mem>>) {add = true}
      %dma_start3A_164 = arith.constant 160 : i32
      %dma_start3A_165 = arith.constant 0 : i32
      %dma_start3A_166 = tpu.memref_slice %arg17[%dma_start3A_164, %dma_start3A_165] : memref<200x128xf32, #tpu.memory_space<vmem>> -> memref<40x128xf32, #tpu.memory_space<vmem>>
      %dma_start3A_167 = arith.constant 0 : i32
      %dma_start3A_168 = arith.constant 0 : i32
      %dma_start3A_169 = tpu.memref_slice %arg18[%dma_start3A_167, %dma_start3A_168] : memref<10000x128xf32, #tpu.memory_space<vmem_shared>> -> memref<10000x128xf32, #tpu.memory_space<vmem_shared>>
      tpu.enqueue_indirect_dma source(%dma_start3A_166 : memref<40x128xf32, #tpu.memory_space<vmem>>) target(%dma_start3A_169 : memref<10000x128xf32, #tpu.memory_space<vmem_shared>>) offsets(%arg16 : memref<40xi32, #tpu.memory_space<vmem>>) semaphore(%arg21 : memref<!tpu.dma_semaphore, #tpu.memory_space<semaphore_mem>>) {add = true}
      %dma_wait3A_170 = arith.constant 0 : i32
      %dma_wait3A_171 = arith.constant 0 : i32
      %dma_wait3A_172 = tpu.memref_slice %arg17[%dma_wait3A_170, %dma_wait3A_171] : memref<200x128xf32, #tpu.memory_space<vmem>> -> memref<40x128xf32, #tpu.memory_space<vmem>>
      %dma_wait3A_173 = arith.constant 0 : i32
      %dma_wait3A_174 = arith.constant 0 : i32
      %dma_wait3A_175 = tpu.memref_slice %arg18[%dma_wait3A_173, %dma_wait3A_174] : memref<10000x128xf32, #tpu.memory_space<vmem_shared>> -> memref<10000x128xf32, #tpu.memory_space<vmem_shared>>
      tpu.wait_indirect_dma semaphore(%arg21 : memref<!tpu.dma_semaphore, #tpu.memory_space<semaphore_mem>>) src(%dma_wait3A_172 : memref<40x128xf32, #tpu.memory_space<vmem>>) dst(%dma_wait3A_175 : memref<10000x128xf32, #tpu.memory_space<vmem_shared>>)
      %dma_wait3A_176 = arith.constant 40 : i32
      %dma_wait3A_177 = arith.constant 0 : i32
      %dma_wait3A_178 = tpu.memref_slice %arg17[%dma_wait3A_176, %dma_wait3A_177] : memref<200x128xf32, #tpu.memory_space<vmem>> -> memref<40x128xf32, #tpu.memory_space<vmem>>
      %dma_wait3A_179 = arith.constant 0 : i32
      %dma_wait3A_180 = arith.constant 0 : i32
      %dma_wait3A_181 = tpu.memref_slice %arg18[%dma_wait3A_179, %dma_wait3A_180] : memref<10000x128xf32, #tpu.memory_space<vmem_shared>> -> memref<10000x128xf32, #tpu.memory_space<vmem_shared>>
      tpu.wait_indirect_dma semaphore(%arg21 : memref<!tpu.dma_semaphore, #tpu.memory_space<semaphore_mem>>) src(%dma_wait3A_178 : memref<40x128xf32, #tpu.memory_space<vmem>>) dst(%dma_wait3A_181 : memref<10000x128xf32, #tpu.memory_space<vmem_shared>>)
      %dma_wait3A_182 = arith.constant 80 : i32
      %dma_wait3A_183 = arith.constant 0 : i32
      %dma_wait3A_184 = tpu.memref_slice %arg17[%dma_wait3A_182, %dma_wait3A_183] : memref<200x128xf32, #tpu.memory_space<vmem>> -> memref<40x128xf32, #tpu.memory_space<vmem>>
      %dma_wait3A_185 = arith.constant 0 : i32
      %dma_wait3A_186 = arith.constant 0 : i32
      %dma_wait3A_187 = tpu.memref_slice %arg18[%dma_wait3A_185, %dma_wait3A_186] : memref<10000x128xf32, #tpu.memory_space<vmem_shared>> -> memref<10000x128xf32, #tpu.memory_space<vmem_shared>>
      tpu.wait_indirect_dma semaphore(%arg21 : memref<!tpu.dma_semaphore, #tpu.memory_space<semaphore_mem>>) src(%dma_wait3A_184 : memref<40x128xf32, #tpu.memory_space<vmem>>) dst(%dma_wait3A_187 : memref<10000x128xf32, #tpu.memory_space<vmem_shared>>)
      %dma_wait3A_188 = arith.constant 120 : i32
      %dma_wait3A_189 = arith.constant 0 : i32
      %dma_wait3A_190 = tpu.memref_slice %arg17[%dma_wait3A_188, %dma_wait3A_189] : memref<200x128xf32, #tpu.memory_space<vmem>> -> memref<40x128xf32, #tpu.memory_space<vmem>>
      %dma_wait3A_191 = arith.constant 0 : i32
      %dma_wait3A_192 = arith.constant 0 : i32
      %dma_wait3A_193 = tpu.memref_slice %arg18[%dma_wait3A_191, %dma_wait3A_192] : memref<10000x128xf32, #tpu.memory_space<vmem_shared>> -> memref<10000x128xf32, #tpu.memory_space<vmem_shared>>
      tpu.wait_indirect_dma semaphore(%arg21 : memref<!tpu.dma_semaphore, #tpu.memory_space<semaphore_mem>>) src(%dma_wait3A_190 : memref<40x128xf32, #tpu.memory_space<vmem>>) dst(%dma_wait3A_193 : memref<10000x128xf32, #tpu.memory_space<vmem_shared>>)
      %dma_wait3A_194 = arith.constant 160 : i32
      %dma_wait3A_195 = arith.constant 0 : i32
      %dma_wait3A_196 = tpu.memref_slice %arg17[%dma_wait3A_194, %dma_wait3A_195] : memref<200x128xf32, #tpu.memory_space<vmem>> -> memref<40x128xf32, #tpu.memory_space<vmem>>
      %dma_wait3A_197 = arith.constant 0 : i32
      %dma_wait3A_198 = arith.constant 0 : i32
      %dma_wait3A_199 = tpu.memref_slice %arg18[%dma_wait3A_197, %dma_wait3A_198] : memref<10000x128xf32, #tpu.memory_space<vmem_shared>> -> memref<10000x128xf32, #tpu.memory_space<vmem_shared>>
      tpu.wait_indirect_dma semaphore(%arg21 : memref<!tpu.dma_semaphore, #tpu.memory_space<semaphore_mem>>) src(%dma_wait3A_196 : memref<40x128xf32, #tpu.memory_space<vmem>>) dst(%dma_wait3A_199 : memref<10000x128xf32, #tpu.memory_space<vmem_shared>>)
    }
    %scan3A_11 = arith.constant 50 : i32
    %barrier3A_12 = arith.constant 0 : index
    tpu.barrier barrier_id(%barrier3A_12)
    %lt3A_13 = arith.constant 10 : i32
    %lt3A_14 = arith.cmpi slt, %arg1, %lt3A_13 : i32
    %convert_element_type3A_15 = arith.extui %lt3A_14 : i1 to i32
    %cond3A_16 = arith.constant 0 : i32
    %cond3A_17 = arith.cmpi ne, %convert_element_type3A_15, %cond3A_16 : i32
    scf.if %cond3A_17 {
      %mul3A_18 = arith.constant 10000 : i32
      %mul3A_19 = arith.muli %arg0, %mul3A_18 : i32
      %add3A_20 = arith.addi %mul3A_19, %mul3A_4 : i32
      "tpu.region"() ({
        %run_scoped3A = tpu.sem_alloc : memref<!tpu.dma_semaphore, #tpu.memory_space<semaphore_mem>>
        %dma_start3A = arith.constant 0 : i32
        %dma_start3A_21 = tpu.memref_slice %arg6[%add3A_20, %dma_start3A] : memref<20000x128xf32, #tpu.memory_space<hbm>> -> memref<1000x128xf32, #tpu.memory_space<hbm>>
        %dma_start3A_22 = arith.constant 0 : i32
        %dma_start3A_23 = tpu.memref_slice %arg18[%mul3A_4, %dma_start3A_22] : memref<10000x128xf32, #tpu.memory_space<vmem_shared>> -> memref<1000x128xf32, #tpu.memory_space<vmem_shared>>
        tpu.enqueue_dma source(%dma_start3A_23 : memref<1000x128xf32, #tpu.memory_space<vmem_shared>>) target(%dma_start3A_21 : memref<1000x128xf32, #tpu.memory_space<hbm>>) target_semaphore(%run_scoped3A : memref<!tpu.dma_semaphore, #tpu.memory_space<semaphore_mem>>)
        %dma_wait3A = arith.constant 0 : i32
        %dma_wait3A_24 = tpu.memref_slice %arg6[%add3A_20, %dma_wait3A] : memref<20000x128xf32, #tpu.memory_space<hbm>> -> memref<1000x128xf32, #tpu.memory_space<hbm>>
        %dma_wait3A_25 = arith.constant 0 : i32
        %dma_wait3A_26 = tpu.memref_slice %arg18[%mul3A_4, %dma_wait3A_25] : memref<10000x128xf32, #tpu.memory_space<vmem_shared>> -> memref<1000x128xf32, #tpu.memory_space<vmem_shared>>
        tpu.wait_dma2 semaphore(%run_scoped3A : memref<!tpu.dma_semaphore, #tpu.memory_space<semaphore_mem>>) src(%dma_wait3A_26 : memref<1000x128xf32, #tpu.memory_space<vmem_shared>>) dst(%dma_wait3A_24 : memref<1000x128xf32, #tpu.memory_space<hbm>>)
        tpu.yield
      }) : () -> ()
    } else {
    }
    return
  }
}

#map = affine_map<(d0, d1) -> (0, 0)>
#map1 = affine_map<(d0, d1) -> (0)>
module attributes {stable_mosaic.version = 14 : i64} {
  func.func @_sc_edge_agg_body(%arg0: i32, %arg1: i32, %arg2: memref<960000x128xf32, #tpu.memory_space<hbm>>, %arg3: memref<320000xi32, #tpu.memory_space<hbm>>, %arg4: memref<10000x128xf32, #tpu.memory_space<hbm>>, %arg5: memref<60000x128xf32, #tpu.memory_space<hbm>>, %arg6: memref<40xi32, #tpu.memory_space<vmem>>, %arg7: memref<40xi32, #tpu.memory_space<vmem>>, %arg8: memref<40xi32, #tpu.memory_space<vmem>>, %arg9: memref<40xi32, #tpu.memory_space<vmem>>, %arg10: memref<40xi32, #tpu.memory_space<vmem>>, %arg11: memref<200x128xf32, #tpu.memory_space<vmem>>, %arg12: memref<10000x128xf32, #tpu.memory_space<vmem_shared>>, %arg13: memref<!tpu.dma_semaphore, #tpu.memory_space<semaphore_mem>>, %arg14: memref<!tpu.dma_semaphore, #tpu.memory_space<semaphore_mem>>) attributes {dimension_semantics = [#tpu.dimension_semantics<core_parallel>, #tpu.dimension_semantics<subcore_parallel>], iteration_bounds = array<i64: 2, 16>, scalar_prefetch = 0 : i64, scratch_operands = 9 : i64, tpu.core_type = #tpu.core_type<sc_vector_subcore>, window_params = [{transform_indices = #map}, {transform_indices = #map1}, {transform_indices = #map}, {transform_indices = #map}]} {
    %mul3A = arith.constant 160000 : i32
    %mul3A_0 = arith.muli %arg0, %mul3A : i32
    %mul3A_1 = arith.constant 10000 : i32
    %mul3A_2 = arith.muli %arg1, %mul3A_1 : i32
    %add3A = arith.addi %mul3A_0, %mul3A_2 : i32
    %mul3A_3 = arith.constant 1000 : i32
    %mul3A_4 = arith.muli %arg1, %mul3A_3 : i32
    %lt3A = arith.constant 10 : i32
    %lt3A_5 = arith.cmpi slt, %arg1, %lt3A : i32
    %convert_element_type3A = arith.extui %lt3A_5 : i1 to i32
    %cond3A = arith.constant 0 : i32
    %cond3A_6 = arith.cmpi ne, %convert_element_type3A, %cond3A : i32
    scf.if %cond3A_6 {
      "tpu.region"() ({
        %run_scoped3A = tpu.sem_alloc : memref<!tpu.dma_semaphore, #tpu.memory_space<semaphore_mem>>
        %dma_start3A = arith.constant 0 : i32
        %dma_start3A_57 = tpu.memref_slice %arg12[%mul3A_4, %dma_start3A] : memref<10000x128xf32, #tpu.memory_space<vmem_shared>> -> memref<1000x128xf32, #tpu.memory_space<vmem_shared>>
        %dma_start3A_58 = arith.constant 0 : i32
        %dma_start3A_59 = tpu.memref_slice %arg4[%mul3A_4, %dma_start3A_58] : memref<10000x128xf32, #tpu.memory_space<hbm>> -> memref<1000x128xf32, #tpu.memory_space<hbm>>
        tpu.enqueue_dma source(%dma_start3A_59 : memref<1000x128xf32, #tpu.memory_space<hbm>>) target(%dma_start3A_57 : memref<1000x128xf32, #tpu.memory_space<vmem_shared>>) target_semaphore(%run_scoped3A : memref<!tpu.dma_semaphore, #tpu.memory_space<semaphore_mem>>)
        %dma_wait3A = arith.constant 0 : i32
        %dma_wait3A_60 = tpu.memref_slice %arg12[%mul3A_4, %dma_wait3A] : memref<10000x128xf32, #tpu.memory_space<vmem_shared>> -> memref<1000x128xf32, #tpu.memory_space<vmem_shared>>
        %dma_wait3A_61 = arith.constant 0 : i32
        %dma_wait3A_62 = tpu.memref_slice %arg4[%mul3A_4, %dma_wait3A_61] : memref<10000x128xf32, #tpu.memory_space<hbm>> -> memref<1000x128xf32, #tpu.memory_space<hbm>>
        tpu.wait_dma2 semaphore(%run_scoped3A : memref<!tpu.dma_semaphore, #tpu.memory_space<semaphore_mem>>) src(%dma_wait3A_62 : memref<1000x128xf32, #tpu.memory_space<hbm>>) dst(%dma_wait3A_60 : memref<1000x128xf32, #tpu.memory_space<vmem_shared>>)
        tpu.yield
      }) : () -> ()
    } else {
    }
    %barrier3A = arith.constant 0 : index
    tpu.barrier barrier_id(%barrier3A)
    %scan3A = arith.constant 0 : i32
    %scan3A_7 = arith.constant 0 : i32
    %scan3A_8 = arith.constant 50 : i32
    %scan3A_9 = arith.addi %scan3A_7, %scan3A_8 : i32
    %scan3A_10 = arith.constant 1 : i32
    scf.for %scan3A_57 = %scan3A_7 to %scan3A_9 step %scan3A_10  : i32 {
      %mul3A_58 = arith.constant 200 : i32
      %mul3A_59 = arith.muli %scan3A_57, %mul3A_58 : i32
      %add3A_60 = arith.addi %add3A, %mul3A_59 : i32
      %add3A_61 = arith.constant 0 : i32
      %add3A_62 = arith.addi %add3A_60, %add3A_61 : i32
      %dma_start3A = tpu.memref_slice %arg3[%add3A_62] : memref<320000xi32, #tpu.memory_space<hbm>> -> memref<40xi32, #tpu.memory_space<hbm>>
      %dma_start3A_63 = tpu.memref_slice %arg3[%add3A_62] : memref<320000xi32, #tpu.memory_space<hbm>> -> memref<40xi32, #tpu.memory_space<hbm>>
      tpu.enqueue_dma source(%dma_start3A_63 : memref<40xi32, #tpu.memory_space<hbm>>) target(%arg6 : memref<40xi32, #tpu.memory_space<vmem>>) target_semaphore(%arg13 : memref<!tpu.dma_semaphore, #tpu.memory_space<semaphore_mem>>)
      %add3A_64 = arith.constant 40 : i32
      %add3A_65 = arith.addi %add3A_60, %add3A_64 : i32
      %dma_start3A_66 = tpu.memref_slice %arg3[%add3A_65] : memref<320000xi32, #tpu.memory_space<hbm>> -> memref<40xi32, #tpu.memory_space<hbm>>
      %dma_start3A_67 = tpu.memref_slice %arg3[%add3A_65] : memref<320000xi32, #tpu.memory_space<hbm>> -> memref<40xi32, #tpu.memory_space<hbm>>
      tpu.enqueue_dma source(%dma_start3A_67 : memref<40xi32, #tpu.memory_space<hbm>>) target(%arg7 : memref<40xi32, #tpu.memory_space<vmem>>) target_semaphore(%arg13 : memref<!tpu.dma_semaphore, #tpu.memory_space<semaphore_mem>>)
      %add3A_68 = arith.constant 80 : i32
      %add3A_69 = arith.addi %add3A_60, %add3A_68 : i32
      %dma_start3A_70 = tpu.memref_slice %arg3[%add3A_69] : memref<320000xi32, #tpu.memory_space<hbm>> -> memref<40xi32, #tpu.memory_space<hbm>>
      %dma_start3A_71 = tpu.memref_slice %arg3[%add3A_69] : memref<320000xi32, #tpu.memory_space<hbm>> -> memref<40xi32, #tpu.memory_space<hbm>>
      tpu.enqueue_dma source(%dma_start3A_71 : memref<40xi32, #tpu.memory_space<hbm>>) target(%arg8 : memref<40xi32, #tpu.memory_space<vmem>>) target_semaphore(%arg13 : memref<!tpu.dma_semaphore, #tpu.memory_space<semaphore_mem>>)
      %add3A_72 = arith.constant 120 : i32
      %add3A_73 = arith.addi %add3A_60, %add3A_72 : i32
      %dma_start3A_74 = tpu.memref_slice %arg3[%add3A_73] : memref<320000xi32, #tpu.memory_space<hbm>> -> memref<40xi32, #tpu.memory_space<hbm>>
      %dma_start3A_75 = tpu.memref_slice %arg3[%add3A_73] : memref<320000xi32, #tpu.memory_space<hbm>> -> memref<40xi32, #tpu.memory_space<hbm>>
      tpu.enqueue_dma source(%dma_start3A_75 : memref<40xi32, #tpu.memory_space<hbm>>) target(%arg9 : memref<40xi32, #tpu.memory_space<vmem>>) target_semaphore(%arg13 : memref<!tpu.dma_semaphore, #tpu.memory_space<semaphore_mem>>)
      %add3A_76 = arith.constant 160 : i32
      %add3A_77 = arith.addi %add3A_60, %add3A_76 : i32
      %dma_start3A_78 = tpu.memref_slice %arg3[%add3A_77] : memref<320000xi32, #tpu.memory_space<hbm>> -> memref<40xi32, #tpu.memory_space<hbm>>
      %dma_start3A_79 = tpu.memref_slice %arg3[%add3A_77] : memref<320000xi32, #tpu.memory_space<hbm>> -> memref<40xi32, #tpu.memory_space<hbm>>
      tpu.enqueue_dma source(%dma_start3A_79 : memref<40xi32, #tpu.memory_space<hbm>>) target(%arg10 : memref<40xi32, #tpu.memory_space<vmem>>) target_semaphore(%arg13 : memref<!tpu.dma_semaphore, #tpu.memory_space<semaphore_mem>>)
      %add3A_80 = arith.constant 0 : i32
      %add3A_81 = arith.addi %add3A_80, %add3A_60 : i32
      "tpu.region"() ({
        %run_scoped3A = tpu.sem_alloc : memref<!tpu.dma_semaphore, #tpu.memory_space<semaphore_mem>>
        %dma_start3A_151 = arith.constant 0 : i32
        %dma_start3A_152 = tpu.memref_slice %arg2[%add3A_81, %dma_start3A_151] : memref<960000x128xf32, #tpu.memory_space<hbm>> -> memref<200x128xf32, #tpu.memory_space<hbm>>
        %dma_start3A_153 = arith.constant 0 : i32
        %dma_start3A_154 = tpu.memref_slice %arg2[%add3A_81, %dma_start3A_153] : memref<960000x128xf32, #tpu.memory_space<hbm>> -> memref<200x128xf32, #tpu.memory_space<hbm>>
        tpu.enqueue_dma source(%dma_start3A_154 : memref<200x128xf32, #tpu.memory_space<hbm>>) target(%arg11 : memref<200x128xf32, #tpu.memory_space<vmem>>) target_semaphore(%run_scoped3A : memref<!tpu.dma_semaphore, #tpu.memory_space<semaphore_mem>>)
        %dma_wait3A_155 = arith.constant 0 : i32
        %dma_wait3A_156 = tpu.memref_slice %arg2[%add3A_81, %dma_wait3A_155] : memref<960000x128xf32, #tpu.memory_space<hbm>> -> memref<200x128xf32, #tpu.memory_space<hbm>>
        %dma_wait3A_157 = arith.constant 0 : i32
        %dma_wait3A_158 = tpu.memref_slice %arg2[%add3A_81, %dma_wait3A_157] : memref<960000x128xf32, #tpu.memory_space<hbm>> -> memref<200x128xf32, #tpu.memory_space<hbm>>
        tpu.wait_dma2 semaphore(%run_scoped3A : memref<!tpu.dma_semaphore, #tpu.memory_space<semaphore_mem>>) src(%dma_wait3A_158 : memref<200x128xf32, #tpu.memory_space<hbm>>) dst(%arg11 : memref<200x128xf32, #tpu.memory_space<vmem>>)
        tpu.yield
      }) : () -> ()
      %dma_wait3A = tpu.memref_slice %arg3[%add3A_62] : memref<320000xi32, #tpu.memory_space<hbm>> -> memref<40xi32, #tpu.memory_space<hbm>>
      %dma_wait3A_82 = tpu.memref_slice %arg3[%add3A_62] : memref<320000xi32, #tpu.memory_space<hbm>> -> memref<40xi32, #tpu.memory_space<hbm>>
      tpu.wait_dma2 semaphore(%arg13 : memref<!tpu.dma_semaphore, #tpu.memory_space<semaphore_mem>>) src(%dma_wait3A_82 : memref<40xi32, #tpu.memory_space<hbm>>) dst(%arg6 : memref<40xi32, #tpu.memory_space<vmem>>)
      %dma_wait3A_83 = tpu.memref_slice %arg3[%add3A_65] : memref<320000xi32, #tpu.memory_space<hbm>> -> memref<40xi32, #tpu.memory_space<hbm>>
      %dma_wait3A_84 = tpu.memref_slice %arg3[%add3A_65] : memref<320000xi32, #tpu.memory_space<hbm>> -> memref<40xi32, #tpu.memory_space<hbm>>
      tpu.wait_dma2 semaphore(%arg13 : memref<!tpu.dma_semaphore, #tpu.memory_space<semaphore_mem>>) src(%dma_wait3A_84 : memref<40xi32, #tpu.memory_space<hbm>>) dst(%arg7 : memref<40xi32, #tpu.memory_space<vmem>>)
      %dma_wait3A_85 = tpu.memref_slice %arg3[%add3A_69] : memref<320000xi32, #tpu.memory_space<hbm>> -> memref<40xi32, #tpu.memory_space<hbm>>
      %dma_wait3A_86 = tpu.memref_slice %arg3[%add3A_69] : memref<320000xi32, #tpu.memory_space<hbm>> -> memref<40xi32, #tpu.memory_space<hbm>>
      tpu.wait_dma2 semaphore(%arg13 : memref<!tpu.dma_semaphore, #tpu.memory_space<semaphore_mem>>) src(%dma_wait3A_86 : memref<40xi32, #tpu.memory_space<hbm>>) dst(%arg8 : memref<40xi32, #tpu.memory_space<vmem>>)
      %dma_wait3A_87 = tpu.memref_slice %arg3[%add3A_73] : memref<320000xi32, #tpu.memory_space<hbm>> -> memref<40xi32, #tpu.memory_space<hbm>>
      %dma_wait3A_88 = tpu.memref_slice %arg3[%add3A_73] : memref<320000xi32, #tpu.memory_space<hbm>> -> memref<40xi32, #tpu.memory_space<hbm>>
      tpu.wait_dma2 semaphore(%arg13 : memref<!tpu.dma_semaphore, #tpu.memory_space<semaphore_mem>>) src(%dma_wait3A_88 : memref<40xi32, #tpu.memory_space<hbm>>) dst(%arg9 : memref<40xi32, #tpu.memory_space<vmem>>)
      %dma_wait3A_89 = tpu.memref_slice %arg3[%add3A_77] : memref<320000xi32, #tpu.memory_space<hbm>> -> memref<40xi32, #tpu.memory_space<hbm>>
      %dma_wait3A_90 = tpu.memref_slice %arg3[%add3A_77] : memref<320000xi32, #tpu.memory_space<hbm>> -> memref<40xi32, #tpu.memory_space<hbm>>
      tpu.wait_dma2 semaphore(%arg13 : memref<!tpu.dma_semaphore, #tpu.memory_space<semaphore_mem>>) src(%dma_wait3A_90 : memref<40xi32, #tpu.memory_space<hbm>>) dst(%arg10 : memref<40xi32, #tpu.memory_space<vmem>>)
      %dma_start3A_91 = arith.constant 0 : i32
      %dma_start3A_92 = arith.constant 0 : i32
      %dma_start3A_93 = tpu.memref_slice %arg11[%dma_start3A_91, %dma_start3A_92] : memref<200x128xf32, #tpu.memory_space<vmem>> -> memref<40x128xf32, #tpu.memory_space<vmem>>
      %dma_start3A_94 = arith.constant 0 : i32
      %dma_start3A_95 = arith.constant 0 : i32
      %dma_start3A_96 = tpu.memref_slice %arg12[%dma_start3A_94, %dma_start3A_95] : memref<10000x128xf32, #tpu.memory_space<vmem_shared>> -> memref<10000x128xf32, #tpu.memory_space<vmem_shared>>
      tpu.enqueue_indirect_dma source(%dma_start3A_93 : memref<40x128xf32, #tpu.memory_space<vmem>>) target(%dma_start3A_96 : memref<10000x128xf32, #tpu.memory_space<vmem_shared>>) offsets(%arg6 : memref<40xi32, #tpu.memory_space<vmem>>) semaphore(%arg14 : memref<!tpu.dma_semaphore, #tpu.memory_space<semaphore_mem>>) {add = true}
      %dma_start3A_97 = arith.constant 40 : i32
      %dma_start3A_98 = arith.constant 0 : i32
      %dma_start3A_99 = tpu.memref_slice %arg11[%dma_start3A_97, %dma_start3A_98] : memref<200x128xf32, #tpu.memory_space<vmem>> -> memref<40x128xf32, #tpu.memory_space<vmem>>
      %dma_start3A_100 = arith.constant 0 : i32
      %dma_start3A_101 = arith.constant 0 : i32
      %dma_start3A_102 = tpu.memref_slice %arg12[%dma_start3A_100, %dma_start3A_101] : memref<10000x128xf32, #tpu.memory_space<vmem_shared>> -> memref<10000x128xf32, #tpu.memory_space<vmem_shared>>
      tpu.enqueue_indirect_dma source(%dma_start3A_99 : memref<40x128xf32, #tpu.memory_space<vmem>>) target(%dma_start3A_102 : memref<10000x128xf32, #tpu.memory_space<vmem_shared>>) offsets(%arg7 : memref<40xi32, #tpu.memory_space<vmem>>) semaphore(%arg14 : memref<!tpu.dma_semaphore, #tpu.memory_space<semaphore_mem>>) {add = true}
      %dma_start3A_103 = arith.constant 80 : i32
      %dma_start3A_104 = arith.constant 0 : i32
      %dma_start3A_105 = tpu.memref_slice %arg11[%dma_start3A_103, %dma_start3A_104] : memref<200x128xf32, #tpu.memory_space<vmem>> -> memref<40x128xf32, #tpu.memory_space<vmem>>
      %dma_start3A_106 = arith.constant 0 : i32
      %dma_start3A_107 = arith.constant 0 : i32
      %dma_start3A_108 = tpu.memref_slice %arg12[%dma_start3A_106, %dma_start3A_107] : memref<10000x128xf32, #tpu.memory_space<vmem_shared>> -> memref<10000x128xf32, #tpu.memory_space<vmem_shared>>
      tpu.enqueue_indirect_dma source(%dma_start3A_105 : memref<40x128xf32, #tpu.memory_space<vmem>>) target(%dma_start3A_108 : memref<10000x128xf32, #tpu.memory_space<vmem_shared>>) offsets(%arg8 : memref<40xi32, #tpu.memory_space<vmem>>) semaphore(%arg14 : memref<!tpu.dma_semaphore, #tpu.memory_space<semaphore_mem>>) {add = true}
      %dma_start3A_109 = arith.constant 120 : i32
      %dma_start3A_110 = arith.constant 0 : i32
      %dma_start3A_111 = tpu.memref_slice %arg11[%dma_start3A_109, %dma_start3A_110] : memref<200x128xf32, #tpu.memory_space<vmem>> -> memref<40x128xf32, #tpu.memory_space<vmem>>
      %dma_start3A_112 = arith.constant 0 : i32
      %dma_start3A_113 = arith.constant 0 : i32
      %dma_start3A_114 = tpu.memref_slice %arg12[%dma_start3A_112, %dma_start3A_113] : memref<10000x128xf32, #tpu.memory_space<vmem_shared>> -> memref<10000x128xf32, #tpu.memory_space<vmem_shared>>
      tpu.enqueue_indirect_dma source(%dma_start3A_111 : memref<40x128xf32, #tpu.memory_space<vmem>>) target(%dma_start3A_114 : memref<10000x128xf32, #tpu.memory_space<vmem_shared>>) offsets(%arg9 : memref<40xi32, #tpu.memory_space<vmem>>) semaphore(%arg14 : memref<!tpu.dma_semaphore, #tpu.memory_space<semaphore_mem>>) {add = true}
      %dma_start3A_115 = arith.constant 160 : i32
      %dma_start3A_116 = arith.constant 0 : i32
      %dma_start3A_117 = tpu.memref_slice %arg11[%dma_start3A_115, %dma_start3A_116] : memref<200x128xf32, #tpu.memory_space<vmem>> -> memref<40x128xf32, #tpu.memory_space<vmem>>
      %dma_start3A_118 = arith.constant 0 : i32
      %dma_start3A_119 = arith.constant 0 : i32
      %dma_start3A_120 = tpu.memref_slice %arg12[%dma_start3A_118, %dma_start3A_119] : memref<10000x128xf32, #tpu.memory_space<vmem_shared>> -> memref<10000x128xf32, #tpu.memory_space<vmem_shared>>
      tpu.enqueue_indirect_dma source(%dma_start3A_117 : memref<40x128xf32, #tpu.memory_space<vmem>>) target(%dma_start3A_120 : memref<10000x128xf32, #tpu.memory_space<vmem_shared>>) offsets(%arg10 : memref<40xi32, #tpu.memory_space<vmem>>) semaphore(%arg14 : memref<!tpu.dma_semaphore, #tpu.memory_space<semaphore_mem>>) {add = true}
      %dma_wait3A_121 = arith.constant 0 : i32
      %dma_wait3A_122 = arith.constant 0 : i32
      %dma_wait3A_123 = tpu.memref_slice %arg11[%dma_wait3A_121, %dma_wait3A_122] : memref<200x128xf32, #tpu.memory_space<vmem>> -> memref<40x128xf32, #tpu.memory_space<vmem>>
      %dma_wait3A_124 = arith.constant 0 : i32
      %dma_wait3A_125 = arith.constant 0 : i32
      %dma_wait3A_126 = tpu.memref_slice %arg12[%dma_wait3A_124, %dma_wait3A_125] : memref<10000x128xf32, #tpu.memory_space<vmem_shared>> -> memref<10000x128xf32, #tpu.memory_space<vmem_shared>>
      tpu.wait_indirect_dma semaphore(%arg14 : memref<!tpu.dma_semaphore, #tpu.memory_space<semaphore_mem>>) src(%dma_wait3A_123 : memref<40x128xf32, #tpu.memory_space<vmem>>) dst(%dma_wait3A_126 : memref<10000x128xf32, #tpu.memory_space<vmem_shared>>)
      %dma_wait3A_127 = arith.constant 40 : i32
      %dma_wait3A_128 = arith.constant 0 : i32
      %dma_wait3A_129 = tpu.memref_slice %arg11[%dma_wait3A_127, %dma_wait3A_128] : memref<200x128xf32, #tpu.memory_space<vmem>> -> memref<40x128xf32, #tpu.memory_space<vmem>>
      %dma_wait3A_130 = arith.constant 0 : i32
      %dma_wait3A_131 = arith.constant 0 : i32
      %dma_wait3A_132 = tpu.memref_slice %arg12[%dma_wait3A_130, %dma_wait3A_131] : memref<10000x128xf32, #tpu.memory_space<vmem_shared>> -> memref<10000x128xf32, #tpu.memory_space<vmem_shared>>
      tpu.wait_indirect_dma semaphore(%arg14 : memref<!tpu.dma_semaphore, #tpu.memory_space<semaphore_mem>>) src(%dma_wait3A_129 : memref<40x128xf32, #tpu.memory_space<vmem>>) dst(%dma_wait3A_132 : memref<10000x128xf32, #tpu.memory_space<vmem_shared>>)
      %dma_wait3A_133 = arith.constant 80 : i32
      %dma_wait3A_134 = arith.constant 0 : i32
      %dma_wait3A_135 = tpu.memref_slice %arg11[%dma_wait3A_133, %dma_wait3A_134] : memref<200x128xf32, #tpu.memory_space<vmem>> -> memref<40x128xf32, #tpu.memory_space<vmem>>
      %dma_wait3A_136 = arith.constant 0 : i32
      %dma_wait3A_137 = arith.constant 0 : i32
      %dma_wait3A_138 = tpu.memref_slice %arg12[%dma_wait3A_136, %dma_wait3A_137] : memref<10000x128xf32, #tpu.memory_space<vmem_shared>> -> memref<10000x128xf32, #tpu.memory_space<vmem_shared>>
      tpu.wait_indirect_dma semaphore(%arg14 : memref<!tpu.dma_semaphore, #tpu.memory_space<semaphore_mem>>) src(%dma_wait3A_135 : memref<40x128xf32, #tpu.memory_space<vmem>>) dst(%dma_wait3A_138 : memref<10000x128xf32, #tpu.memory_space<vmem_shared>>)
      %dma_wait3A_139 = arith.constant 120 : i32
      %dma_wait3A_140 = arith.constant 0 : i32
      %dma_wait3A_141 = tpu.memref_slice %arg11[%dma_wait3A_139, %dma_wait3A_140] : memref<200x128xf32, #tpu.memory_space<vmem>> -> memref<40x128xf32, #tpu.memory_space<vmem>>
      %dma_wait3A_142 = arith.constant 0 : i32
      %dma_wait3A_143 = arith.constant 0 : i32
      %dma_wait3A_144 = tpu.memref_slice %arg12[%dma_wait3A_142, %dma_wait3A_143] : memref<10000x128xf32, #tpu.memory_space<vmem_shared>> -> memref<10000x128xf32, #tpu.memory_space<vmem_shared>>
      tpu.wait_indirect_dma semaphore(%arg14 : memref<!tpu.dma_semaphore, #tpu.memory_space<semaphore_mem>>) src(%dma_wait3A_141 : memref<40x128xf32, #tpu.memory_space<vmem>>) dst(%dma_wait3A_144 : memref<10000x128xf32, #tpu.memory_space<vmem_shared>>)
      %dma_wait3A_145 = arith.constant 160 : i32
      %dma_wait3A_146 = arith.constant 0 : i32
      %dma_wait3A_147 = tpu.memref_slice %arg11[%dma_wait3A_145, %dma_wait3A_146] : memref<200x128xf32, #tpu.memory_space<vmem>> -> memref<40x128xf32, #tpu.memory_space<vmem>>
      %dma_wait3A_148 = arith.constant 0 : i32
      %dma_wait3A_149 = arith.constant 0 : i32
      %dma_wait3A_150 = tpu.memref_slice %arg12[%dma_wait3A_148, %dma_wait3A_149] : memref<10000x128xf32, #tpu.memory_space<vmem_shared>> -> memref<10000x128xf32, #tpu.memory_space<vmem_shared>>
      tpu.wait_indirect_dma semaphore(%arg14 : memref<!tpu.dma_semaphore, #tpu.memory_space<semaphore_mem>>) src(%dma_wait3A_147 : memref<40x128xf32, #tpu.memory_space<vmem>>) dst(%dma_wait3A_150 : memref<10000x128xf32, #tpu.memory_space<vmem_shared>>)
    }
    %scan3A_11 = arith.constant 50 : i32
    %barrier3A_12 = arith.constant 0 : index
    tpu.barrier barrier_id(%barrier3A_12)
    %lt3A_13 = arith.constant 10 : i32
    %lt3A_14 = arith.cmpi slt, %arg1, %lt3A_13 : i32
    %convert_element_type3A_15 = arith.extui %lt3A_14 : i1 to i32
    %cond3A_16 = arith.constant 0 : i32
    %cond3A_17 = arith.cmpi ne, %convert_element_type3A_15, %cond3A_16 : i32
    scf.if %cond3A_17 {
      %add3A_57 = arith.constant 0 : i32
      %add3A_58 = arith.addi %add3A_57, %arg0 : i32
      %mul3A_59 = arith.constant 10000 : i32
      %mul3A_60 = arith.muli %add3A_58, %mul3A_59 : i32
      %add3A_61 = arith.addi %mul3A_60, %mul3A_4 : i32
      "tpu.region"() ({
        %run_scoped3A = tpu.sem_alloc : memref<!tpu.dma_semaphore, #tpu.memory_space<semaphore_mem>>
        %dma_start3A = arith.constant 0 : i32
        %dma_start3A_62 = tpu.memref_slice %arg5[%add3A_61, %dma_start3A] : memref<60000x128xf32, #tpu.memory_space<hbm>> -> memref<1000x128xf32, #tpu.memory_space<hbm>>
        %dma_start3A_63 = arith.constant 0 : i32
        %dma_start3A_64 = tpu.memref_slice %arg12[%mul3A_4, %dma_start3A_63] : memref<10000x128xf32, #tpu.memory_space<vmem_shared>> -> memref<1000x128xf32, #tpu.memory_space<vmem_shared>>
        tpu.enqueue_dma source(%dma_start3A_64 : memref<1000x128xf32, #tpu.memory_space<vmem_shared>>) target(%dma_start3A_62 : memref<1000x128xf32, #tpu.memory_space<hbm>>) target_semaphore(%run_scoped3A : memref<!tpu.dma_semaphore, #tpu.memory_space<semaphore_mem>>)
        %dma_wait3A = arith.constant 0 : i32
        %dma_wait3A_65 = tpu.memref_slice %arg5[%add3A_61, %dma_wait3A] : memref<60000x128xf32, #tpu.memory_space<hbm>> -> memref<1000x128xf32, #tpu.memory_space<hbm>>
        %dma_wait3A_66 = arith.constant 0 : i32
        %dma_wait3A_67 = tpu.memref_slice %arg12[%mul3A_4, %dma_wait3A_66] : memref<10000x128xf32, #tpu.memory_space<vmem_shared>> -> memref<1000x128xf32, #tpu.memory_space<vmem_shared>>
        tpu.wait_dma2 semaphore(%run_scoped3A : memref<!tpu.dma_semaphore, #tpu.memory_space<semaphore_mem>>) src(%dma_wait3A_67 : memref<1000x128xf32, #tpu.memory_space<vmem_shared>>) dst(%dma_wait3A_65 : memref<1000x128xf32, #tpu.memory_space<hbm>>)
        tpu.yield
      }) : () -> ()
    } else {
    }
    %barrier3A_18 = arith.constant 0 : index
    tpu.barrier barrier_id(%barrier3A_18)
    %lt3A_19 = arith.constant 10 : i32
    %lt3A_20 = arith.cmpi slt, %arg1, %lt3A_19 : i32
    %convert_element_type3A_21 = arith.extui %lt3A_20 : i1 to i32
    %cond3A_22 = arith.constant 0 : i32
    %cond3A_23 = arith.cmpi ne, %convert_element_type3A_21, %cond3A_22 : i32
    scf.if %cond3A_23 {
      "tpu.region"() ({
        %run_scoped3A = tpu.sem_alloc : memref<!tpu.dma_semaphore, #tpu.memory_space<semaphore_mem>>
        %dma_start3A = arith.constant 0 : i32
        %dma_start3A_57 = tpu.memref_slice %arg12[%mul3A_4, %dma_start3A] : memref<10000x128xf32, #tpu.memory_space<vmem_shared>> -> memref<1000x128xf32, #tpu.memory_space<vmem_shared>>
        %dma_start3A_58 = arith.constant 0 : i32
        %dma_start3A_59 = tpu.memref_slice %arg4[%mul3A_4, %dma_start3A_58] : memref<10000x128xf32, #tpu.memory_space<hbm>> -> memref<1000x128xf32, #tpu.memory_space<hbm>>
        tpu.enqueue_dma source(%dma_start3A_59 : memref<1000x128xf32, #tpu.memory_space<hbm>>) target(%dma_start3A_57 : memref<1000x128xf32, #tpu.memory_space<vmem_shared>>) target_semaphore(%run_scoped3A : memref<!tpu.dma_semaphore, #tpu.memory_space<semaphore_mem>>)
        %dma_wait3A = arith.constant 0 : i32
        %dma_wait3A_60 = tpu.memref_slice %arg12[%mul3A_4, %dma_wait3A] : memref<10000x128xf32, #tpu.memory_space<vmem_shared>> -> memref<1000x128xf32, #tpu.memory_space<vmem_shared>>
        %dma_wait3A_61 = arith.constant 0 : i32
        %dma_wait3A_62 = tpu.memref_slice %arg4[%mul3A_4, %dma_wait3A_61] : memref<10000x128xf32, #tpu.memory_space<hbm>> -> memref<1000x128xf32, #tpu.memory_space<hbm>>
        tpu.wait_dma2 semaphore(%run_scoped3A : memref<!tpu.dma_semaphore, #tpu.memory_space<semaphore_mem>>) src(%dma_wait3A_62 : memref<1000x128xf32, #tpu.memory_space<hbm>>) dst(%dma_wait3A_60 : memref<1000x128xf32, #tpu.memory_space<vmem_shared>>)
        tpu.yield
      }) : () -> ()
    } else {
    }
    %barrier3A_24 = arith.constant 0 : index
    tpu.barrier barrier_id(%barrier3A_24)
    %scan3A_25 = arith.constant 0 : i32
    %scan3A_26 = arith.constant 0 : i32
    %scan3A_27 = arith.constant 50 : i32
    %scan3A_28 = arith.addi %scan3A_26, %scan3A_27 : i32
    %scan3A_29 = arith.constant 1 : i32
    scf.for %scan3A_57 = %scan3A_26 to %scan3A_28 step %scan3A_29  : i32 {
      %mul3A_58 = arith.constant 200 : i32
      %mul3A_59 = arith.muli %scan3A_57, %mul3A_58 : i32
      %add3A_60 = arith.addi %add3A, %mul3A_59 : i32
      %add3A_61 = arith.constant 0 : i32
      %add3A_62 = arith.addi %add3A_60, %add3A_61 : i32
      %dma_start3A = tpu.memref_slice %arg3[%add3A_62] : memref<320000xi32, #tpu.memory_space<hbm>> -> memref<40xi32, #tpu.memory_space<hbm>>
      %dma_start3A_63 = tpu.memref_slice %arg3[%add3A_62] : memref<320000xi32, #tpu.memory_space<hbm>> -> memref<40xi32, #tpu.memory_space<hbm>>
      tpu.enqueue_dma source(%dma_start3A_63 : memref<40xi32, #tpu.memory_space<hbm>>) target(%arg6 : memref<40xi32, #tpu.memory_space<vmem>>) target_semaphore(%arg13 : memref<!tpu.dma_semaphore, #tpu.memory_space<semaphore_mem>>)
      %add3A_64 = arith.constant 40 : i32
      %add3A_65 = arith.addi %add3A_60, %add3A_64 : i32
      %dma_start3A_66 = tpu.memref_slice %arg3[%add3A_65] : memref<320000xi32, #tpu.memory_space<hbm>> -> memref<40xi32, #tpu.memory_space<hbm>>
      %dma_start3A_67 = tpu.memref_slice %arg3[%add3A_65] : memref<320000xi32, #tpu.memory_space<hbm>> -> memref<40xi32, #tpu.memory_space<hbm>>
      tpu.enqueue_dma source(%dma_start3A_67 : memref<40xi32, #tpu.memory_space<hbm>>) target(%arg7 : memref<40xi32, #tpu.memory_space<vmem>>) target_semaphore(%arg13 : memref<!tpu.dma_semaphore, #tpu.memory_space<semaphore_mem>>)
      %add3A_68 = arith.constant 80 : i32
      %add3A_69 = arith.addi %add3A_60, %add3A_68 : i32
      %dma_start3A_70 = tpu.memref_slice %arg3[%add3A_69] : memref<320000xi32, #tpu.memory_space<hbm>> -> memref<40xi32, #tpu.memory_space<hbm>>
      %dma_start3A_71 = tpu.memref_slice %arg3[%add3A_69] : memref<320000xi32, #tpu.memory_space<hbm>> -> memref<40xi32, #tpu.memory_space<hbm>>
      tpu.enqueue_dma source(%dma_start3A_71 : memref<40xi32, #tpu.memory_space<hbm>>) target(%arg8 : memref<40xi32, #tpu.memory_space<vmem>>) target_semaphore(%arg13 : memref<!tpu.dma_semaphore, #tpu.memory_space<semaphore_mem>>)
      %add3A_72 = arith.constant 120 : i32
      %add3A_73 = arith.addi %add3A_60, %add3A_72 : i32
      %dma_start3A_74 = tpu.memref_slice %arg3[%add3A_73] : memref<320000xi32, #tpu.memory_space<hbm>> -> memref<40xi32, #tpu.memory_space<hbm>>
      %dma_start3A_75 = tpu.memref_slice %arg3[%add3A_73] : memref<320000xi32, #tpu.memory_space<hbm>> -> memref<40xi32, #tpu.memory_space<hbm>>
      tpu.enqueue_dma source(%dma_start3A_75 : memref<40xi32, #tpu.memory_space<hbm>>) target(%arg9 : memref<40xi32, #tpu.memory_space<vmem>>) target_semaphore(%arg13 : memref<!tpu.dma_semaphore, #tpu.memory_space<semaphore_mem>>)
      %add3A_76 = arith.constant 160 : i32
      %add3A_77 = arith.addi %add3A_60, %add3A_76 : i32
      %dma_start3A_78 = tpu.memref_slice %arg3[%add3A_77] : memref<320000xi32, #tpu.memory_space<hbm>> -> memref<40xi32, #tpu.memory_space<hbm>>
      %dma_start3A_79 = tpu.memref_slice %arg3[%add3A_77] : memref<320000xi32, #tpu.memory_space<hbm>> -> memref<40xi32, #tpu.memory_space<hbm>>
      tpu.enqueue_dma source(%dma_start3A_79 : memref<40xi32, #tpu.memory_space<hbm>>) target(%arg10 : memref<40xi32, #tpu.memory_space<vmem>>) target_semaphore(%arg13 : memref<!tpu.dma_semaphore, #tpu.memory_space<semaphore_mem>>)
      %add3A_80 = arith.constant 320000 : i32
      %add3A_81 = arith.addi %add3A_80, %add3A_60 : i32
      "tpu.region"() ({
        %run_scoped3A = tpu.sem_alloc : memref<!tpu.dma_semaphore, #tpu.memory_space<semaphore_mem>>
        %dma_start3A_151 = arith.constant 0 : i32
        %dma_start3A_152 = tpu.memref_slice %arg2[%add3A_81, %dma_start3A_151] : memref<960000x128xf32, #tpu.memory_space<hbm>> -> memref<200x128xf32, #tpu.memory_space<hbm>>
        %dma_start3A_153 = arith.constant 0 : i32
        %dma_start3A_154 = tpu.memref_slice %arg2[%add3A_81, %dma_start3A_153] : memref<960000x128xf32, #tpu.memory_space<hbm>> -> memref<200x128xf32, #tpu.memory_space<hbm>>
        tpu.enqueue_dma source(%dma_start3A_154 : memref<200x128xf32, #tpu.memory_space<hbm>>) target(%arg11 : memref<200x128xf32, #tpu.memory_space<vmem>>) target_semaphore(%run_scoped3A : memref<!tpu.dma_semaphore, #tpu.memory_space<semaphore_mem>>)
        %dma_wait3A_155 = arith.constant 0 : i32
        %dma_wait3A_156 = tpu.memref_slice %arg2[%add3A_81, %dma_wait3A_155] : memref<960000x128xf32, #tpu.memory_space<hbm>> -> memref<200x128xf32, #tpu.memory_space<hbm>>
        %dma_wait3A_157 = arith.constant 0 : i32
        %dma_wait3A_158 = tpu.memref_slice %arg2[%add3A_81, %dma_wait3A_157] : memref<960000x128xf32, #tpu.memory_space<hbm>> -> memref<200x128xf32, #tpu.memory_space<hbm>>
        tpu.wait_dma2 semaphore(%run_scoped3A : memref<!tpu.dma_semaphore, #tpu.memory_space<semaphore_mem>>) src(%dma_wait3A_158 : memref<200x128xf32, #tpu.memory_space<hbm>>) dst(%arg11 : memref<200x128xf32, #tpu.memory_space<vmem>>)
        tpu.yield
      }) : () -> ()
      %dma_wait3A = tpu.memref_slice %arg3[%add3A_62] : memref<320000xi32, #tpu.memory_space<hbm>> -> memref<40xi32, #tpu.memory_space<hbm>>
      %dma_wait3A_82 = tpu.memref_slice %arg3[%add3A_62] : memref<320000xi32, #tpu.memory_space<hbm>> -> memref<40xi32, #tpu.memory_space<hbm>>
      tpu.wait_dma2 semaphore(%arg13 : memref<!tpu.dma_semaphore, #tpu.memory_space<semaphore_mem>>) src(%dma_wait3A_82 : memref<40xi32, #tpu.memory_space<hbm>>) dst(%arg6 : memref<40xi32, #tpu.memory_space<vmem>>)
      %dma_wait3A_83 = tpu.memref_slice %arg3[%add3A_65] : memref<320000xi32, #tpu.memory_space<hbm>> -> memref<40xi32, #tpu.memory_space<hbm>>
      %dma_wait3A_84 = tpu.memref_slice %arg3[%add3A_65] : memref<320000xi32, #tpu.memory_space<hbm>> -> memref<40xi32, #tpu.memory_space<hbm>>
      tpu.wait_dma2 semaphore(%arg13 : memref<!tpu.dma_semaphore, #tpu.memory_space<semaphore_mem>>) src(%dma_wait3A_84 : memref<40xi32, #tpu.memory_space<hbm>>) dst(%arg7 : memref<40xi32, #tpu.memory_space<vmem>>)
      %dma_wait3A_85 = tpu.memref_slice %arg3[%add3A_69] : memref<320000xi32, #tpu.memory_space<hbm>> -> memref<40xi32, #tpu.memory_space<hbm>>
      %dma_wait3A_86 = tpu.memref_slice %arg3[%add3A_69] : memref<320000xi32, #tpu.memory_space<hbm>> -> memref<40xi32, #tpu.memory_space<hbm>>
      tpu.wait_dma2 semaphore(%arg13 : memref<!tpu.dma_semaphore, #tpu.memory_space<semaphore_mem>>) src(%dma_wait3A_86 : memref<40xi32, #tpu.memory_space<hbm>>) dst(%arg8 : memref<40xi32, #tpu.memory_space<vmem>>)
      %dma_wait3A_87 = tpu.memref_slice %arg3[%add3A_73] : memref<320000xi32, #tpu.memory_space<hbm>> -> memref<40xi32, #tpu.memory_space<hbm>>
      %dma_wait3A_88 = tpu.memref_slice %arg3[%add3A_73] : memref<320000xi32, #tpu.memory_space<hbm>> -> memref<40xi32, #tpu.memory_space<hbm>>
      tpu.wait_dma2 semaphore(%arg13 : memref<!tpu.dma_semaphore, #tpu.memory_space<semaphore_mem>>) src(%dma_wait3A_88 : memref<40xi32, #tpu.memory_space<hbm>>) dst(%arg9 : memref<40xi32, #tpu.memory_space<vmem>>)
      %dma_wait3A_89 = tpu.memref_slice %arg3[%add3A_77] : memref<320000xi32, #tpu.memory_space<hbm>> -> memref<40xi32, #tpu.memory_space<hbm>>
      %dma_wait3A_90 = tpu.memref_slice %arg3[%add3A_77] : memref<320000xi32, #tpu.memory_space<hbm>> -> memref<40xi32, #tpu.memory_space<hbm>>
      tpu.wait_dma2 semaphore(%arg13 : memref<!tpu.dma_semaphore, #tpu.memory_space<semaphore_mem>>) src(%dma_wait3A_90 : memref<40xi32, #tpu.memory_space<hbm>>) dst(%arg10 : memref<40xi32, #tpu.memory_space<vmem>>)
      %dma_start3A_91 = arith.constant 0 : i32
      %dma_start3A_92 = arith.constant 0 : i32
      %dma_start3A_93 = tpu.memref_slice %arg11[%dma_start3A_91, %dma_start3A_92] : memref<200x128xf32, #tpu.memory_space<vmem>> -> memref<40x128xf32, #tpu.memory_space<vmem>>
      %dma_start3A_94 = arith.constant 0 : i32
      %dma_start3A_95 = arith.constant 0 : i32
      %dma_start3A_96 = tpu.memref_slice %arg12[%dma_start3A_94, %dma_start3A_95] : memref<10000x128xf32, #tpu.memory_space<vmem_shared>> -> memref<10000x128xf32, #tpu.memory_space<vmem_shared>>
      tpu.enqueue_indirect_dma source(%dma_start3A_93 : memref<40x128xf32, #tpu.memory_space<vmem>>) target(%dma_start3A_96 : memref<10000x128xf32, #tpu.memory_space<vmem_shared>>) offsets(%arg6 : memref<40xi32, #tpu.memory_space<vmem>>) semaphore(%arg14 : memref<!tpu.dma_semaphore, #tpu.memory_space<semaphore_mem>>) {add = true}
      %dma_start3A_97 = arith.constant 40 : i32
      %dma_start3A_98 = arith.constant 0 : i32
      %dma_start3A_99 = tpu.memref_slice %arg11[%dma_start3A_97, %dma_start3A_98] : memref<200x128xf32, #tpu.memory_space<vmem>> -> memref<40x128xf32, #tpu.memory_space<vmem>>
      %dma_start3A_100 = arith.constant 0 : i32
      %dma_start3A_101 = arith.constant 0 : i32
      %dma_start3A_102 = tpu.memref_slice %arg12[%dma_start3A_100, %dma_start3A_101] : memref<10000x128xf32, #tpu.memory_space<vmem_shared>> -> memref<10000x128xf32, #tpu.memory_space<vmem_shared>>
      tpu.enqueue_indirect_dma source(%dma_start3A_99 : memref<40x128xf32, #tpu.memory_space<vmem>>) target(%dma_start3A_102 : memref<10000x128xf32, #tpu.memory_space<vmem_shared>>) offsets(%arg7 : memref<40xi32, #tpu.memory_space<vmem>>) semaphore(%arg14 : memref<!tpu.dma_semaphore, #tpu.memory_space<semaphore_mem>>) {add = true}
      %dma_start3A_103 = arith.constant 80 : i32
      %dma_start3A_104 = arith.constant 0 : i32
      %dma_start3A_105 = tpu.memref_slice %arg11[%dma_start3A_103, %dma_start3A_104] : memref<200x128xf32, #tpu.memory_space<vmem>> -> memref<40x128xf32, #tpu.memory_space<vmem>>
      %dma_start3A_106 = arith.constant 0 : i32
      %dma_start3A_107 = arith.constant 0 : i32
      %dma_start3A_108 = tpu.memref_slice %arg12[%dma_start3A_106, %dma_start3A_107] : memref<10000x128xf32, #tpu.memory_space<vmem_shared>> -> memref<10000x128xf32, #tpu.memory_space<vmem_shared>>
      tpu.enqueue_indirect_dma source(%dma_start3A_105 : memref<40x128xf32, #tpu.memory_space<vmem>>) target(%dma_start3A_108 : memref<10000x128xf32, #tpu.memory_space<vmem_shared>>) offsets(%arg8 : memref<40xi32, #tpu.memory_space<vmem>>) semaphore(%arg14 : memref<!tpu.dma_semaphore, #tpu.memory_space<semaphore_mem>>) {add = true}
      %dma_start3A_109 = arith.constant 120 : i32
      %dma_start3A_110 = arith.constant 0 : i32
      %dma_start3A_111 = tpu.memref_slice %arg11[%dma_start3A_109, %dma_start3A_110] : memref<200x128xf32, #tpu.memory_space<vmem>> -> memref<40x128xf32, #tpu.memory_space<vmem>>
      %dma_start3A_112 = arith.constant 0 : i32
      %dma_start3A_113 = arith.constant 0 : i32
      %dma_start3A_114 = tpu.memref_slice %arg12[%dma_start3A_112, %dma_start3A_113] : memref<10000x128xf32, #tpu.memory_space<vmem_shared>> -> memref<10000x128xf32, #tpu.memory_space<vmem_shared>>
      tpu.enqueue_indirect_dma source(%dma_start3A_111 : memref<40x128xf32, #tpu.memory_space<vmem>>) target(%dma_start3A_114 : memref<10000x128xf32, #tpu.memory_space<vmem_shared>>) offsets(%arg9 : memref<40xi32, #tpu.memory_space<vmem>>) semaphore(%arg14 : memref<!tpu.dma_semaphore, #tpu.memory_space<semaphore_mem>>) {add = true}
      %dma_start3A_115 = arith.constant 160 : i32
      %dma_start3A_116 = arith.constant 0 : i32
      %dma_start3A_117 = tpu.memref_slice %arg11[%dma_start3A_115, %dma_start3A_116] : memref<200x128xf32, #tpu.memory_space<vmem>> -> memref<40x128xf32, #tpu.memory_space<vmem>>
      %dma_start3A_118 = arith.constant 0 : i32
      %dma_start3A_119 = arith.constant 0 : i32
      %dma_start3A_120 = tpu.memref_slice %arg12[%dma_start3A_118, %dma_start3A_119] : memref<10000x128xf32, #tpu.memory_space<vmem_shared>> -> memref<10000x128xf32, #tpu.memory_space<vmem_shared>>
      tpu.enqueue_indirect_dma source(%dma_start3A_117 : memref<40x128xf32, #tpu.memory_space<vmem>>) target(%dma_start3A_120 : memref<10000x128xf32, #tpu.memory_space<vmem_shared>>) offsets(%arg10 : memref<40xi32, #tpu.memory_space<vmem>>) semaphore(%arg14 : memref<!tpu.dma_semaphore, #tpu.memory_space<semaphore_mem>>) {add = true}
      %dma_wait3A_121 = arith.constant 0 : i32
      %dma_wait3A_122 = arith.constant 0 : i32
      %dma_wait3A_123 = tpu.memref_slice %arg11[%dma_wait3A_121, %dma_wait3A_122] : memref<200x128xf32, #tpu.memory_space<vmem>> -> memref<40x128xf32, #tpu.memory_space<vmem>>
      %dma_wait3A_124 = arith.constant 0 : i32
      %dma_wait3A_125 = arith.constant 0 : i32
      %dma_wait3A_126 = tpu.memref_slice %arg12[%dma_wait3A_124, %dma_wait3A_125] : memref<10000x128xf32, #tpu.memory_space<vmem_shared>> -> memref<10000x128xf32, #tpu.memory_space<vmem_shared>>
      tpu.wait_indirect_dma semaphore(%arg14 : memref<!tpu.dma_semaphore, #tpu.memory_space<semaphore_mem>>) src(%dma_wait3A_123 : memref<40x128xf32, #tpu.memory_space<vmem>>) dst(%dma_wait3A_126 : memref<10000x128xf32, #tpu.memory_space<vmem_shared>>)
      %dma_wait3A_127 = arith.constant 40 : i32
      %dma_wait3A_128 = arith.constant 0 : i32
      %dma_wait3A_129 = tpu.memref_slice %arg11[%dma_wait3A_127, %dma_wait3A_128] : memref<200x128xf32, #tpu.memory_space<vmem>> -> memref<40x128xf32, #tpu.memory_space<vmem>>
      %dma_wait3A_130 = arith.constant 0 : i32
      %dma_wait3A_131 = arith.constant 0 : i32
      %dma_wait3A_132 = tpu.memref_slice %arg12[%dma_wait3A_130, %dma_wait3A_131] : memref<10000x128xf32, #tpu.memory_space<vmem_shared>> -> memref<10000x128xf32, #tpu.memory_space<vmem_shared>>
      tpu.wait_indirect_dma semaphore(%arg14 : memref<!tpu.dma_semaphore, #tpu.memory_space<semaphore_mem>>) src(%dma_wait3A_129 : memref<40x128xf32, #tpu.memory_space<vmem>>) dst(%dma_wait3A_132 : memref<10000x128xf32, #tpu.memory_space<vmem_shared>>)
      %dma_wait3A_133 = arith.constant 80 : i32
      %dma_wait3A_134 = arith.constant 0 : i32
      %dma_wait3A_135 = tpu.memref_slice %arg11[%dma_wait3A_133, %dma_wait3A_134] : memref<200x128xf32, #tpu.memory_space<vmem>> -> memref<40x128xf32, #tpu.memory_space<vmem>>
      %dma_wait3A_136 = arith.constant 0 : i32
      %dma_wait3A_137 = arith.constant 0 : i32
      %dma_wait3A_138 = tpu.memref_slice %arg12[%dma_wait3A_136, %dma_wait3A_137] : memref<10000x128xf32, #tpu.memory_space<vmem_shared>> -> memref<10000x128xf32, #tpu.memory_space<vmem_shared>>
      tpu.wait_indirect_dma semaphore(%arg14 : memref<!tpu.dma_semaphore, #tpu.memory_space<semaphore_mem>>) src(%dma_wait3A_135 : memref<40x128xf32, #tpu.memory_space<vmem>>) dst(%dma_wait3A_138 : memref<10000x128xf32, #tpu.memory_space<vmem_shared>>)
      %dma_wait3A_139 = arith.constant 120 : i32
      %dma_wait3A_140 = arith.constant 0 : i32
      %dma_wait3A_141 = tpu.memref_slice %arg11[%dma_wait3A_139, %dma_wait3A_140] : memref<200x128xf32, #tpu.memory_space<vmem>> -> memref<40x128xf32, #tpu.memory_space<vmem>>
      %dma_wait3A_142 = arith.constant 0 : i32
      %dma_wait3A_143 = arith.constant 0 : i32
      %dma_wait3A_144 = tpu.memref_slice %arg12[%dma_wait3A_142, %dma_wait3A_143] : memref<10000x128xf32, #tpu.memory_space<vmem_shared>> -> memref<10000x128xf32, #tpu.memory_space<vmem_shared>>
      tpu.wait_indirect_dma semaphore(%arg14 : memref<!tpu.dma_semaphore, #tpu.memory_space<semaphore_mem>>) src(%dma_wait3A_141 : memref<40x128xf32, #tpu.memory_space<vmem>>) dst(%dma_wait3A_144 : memref<10000x128xf32, #tpu.memory_space<vmem_shared>>)
      %dma_wait3A_145 = arith.constant 160 : i32
      %dma_wait3A_146 = arith.constant 0 : i32
      %dma_wait3A_147 = tpu.memref_slice %arg11[%dma_wait3A_145, %dma_wait3A_146] : memref<200x128xf32, #tpu.memory_space<vmem>> -> memref<40x128xf32, #tpu.memory_space<vmem>>
      %dma_wait3A_148 = arith.constant 0 : i32
      %dma_wait3A_149 = arith.constant 0 : i32
      %dma_wait3A_150 = tpu.memref_slice %arg12[%dma_wait3A_148, %dma_wait3A_149] : memref<10000x128xf32, #tpu.memory_space<vmem_shared>> -> memref<10000x128xf32, #tpu.memory_space<vmem_shared>>
      tpu.wait_indirect_dma semaphore(%arg14 : memref<!tpu.dma_semaphore, #tpu.memory_space<semaphore_mem>>) src(%dma_wait3A_147 : memref<40x128xf32, #tpu.memory_space<vmem>>) dst(%dma_wait3A_150 : memref<10000x128xf32, #tpu.memory_space<vmem_shared>>)
    }
    %scan3A_30 = arith.constant 50 : i32
    %barrier3A_31 = arith.constant 0 : index
    tpu.barrier barrier_id(%barrier3A_31)
    %lt3A_32 = arith.constant 10 : i32
    %lt3A_33 = arith.cmpi slt, %arg1, %lt3A_32 : i32
    %convert_element_type3A_34 = arith.extui %lt3A_33 : i1 to i32
    %cond3A_35 = arith.constant 0 : i32
    %cond3A_36 = arith.cmpi ne, %convert_element_type3A_34, %cond3A_35 : i32
    scf.if %cond3A_36 {
      %add3A_57 = arith.constant 2 : i32
      %add3A_58 = arith.addi %add3A_57, %arg0 : i32
      %mul3A_59 = arith.constant 10000 : i32
      %mul3A_60 = arith.muli %add3A_58, %mul3A_59 : i32
      %add3A_61 = arith.addi %mul3A_60, %mul3A_4 : i32
      "tpu.region"() ({
        %run_scoped3A = tpu.sem_alloc : memref<!tpu.dma_semaphore, #tpu.memory_space<semaphore_mem>>
        %dma_start3A = arith.constant 0 : i32
        %dma_start3A_62 = tpu.memref_slice %arg5[%add3A_61, %dma_start3A] : memref<60000x128xf32, #tpu.memory_space<hbm>> -> memref<1000x128xf32, #tpu.memory_space<hbm>>
        %dma_start3A_63 = arith.constant 0 : i32
        %dma_start3A_64 = tpu.memref_slice %arg12[%mul3A_4, %dma_start3A_63] : memref<10000x128xf32, #tpu.memory_space<vmem_shared>> -> memref<1000x128xf32, #tpu.memory_space<vmem_shared>>
        tpu.enqueue_dma source(%dma_start3A_64 : memref<1000x128xf32, #tpu.memory_space<vmem_shared>>) target(%dma_start3A_62 : memref<1000x128xf32, #tpu.memory_space<hbm>>) target_semaphore(%run_scoped3A : memref<!tpu.dma_semaphore, #tpu.memory_space<semaphore_mem>>)
        %dma_wait3A = arith.constant 0 : i32
        %dma_wait3A_65 = tpu.memref_slice %arg5[%add3A_61, %dma_wait3A] : memref<60000x128xf32, #tpu.memory_space<hbm>> -> memref<1000x128xf32, #tpu.memory_space<hbm>>
        %dma_wait3A_66 = arith.constant 0 : i32
        %dma_wait3A_67 = tpu.memref_slice %arg12[%mul3A_4, %dma_wait3A_66] : memref<10000x128xf32, #tpu.memory_space<vmem_shared>> -> memref<1000x128xf32, #tpu.memory_space<vmem_shared>>
        tpu.wait_dma2 semaphore(%run_scoped3A : memref<!tpu.dma_semaphore, #tpu.memory_space<semaphore_mem>>) src(%dma_wait3A_67 : memref<1000x128xf32, #tpu.memory_space<vmem_shared>>) dst(%dma_wait3A_65 : memref<1000x128xf32, #tpu.memory_space<hbm>>)
        tpu.yield
      }) : () -> ()
    } else {
    }
    %barrier3A_37 = arith.constant 0 : index
    tpu.barrier barrier_id(%barrier3A_37)
    %lt3A_38 = arith.constant 10 : i32
    %lt3A_39 = arith.cmpi slt, %arg1, %lt3A_38 : i32
    %convert_element_type3A_40 = arith.extui %lt3A_39 : i1 to i32
    %cond3A_41 = arith.constant 0 : i32
    %cond3A_42 = arith.cmpi ne, %convert_element_type3A_40, %cond3A_41 : i32
    scf.if %cond3A_42 {
      "tpu.region"() ({
        %run_scoped3A = tpu.sem_alloc : memref<!tpu.dma_semaphore, #tpu.memory_space<semaphore_mem>>
        %dma_start3A = arith.constant 0 : i32
        %dma_start3A_57 = tpu.memref_slice %arg12[%mul3A_4, %dma_start3A] : memref<10000x128xf32, #tpu.memory_space<vmem_shared>> -> memref<1000x128xf32, #tpu.memory_space<vmem_shared>>
        %dma_start3A_58 = arith.constant 0 : i32
        %dma_start3A_59 = tpu.memref_slice %arg4[%mul3A_4, %dma_start3A_58] : memref<10000x128xf32, #tpu.memory_space<hbm>> -> memref<1000x128xf32, #tpu.memory_space<hbm>>
        tpu.enqueue_dma source(%dma_start3A_59 : memref<1000x128xf32, #tpu.memory_space<hbm>>) target(%dma_start3A_57 : memref<1000x128xf32, #tpu.memory_space<vmem_shared>>) target_semaphore(%run_scoped3A : memref<!tpu.dma_semaphore, #tpu.memory_space<semaphore_mem>>)
        %dma_wait3A = arith.constant 0 : i32
        %dma_wait3A_60 = tpu.memref_slice %arg12[%mul3A_4, %dma_wait3A] : memref<10000x128xf32, #tpu.memory_space<vmem_shared>> -> memref<1000x128xf32, #tpu.memory_space<vmem_shared>>
        %dma_wait3A_61 = arith.constant 0 : i32
        %dma_wait3A_62 = tpu.memref_slice %arg4[%mul3A_4, %dma_wait3A_61] : memref<10000x128xf32, #tpu.memory_space<hbm>> -> memref<1000x128xf32, #tpu.memory_space<hbm>>
        tpu.wait_dma2 semaphore(%run_scoped3A : memref<!tpu.dma_semaphore, #tpu.memory_space<semaphore_mem>>) src(%dma_wait3A_62 : memref<1000x128xf32, #tpu.memory_space<hbm>>) dst(%dma_wait3A_60 : memref<1000x128xf32, #tpu.memory_space<vmem_shared>>)
        tpu.yield
      }) : () -> ()
    } else {
    }
    %barrier3A_43 = arith.constant 0 : index
    tpu.barrier barrier_id(%barrier3A_43)
    %scan3A_44 = arith.constant 0 : i32
    %scan3A_45 = arith.constant 0 : i32
    %scan3A_46 = arith.constant 50 : i32
    %scan3A_47 = arith.addi %scan3A_45, %scan3A_46 : i32
    %scan3A_48 = arith.constant 1 : i32
    scf.for %scan3A_57 = %scan3A_45 to %scan3A_47 step %scan3A_48  : i32 {
      %mul3A_58 = arith.constant 200 : i32
      %mul3A_59 = arith.muli %scan3A_57, %mul3A_58 : i32
      %add3A_60 = arith.addi %add3A, %mul3A_59 : i32
      %add3A_61 = arith.constant 0 : i32
      %add3A_62 = arith.addi %add3A_60, %add3A_61 : i32
      %dma_start3A = tpu.memref_slice %arg3[%add3A_62] : memref<320000xi32, #tpu.memory_space<hbm>> -> memref<40xi32, #tpu.memory_space<hbm>>
      %dma_start3A_63 = tpu.memref_slice %arg3[%add3A_62] : memref<320000xi32, #tpu.memory_space<hbm>> -> memref<40xi32, #tpu.memory_space<hbm>>
      tpu.enqueue_dma source(%dma_start3A_63 : memref<40xi32, #tpu.memory_space<hbm>>) target(%arg6 : memref<40xi32, #tpu.memory_space<vmem>>) target_semaphore(%arg13 : memref<!tpu.dma_semaphore, #tpu.memory_space<semaphore_mem>>)
      %add3A_64 = arith.constant 40 : i32
      %add3A_65 = arith.addi %add3A_60, %add3A_64 : i32
      %dma_start3A_66 = tpu.memref_slice %arg3[%add3A_65] : memref<320000xi32, #tpu.memory_space<hbm>> -> memref<40xi32, #tpu.memory_space<hbm>>
      %dma_start3A_67 = tpu.memref_slice %arg3[%add3A_65] : memref<320000xi32, #tpu.memory_space<hbm>> -> memref<40xi32, #tpu.memory_space<hbm>>
      tpu.enqueue_dma source(%dma_start3A_67 : memref<40xi32, #tpu.memory_space<hbm>>) target(%arg7 : memref<40xi32, #tpu.memory_space<vmem>>) target_semaphore(%arg13 : memref<!tpu.dma_semaphore, #tpu.memory_space<semaphore_mem>>)
      %add3A_68 = arith.constant 80 : i32
      %add3A_69 = arith.addi %add3A_60, %add3A_68 : i32
      %dma_start3A_70 = tpu.memref_slice %arg3[%add3A_69] : memref<320000xi32, #tpu.memory_space<hbm>> -> memref<40xi32, #tpu.memory_space<hbm>>
      %dma_start3A_71 = tpu.memref_slice %arg3[%add3A_69] : memref<320000xi32, #tpu.memory_space<hbm>> -> memref<40xi32, #tpu.memory_space<hbm>>
      tpu.enqueue_dma source(%dma_start3A_71 : memref<40xi32, #tpu.memory_space<hbm>>) target(%arg8 : memref<40xi32, #tpu.memory_space<vmem>>) target_semaphore(%arg13 : memref<!tpu.dma_semaphore, #tpu.memory_space<semaphore_mem>>)
      %add3A_72 = arith.constant 120 : i32
      %add3A_73 = arith.addi %add3A_60, %add3A_72 : i32
      %dma_start3A_74 = tpu.memref_slice %arg3[%add3A_73] : memref<320000xi32, #tpu.memory_space<hbm>> -> memref<40xi32, #tpu.memory_space<hbm>>
      %dma_start3A_75 = tpu.memref_slice %arg3[%add3A_73] : memref<320000xi32, #tpu.memory_space<hbm>> -> memref<40xi32, #tpu.memory_space<hbm>>
      tpu.enqueue_dma source(%dma_start3A_75 : memref<40xi32, #tpu.memory_space<hbm>>) target(%arg9 : memref<40xi32, #tpu.memory_space<vmem>>) target_semaphore(%arg13 : memref<!tpu.dma_semaphore, #tpu.memory_space<semaphore_mem>>)
      %add3A_76 = arith.constant 160 : i32
      %add3A_77 = arith.addi %add3A_60, %add3A_76 : i32
      %dma_start3A_78 = tpu.memref_slice %arg3[%add3A_77] : memref<320000xi32, #tpu.memory_space<hbm>> -> memref<40xi32, #tpu.memory_space<hbm>>
      %dma_start3A_79 = tpu.memref_slice %arg3[%add3A_77] : memref<320000xi32, #tpu.memory_space<hbm>> -> memref<40xi32, #tpu.memory_space<hbm>>
      tpu.enqueue_dma source(%dma_start3A_79 : memref<40xi32, #tpu.memory_space<hbm>>) target(%arg10 : memref<40xi32, #tpu.memory_space<vmem>>) target_semaphore(%arg13 : memref<!tpu.dma_semaphore, #tpu.memory_space<semaphore_mem>>)
      %add3A_80 = arith.constant 640000 : i32
      %add3A_81 = arith.addi %add3A_80, %add3A_60 : i32
      "tpu.region"() ({
        %run_scoped3A = tpu.sem_alloc : memref<!tpu.dma_semaphore, #tpu.memory_space<semaphore_mem>>
        %dma_start3A_151 = arith.constant 0 : i32
        %dma_start3A_152 = tpu.memref_slice %arg2[%add3A_81, %dma_start3A_151] : memref<960000x128xf32, #tpu.memory_space<hbm>> -> memref<200x128xf32, #tpu.memory_space<hbm>>
        %dma_start3A_153 = arith.constant 0 : i32
        %dma_start3A_154 = tpu.memref_slice %arg2[%add3A_81, %dma_start3A_153] : memref<960000x128xf32, #tpu.memory_space<hbm>> -> memref<200x128xf32, #tpu.memory_space<hbm>>
        tpu.enqueue_dma source(%dma_start3A_154 : memref<200x128xf32, #tpu.memory_space<hbm>>) target(%arg11 : memref<200x128xf32, #tpu.memory_space<vmem>>) target_semaphore(%run_scoped3A : memref<!tpu.dma_semaphore, #tpu.memory_space<semaphore_mem>>)
        %dma_wait3A_155 = arith.constant 0 : i32
        %dma_wait3A_156 = tpu.memref_slice %arg2[%add3A_81, %dma_wait3A_155] : memref<960000x128xf32, #tpu.memory_space<hbm>> -> memref<200x128xf32, #tpu.memory_space<hbm>>
        %dma_wait3A_157 = arith.constant 0 : i32
        %dma_wait3A_158 = tpu.memref_slice %arg2[%add3A_81, %dma_wait3A_157] : memref<960000x128xf32, #tpu.memory_space<hbm>> -> memref<200x128xf32, #tpu.memory_space<hbm>>
        tpu.wait_dma2 semaphore(%run_scoped3A : memref<!tpu.dma_semaphore, #tpu.memory_space<semaphore_mem>>) src(%dma_wait3A_158 : memref<200x128xf32, #tpu.memory_space<hbm>>) dst(%arg11 : memref<200x128xf32, #tpu.memory_space<vmem>>)
        tpu.yield
      }) : () -> ()
      %dma_wait3A = tpu.memref_slice %arg3[%add3A_62] : memref<320000xi32, #tpu.memory_space<hbm>> -> memref<40xi32, #tpu.memory_space<hbm>>
      %dma_wait3A_82 = tpu.memref_slice %arg3[%add3A_62] : memref<320000xi32, #tpu.memory_space<hbm>> -> memref<40xi32, #tpu.memory_space<hbm>>
      tpu.wait_dma2 semaphore(%arg13 : memref<!tpu.dma_semaphore, #tpu.memory_space<semaphore_mem>>) src(%dma_wait3A_82 : memref<40xi32, #tpu.memory_space<hbm>>) dst(%arg6 : memref<40xi32, #tpu.memory_space<vmem>>)
      %dma_wait3A_83 = tpu.memref_slice %arg3[%add3A_65] : memref<320000xi32, #tpu.memory_space<hbm>> -> memref<40xi32, #tpu.memory_space<hbm>>
      %dma_wait3A_84 = tpu.memref_slice %arg3[%add3A_65] : memref<320000xi32, #tpu.memory_space<hbm>> -> memref<40xi32, #tpu.memory_space<hbm>>
      tpu.wait_dma2 semaphore(%arg13 : memref<!tpu.dma_semaphore, #tpu.memory_space<semaphore_mem>>) src(%dma_wait3A_84 : memref<40xi32, #tpu.memory_space<hbm>>) dst(%arg7 : memref<40xi32, #tpu.memory_space<vmem>>)
      %dma_wait3A_85 = tpu.memref_slice %arg3[%add3A_69] : memref<320000xi32, #tpu.memory_space<hbm>> -> memref<40xi32, #tpu.memory_space<hbm>>
      %dma_wait3A_86 = tpu.memref_slice %arg3[%add3A_69] : memref<320000xi32, #tpu.memory_space<hbm>> -> memref<40xi32, #tpu.memory_space<hbm>>
      tpu.wait_dma2 semaphore(%arg13 : memref<!tpu.dma_semaphore, #tpu.memory_space<semaphore_mem>>) src(%dma_wait3A_86 : memref<40xi32, #tpu.memory_space<hbm>>) dst(%arg8 : memref<40xi32, #tpu.memory_space<vmem>>)
      %dma_wait3A_87 = tpu.memref_slice %arg3[%add3A_73] : memref<320000xi32, #tpu.memory_space<hbm>> -> memref<40xi32, #tpu.memory_space<hbm>>
      %dma_wait3A_88 = tpu.memref_slice %arg3[%add3A_73] : memref<320000xi32, #tpu.memory_space<hbm>> -> memref<40xi32, #tpu.memory_space<hbm>>
      tpu.wait_dma2 semaphore(%arg13 : memref<!tpu.dma_semaphore, #tpu.memory_space<semaphore_mem>>) src(%dma_wait3A_88 : memref<40xi32, #tpu.memory_space<hbm>>) dst(%arg9 : memref<40xi32, #tpu.memory_space<vmem>>)
      %dma_wait3A_89 = tpu.memref_slice %arg3[%add3A_77] : memref<320000xi32, #tpu.memory_space<hbm>> -> memref<40xi32, #tpu.memory_space<hbm>>
      %dma_wait3A_90 = tpu.memref_slice %arg3[%add3A_77] : memref<320000xi32, #tpu.memory_space<hbm>> -> memref<40xi32, #tpu.memory_space<hbm>>
      tpu.wait_dma2 semaphore(%arg13 : memref<!tpu.dma_semaphore, #tpu.memory_space<semaphore_mem>>) src(%dma_wait3A_90 : memref<40xi32, #tpu.memory_space<hbm>>) dst(%arg10 : memref<40xi32, #tpu.memory_space<vmem>>)
      %dma_start3A_91 = arith.constant 0 : i32
      %dma_start3A_92 = arith.constant 0 : i32
      %dma_start3A_93 = tpu.memref_slice %arg11[%dma_start3A_91, %dma_start3A_92] : memref<200x128xf32, #tpu.memory_space<vmem>> -> memref<40x128xf32, #tpu.memory_space<vmem>>
      %dma_start3A_94 = arith.constant 0 : i32
      %dma_start3A_95 = arith.constant 0 : i32
      %dma_start3A_96 = tpu.memref_slice %arg12[%dma_start3A_94, %dma_start3A_95] : memref<10000x128xf32, #tpu.memory_space<vmem_shared>> -> memref<10000x128xf32, #tpu.memory_space<vmem_shared>>
      tpu.enqueue_indirect_dma source(%dma_start3A_93 : memref<40x128xf32, #tpu.memory_space<vmem>>) target(%dma_start3A_96 : memref<10000x128xf32, #tpu.memory_space<vmem_shared>>) offsets(%arg6 : memref<40xi32, #tpu.memory_space<vmem>>) semaphore(%arg14 : memref<!tpu.dma_semaphore, #tpu.memory_space<semaphore_mem>>) {add = true}
      %dma_start3A_97 = arith.constant 40 : i32
      %dma_start3A_98 = arith.constant 0 : i32
      %dma_start3A_99 = tpu.memref_slice %arg11[%dma_start3A_97, %dma_start3A_98] : memref<200x128xf32, #tpu.memory_space<vmem>> -> memref<40x128xf32, #tpu.memory_space<vmem>>
      %dma_start3A_100 = arith.constant 0 : i32
      %dma_start3A_101 = arith.constant 0 : i32
      %dma_start3A_102 = tpu.memref_slice %arg12[%dma_start3A_100, %dma_start3A_101] : memref<10000x128xf32, #tpu.memory_space<vmem_shared>> -> memref<10000x128xf32, #tpu.memory_space<vmem_shared>>
      tpu.enqueue_indirect_dma source(%dma_start3A_99 : memref<40x128xf32, #tpu.memory_space<vmem>>) target(%dma_start3A_102 : memref<10000x128xf32, #tpu.memory_space<vmem_shared>>) offsets(%arg7 : memref<40xi32, #tpu.memory_space<vmem>>) semaphore(%arg14 : memref<!tpu.dma_semaphore, #tpu.memory_space<semaphore_mem>>) {add = true}
      %dma_start3A_103 = arith.constant 80 : i32
      %dma_start3A_104 = arith.constant 0 : i32
      %dma_start3A_105 = tpu.memref_slice %arg11[%dma_start3A_103, %dma_start3A_104] : memref<200x128xf32, #tpu.memory_space<vmem>> -> memref<40x128xf32, #tpu.memory_space<vmem>>
      %dma_start3A_106 = arith.constant 0 : i32
      %dma_start3A_107 = arith.constant 0 : i32
      %dma_start3A_108 = tpu.memref_slice %arg12[%dma_start3A_106, %dma_start3A_107] : memref<10000x128xf32, #tpu.memory_space<vmem_shared>> -> memref<10000x128xf32, #tpu.memory_space<vmem_shared>>
      tpu.enqueue_indirect_dma source(%dma_start3A_105 : memref<40x128xf32, #tpu.memory_space<vmem>>) target(%dma_start3A_108 : memref<10000x128xf32, #tpu.memory_space<vmem_shared>>) offsets(%arg8 : memref<40xi32, #tpu.memory_space<vmem>>) semaphore(%arg14 : memref<!tpu.dma_semaphore, #tpu.memory_space<semaphore_mem>>) {add = true}
      %dma_start3A_109 = arith.constant 120 : i32
      %dma_start3A_110 = arith.constant 0 : i32
      %dma_start3A_111 = tpu.memref_slice %arg11[%dma_start3A_109, %dma_start3A_110] : memref<200x128xf32, #tpu.memory_space<vmem>> -> memref<40x128xf32, #tpu.memory_space<vmem>>
      %dma_start3A_112 = arith.constant 0 : i32
      %dma_start3A_113 = arith.constant 0 : i32
      %dma_start3A_114 = tpu.memref_slice %arg12[%dma_start3A_112, %dma_start3A_113] : memref<10000x128xf32, #tpu.memory_space<vmem_shared>> -> memref<10000x128xf32, #tpu.memory_space<vmem_shared>>
      tpu.enqueue_indirect_dma source(%dma_start3A_111 : memref<40x128xf32, #tpu.memory_space<vmem>>) target(%dma_start3A_114 : memref<10000x128xf32, #tpu.memory_space<vmem_shared>>) offsets(%arg9 : memref<40xi32, #tpu.memory_space<vmem>>) semaphore(%arg14 : memref<!tpu.dma_semaphore, #tpu.memory_space<semaphore_mem>>) {add = true}
      %dma_start3A_115 = arith.constant 160 : i32
      %dma_start3A_116 = arith.constant 0 : i32
      %dma_start3A_117 = tpu.memref_slice %arg11[%dma_start3A_115, %dma_start3A_116] : memref<200x128xf32, #tpu.memory_space<vmem>> -> memref<40x128xf32, #tpu.memory_space<vmem>>
      %dma_start3A_118 = arith.constant 0 : i32
      %dma_start3A_119 = arith.constant 0 : i32
      %dma_start3A_120 = tpu.memref_slice %arg12[%dma_start3A_118, %dma_start3A_119] : memref<10000x128xf32, #tpu.memory_space<vmem_shared>> -> memref<10000x128xf32, #tpu.memory_space<vmem_shared>>
      tpu.enqueue_indirect_dma source(%dma_start3A_117 : memref<40x128xf32, #tpu.memory_space<vmem>>) target(%dma_start3A_120 : memref<10000x128xf32, #tpu.memory_space<vmem_shared>>) offsets(%arg10 : memref<40xi32, #tpu.memory_space<vmem>>) semaphore(%arg14 : memref<!tpu.dma_semaphore, #tpu.memory_space<semaphore_mem>>) {add = true}
      %dma_wait3A_121 = arith.constant 0 : i32
      %dma_wait3A_122 = arith.constant 0 : i32
      %dma_wait3A_123 = tpu.memref_slice %arg11[%dma_wait3A_121, %dma_wait3A_122] : memref<200x128xf32, #tpu.memory_space<vmem>> -> memref<40x128xf32, #tpu.memory_space<vmem>>
      %dma_wait3A_124 = arith.constant 0 : i32
      %dma_wait3A_125 = arith.constant 0 : i32
      %dma_wait3A_126 = tpu.memref_slice %arg12[%dma_wait3A_124, %dma_wait3A_125] : memref<10000x128xf32, #tpu.memory_space<vmem_shared>> -> memref<10000x128xf32, #tpu.memory_space<vmem_shared>>
      tpu.wait_indirect_dma semaphore(%arg14 : memref<!tpu.dma_semaphore, #tpu.memory_space<semaphore_mem>>) src(%dma_wait3A_123 : memref<40x128xf32, #tpu.memory_space<vmem>>) dst(%dma_wait3A_126 : memref<10000x128xf32, #tpu.memory_space<vmem_shared>>)
      %dma_wait3A_127 = arith.constant 40 : i32
      %dma_wait3A_128 = arith.constant 0 : i32
      %dma_wait3A_129 = tpu.memref_slice %arg11[%dma_wait3A_127, %dma_wait3A_128] : memref<200x128xf32, #tpu.memory_space<vmem>> -> memref<40x128xf32, #tpu.memory_space<vmem>>
      %dma_wait3A_130 = arith.constant 0 : i32
      %dma_wait3A_131 = arith.constant 0 : i32
      %dma_wait3A_132 = tpu.memref_slice %arg12[%dma_wait3A_130, %dma_wait3A_131] : memref<10000x128xf32, #tpu.memory_space<vmem_shared>> -> memref<10000x128xf32, #tpu.memory_space<vmem_shared>>
      tpu.wait_indirect_dma semaphore(%arg14 : memref<!tpu.dma_semaphore, #tpu.memory_space<semaphore_mem>>) src(%dma_wait3A_129 : memref<40x128xf32, #tpu.memory_space<vmem>>) dst(%dma_wait3A_132 : memref<10000x128xf32, #tpu.memory_space<vmem_shared>>)
      %dma_wait3A_133 = arith.constant 80 : i32
      %dma_wait3A_134 = arith.constant 0 : i32
      %dma_wait3A_135 = tpu.memref_slice %arg11[%dma_wait3A_133, %dma_wait3A_134] : memref<200x128xf32, #tpu.memory_space<vmem>> -> memref<40x128xf32, #tpu.memory_space<vmem>>
      %dma_wait3A_136 = arith.constant 0 : i32
      %dma_wait3A_137 = arith.constant 0 : i32
      %dma_wait3A_138 = tpu.memref_slice %arg12[%dma_wait3A_136, %dma_wait3A_137] : memref<10000x128xf32, #tpu.memory_space<vmem_shared>> -> memref<10000x128xf32, #tpu.memory_space<vmem_shared>>
      tpu.wait_indirect_dma semaphore(%arg14 : memref<!tpu.dma_semaphore, #tpu.memory_space<semaphore_mem>>) src(%dma_wait3A_135 : memref<40x128xf32, #tpu.memory_space<vmem>>) dst(%dma_wait3A_138 : memref<10000x128xf32, #tpu.memory_space<vmem_shared>>)
      %dma_wait3A_139 = arith.constant 120 : i32
      %dma_wait3A_140 = arith.constant 0 : i32
      %dma_wait3A_141 = tpu.memref_slice %arg11[%dma_wait3A_139, %dma_wait3A_140] : memref<200x128xf32, #tpu.memory_space<vmem>> -> memref<40x128xf32, #tpu.memory_space<vmem>>
      %dma_wait3A_142 = arith.constant 0 : i32
      %dma_wait3A_143 = arith.constant 0 : i32
      %dma_wait3A_144 = tpu.memref_slice %arg12[%dma_wait3A_142, %dma_wait3A_143] : memref<10000x128xf32, #tpu.memory_space<vmem_shared>> -> memref<10000x128xf32, #tpu.memory_space<vmem_shared>>
      tpu.wait_indirect_dma semaphore(%arg14 : memref<!tpu.dma_semaphore, #tpu.memory_space<semaphore_mem>>) src(%dma_wait3A_141 : memref<40x128xf32, #tpu.memory_space<vmem>>) dst(%dma_wait3A_144 : memref<10000x128xf32, #tpu.memory_space<vmem_shared>>)
      %dma_wait3A_145 = arith.constant 160 : i32
      %dma_wait3A_146 = arith.constant 0 : i32
      %dma_wait3A_147 = tpu.memref_slice %arg11[%dma_wait3A_145, %dma_wait3A_146] : memref<200x128xf32, #tpu.memory_space<vmem>> -> memref<40x128xf32, #tpu.memory_space<vmem>>
      %dma_wait3A_148 = arith.constant 0 : i32
      %dma_wait3A_149 = arith.constant 0 : i32
      %dma_wait3A_150 = tpu.memref_slice %arg12[%dma_wait3A_148, %dma_wait3A_149] : memref<10000x128xf32, #tpu.memory_space<vmem_shared>> -> memref<10000x128xf32, #tpu.memory_space<vmem_shared>>
      tpu.wait_indirect_dma semaphore(%arg14 : memref<!tpu.dma_semaphore, #tpu.memory_space<semaphore_mem>>) src(%dma_wait3A_147 : memref<40x128xf32, #tpu.memory_space<vmem>>) dst(%dma_wait3A_150 : memref<10000x128xf32, #tpu.memory_space<vmem_shared>>)
    }
    %scan3A_49 = arith.constant 50 : i32
    %barrier3A_50 = arith.constant 0 : index
    tpu.barrier barrier_id(%barrier3A_50)
    %lt3A_51 = arith.constant 10 : i32
    %lt3A_52 = arith.cmpi slt, %arg1, %lt3A_51 : i32
    %convert_element_type3A_53 = arith.extui %lt3A_52 : i1 to i32
    %cond3A_54 = arith.constant 0 : i32
    %cond3A_55 = arith.cmpi ne, %convert_element_type3A_53, %cond3A_54 : i32
    scf.if %cond3A_55 {
      %add3A_57 = arith.constant 4 : i32
      %add3A_58 = arith.addi %add3A_57, %arg0 : i32
      %mul3A_59 = arith.constant 10000 : i32
      %mul3A_60 = arith.muli %add3A_58, %mul3A_59 : i32
      %add3A_61 = arith.addi %mul3A_60, %mul3A_4 : i32
      "tpu.region"() ({
        %run_scoped3A = tpu.sem_alloc : memref<!tpu.dma_semaphore, #tpu.memory_space<semaphore_mem>>
        %dma_start3A = arith.constant 0 : i32
        %dma_start3A_62 = tpu.memref_slice %arg5[%add3A_61, %dma_start3A] : memref<60000x128xf32, #tpu.memory_space<hbm>> -> memref<1000x128xf32, #tpu.memory_space<hbm>>
        %dma_start3A_63 = arith.constant 0 : i32
        %dma_start3A_64 = tpu.memref_slice %arg12[%mul3A_4, %dma_start3A_63] : memref<10000x128xf32, #tpu.memory_space<vmem_shared>> -> memref<1000x128xf32, #tpu.memory_space<vmem_shared>>
        tpu.enqueue_dma source(%dma_start3A_64 : memref<1000x128xf32, #tpu.memory_space<vmem_shared>>) target(%dma_start3A_62 : memref<1000x128xf32, #tpu.memory_space<hbm>>) target_semaphore(%run_scoped3A : memref<!tpu.dma_semaphore, #tpu.memory_space<semaphore_mem>>)
        %dma_wait3A = arith.constant 0 : i32
        %dma_wait3A_65 = tpu.memref_slice %arg5[%add3A_61, %dma_wait3A] : memref<60000x128xf32, #tpu.memory_space<hbm>> -> memref<1000x128xf32, #tpu.memory_space<hbm>>
        %dma_wait3A_66 = arith.constant 0 : i32
        %dma_wait3A_67 = tpu.memref_slice %arg12[%mul3A_4, %dma_wait3A_66] : memref<10000x128xf32, #tpu.memory_space<vmem_shared>> -> memref<1000x128xf32, #tpu.memory_space<vmem_shared>>
        tpu.wait_dma2 semaphore(%run_scoped3A : memref<!tpu.dma_semaphore, #tpu.memory_space<semaphore_mem>>) src(%dma_wait3A_67 : memref<1000x128xf32, #tpu.memory_space<vmem_shared>>) dst(%dma_wait3A_65 : memref<1000x128xf32, #tpu.memory_space<hbm>>)
        tpu.yield
      }) : () -> ()
    } else {
    }
    %barrier3A_56 = arith.constant 0 : index
    tpu.barrier barrier_id(%barrier3A_56)
    return
  }
}

module attributes {stable_mosaic.version = 14 : i64} {
  func.func @_edge_mlp_body(%arg0: i32, %arg1: i32, %arg2: memref<8000x18xf32, #tpu.memory_space<vmem>>, %arg3: memref<1x18x128xf32, #tpu.memory_space<vmem>>, %arg4: memref<1x1x128xf32, #tpu.memory_space<vmem>>, %arg5: memref<1x128x128xf32, #tpu.memory_space<vmem>>, %arg6: memref<1x1x128xf32, #tpu.memory_space<vmem>>, %arg7: memref<8000x128xf32, #tpu.memory_space<vmem>>) attributes {dimension_semantics = [#tpu.dimension_semantics<arbitrary>, #tpu.dimension_semantics<arbitrary>], iteration_bounds = array<i64: 3, 40>, scalar_prefetch = 0 : i64, scratch_operands = 0 : i64, tpu.core_type = #tpu.core_type<tc>, window_params = [{transform_indices = @transform_0, window_bounds = array<i64: 8000, 18>}, {transform_indices = @transform_1, window_bounds = array<i64: 1, 18, 128>}, {transform_indices = @transform_2, window_bounds = array<i64: 1, 1, 128>}, {transform_indices = @transform_3, window_bounds = array<i64: 1, 128, 128>}, {transform_indices = @transform_4, window_bounds = array<i64: 1, 1, 128>}, {transform_indices = @transform_5, window_bounds = array<i64: 8000, 128>}]} {
    %get3A = arith.constant 0 : index
    %get3A_0 = arith.constant 0 : index
    %get3A_1 = vector.load %arg2[%get3A, %get3A_0] : memref<8000x18xf32, #tpu.memory_space<vmem>>, vector<8000x18xf32>
    %get3A_2 = arith.constant 0 : index
    %get3A_3 = arith.constant 0 : index
    %get3A_4 = arith.constant 0 : index
    %get3A_5 = vector.load %arg3[%get3A_2, %get3A_3, %get3A_4] : memref<1x18x128xf32, #tpu.memory_space<vmem>>, vector<1x18x128xf32>
    %get3A_6 = vector.shape_cast %get3A_5 : vector<1x18x128xf32> to vector<18x128xf32>
    %dot_general3A = arith.constant dense<0.000000e+00> : vector<8000x128xf32>
    %dot_general3A_7 = tpu.matmul %get3A_1, %get3A_6, %dot_general3A {dimension_numbers = #tpu.dot_dimension_numbers<[1], [0], [0], [1], [0, 0, 1, 1], [], []>, transpose_lhs_hint = false} : vector<8000x18xf32>, vector<18x128xf32>, vector<8000x128xf32> -> vector<8000x128xf32>
    %get3A_8 = arith.constant 0 : index
    %get3A_9 = arith.constant 0 : index
    %get3A_10 = arith.constant 0 : index
    %get3A_11 = vector.load %arg4[%get3A_8, %get3A_9, %get3A_10] : memref<1x1x128xf32, #tpu.memory_space<vmem>>, vector<1x1x128xf32>
    %get3A_12 = vector.shape_cast %get3A_11 : vector<1x1x128xf32> to vector<1x128xf32>
    %add3A = vector.broadcast %get3A_12 : vector<1x128xf32> to vector<8000x128xf32>
    %add3A_13 = arith.addf %dot_general3A_7, %add3A : vector<8000x128xf32>
    %gt3A = arith.constant 0.000000e+00 : f32
    %gt3A_14 = vector.broadcast %gt3A : f32 to vector<8000x128xf32>
    %gt3A_15 = arith.cmpf ogt, %add3A_13, %gt3A_14 : vector<8000x128xf32>
    %mul3A = arith.constant 1.000000e-01 : f32
    %mul3A_16 = vector.broadcast %mul3A : f32 to vector<8000x128xf32>
    %mul3A_17 = arith.mulf %mul3A_16, %add3A_13 : vector<8000x128xf32>
    %select_n3A = arith.select %gt3A_15, %add3A_13, %mul3A_17 : vector<8000x128xi1>, vector<8000x128xf32>
    %get3A_18 = arith.constant 0 : index
    %get3A_19 = arith.constant 0 : index
    %get3A_20 = arith.constant 0 : index
    %get3A_21 = vector.load %arg5[%get3A_18, %get3A_19, %get3A_20] : memref<1x128x128xf32, #tpu.memory_space<vmem>>, vector<1x128x128xf32>
    %get3A_22 = vector.shape_cast %get3A_21 : vector<1x128x128xf32> to vector<128x128xf32>
    %dot_general3A_23 = arith.constant dense<0.000000e+00> : vector<8000x128xf32>
    %dot_general3A_24 = tpu.matmul %select_n3A, %get3A_22, %dot_general3A_23 {dimension_numbers = #tpu.dot_dimension_numbers<[1], [0], [0], [1], [0, 0, 1, 1], [], []>, transpose_lhs_hint = false} : vector<8000x128xf32>, vector<128x128xf32>, vector<8000x128xf32> -> vector<8000x128xf32>
    %get3A_25 = arith.constant 0 : index
    %get3A_26 = arith.constant 0 : index
    %get3A_27 = arith.constant 0 : index
    %get3A_28 = vector.load %arg6[%get3A_25, %get3A_26, %get3A_27] : memref<1x1x128xf32, #tpu.memory_space<vmem>>, vector<1x1x128xf32>
    %get3A_29 = vector.shape_cast %get3A_28 : vector<1x1x128xf32> to vector<1x128xf32>
    %add3A_30 = vector.broadcast %get3A_29 : vector<1x128xf32> to vector<8000x128xf32>
    %add3A_31 = arith.addf %dot_general3A_24, %add3A_30 : vector<8000x128xf32>
    %swap3A = arith.constant 0 : index
    %swap3A_32 = arith.constant 0 : index
    %swap3A_33 = vector.load %arg7[%swap3A, %swap3A_32] : memref<8000x128xf32, #tpu.memory_space<vmem>>, vector<8000x128xf32>
    tpu.vector_store %arg7[%swap3A, %swap3A_32], %add3A_31 {strides = array<i32>} : memref<8000x128xf32, #tpu.memory_space<vmem>>, vector<8000x128xf32>,
    return
  }
  func.func @transform_0(%arg0: i32, %arg1: i32) -> (i32, i32) {
    %c0_i32 = arith.constant 0 : i32
    %c0_i32_0 = arith.constant 0 : i32
    return %arg1, %c0_i32 : i32, i32
  }
  func.func @transform_1(%arg0: i32, %arg1: i32) -> (i32, i32, i32) {
    %c0_i32 = arith.constant 0 : i32
    %c0_i32_0 = arith.constant 0 : i32
    %c0_i32_1 = arith.constant 0 : i32
    return %arg0, %c0_i32, %c0_i32_0 : i32, i32, i32
  }
  func.func @transform_2(%arg0: i32, %arg1: i32) -> (i32, i32, i32) {
    %c0_i32 = arith.constant 0 : i32
    %c0_i32_0 = arith.constant 0 : i32
    %c0_i32_1 = arith.constant 0 : i32
    return %arg0, %c0_i32, %c0_i32_0 : i32, i32, i32
  }
  func.func @transform_3(%arg0: i32, %arg1: i32) -> (i32, i32, i32) {
    %c0_i32 = arith.constant 0 : i32
    %c0_i32_0 = arith.constant 0 : i32
    %c0_i32_1 = arith.constant 0 : i32
    return %arg0, %c0_i32, %c0_i32_0 : i32, i32, i32
  }
  func.func @transform_4(%arg0: i32, %arg1: i32) -> (i32, i32, i32) {
    %c0_i32 = arith.constant 0 : i32
    %c0_i32_0 = arith.constant 0 : i32
    %c0_i32_1 = arith.constant 0 : i32
    return %arg0, %c0_i32, %c0_i32_0 : i32, i32, i32
  }
  func.func @transform_5(%arg0: i32, %arg1: i32) -> (i32, i32) {
    %mul3A = arith.constant 40 : i32
    %mul3A_0 = arith.muli %arg0, %mul3A : i32
    %add3A = arith.addi %mul3A_0, %arg1 : i32
    %c0_i32 = arith.constant 0 : i32
    %c0_i32_1 = arith.constant 0 : i32
    return %add3A, %c0_i32 : i32, i32
  }
}

module attributes {stable_mosaic.version = 14 : i64} {
  func.func @_node_mlp_body(%arg0: i32, %arg1: memref<1000x178xf32, #tpu.memory_space<vmem>>, %arg2: memref<178x128xf32, #tpu.memory_space<vmem>>, %arg3: memref<1x128xf32, #tpu.memory_space<vmem>>, %arg4: memref<128x128xf32, #tpu.memory_space<vmem>>, %arg5: memref<1x128xf32, #tpu.memory_space<vmem>>, %arg6: memref<1000x128xf32, #tpu.memory_space<vmem>>) attributes {dimension_semantics = [#tpu.dimension_semantics<arbitrary>], iteration_bounds = array<i64: 10>, scalar_prefetch = 0 : i64, scratch_operands = 0 : i64, tpu.core_type = #tpu.core_type<tc>, window_params = [{transform_indices = @transform_0, window_bounds = array<i64: 1000, 178>}, {pipeline_mode = #tpu.pipeline_mode<synchronous>, transform_indices = @transform_1, window_bounds = array<i64: 178, 128>}, {pipeline_mode = #tpu.pipeline_mode<synchronous>, transform_indices = @transform_2, window_bounds = array<i64: 1, 128>}, {pipeline_mode = #tpu.pipeline_mode<synchronous>, transform_indices = @transform_3, window_bounds = array<i64: 128, 128>}, {pipeline_mode = #tpu.pipeline_mode<synchronous>, transform_indices = @transform_4, window_bounds = array<i64: 1, 128>}, {transform_indices = @transform_5, window_bounds = array<i64: 1000, 128>}]} {
    %get3A = arith.constant 0 : index
    %get3A_0 = arith.constant 0 : index
    %get3A_1 = vector.load %arg1[%get3A, %get3A_0] : memref<1000x178xf32, #tpu.memory_space<vmem>>, vector<1000x178xf32>
    %get3A_2 = arith.constant 0 : index
    %get3A_3 = arith.constant 0 : index
    %get3A_4 = vector.load %arg2[%get3A_2, %get3A_3] : memref<178x128xf32, #tpu.memory_space<vmem>>, vector<178x128xf32>
    %dot_general3A = arith.constant dense<0.000000e+00> : vector<1000x128xf32>
    %dot_general3A_5 = tpu.matmul %get3A_1, %get3A_4, %dot_general3A {dimension_numbers = #tpu.dot_dimension_numbers<[1], [0], [0], [1], [0, 0, 1, 1], [], []>, transpose_lhs_hint = false} : vector<1000x178xf32>, vector<178x128xf32>, vector<1000x128xf32> -> vector<1000x128xf32>
    %get3A_6 = arith.constant 0 : index
    %get3A_7 = arith.constant 0 : index
    %get3A_8 = vector.load %arg3[%get3A_6, %get3A_7] : memref<1x128xf32, #tpu.memory_space<vmem>>, vector<1x128xf32>
    %add3A = vector.broadcast %get3A_8 : vector<1x128xf32> to vector<1000x128xf32>
    %add3A_9 = arith.addf %dot_general3A_5, %add3A : vector<1000x128xf32>
    %gt3A = arith.constant 0.000000e+00 : f32
    %gt3A_10 = vector.broadcast %gt3A : f32 to vector<1000x128xf32>
    %gt3A_11 = arith.cmpf ogt, %add3A_9, %gt3A_10 : vector<1000x128xf32>
    %mul3A = arith.constant 1.000000e-01 : f32
    %mul3A_12 = vector.broadcast %mul3A : f32 to vector<1000x128xf32>
    %mul3A_13 = arith.mulf %mul3A_12, %add3A_9 : vector<1000x128xf32>
    %select_n3A = arith.select %gt3A_11, %add3A_9, %mul3A_13 : vector<1000x128xi1>, vector<1000x128xf32>
    %get3A_14 = arith.constant 0 : index
    %get3A_15 = arith.constant 0 : index
    %get3A_16 = vector.load %arg4[%get3A_14, %get3A_15] : memref<128x128xf32, #tpu.memory_space<vmem>>, vector<128x128xf32>
    %dot_general3A_17 = arith.constant dense<0.000000e+00> : vector<1000x128xf32>
    %dot_general3A_18 = tpu.matmul %select_n3A, %get3A_16, %dot_general3A_17 {dimension_numbers = #tpu.dot_dimension_numbers<[1], [0], [0], [1], [0, 0, 1, 1], [], []>, transpose_lhs_hint = false} : vector<1000x128xf32>, vector<128x128xf32>, vector<1000x128xf32> -> vector<1000x128xf32>
    %get3A_19 = arith.constant 0 : index
    %get3A_20 = arith.constant 0 : index
    %get3A_21 = vector.load %arg5[%get3A_19, %get3A_20] : memref<1x128xf32, #tpu.memory_space<vmem>>, vector<1x128xf32>
    %add3A_22 = vector.broadcast %get3A_21 : vector<1x128xf32> to vector<1000x128xf32>
    %add3A_23 = arith.addf %dot_general3A_18, %add3A_22 : vector<1000x128xf32>
    %swap3A = arith.constant 0 : index
    %swap3A_24 = arith.constant 0 : index
    %swap3A_25 = vector.load %arg6[%swap3A, %swap3A_24] : memref<1000x128xf32, #tpu.memory_space<vmem>>, vector<1000x128xf32>
    tpu.vector_store %arg6[%swap3A, %swap3A_24], %add3A_23 {strides = array<i32>} : memref<1000x128xf32, #tpu.memory_space<vmem>>, vector<1000x128xf32>,
    return
  }
  func.func @transform_0(%arg0: i32) -> (i32, i32) {
    %c0_i32 = arith.constant 0 : i32
    %c0_i32_0 = arith.constant 0 : i32
    return %arg0, %c0_i32 : i32, i32
  }
  func.func @transform_1(%arg0: i32) -> (i32, i32) {
    %c0_i32 = arith.constant 0 : i32
    %c0_i32_0 = arith.constant 0 : i32
    %c0_i32_1 = arith.constant 0 : i32
    return %c0_i32, %c0_i32_0 : i32, i32
  }
  func.func @transform_2(%arg0: i32) -> (i32, i32) {
    %c0_i32 = arith.constant 0 : i32
    %c0_i32_0 = arith.constant 0 : i32
    %c0_i32_1 = arith.constant 0 : i32
    return %c0_i32, %c0_i32_0 : i32, i32
  }
  func.func @transform_3(%arg0: i32) -> (i32, i32) {
    %c0_i32 = arith.constant 0 : i32
    %c0_i32_0 = arith.constant 0 : i32
    %c0_i32_1 = arith.constant 0 : i32
    return %c0_i32, %c0_i32_0 : i32, i32
  }
  func.func @transform_4(%arg0: i32) -> (i32, i32) {
    %c0_i32 = arith.constant 0 : i32
    %c0_i32_0 = arith.constant 0 : i32
    %c0_i32_1 = arith.constant 0 : i32
    return %c0_i32, %c0_i32_0 : i32, i32
  }
  func.func @transform_5(%arg0: i32) -> (i32, i32) {
    %c0_i32 = arith.constant 0 : i32
    %c0_i32_0 = arith.constant 0 : i32
    return %arg0, %c0_i32 : i32, i32
  }
}

module attributes {stable_mosaic.version = 14 : i64} {
  func.func @_dense1_body(%arg0: i32, %arg1: memref<2x1000x128xf32, #tpu.memory_space<vmem>>, %arg2: memref<1000x128xf32, #tpu.memory_space<vmem>>, %arg3: memref<1x2x1000x128xf32, #tpu.memory_space<vmem>>, %arg4: memref<1x128x128xf32, #tpu.memory_space<vmem>>, %arg5: memref<1x1x128xf32, #tpu.memory_space<vmem>>, %arg6: memref<1x1x128xf32, #tpu.memory_space<vmem>>, %arg7: memref<1x128x256xf32, #tpu.memory_space<vmem>>, %arg8: memref<1x1x256xf32, #tpu.memory_space<vmem>>, %arg9: memref<1x256x128xf32, #tpu.memory_space<vmem>>, %arg10: memref<1x1x128xf32, #tpu.memory_space<vmem>>, %arg11: memref<1000x128xf32, #tpu.memory_space<vmem>>, %arg12: memref<8x128xf32, #tpu.memory_space<vmem>>, %arg13: memref<8x128xf32, #tpu.memory_space<vmem>>) attributes {dimension_semantics = [#tpu.dimension_semantics<arbitrary>], iteration_bounds = array<i64: 10>, scalar_prefetch = 0 : i64, scratch_operands = 1 : i64, tpu.core_type = #tpu.core_type<tc>, window_params = [{transform_indices = @transform_0, window_bounds = array<i64: 2, 1000, 128>}, {transform_indices = @transform_1, window_bounds = array<i64: 1000, 128>}, {transform_indices = @transform_2, window_bounds = array<i64: 1, 2, 1000, 128>}, {transform_indices = @transform_3, window_bounds = array<i64: 1, 128, 128>}, {transform_indices = @transform_4, window_bounds = array<i64: 1, 1, 128>}, {transform_indices = @transform_5, window_bounds = array<i64: 1, 1, 128>}, {transform_indices = @transform_6, window_bounds = array<i64: 1, 128, 256>}, {transform_indices = @transform_7, window_bounds = array<i64: 1, 1, 256>}, {transform_indices = @transform_8, window_bounds = array<i64: 1, 256, 128>}, {transform_indices = @transform_9, window_bounds = array<i64: 1, 1, 128>}, {transform_indices = @transform_10, window_bounds = array<i64: 1000, 128>}, {pipeline_mode = #tpu.pipeline_mode<synchronous>, transform_indices = @transform_11, window_bounds = array<i64: 8, 128>}]} {
    %eq3A = arith.constant 0 : i32
    %eq3A_0 = arith.cmpi eq, %arg0, %eq3A : i32
    %convert_element_type3A = arith.extui %eq3A_0 : i1 to i32
    %cond3A = arith.constant 0 : i32
    %cond3A_1 = arith.cmpi ne, %convert_element_type3A, %cond3A : i32
    scf.if %cond3A_1 {
      %broadcast_in_dim3A_108 = arith.constant 0.000000e+00 : f32
      %broadcast_in_dim3A_109 = vector.broadcast %broadcast_in_dim3A_108 : f32 to vector<8x128xf32>
      %swap3A_110 = arith.constant 0 : index
      %swap3A_111 = arith.constant 0 : index
      %swap3A_112 = vector.load %arg13[%swap3A_110, %swap3A_111] : memref<8x128xf32, #tpu.memory_space<vmem>>, vector<8x128xf32>
      tpu.vector_store %arg13[%swap3A_110, %swap3A_111], %broadcast_in_dim3A_109 {strides = array<i32>} : memref<8x128xf32, #tpu.memory_space<vmem>>, vector<8x128xf32>,
    } else {
    }
    %get3A = arith.constant 0 : index
    %get3A_2 = arith.constant 0 : index
    %get3A_3 = vector.load %arg2[%get3A, %get3A_2] : memref<1000x128xf32, #tpu.memory_space<vmem>>, vector<1000x128xf32>
    %get3A_4 = arith.constant 0 : index
    %get3A_5 = arith.constant 0 : index
    %get3A_6 = arith.constant 0 : index
    %get3A_7 = vector.load %arg1[%get3A_4, %get3A_5, %get3A_6] : memref<2x1000x128xf32, #tpu.memory_space<vmem>>, vector<1x1000x128xf32>
    %get3A_8 = vector.shape_cast %get3A_7 : vector<1x1000x128xf32> to vector<1000x128xf32>
    %get3A_9 = arith.constant 1 : index
    %get3A_10 = arith.constant 0 : index
    %get3A_11 = arith.constant 0 : index
    %get3A_12 = vector.load %arg1[%get3A_9, %get3A_10, %get3A_11] : memref<2x1000x128xf32, #tpu.memory_space<vmem>>, vector<1x1000x128xf32>
    %get3A_13 = vector.shape_cast %get3A_12 : vector<1x1000x128xf32> to vector<1000x128xf32>
    %add3A = arith.addf %get3A_8, %get3A_13 : vector<1000x128xf32>
    %get3A_14 = arith.constant 0 : index
    %get3A_15 = arith.constant 0 : index
    %get3A_16 = arith.constant 0 : index
    %get3A_17 = arith.constant 0 : index
    %get3A_18 = vector.load %arg3[%get3A_14, %get3A_15, %get3A_16, %get3A_17] : memref<1x2x1000x128xf32, #tpu.memory_space<vmem>>, vector<1x1x1000x128xf32>
    %get3A_19 = vector.shape_cast %get3A_18 : vector<1x1x1000x128xf32> to vector<1000x128xf32>
    %get3A_20 = arith.constant 0 : index
    %get3A_21 = arith.constant 1 : index
    %get3A_22 = arith.constant 0 : index
    %get3A_23 = arith.constant 0 : index
    %get3A_24 = vector.load %arg3[%get3A_20, %get3A_21, %get3A_22, %get3A_23] : memref<1x2x1000x128xf32, #tpu.memory_space<vmem>>, vector<1x1x1000x128xf32>
    %get3A_25 = vector.shape_cast %get3A_24 : vector<1x1x1000x128xf32> to vector<1000x128xf32>
    %add3A_26 = arith.addf %get3A_19, %get3A_25 : vector<1000x128xf32>
    %get3A_27 = arith.constant 0 : index
    %get3A_28 = arith.constant 0 : index
    %get3A_29 = arith.constant 0 : index
    %get3A_30 = vector.load %arg5[%get3A_27, %get3A_28, %get3A_29] : memref<1x1x128xf32, #tpu.memory_space<vmem>>, vector<1x1x128xf32>
    %get3A_31 = vector.shape_cast %get3A_30 : vector<1x1x128xf32> to vector<1x128xf32>
    %gt3A = arith.constant 0.000000e+00 : f32
    %gt3A_32 = vector.broadcast %gt3A : f32 to vector<1x128xf32>
    %gt3A_33 = arith.cmpf ogt, %get3A_31, %gt3A_32 : vector<1x128xf32>
    %mul3A = arith.constant 1.000000e-01 : f32
    %mul3A_34 = vector.broadcast %mul3A : f32 to vector<1x128xf32>
    %mul3A_35 = arith.mulf %mul3A_34, %get3A_31 : vector<1x128xf32>
    %select_n3A = arith.select %gt3A_33, %get3A_31, %mul3A_35 : vector<1x128xi1>, vector<1x128xf32>
    %get3A_36 = arith.constant 0 : index
    %get3A_37 = arith.constant 0 : index
    %get3A_38 = arith.constant 0 : index
    %get3A_39 = vector.load %arg4[%get3A_36, %get3A_37, %get3A_38] : memref<1x128x128xf32, #tpu.memory_space<vmem>>, vector<1x128x128xf32>
    %get3A_40 = vector.shape_cast %get3A_39 : vector<1x128x128xf32> to vector<128x128xf32>
    %dot_general3A = arith.constant dense<0.000000e+00> : vector<1x128xf32>
    %dot_general3A_41 = tpu.matmul %select_n3A, %get3A_40, %dot_general3A {dimension_numbers = #tpu.dot_dimension_numbers<[1], [0], [0], [1], [0, 0, 1, 1], [], []>, transpose_lhs_hint = false} : vector<1x128xf32>, vector<128x128xf32>, vector<1x128xf32> -> vector<1x128xf32>
    %get3A_42 = arith.constant 0 : index
    %get3A_43 = arith.constant 0 : index
    %get3A_44 = arith.constant 0 : index
    %get3A_45 = vector.load %arg6[%get3A_42, %get3A_43, %get3A_44] : memref<1x1x128xf32, #tpu.memory_space<vmem>>, vector<1x1x128xf32>
    %get3A_46 = vector.shape_cast %get3A_45 : vector<1x1x128xf32> to vector<1x128xf32>
    %add3A_47 = arith.addf %dot_general3A_41, %get3A_46 : vector<1x128xf32>
    %add3A_48 = arith.addf %add3A, %get3A_3 : vector<1000x128xf32>
    %add3A_49 = arith.addf %add3A_48, %add3A_26 : vector<1000x128xf32>
    %add3A_50 = vector.broadcast %add3A_47 : vector<1x128xf32> to vector<1000x128xf32>
    %add3A_51 = arith.addf %add3A_49, %add3A_50 : vector<1000x128xf32>
    %get3A_52 = arith.constant 0 : index
    %get3A_53 = arith.constant 0 : index
    %get3A_54 = arith.constant 0 : index
    %get3A_55 = vector.load %arg7[%get3A_52, %get3A_53, %get3A_54] : memref<1x128x256xf32, #tpu.memory_space<vmem>>, vector<1x128x256xf32>
    %get3A_56 = vector.shape_cast %get3A_55 : vector<1x128x256xf32> to vector<128x256xf32>
    %dot_general3A_57 = arith.constant dense<0.000000e+00> : vector<1000x256xf32>
    %dot_general3A_58 = tpu.matmul %add3A_51, %get3A_56, %dot_general3A_57 {dimension_numbers = #tpu.dot_dimension_numbers<[1], [0], [0], [1], [0, 0, 1, 1], [], []>, transpose_lhs_hint = false} : vector<1000x128xf32>, vector<128x256xf32>, vector<1000x256xf32> -> vector<1000x256xf32>
    %get3A_59 = arith.constant 0 : index
    %get3A_60 = arith.constant 0 : index
    %get3A_61 = arith.constant 0 : index
    %get3A_62 = vector.load %arg8[%get3A_59, %get3A_60, %get3A_61] : memref<1x1x256xf32, #tpu.memory_space<vmem>>, vector<1x1x256xf32>
    %get3A_63 = vector.shape_cast %get3A_62 : vector<1x1x256xf32> to vector<1x256xf32>
    %add3A_64 = vector.broadcast %get3A_63 : vector<1x256xf32> to vector<1000x256xf32>
    %add3A_65 = arith.addf %dot_general3A_58, %add3A_64 : vector<1000x256xf32>
    %max3A = arith.constant 0.000000e+00 : f32
    %max3A_66 = vector.broadcast %max3A : f32 to vector<1000x256xf32>
    %max3A_67 = arith.maximumf %add3A_65, %max3A_66 : vector<1000x256xf32>
    %get3A_68 = arith.constant 0 : index
    %get3A_69 = arith.constant 0 : index
    %get3A_70 = arith.constant 0 : index
    %get3A_71 = vector.load %arg9[%get3A_68, %get3A_69, %get3A_70] : memref<1x256x128xf32, #tpu.memory_space<vmem>>, vector<1x256x128xf32>
    %get3A_72 = vector.shape_cast %get3A_71 : vector<1x256x128xf32> to vector<256x128xf32>
    %dot_general3A_73 = arith.constant dense<0.000000e+00> : vector<1000x128xf32>
    %dot_general3A_74 = tpu.matmul %max3A_67, %get3A_72, %dot_general3A_73 {dimension_numbers = #tpu.dot_dimension_numbers<[1], [0], [0], [1], [0, 0, 1, 1], [], []>, transpose_lhs_hint = false} : vector<1000x256xf32>, vector<256x128xf32>, vector<1000x128xf32> -> vector<1000x128xf32>
    %get3A_75 = arith.constant 0 : index
    %get3A_76 = arith.constant 0 : index
    %get3A_77 = arith.constant 0 : index
    %get3A_78 = vector.load %arg10[%get3A_75, %get3A_76, %get3A_77] : memref<1x1x128xf32, #tpu.memory_space<vmem>>, vector<1x1x128xf32>
    %get3A_79 = vector.shape_cast %get3A_78 : vector<1x1x128xf32> to vector<1x128xf32>
    %add3A_80 = vector.broadcast %get3A_79 : vector<1x128xf32> to vector<1000x128xf32>
    %add3A_81 = arith.addf %dot_general3A_74, %add3A_80 : vector<1000x128xf32>
    %swap3A = arith.constant 0 : index
    %swap3A_82 = arith.constant 0 : index
    %swap3A_83 = vector.load %arg11[%swap3A, %swap3A_82] : memref<1000x128xf32, #tpu.memory_space<vmem>>, vector<1000x128xf32>
    tpu.vector_store %arg11[%swap3A, %swap3A_82], %add3A_81 {strides = array<i32>} : memref<1000x128xf32, #tpu.memory_space<vmem>>, vector<1000x128xf32>,
    %get3A_84 = arith.constant 0 : index
    %get3A_85 = arith.constant 0 : index
    %get3A_86 = vector.load %arg13[%get3A_84, %get3A_85] : memref<8x128xf32, #tpu.memory_space<vmem>>, vector<1x128xf32>
    %reduce_sum3A = arith.constant dense<0.000000e+00> : vector<128xf32>
    %reduce_sum3A_87 = vector.multi_reduction <add>, %add3A_81, %reduce_sum3A [0] : vector<1000x128xf32> to vector<128xf32>
    %broadcast_in_dim3A = vector.shape_cast %reduce_sum3A_87 : vector<128xf32> to vector<1x128xf32>
    %add3A_88 = arith.addf %get3A_86, %broadcast_in_dim3A : vector<1x128xf32>
    %swap3A_89 = arith.constant 0 : index
    %swap3A_90 = arith.constant 0 : index
    %swap3A_91 = vector.load %arg13[%swap3A_89, %swap3A_90] : memref<8x128xf32, #tpu.memory_space<vmem>>, vector<1x128xf32>
    tpu.vector_store %arg13[%swap3A_89, %swap3A_90], %add3A_88 {strides = array<i32>} : memref<8x128xf32, #tpu.memory_space<vmem>>, vector<1x128xf32>,
    %get3A_92 = arith.constant 1 : index
    %get3A_93 = arith.constant 0 : index
    %get3A_94 = vector.load %arg13[%get3A_92, %get3A_93] : memref<8x128xf32, #tpu.memory_space<vmem>>, vector<1x128xf32>
    %mul3A_95 = arith.mulf %add3A_81, %add3A_81 : vector<1000x128xf32>
    %reduce_sum3A_96 = arith.constant dense<0.000000e+00> : vector<128xf32>
    %reduce_sum3A_97 = vector.multi_reduction <add>, %mul3A_95, %reduce_sum3A_96 [0] : vector<1000x128xf32> to vector<128xf32>
    %broadcast_in_dim3A_98 = vector.shape_cast %reduce_sum3A_97 : vector<128xf32> to vector<1x128xf32>
    %add3A_99 = arith.addf %get3A_94, %broadcast_in_dim3A_98 : vector<1x128xf32>
    %swap3A_100 = arith.constant 1 : index
    %swap3A_101 = arith.constant 0 : index
    %swap3A_102 = vector.load %arg13[%swap3A_100, %swap3A_101] : memref<8x128xf32, #tpu.memory_space<vmem>>, vector<1x128xf32>
    tpu.vector_store %arg13[%swap3A_100, %swap3A_101], %add3A_99 {strides = array<i32>} : memref<8x128xf32, #tpu.memory_space<vmem>>, vector<1x128xf32>,
    %eq3A_103 = arith.constant 9 : i32
    %eq3A_104 = arith.cmpi eq, %arg0, %eq3A_103 : i32
    %convert_element_type3A_105 = arith.extui %eq3A_104 : i1 to i32
    %cond3A_106 = arith.constant 0 : i32
    %cond3A_107 = arith.cmpi ne, %convert_element_type3A_105, %cond3A_106 : i32
    scf.if %cond3A_107 {
      %get3A_108 = arith.constant 0 : index
      %get3A_109 = arith.constant 0 : index
      %get3A_110 = vector.load %arg13[%get3A_108, %get3A_109] : memref<8x128xf32, #tpu.memory_space<vmem>>, vector<8x128xf32>
      %swap3A_111 = arith.constant 0 : index
      %swap3A_112 = arith.constant 0 : index
      %swap3A_113 = vector.load %arg12[%swap3A_111, %swap3A_112] : memref<8x128xf32, #tpu.memory_space<vmem>>, vector<8x128xf32>
      tpu.vector_store %arg12[%swap3A_111, %swap3A_112], %get3A_110 {strides = array<i32>} : memref<8x128xf32, #tpu.memory_space<vmem>>, vector<8x128xf32>,
    } else {
    }
    return
  }
  func.func @transform_0(%arg0: i32) -> (i32, i32, i32) {
    %c0_i32 = arith.constant 0 : i32
    %c0_i32_0 = arith.constant 0 : i32
    %c0_i32_1 = arith.constant 0 : i32
    return %c0_i32, %arg0, %c0_i32_0 : i32, i32, i32
  }
  func.func @transform_1(%arg0: i32) -> (i32, i32) {
    %c0_i32 = arith.constant 0 : i32
    %c0_i32_0 = arith.constant 0 : i32
    return %arg0, %c0_i32 : i32, i32
  }
  func.func @transform_2(%arg0: i32) -> (i32, i32, i32, i32) {
    %c0_i32 = arith.constant 0 : i32
    %c0_i32_0 = arith.constant 0 : i32
    %c0_i32_1 = arith.constant 0 : i32
    %c0_i32_2 = arith.constant 0 : i32
    return %c0_i32, %c0_i32_0, %arg0, %c0_i32_1 : i32, i32, i32, i32
  }
  func.func @transform_3(%arg0: i32) -> (i32, i32, i32) {
    %c0_i32 = arith.constant 0 : i32
    %c0_i32_0 = arith.constant 0 : i32
    %c0_i32_1 = arith.constant 0 : i32
    %c0_i32_2 = arith.constant 0 : i32
    return %c0_i32, %c0_i32_0, %c0_i32_1 : i32, i32, i32
  }
  func.func @transform_4(%arg0: i32) -> (i32, i32, i32) {
    %c0_i32 = arith.constant 0 : i32
    %c0_i32_0 = arith.constant 0 : i32
    %c0_i32_1 = arith.constant 0 : i32
    %c0_i32_2 = arith.constant 0 : i32
    return %c0_i32, %c0_i32_0, %c0_i32_1 : i32, i32, i32
  }
  func.func @transform_5(%arg0: i32) -> (i32, i32, i32) {
    %c0_i32 = arith.constant 0 : i32
    %c0_i32_0 = arith.constant 0 : i32
    %c0_i32_1 = arith.constant 0 : i32
    %c0_i32_2 = arith.constant 0 : i32
    return %c0_i32, %c0_i32_0, %c0_i32_1 : i32, i32, i32
  }
  func.func @transform_6(%arg0: i32) -> (i32, i32, i32) {
    %c0_i32 = arith.constant 0 : i32
    %c0_i32_0 = arith.constant 0 : i32
    %c0_i32_1 = arith.constant 0 : i32
    %c0_i32_2 = arith.constant 0 : i32
    return %c0_i32, %c0_i32_0, %c0_i32_1 : i32, i32, i32
  }
  func.func @transform_7(%arg0: i32) -> (i32, i32, i32) {
    %c0_i32 = arith.constant 0 : i32
    %c0_i32_0 = arith.constant 0 : i32
    %c0_i32_1 = arith.constant 0 : i32
    %c0_i32_2 = arith.constant 0 : i32
    return %c0_i32, %c0_i32_0, %c0_i32_1 : i32, i32, i32
  }
  func.func @transform_8(%arg0: i32) -> (i32, i32, i32) {
    %c0_i32 = arith.constant 0 : i32
    %c0_i32_0 = arith.constant 0 : i32
    %c0_i32_1 = arith.constant 0 : i32
    %c0_i32_2 = arith.constant 0 : i32
    return %c0_i32, %c0_i32_0, %c0_i32_1 : i32, i32, i32
  }
  func.func @transform_9(%arg0: i32) -> (i32, i32, i32) {
    %c0_i32 = arith.constant 0 : i32
    %c0_i32_0 = arith.constant 0 : i32
    %c0_i32_1 = arith.constant 0 : i32
    %c0_i32_2 = arith.constant 0 : i32
    return %c0_i32, %c0_i32_0, %c0_i32_1 : i32, i32, i32
  }
  func.func @transform_10(%arg0: i32) -> (i32, i32) {
    %c0_i32 = arith.constant 0 : i32
    %c0_i32_0 = arith.constant 0 : i32
    return %arg0, %c0_i32 : i32, i32
  }
  func.func @transform_11(%arg0: i32) -> (i32, i32) {
    %c0_i32 = arith.constant 0 : i32
    %c0_i32_0 = arith.constant 0 : i32
    %c0_i32_1 = arith.constant 0 : i32
    return %c0_i32, %c0_i32_0 : i32, i32
  }
}

module attributes {stable_mosaic.version = 14 : i64} {
  func.func @_dense2_body(%arg0: i32, %arg1: memref<1000x128xf32, #tpu.memory_space<vmem>>, %arg2: memref<8x128xf32, #tpu.memory_space<vmem>>, %arg3: memref<1x1x128xf32, #tpu.memory_space<vmem>>, %arg4: memref<1x1x128xf32, #tpu.memory_space<vmem>>, %arg5: memref<1000x128xf32, #tpu.memory_space<vmem>>) attributes {dimension_semantics = [#tpu.dimension_semantics<arbitrary>], iteration_bounds = array<i64: 10>, scalar_prefetch = 0 : i64, scratch_operands = 0 : i64, tpu.core_type = #tpu.core_type<tc>, window_params = [{transform_indices = @transform_0, window_bounds = array<i64: 1000, 128>}, {pipeline_mode = #tpu.pipeline_mode<synchronous>, transform_indices = @transform_1, window_bounds = array<i64: 8, 128>}, {transform_indices = @transform_2, window_bounds = array<i64: 1, 1, 128>}, {transform_indices = @transform_3, window_bounds = array<i64: 1, 1, 128>}, {transform_indices = @transform_4, window_bounds = array<i64: 1000, 128>}]} {
    %get3A = arith.constant 0 : index
    %get3A_0 = arith.constant 0 : index
    %get3A_1 = vector.load %arg1[%get3A, %get3A_0] : memref<1000x128xf32, #tpu.memory_space<vmem>>, vector<1000x128xf32>
    %get3A_2 = arith.constant 0 : index
    %get3A_3 = arith.constant 0 : index
    %get3A_4 = vector.load %arg2[%get3A_2, %get3A_3] : memref<8x128xf32, #tpu.memory_space<vmem>>, vector<1x128xf32>
    %mul3A = arith.constant 9.99999974E-5 : f32
    %mul3A_5 = vector.broadcast %mul3A : f32 to vector<1x128xf32>
    %mul3A_6 = arith.mulf %get3A_4, %mul3A_5 : vector<1x128xf32>
    %get3A_7 = arith.constant 1 : index
    %get3A_8 = arith.constant 0 : index
    %get3A_9 = vector.load %arg2[%get3A_7, %get3A_8] : memref<8x128xf32, #tpu.memory_space<vmem>>, vector<1x128xf32>
    %mul3A_10 = arith.constant 9.99999974E-5 : f32
    %mul3A_11 = vector.broadcast %mul3A_10 : f32 to vector<1x128xf32>
    %mul3A_12 = arith.mulf %get3A_9, %mul3A_11 : vector<1x128xf32>
    %mul3A_13 = arith.mulf %mul3A_6, %mul3A_6 : vector<1x128xf32>
    %sub3A = arith.subf %mul3A_12, %mul3A_13 : vector<1x128xf32>
    %sub3A_14 = vector.broadcast %mul3A_6 : vector<1x128xf32> to vector<1000x128xf32>
    %sub3A_15 = arith.subf %get3A_1, %sub3A_14 : vector<1000x128xf32>
    %add3A = arith.constant 9.99999974E-6 : f32
    %add3A_16 = vector.broadcast %add3A : f32 to vector<1x128xf32>
    %add3A_17 = arith.addf %sub3A, %add3A_16 : vector<1x128xf32>
    %rsqrt3A = math.rsqrt %add3A_17 : vector<1x128xf32>
    %mul3A_18 = vector.broadcast %rsqrt3A : vector<1x128xf32> to vector<1000x128xf32>
    %mul3A_19 = arith.mulf %sub3A_15, %mul3A_18 : vector<1000x128xf32>
    %get3A_20 = arith.constant 0 : index
    %get3A_21 = arith.constant 0 : index
    %get3A_22 = arith.constant 0 : index
    %get3A_23 = vector.load %arg3[%get3A_20, %get3A_21, %get3A_22] : memref<1x1x128xf32, #tpu.memory_space<vmem>>, vector<1x1x128xf32>
    %get3A_24 = vector.shape_cast %get3A_23 : vector<1x1x128xf32> to vector<1x128xf32>
    %mul3A_25 = vector.broadcast %get3A_24 : vector<1x128xf32> to vector<1000x128xf32>
    %mul3A_26 = arith.mulf %mul3A_19, %mul3A_25 : vector<1000x128xf32>
    %get3A_27 = arith.constant 0 : index
    %get3A_28 = arith.constant 0 : index
    %get3A_29 = arith.constant 0 : index
    %get3A_30 = vector.load %arg4[%get3A_27, %get3A_28, %get3A_29] : memref<1x1x128xf32, #tpu.memory_space<vmem>>, vector<1x1x128xf32>
    %get3A_31 = vector.shape_cast %get3A_30 : vector<1x1x128xf32> to vector<1x128xf32>
    %add3A_32 = vector.broadcast %get3A_31 : vector<1x128xf32> to vector<1000x128xf32>
    %add3A_33 = arith.addf %mul3A_26, %add3A_32 : vector<1000x128xf32>
    %max3A = arith.constant 0.000000e+00 : f32
    %max3A_34 = vector.broadcast %max3A : f32 to vector<1000x128xf32>
    %max3A_35 = arith.maximumf %add3A_33, %max3A_34 : vector<1000x128xf32>
    %swap3A = arith.constant 0 : index
    %swap3A_36 = arith.constant 0 : index
    %swap3A_37 = vector.load %arg5[%swap3A, %swap3A_36] : memref<1000x128xf32, #tpu.memory_space<vmem>>, vector<1000x128xf32>
    tpu.vector_store %arg5[%swap3A, %swap3A_36], %max3A_35 {strides = array<i32>} : memref<1000x128xf32, #tpu.memory_space<vmem>>, vector<1000x128xf32>,
    return
  }
  func.func @transform_0(%arg0: i32) -> (i32, i32) {
    %c0_i32 = arith.constant 0 : i32
    %c0_i32_0 = arith.constant 0 : i32
    return %arg0, %c0_i32 : i32, i32
  }
  func.func @transform_1(%arg0: i32) -> (i32, i32) {
    %c0_i32 = arith.constant 0 : i32
    %c0_i32_0 = arith.constant 0 : i32
    %c0_i32_1 = arith.constant 0 : i32
    return %c0_i32, %c0_i32_0 : i32, i32
  }
  func.func @transform_2(%arg0: i32) -> (i32, i32, i32) {
    %c0_i32 = arith.constant 0 : i32
    %c0_i32_0 = arith.constant 0 : i32
    %c0_i32_1 = arith.constant 0 : i32
    %c0_i32_2 = arith.constant 0 : i32
    return %c0_i32, %c0_i32_0, %c0_i32_1 : i32, i32, i32
  }
  func.func @transform_3(%arg0: i32) -> (i32, i32, i32) {
    %c0_i32 = arith.constant 0 : i32
    %c0_i32_0 = arith.constant 0 : i32
    %c0_i32_1 = arith.constant 0 : i32
    %c0_i32_2 = arith.constant 0 : i32
    return %c0_i32, %c0_i32_0, %c0_i32_1 : i32, i32, i32
  }
  func.func @transform_4(%arg0: i32) -> (i32, i32) {
    %c0_i32 = arith.constant 0 : i32
    %c0_i32_0 = arith.constant 0 : i32
    return %arg0, %c0_i32 : i32, i32
  }
}

module attributes {stable_mosaic.version = 14 : i64} {
  func.func @_dense1_body(%arg0: i32, %arg1: memref<2x1000x128xf32, #tpu.memory_space<vmem>>, %arg2: memref<1000x128xf32, #tpu.memory_space<vmem>>, %arg3: memref<1x2x1000x128xf32, #tpu.memory_space<vmem>>, %arg4: memref<1x128x128xf32, #tpu.memory_space<vmem>>, %arg5: memref<1x1x128xf32, #tpu.memory_space<vmem>>, %arg6: memref<1x1x128xf32, #tpu.memory_space<vmem>>, %arg7: memref<1x128x256xf32, #tpu.memory_space<vmem>>, %arg8: memref<1x1x256xf32, #tpu.memory_space<vmem>>, %arg9: memref<1x256x128xf32, #tpu.memory_space<vmem>>, %arg10: memref<1x1x128xf32, #tpu.memory_space<vmem>>, %arg11: memref<1000x128xf32, #tpu.memory_space<vmem>>, %arg12: memref<8x128xf32, #tpu.memory_space<vmem>>, %arg13: memref<8x128xf32, #tpu.memory_space<vmem>>) attributes {dimension_semantics = [#tpu.dimension_semantics<arbitrary>], iteration_bounds = array<i64: 10>, scalar_prefetch = 0 : i64, scratch_operands = 1 : i64, tpu.core_type = #tpu.core_type<tc>, window_params = [{transform_indices = @transform_0, window_bounds = array<i64: 2, 1000, 128>}, {transform_indices = @transform_1, window_bounds = array<i64: 1000, 128>}, {transform_indices = @transform_2, window_bounds = array<i64: 1, 2, 1000, 128>}, {transform_indices = @transform_3, window_bounds = array<i64: 1, 128, 128>}, {transform_indices = @transform_4, window_bounds = array<i64: 1, 1, 128>}, {transform_indices = @transform_5, window_bounds = array<i64: 1, 1, 128>}, {transform_indices = @transform_6, window_bounds = array<i64: 1, 128, 256>}, {transform_indices = @transform_7, window_bounds = array<i64: 1, 1, 256>}, {transform_indices = @transform_8, window_bounds = array<i64: 1, 256, 128>}, {transform_indices = @transform_9, window_bounds = array<i64: 1, 1, 128>}, {transform_indices = @transform_10, window_bounds = array<i64: 1000, 128>}, {pipeline_mode = #tpu.pipeline_mode<synchronous>, transform_indices = @transform_11, window_bounds = array<i64: 8, 128>}]} {
    %eq3A = arith.constant 0 : i32
    %eq3A_0 = arith.cmpi eq, %arg0, %eq3A : i32
    %convert_element_type3A = arith.extui %eq3A_0 : i1 to i32
    %cond3A = arith.constant 0 : i32
    %cond3A_1 = arith.cmpi ne, %convert_element_type3A, %cond3A : i32
    scf.if %cond3A_1 {
      %broadcast_in_dim3A_108 = arith.constant 0.000000e+00 : f32
      %broadcast_in_dim3A_109 = vector.broadcast %broadcast_in_dim3A_108 : f32 to vector<8x128xf32>
      %swap3A_110 = arith.constant 0 : index
      %swap3A_111 = arith.constant 0 : index
      %swap3A_112 = vector.load %arg13[%swap3A_110, %swap3A_111] : memref<8x128xf32, #tpu.memory_space<vmem>>, vector<8x128xf32>
      tpu.vector_store %arg13[%swap3A_110, %swap3A_111], %broadcast_in_dim3A_109 {strides = array<i32>} : memref<8x128xf32, #tpu.memory_space<vmem>>, vector<8x128xf32>,
    } else {
    }
    %get3A = arith.constant 0 : index
    %get3A_2 = arith.constant 0 : index
    %get3A_3 = vector.load %arg2[%get3A, %get3A_2] : memref<1000x128xf32, #tpu.memory_space<vmem>>, vector<1000x128xf32>
    %get3A_4 = arith.constant 0 : index
    %get3A_5 = arith.constant 0 : index
    %get3A_6 = arith.constant 0 : index
    %get3A_7 = vector.load %arg1[%get3A_4, %get3A_5, %get3A_6] : memref<2x1000x128xf32, #tpu.memory_space<vmem>>, vector<1x1000x128xf32>
    %get3A_8 = vector.shape_cast %get3A_7 : vector<1x1000x128xf32> to vector<1000x128xf32>
    %get3A_9 = arith.constant 1 : index
    %get3A_10 = arith.constant 0 : index
    %get3A_11 = arith.constant 0 : index
    %get3A_12 = vector.load %arg1[%get3A_9, %get3A_10, %get3A_11] : memref<2x1000x128xf32, #tpu.memory_space<vmem>>, vector<1x1000x128xf32>
    %get3A_13 = vector.shape_cast %get3A_12 : vector<1x1000x128xf32> to vector<1000x128xf32>
    %add3A = arith.addf %get3A_8, %get3A_13 : vector<1000x128xf32>
    %get3A_14 = arith.constant 0 : index
    %get3A_15 = arith.constant 0 : index
    %get3A_16 = arith.constant 0 : index
    %get3A_17 = arith.constant 0 : index
    %get3A_18 = vector.load %arg3[%get3A_14, %get3A_15, %get3A_16, %get3A_17] : memref<1x2x1000x128xf32, #tpu.memory_space<vmem>>, vector<1x1x1000x128xf32>
    %get3A_19 = vector.shape_cast %get3A_18 : vector<1x1x1000x128xf32> to vector<1000x128xf32>
    %get3A_20 = arith.constant 0 : index
    %get3A_21 = arith.constant 1 : index
    %get3A_22 = arith.constant 0 : index
    %get3A_23 = arith.constant 0 : index
    %get3A_24 = vector.load %arg3[%get3A_20, %get3A_21, %get3A_22, %get3A_23] : memref<1x2x1000x128xf32, #tpu.memory_space<vmem>>, vector<1x1x1000x128xf32>
    %get3A_25 = vector.shape_cast %get3A_24 : vector<1x1x1000x128xf32> to vector<1000x128xf32>
    %add3A_26 = arith.addf %get3A_19, %get3A_25 : vector<1000x128xf32>
    %get3A_27 = arith.constant 0 : index
    %get3A_28 = arith.constant 0 : index
    %get3A_29 = arith.constant 0 : index
    %get3A_30 = vector.load %arg5[%get3A_27, %get3A_28, %get3A_29] : memref<1x1x128xf32, #tpu.memory_space<vmem>>, vector<1x1x128xf32>
    %get3A_31 = vector.shape_cast %get3A_30 : vector<1x1x128xf32> to vector<1x128xf32>
    %gt3A = arith.constant 0.000000e+00 : f32
    %gt3A_32 = vector.broadcast %gt3A : f32 to vector<1x128xf32>
    %gt3A_33 = arith.cmpf ogt, %get3A_31, %gt3A_32 : vector<1x128xf32>
    %mul3A = arith.constant 1.000000e-01 : f32
    %mul3A_34 = vector.broadcast %mul3A : f32 to vector<1x128xf32>
    %mul3A_35 = arith.mulf %mul3A_34, %get3A_31 : vector<1x128xf32>
    %select_n3A = arith.select %gt3A_33, %get3A_31, %mul3A_35 : vector<1x128xi1>, vector<1x128xf32>
    %get3A_36 = arith.constant 0 : index
    %get3A_37 = arith.constant 0 : index
    %get3A_38 = arith.constant 0 : index
    %get3A_39 = vector.load %arg4[%get3A_36, %get3A_37, %get3A_38] : memref<1x128x128xf32, #tpu.memory_space<vmem>>, vector<1x128x128xf32>
    %get3A_40 = vector.shape_cast %get3A_39 : vector<1x128x128xf32> to vector<128x128xf32>
    %dot_general3A = arith.constant dense<0.000000e+00> : vector<1x128xf32>
    %dot_general3A_41 = tpu.matmul %select_n3A, %get3A_40, %dot_general3A {dimension_numbers = #tpu.dot_dimension_numbers<[1], [0], [0], [1], [0, 0, 1, 1], [], []>, transpose_lhs_hint = false} : vector<1x128xf32>, vector<128x128xf32>, vector<1x128xf32> -> vector<1x128xf32>
    %get3A_42 = arith.constant 0 : index
    %get3A_43 = arith.constant 0 : index
    %get3A_44 = arith.constant 0 : index
    %get3A_45 = vector.load %arg6[%get3A_42, %get3A_43, %get3A_44] : memref<1x1x128xf32, #tpu.memory_space<vmem>>, vector<1x1x128xf32>
    %get3A_46 = vector.shape_cast %get3A_45 : vector<1x1x128xf32> to vector<1x128xf32>
    %add3A_47 = arith.addf %dot_general3A_41, %get3A_46 : vector<1x128xf32>
    %add3A_48 = arith.addf %add3A, %get3A_3 : vector<1000x128xf32>
    %add3A_49 = arith.addf %add3A_48, %add3A_26 : vector<1000x128xf32>
    %add3A_50 = vector.broadcast %add3A_47 : vector<1x128xf32> to vector<1000x128xf32>
    %add3A_51 = arith.addf %add3A_49, %add3A_50 : vector<1000x128xf32>
    %get3A_52 = arith.constant 0 : index
    %get3A_53 = arith.constant 0 : index
    %get3A_54 = arith.constant 0 : index
    %get3A_55 = vector.load %arg7[%get3A_52, %get3A_53, %get3A_54] : memref<1x128x256xf32, #tpu.memory_space<vmem>>, vector<1x128x256xf32>
    %get3A_56 = vector.shape_cast %get3A_55 : vector<1x128x256xf32> to vector<128x256xf32>
    %dot_general3A_57 = arith.constant dense<0.000000e+00> : vector<1000x256xf32>
    %dot_general3A_58 = tpu.matmul %add3A_51, %get3A_56, %dot_general3A_57 {dimension_numbers = #tpu.dot_dimension_numbers<[1], [0], [0], [1], [0, 0, 1, 1], [], []>, transpose_lhs_hint = false} : vector<1000x128xf32>, vector<128x256xf32>, vector<1000x256xf32> -> vector<1000x256xf32>
    %get3A_59 = arith.constant 0 : index
    %get3A_60 = arith.constant 0 : index
    %get3A_61 = arith.constant 0 : index
    %get3A_62 = vector.load %arg8[%get3A_59, %get3A_60, %get3A_61] : memref<1x1x256xf32, #tpu.memory_space<vmem>>, vector<1x1x256xf32>
    %get3A_63 = vector.shape_cast %get3A_62 : vector<1x1x256xf32> to vector<1x256xf32>
    %add3A_64 = vector.broadcast %get3A_63 : vector<1x256xf32> to vector<1000x256xf32>
    %add3A_65 = arith.addf %dot_general3A_58, %add3A_64 : vector<1000x256xf32>
    %max3A = arith.constant 0.000000e+00 : f32
    %max3A_66 = vector.broadcast %max3A : f32 to vector<1000x256xf32>
    %max3A_67 = arith.maximumf %add3A_65, %max3A_66 : vector<1000x256xf32>
    %get3A_68 = arith.constant 0 : index
    %get3A_69 = arith.constant 0 : index
    %get3A_70 = arith.constant 0 : index
    %get3A_71 = vector.load %arg9[%get3A_68, %get3A_69, %get3A_70] : memref<1x256x128xf32, #tpu.memory_space<vmem>>, vector<1x256x128xf32>
    %get3A_72 = vector.shape_cast %get3A_71 : vector<1x256x128xf32> to vector<256x128xf32>
    %dot_general3A_73 = arith.constant dense<0.000000e+00> : vector<1000x128xf32>
    %dot_general3A_74 = tpu.matmul %max3A_67, %get3A_72, %dot_general3A_73 {dimension_numbers = #tpu.dot_dimension_numbers<[1], [0], [0], [1], [0, 0, 1, 1], [], []>, transpose_lhs_hint = false} : vector<1000x256xf32>, vector<256x128xf32>, vector<1000x128xf32> -> vector<1000x128xf32>
    %get3A_75 = arith.constant 0 : index
    %get3A_76 = arith.constant 0 : index
    %get3A_77 = arith.constant 0 : index
    %get3A_78 = vector.load %arg10[%get3A_75, %get3A_76, %get3A_77] : memref<1x1x128xf32, #tpu.memory_space<vmem>>, vector<1x1x128xf32>
    %get3A_79 = vector.shape_cast %get3A_78 : vector<1x1x128xf32> to vector<1x128xf32>
    %add3A_80 = vector.broadcast %get3A_79 : vector<1x128xf32> to vector<1000x128xf32>
    %add3A_81 = arith.addf %dot_general3A_74, %add3A_80 : vector<1000x128xf32>
    %swap3A = arith.constant 0 : index
    %swap3A_82 = arith.constant 0 : index
    %swap3A_83 = vector.load %arg11[%swap3A, %swap3A_82] : memref<1000x128xf32, #tpu.memory_space<vmem>>, vector<1000x128xf32>
    tpu.vector_store %arg11[%swap3A, %swap3A_82], %add3A_81 {strides = array<i32>} : memref<1000x128xf32, #tpu.memory_space<vmem>>, vector<1000x128xf32>,
    %get3A_84 = arith.constant 0 : index
    %get3A_85 = arith.constant 0 : index
    %get3A_86 = vector.load %arg13[%get3A_84, %get3A_85] : memref<8x128xf32, #tpu.memory_space<vmem>>, vector<1x128xf32>
    %reduce_sum3A = arith.constant dense<0.000000e+00> : vector<128xf32>
    %reduce_sum3A_87 = vector.multi_reduction <add>, %add3A_81, %reduce_sum3A [0] : vector<1000x128xf32> to vector<128xf32>
    %broadcast_in_dim3A = vector.shape_cast %reduce_sum3A_87 : vector<128xf32> to vector<1x128xf32>
    %add3A_88 = arith.addf %get3A_86, %broadcast_in_dim3A : vector<1x128xf32>
    %swap3A_89 = arith.constant 0 : index
    %swap3A_90 = arith.constant 0 : index
    %swap3A_91 = vector.load %arg13[%swap3A_89, %swap3A_90] : memref<8x128xf32, #tpu.memory_space<vmem>>, vector<1x128xf32>
    tpu.vector_store %arg13[%swap3A_89, %swap3A_90], %add3A_88 {strides = array<i32>} : memref<8x128xf32, #tpu.memory_space<vmem>>, vector<1x128xf32>,
    %get3A_92 = arith.constant 1 : index
    %get3A_93 = arith.constant 0 : index
    %get3A_94 = vector.load %arg13[%get3A_92, %get3A_93] : memref<8x128xf32, #tpu.memory_space<vmem>>, vector<1x128xf32>
    %mul3A_95 = arith.mulf %add3A_81, %add3A_81 : vector<1000x128xf32>
    %reduce_sum3A_96 = arith.constant dense<0.000000e+00> : vector<128xf32>
    %reduce_sum3A_97 = vector.multi_reduction <add>, %mul3A_95, %reduce_sum3A_96 [0] : vector<1000x128xf32> to vector<128xf32>
    %broadcast_in_dim3A_98 = vector.shape_cast %reduce_sum3A_97 : vector<128xf32> to vector<1x128xf32>
    %add3A_99 = arith.addf %get3A_94, %broadcast_in_dim3A_98 : vector<1x128xf32>
    %swap3A_100 = arith.constant 1 : index
    %swap3A_101 = arith.constant 0 : index
    %swap3A_102 = vector.load %arg13[%swap3A_100, %swap3A_101] : memref<8x128xf32, #tpu.memory_space<vmem>>, vector<1x128xf32>
    tpu.vector_store %arg13[%swap3A_100, %swap3A_101], %add3A_99 {strides = array<i32>} : memref<8x128xf32, #tpu.memory_space<vmem>>, vector<1x128xf32>,
    %eq3A_103 = arith.constant 9 : i32
    %eq3A_104 = arith.cmpi eq, %arg0, %eq3A_103 : i32
    %convert_element_type3A_105 = arith.extui %eq3A_104 : i1 to i32
    %cond3A_106 = arith.constant 0 : i32
    %cond3A_107 = arith.cmpi ne, %convert_element_type3A_105, %cond3A_106 : i32
    scf.if %cond3A_107 {
      %get3A_108 = arith.constant 0 : index
      %get3A_109 = arith.constant 0 : index
      %get3A_110 = vector.load %arg13[%get3A_108, %get3A_109] : memref<8x128xf32, #tpu.memory_space<vmem>>, vector<8x128xf32>
      %swap3A_111 = arith.constant 0 : index
      %swap3A_112 = arith.constant 0 : index
      %swap3A_113 = vector.load %arg12[%swap3A_111, %swap3A_112] : memref<8x128xf32, #tpu.memory_space<vmem>>, vector<8x128xf32>
      tpu.vector_store %arg12[%swap3A_111, %swap3A_112], %get3A_110 {strides = array<i32>} : memref<8x128xf32, #tpu.memory_space<vmem>>, vector<8x128xf32>,
    } else {
    }
    return
  }
  func.func @transform_0(%arg0: i32) -> (i32, i32, i32) {
    %c0_i32 = arith.constant 0 : i32
    %c0_i32_0 = arith.constant 0 : i32
    %c0_i32_1 = arith.constant 0 : i32
    return %c0_i32, %arg0, %c0_i32_0 : i32, i32, i32
  }
  func.func @transform_1(%arg0: i32) -> (i32, i32) {
    %c0_i32 = arith.constant 0 : i32
    %c0_i32_0 = arith.constant 0 : i32
    return %arg0, %c0_i32 : i32, i32
  }
  func.func @transform_2(%arg0: i32) -> (i32, i32, i32, i32) {
    %c1_i32 = arith.constant 1 : i32
    %c0_i32 = arith.constant 0 : i32
    %c0_i32_0 = arith.constant 0 : i32
    %c0_i32_1 = arith.constant 0 : i32
    return %c1_i32, %c0_i32, %arg0, %c0_i32_0 : i32, i32, i32, i32
  }
  func.func @transform_3(%arg0: i32) -> (i32, i32, i32) {
    %c1_i32 = arith.constant 1 : i32
    %c0_i32 = arith.constant 0 : i32
    %c0_i32_0 = arith.constant 0 : i32
    %c0_i32_1 = arith.constant 0 : i32
    return %c1_i32, %c0_i32, %c0_i32_0 : i32, i32, i32
  }
  func.func @transform_4(%arg0: i32) -> (i32, i32, i32) {
    %c1_i32 = arith.constant 1 : i32
    %c0_i32 = arith.constant 0 : i32
    %c0_i32_0 = arith.constant 0 : i32
    %c0_i32_1 = arith.constant 0 : i32
    return %c1_i32, %c0_i32, %c0_i32_0 : i32, i32, i32
  }
  func.func @transform_5(%arg0: i32) -> (i32, i32, i32) {
    %c1_i32 = arith.constant 1 : i32
    %c0_i32 = arith.constant 0 : i32
    %c0_i32_0 = arith.constant 0 : i32
    %c0_i32_1 = arith.constant 0 : i32
    return %c1_i32, %c0_i32, %c0_i32_0 : i32, i32, i32
  }
  func.func @transform_6(%arg0: i32) -> (i32, i32, i32) {
    %c1_i32 = arith.constant 1 : i32
    %c0_i32 = arith.constant 0 : i32
    %c0_i32_0 = arith.constant 0 : i32
    %c0_i32_1 = arith.constant 0 : i32
    return %c1_i32, %c0_i32, %c0_i32_0 : i32, i32, i32
  }
  func.func @transform_7(%arg0: i32) -> (i32, i32, i32) {
    %c1_i32 = arith.constant 1 : i32
    %c0_i32 = arith.constant 0 : i32
    %c0_i32_0 = arith.constant 0 : i32
    %c0_i32_1 = arith.constant 0 : i32
    return %c1_i32, %c0_i32, %c0_i32_0 : i32, i32, i32
  }
  func.func @transform_8(%arg0: i32) -> (i32, i32, i32) {
    %c1_i32 = arith.constant 1 : i32
    %c0_i32 = arith.constant 0 : i32
    %c0_i32_0 = arith.constant 0 : i32
    %c0_i32_1 = arith.constant 0 : i32
    return %c1_i32, %c0_i32, %c0_i32_0 : i32, i32, i32
  }
  func.func @transform_9(%arg0: i32) -> (i32, i32, i32) {
    %c1_i32 = arith.constant 1 : i32
    %c0_i32 = arith.constant 0 : i32
    %c0_i32_0 = arith.constant 0 : i32
    %c0_i32_1 = arith.constant 0 : i32
    return %c1_i32, %c0_i32, %c0_i32_0 : i32, i32, i32
  }
  func.func @transform_10(%arg0: i32) -> (i32, i32) {
    %c0_i32 = arith.constant 0 : i32
    %c0_i32_0 = arith.constant 0 : i32
    return %arg0, %c0_i32 : i32, i32
  }
  func.func @transform_11(%arg0: i32) -> (i32, i32) {
    %c0_i32 = arith.constant 0 : i32
    %c0_i32_0 = arith.constant 0 : i32
    %c0_i32_1 = arith.constant 0 : i32
    return %c0_i32, %c0_i32_0 : i32, i32
  }
}

module attributes {stable_mosaic.version = 14 : i64} {
  func.func @_dense2_body(%arg0: i32, %arg1: memref<1000x128xf32, #tpu.memory_space<vmem>>, %arg2: memref<8x128xf32, #tpu.memory_space<vmem>>, %arg3: memref<1x1x128xf32, #tpu.memory_space<vmem>>, %arg4: memref<1x1x128xf32, #tpu.memory_space<vmem>>, %arg5: memref<1000x128xf32, #tpu.memory_space<vmem>>) attributes {dimension_semantics = [#tpu.dimension_semantics<arbitrary>], iteration_bounds = array<i64: 10>, scalar_prefetch = 0 : i64, scratch_operands = 0 : i64, tpu.core_type = #tpu.core_type<tc>, window_params = [{transform_indices = @transform_0, window_bounds = array<i64: 1000, 128>}, {pipeline_mode = #tpu.pipeline_mode<synchronous>, transform_indices = @transform_1, window_bounds = array<i64: 8, 128>}, {transform_indices = @transform_2, window_bounds = array<i64: 1, 1, 128>}, {transform_indices = @transform_3, window_bounds = array<i64: 1, 1, 128>}, {transform_indices = @transform_4, window_bounds = array<i64: 1000, 128>}]} {
    %get3A = arith.constant 0 : index
    %get3A_0 = arith.constant 0 : index
    %get3A_1 = vector.load %arg1[%get3A, %get3A_0] : memref<1000x128xf32, #tpu.memory_space<vmem>>, vector<1000x128xf32>
    %get3A_2 = arith.constant 0 : index
    %get3A_3 = arith.constant 0 : index
    %get3A_4 = vector.load %arg2[%get3A_2, %get3A_3] : memref<8x128xf32, #tpu.memory_space<vmem>>, vector<1x128xf32>
    %mul3A = arith.constant 9.99999974E-5 : f32
    %mul3A_5 = vector.broadcast %mul3A : f32 to vector<1x128xf32>
    %mul3A_6 = arith.mulf %get3A_4, %mul3A_5 : vector<1x128xf32>
    %get3A_7 = arith.constant 1 : index
    %get3A_8 = arith.constant 0 : index
    %get3A_9 = vector.load %arg2[%get3A_7, %get3A_8] : memref<8x128xf32, #tpu.memory_space<vmem>>, vector<1x128xf32>
    %mul3A_10 = arith.constant 9.99999974E-5 : f32
    %mul3A_11 = vector.broadcast %mul3A_10 : f32 to vector<1x128xf32>
    %mul3A_12 = arith.mulf %get3A_9, %mul3A_11 : vector<1x128xf32>
    %mul3A_13 = arith.mulf %mul3A_6, %mul3A_6 : vector<1x128xf32>
    %sub3A = arith.subf %mul3A_12, %mul3A_13 : vector<1x128xf32>
    %sub3A_14 = vector.broadcast %mul3A_6 : vector<1x128xf32> to vector<1000x128xf32>
    %sub3A_15 = arith.subf %get3A_1, %sub3A_14 : vector<1000x128xf32>
    %add3A = arith.constant 9.99999974E-6 : f32
    %add3A_16 = vector.broadcast %add3A : f32 to vector<1x128xf32>
    %add3A_17 = arith.addf %sub3A, %add3A_16 : vector<1x128xf32>
    %rsqrt3A = math.rsqrt %add3A_17 : vector<1x128xf32>
    %mul3A_18 = vector.broadcast %rsqrt3A : vector<1x128xf32> to vector<1000x128xf32>
    %mul3A_19 = arith.mulf %sub3A_15, %mul3A_18 : vector<1000x128xf32>
    %get3A_20 = arith.constant 0 : index
    %get3A_21 = arith.constant 0 : index
    %get3A_22 = arith.constant 0 : index
    %get3A_23 = vector.load %arg3[%get3A_20, %get3A_21, %get3A_22] : memref<1x1x128xf32, #tpu.memory_space<vmem>>, vector<1x1x128xf32>
    %get3A_24 = vector.shape_cast %get3A_23 : vector<1x1x128xf32> to vector<1x128xf32>
    %mul3A_25 = vector.broadcast %get3A_24 : vector<1x128xf32> to vector<1000x128xf32>
    %mul3A_26 = arith.mulf %mul3A_19, %mul3A_25 : vector<1000x128xf32>
    %get3A_27 = arith.constant 0 : index
    %get3A_28 = arith.constant 0 : index
    %get3A_29 = arith.constant 0 : index
    %get3A_30 = vector.load %arg4[%get3A_27, %get3A_28, %get3A_29] : memref<1x1x128xf32, #tpu.memory_space<vmem>>, vector<1x1x128xf32>
    %get3A_31 = vector.shape_cast %get3A_30 : vector<1x1x128xf32> to vector<1x128xf32>
    %add3A_32 = vector.broadcast %get3A_31 : vector<1x128xf32> to vector<1000x128xf32>
    %add3A_33 = arith.addf %mul3A_26, %add3A_32 : vector<1000x128xf32>
    %max3A = arith.constant 0.000000e+00 : f32
    %max3A_34 = vector.broadcast %max3A : f32 to vector<1000x128xf32>
    %max3A_35 = arith.maximumf %add3A_33, %max3A_34 : vector<1000x128xf32>
    %swap3A = arith.constant 0 : index
    %swap3A_36 = arith.constant 0 : index
    %swap3A_37 = vector.load %arg5[%swap3A, %swap3A_36] : memref<1000x128xf32, #tpu.memory_space<vmem>>, vector<1000x128xf32>
    tpu.vector_store %arg5[%swap3A, %swap3A_36], %max3A_35 {strides = array<i32>} : memref<1000x128xf32, #tpu.memory_space<vmem>>, vector<1000x128xf32>,
    return
  }
  func.func @transform_0(%arg0: i32) -> (i32, i32) {
    %c0_i32 = arith.constant 0 : i32
    %c0_i32_0 = arith.constant 0 : i32
    return %arg0, %c0_i32 : i32, i32
  }
  func.func @transform_1(%arg0: i32) -> (i32, i32) {
    %c0_i32 = arith.constant 0 : i32
    %c0_i32_0 = arith.constant 0 : i32
    %c0_i32_1 = arith.constant 0 : i32
    return %c0_i32, %c0_i32_0 : i32, i32
  }
  func.func @transform_2(%arg0: i32) -> (i32, i32, i32) {
    %c1_i32 = arith.constant 1 : i32
    %c0_i32 = arith.constant 0 : i32
    %c0_i32_0 = arith.constant 0 : i32
    %c0_i32_1 = arith.constant 0 : i32
    return %c1_i32, %c0_i32, %c0_i32_0 : i32, i32, i32
  }
  func.func @transform_3(%arg0: i32) -> (i32, i32, i32) {
    %c1_i32 = arith.constant 1 : i32
    %c0_i32 = arith.constant 0 : i32
    %c0_i32_0 = arith.constant 0 : i32
    %c0_i32_1 = arith.constant 0 : i32
    return %c1_i32, %c0_i32, %c0_i32_0 : i32, i32, i32
  }
  func.func @transform_4(%arg0: i32) -> (i32, i32) {
    %c0_i32 = arith.constant 0 : i32
    %c0_i32_0 = arith.constant 0 : i32
    return %arg0, %c0_i32 : i32, i32
  }
}

module attributes {stable_mosaic.version = 14 : i64} {
  func.func @_dense1_body(%arg0: i32, %arg1: memref<2x1000x128xf32, #tpu.memory_space<vmem>>, %arg2: memref<1000x128xf32, #tpu.memory_space<vmem>>, %arg3: memref<1x2x1000x128xf32, #tpu.memory_space<vmem>>, %arg4: memref<1x128x128xf32, #tpu.memory_space<vmem>>, %arg5: memref<1x1x128xf32, #tpu.memory_space<vmem>>, %arg6: memref<1x1x128xf32, #tpu.memory_space<vmem>>, %arg7: memref<1x128x256xf32, #tpu.memory_space<vmem>>, %arg8: memref<1x1x256xf32, #tpu.memory_space<vmem>>, %arg9: memref<1x256x128xf32, #tpu.memory_space<vmem>>, %arg10: memref<1x1x128xf32, #tpu.memory_space<vmem>>, %arg11: memref<1000x128xf32, #tpu.memory_space<vmem>>, %arg12: memref<8x128xf32, #tpu.memory_space<vmem>>, %arg13: memref<8x128xf32, #tpu.memory_space<vmem>>) attributes {dimension_semantics = [#tpu.dimension_semantics<arbitrary>], iteration_bounds = array<i64: 10>, scalar_prefetch = 0 : i64, scratch_operands = 1 : i64, tpu.core_type = #tpu.core_type<tc>, window_params = [{transform_indices = @transform_0, window_bounds = array<i64: 2, 1000, 128>}, {transform_indices = @transform_1, window_bounds = array<i64: 1000, 128>}, {transform_indices = @transform_2, window_bounds = array<i64: 1, 2, 1000, 128>}, {transform_indices = @transform_3, window_bounds = array<i64: 1, 128, 128>}, {transform_indices = @transform_4, window_bounds = array<i64: 1, 1, 128>}, {transform_indices = @transform_5, window_bounds = array<i64: 1, 1, 128>}, {transform_indices = @transform_6, window_bounds = array<i64: 1, 128, 256>}, {transform_indices = @transform_7, window_bounds = array<i64: 1, 1, 256>}, {transform_indices = @transform_8, window_bounds = array<i64: 1, 256, 128>}, {transform_indices = @transform_9, window_bounds = array<i64: 1, 1, 128>}, {transform_indices = @transform_10, window_bounds = array<i64: 1000, 128>}, {pipeline_mode = #tpu.pipeline_mode<synchronous>, transform_indices = @transform_11, window_bounds = array<i64: 8, 128>}]} {
    %eq3A = arith.constant 0 : i32
    %eq3A_0 = arith.cmpi eq, %arg0, %eq3A : i32
    %convert_element_type3A = arith.extui %eq3A_0 : i1 to i32
    %cond3A = arith.constant 0 : i32
    %cond3A_1 = arith.cmpi ne, %convert_element_type3A, %cond3A : i32
    scf.if %cond3A_1 {
      %broadcast_in_dim3A_108 = arith.constant 0.000000e+00 : f32
      %broadcast_in_dim3A_109 = vector.broadcast %broadcast_in_dim3A_108 : f32 to vector<8x128xf32>
      %swap3A_110 = arith.constant 0 : index
      %swap3A_111 = arith.constant 0 : index
      %swap3A_112 = vector.load %arg13[%swap3A_110, %swap3A_111] : memref<8x128xf32, #tpu.memory_space<vmem>>, vector<8x128xf32>
      tpu.vector_store %arg13[%swap3A_110, %swap3A_111], %broadcast_in_dim3A_109 {strides = array<i32>} : memref<8x128xf32, #tpu.memory_space<vmem>>, vector<8x128xf32>,
    } else {
    }
    %get3A = arith.constant 0 : index
    %get3A_2 = arith.constant 0 : index
    %get3A_3 = vector.load %arg2[%get3A, %get3A_2] : memref<1000x128xf32, #tpu.memory_space<vmem>>, vector<1000x128xf32>
    %get3A_4 = arith.constant 0 : index
    %get3A_5 = arith.constant 0 : index
    %get3A_6 = arith.constant 0 : index
    %get3A_7 = vector.load %arg1[%get3A_4, %get3A_5, %get3A_6] : memref<2x1000x128xf32, #tpu.memory_space<vmem>>, vector<1x1000x128xf32>
    %get3A_8 = vector.shape_cast %get3A_7 : vector<1x1000x128xf32> to vector<1000x128xf32>
    %get3A_9 = arith.constant 1 : index
    %get3A_10 = arith.constant 0 : index
    %get3A_11 = arith.constant 0 : index
    %get3A_12 = vector.load %arg1[%get3A_9, %get3A_10, %get3A_11] : memref<2x1000x128xf32, #tpu.memory_space<vmem>>, vector<1x1000x128xf32>
    %get3A_13 = vector.shape_cast %get3A_12 : vector<1x1000x128xf32> to vector<1000x128xf32>
    %add3A = arith.addf %get3A_8, %get3A_13 : vector<1000x128xf32>
    %get3A_14 = arith.constant 0 : index
    %get3A_15 = arith.constant 0 : index
    %get3A_16 = arith.constant 0 : index
    %get3A_17 = arith.constant 0 : index
    %get3A_18 = vector.load %arg3[%get3A_14, %get3A_15, %get3A_16, %get3A_17] : memref<1x2x1000x128xf32, #tpu.memory_space<vmem>>, vector<1x1x1000x128xf32>
    %get3A_19 = vector.shape_cast %get3A_18 : vector<1x1x1000x128xf32> to vector<1000x128xf32>
    %get3A_20 = arith.constant 0 : index
    %get3A_21 = arith.constant 1 : index
    %get3A_22 = arith.constant 0 : index
    %get3A_23 = arith.constant 0 : index
    %get3A_24 = vector.load %arg3[%get3A_20, %get3A_21, %get3A_22, %get3A_23] : memref<1x2x1000x128xf32, #tpu.memory_space<vmem>>, vector<1x1x1000x128xf32>
    %get3A_25 = vector.shape_cast %get3A_24 : vector<1x1x1000x128xf32> to vector<1000x128xf32>
    %add3A_26 = arith.addf %get3A_19, %get3A_25 : vector<1000x128xf32>
    %get3A_27 = arith.constant 0 : index
    %get3A_28 = arith.constant 0 : index
    %get3A_29 = arith.constant 0 : index
    %get3A_30 = vector.load %arg5[%get3A_27, %get3A_28, %get3A_29] : memref<1x1x128xf32, #tpu.memory_space<vmem>>, vector<1x1x128xf32>
    %get3A_31 = vector.shape_cast %get3A_30 : vector<1x1x128xf32> to vector<1x128xf32>
    %gt3A = arith.constant 0.000000e+00 : f32
    %gt3A_32 = vector.broadcast %gt3A : f32 to vector<1x128xf32>
    %gt3A_33 = arith.cmpf ogt, %get3A_31, %gt3A_32 : vector<1x128xf32>
    %mul3A = arith.constant 1.000000e-01 : f32
    %mul3A_34 = vector.broadcast %mul3A : f32 to vector<1x128xf32>
    %mul3A_35 = arith.mulf %mul3A_34, %get3A_31 : vector<1x128xf32>
    %select_n3A = arith.select %gt3A_33, %get3A_31, %mul3A_35 : vector<1x128xi1>, vector<1x128xf32>
    %get3A_36 = arith.constant 0 : index
    %get3A_37 = arith.constant 0 : index
    %get3A_38 = arith.constant 0 : index
    %get3A_39 = vector.load %arg4[%get3A_36, %get3A_37, %get3A_38] : memref<1x128x128xf32, #tpu.memory_space<vmem>>, vector<1x128x128xf32>
    %get3A_40 = vector.shape_cast %get3A_39 : vector<1x128x128xf32> to vector<128x128xf32>
    %dot_general3A = arith.constant dense<0.000000e+00> : vector<1x128xf32>
    %dot_general3A_41 = tpu.matmul %select_n3A, %get3A_40, %dot_general3A {dimension_numbers = #tpu.dot_dimension_numbers<[1], [0], [0], [1], [0, 0, 1, 1], [], []>, transpose_lhs_hint = false} : vector<1x128xf32>, vector<128x128xf32>, vector<1x128xf32> -> vector<1x128xf32>
    %get3A_42 = arith.constant 0 : index
    %get3A_43 = arith.constant 0 : index
    %get3A_44 = arith.constant 0 : index
    %get3A_45 = vector.load %arg6[%get3A_42, %get3A_43, %get3A_44] : memref<1x1x128xf32, #tpu.memory_space<vmem>>, vector<1x1x128xf32>
    %get3A_46 = vector.shape_cast %get3A_45 : vector<1x1x128xf32> to vector<1x128xf32>
    %add3A_47 = arith.addf %dot_general3A_41, %get3A_46 : vector<1x128xf32>
    %add3A_48 = arith.addf %add3A, %get3A_3 : vector<1000x128xf32>
    %add3A_49 = arith.addf %add3A_48, %add3A_26 : vector<1000x128xf32>
    %add3A_50 = vector.broadcast %add3A_47 : vector<1x128xf32> to vector<1000x128xf32>
    %add3A_51 = arith.addf %add3A_49, %add3A_50 : vector<1000x128xf32>
    %get3A_52 = arith.constant 0 : index
    %get3A_53 = arith.constant 0 : index
    %get3A_54 = arith.constant 0 : index
    %get3A_55 = vector.load %arg7[%get3A_52, %get3A_53, %get3A_54] : memref<1x128x256xf32, #tpu.memory_space<vmem>>, vector<1x128x256xf32>
    %get3A_56 = vector.shape_cast %get3A_55 : vector<1x128x256xf32> to vector<128x256xf32>
    %dot_general3A_57 = arith.constant dense<0.000000e+00> : vector<1000x256xf32>
    %dot_general3A_58 = tpu.matmul %add3A_51, %get3A_56, %dot_general3A_57 {dimension_numbers = #tpu.dot_dimension_numbers<[1], [0], [0], [1], [0, 0, 1, 1], [], []>, transpose_lhs_hint = false} : vector<1000x128xf32>, vector<128x256xf32>, vector<1000x256xf32> -> vector<1000x256xf32>
    %get3A_59 = arith.constant 0 : index
    %get3A_60 = arith.constant 0 : index
    %get3A_61 = arith.constant 0 : index
    %get3A_62 = vector.load %arg8[%get3A_59, %get3A_60, %get3A_61] : memref<1x1x256xf32, #tpu.memory_space<vmem>>, vector<1x1x256xf32>
    %get3A_63 = vector.shape_cast %get3A_62 : vector<1x1x256xf32> to vector<1x256xf32>
    %add3A_64 = vector.broadcast %get3A_63 : vector<1x256xf32> to vector<1000x256xf32>
    %add3A_65 = arith.addf %dot_general3A_58, %add3A_64 : vector<1000x256xf32>
    %max3A = arith.constant 0.000000e+00 : f32
    %max3A_66 = vector.broadcast %max3A : f32 to vector<1000x256xf32>
    %max3A_67 = arith.maximumf %add3A_65, %max3A_66 : vector<1000x256xf32>
    %get3A_68 = arith.constant 0 : index
    %get3A_69 = arith.constant 0 : index
    %get3A_70 = arith.constant 0 : index
    %get3A_71 = vector.load %arg9[%get3A_68, %get3A_69, %get3A_70] : memref<1x256x128xf32, #tpu.memory_space<vmem>>, vector<1x256x128xf32>
    %get3A_72 = vector.shape_cast %get3A_71 : vector<1x256x128xf32> to vector<256x128xf32>
    %dot_general3A_73 = arith.constant dense<0.000000e+00> : vector<1000x128xf32>
    %dot_general3A_74 = tpu.matmul %max3A_67, %get3A_72, %dot_general3A_73 {dimension_numbers = #tpu.dot_dimension_numbers<[1], [0], [0], [1], [0, 0, 1, 1], [], []>, transpose_lhs_hint = false} : vector<1000x256xf32>, vector<256x128xf32>, vector<1000x128xf32> -> vector<1000x128xf32>
    %get3A_75 = arith.constant 0 : index
    %get3A_76 = arith.constant 0 : index
    %get3A_77 = arith.constant 0 : index
    %get3A_78 = vector.load %arg10[%get3A_75, %get3A_76, %get3A_77] : memref<1x1x128xf32, #tpu.memory_space<vmem>>, vector<1x1x128xf32>
    %get3A_79 = vector.shape_cast %get3A_78 : vector<1x1x128xf32> to vector<1x128xf32>
    %add3A_80 = vector.broadcast %get3A_79 : vector<1x128xf32> to vector<1000x128xf32>
    %add3A_81 = arith.addf %dot_general3A_74, %add3A_80 : vector<1000x128xf32>
    %swap3A = arith.constant 0 : index
    %swap3A_82 = arith.constant 0 : index
    %swap3A_83 = vector.load %arg11[%swap3A, %swap3A_82] : memref<1000x128xf32, #tpu.memory_space<vmem>>, vector<1000x128xf32>
    tpu.vector_store %arg11[%swap3A, %swap3A_82], %add3A_81 {strides = array<i32>} : memref<1000x128xf32, #tpu.memory_space<vmem>>, vector<1000x128xf32>,
    %get3A_84 = arith.constant 0 : index
    %get3A_85 = arith.constant 0 : index
    %get3A_86 = vector.load %arg13[%get3A_84, %get3A_85] : memref<8x128xf32, #tpu.memory_space<vmem>>, vector<1x128xf32>
    %reduce_sum3A = arith.constant dense<0.000000e+00> : vector<128xf32>
    %reduce_sum3A_87 = vector.multi_reduction <add>, %add3A_81, %reduce_sum3A [0] : vector<1000x128xf32> to vector<128xf32>
    %broadcast_in_dim3A = vector.shape_cast %reduce_sum3A_87 : vector<128xf32> to vector<1x128xf32>
    %add3A_88 = arith.addf %get3A_86, %broadcast_in_dim3A : vector<1x128xf32>
    %swap3A_89 = arith.constant 0 : index
    %swap3A_90 = arith.constant 0 : index
    %swap3A_91 = vector.load %arg13[%swap3A_89, %swap3A_90] : memref<8x128xf32, #tpu.memory_space<vmem>>, vector<1x128xf32>
    tpu.vector_store %arg13[%swap3A_89, %swap3A_90], %add3A_88 {strides = array<i32>} : memref<8x128xf32, #tpu.memory_space<vmem>>, vector<1x128xf32>,
    %get3A_92 = arith.constant 1 : index
    %get3A_93 = arith.constant 0 : index
    %get3A_94 = vector.load %arg13[%get3A_92, %get3A_93] : memref<8x128xf32, #tpu.memory_space<vmem>>, vector<1x128xf32>
    %mul3A_95 = arith.mulf %add3A_81, %add3A_81 : vector<1000x128xf32>
    %reduce_sum3A_96 = arith.constant dense<0.000000e+00> : vector<128xf32>
    %reduce_sum3A_97 = vector.multi_reduction <add>, %mul3A_95, %reduce_sum3A_96 [0] : vector<1000x128xf32> to vector<128xf32>
    %broadcast_in_dim3A_98 = vector.shape_cast %reduce_sum3A_97 : vector<128xf32> to vector<1x128xf32>
    %add3A_99 = arith.addf %get3A_94, %broadcast_in_dim3A_98 : vector<1x128xf32>
    %swap3A_100 = arith.constant 1 : index
    %swap3A_101 = arith.constant 0 : index
    %swap3A_102 = vector.load %arg13[%swap3A_100, %swap3A_101] : memref<8x128xf32, #tpu.memory_space<vmem>>, vector<1x128xf32>
    tpu.vector_store %arg13[%swap3A_100, %swap3A_101], %add3A_99 {strides = array<i32>} : memref<8x128xf32, #tpu.memory_space<vmem>>, vector<1x128xf32>,
    %eq3A_103 = arith.constant 9 : i32
    %eq3A_104 = arith.cmpi eq, %arg0, %eq3A_103 : i32
    %convert_element_type3A_105 = arith.extui %eq3A_104 : i1 to i32
    %cond3A_106 = arith.constant 0 : i32
    %cond3A_107 = arith.cmpi ne, %convert_element_type3A_105, %cond3A_106 : i32
    scf.if %cond3A_107 {
      %get3A_108 = arith.constant 0 : index
      %get3A_109 = arith.constant 0 : index
      %get3A_110 = vector.load %arg13[%get3A_108, %get3A_109] : memref<8x128xf32, #tpu.memory_space<vmem>>, vector<8x128xf32>
      %swap3A_111 = arith.constant 0 : index
      %swap3A_112 = arith.constant 0 : index
      %swap3A_113 = vector.load %arg12[%swap3A_111, %swap3A_112] : memref<8x128xf32, #tpu.memory_space<vmem>>, vector<8x128xf32>
      tpu.vector_store %arg12[%swap3A_111, %swap3A_112], %get3A_110 {strides = array<i32>} : memref<8x128xf32, #tpu.memory_space<vmem>>, vector<8x128xf32>,
    } else {
    }
    return
  }
  func.func @transform_0(%arg0: i32) -> (i32, i32, i32) {
    %c0_i32 = arith.constant 0 : i32
    %c0_i32_0 = arith.constant 0 : i32
    %c0_i32_1 = arith.constant 0 : i32
    return %c0_i32, %arg0, %c0_i32_0 : i32, i32, i32
  }
  func.func @transform_1(%arg0: i32) -> (i32, i32) {
    %c0_i32 = arith.constant 0 : i32
    %c0_i32_0 = arith.constant 0 : i32
    return %arg0, %c0_i32 : i32, i32
  }
  func.func @transform_2(%arg0: i32) -> (i32, i32, i32, i32) {
    %c2_i32 = arith.constant 2 : i32
    %c0_i32 = arith.constant 0 : i32
    %c0_i32_0 = arith.constant 0 : i32
    %c0_i32_1 = arith.constant 0 : i32
    return %c2_i32, %c0_i32, %arg0, %c0_i32_0 : i32, i32, i32, i32
  }
  func.func @transform_3(%arg0: i32) -> (i32, i32, i32) {
    %c2_i32 = arith.constant 2 : i32
    %c0_i32 = arith.constant 0 : i32
    %c0_i32_0 = arith.constant 0 : i32
    %c0_i32_1 = arith.constant 0 : i32
    return %c2_i32, %c0_i32, %c0_i32_0 : i32, i32, i32
  }
  func.func @transform_4(%arg0: i32) -> (i32, i32, i32) {
    %c2_i32 = arith.constant 2 : i32
    %c0_i32 = arith.constant 0 : i32
    %c0_i32_0 = arith.constant 0 : i32
    %c0_i32_1 = arith.constant 0 : i32
    return %c2_i32, %c0_i32, %c0_i32_0 : i32, i32, i32
  }
  func.func @transform_5(%arg0: i32) -> (i32, i32, i32) {
    %c2_i32 = arith.constant 2 : i32
    %c0_i32 = arith.constant 0 : i32
    %c0_i32_0 = arith.constant 0 : i32
    %c0_i32_1 = arith.constant 0 : i32
    return %c2_i32, %c0_i32, %c0_i32_0 : i32, i32, i32
  }
  func.func @transform_6(%arg0: i32) -> (i32, i32, i32) {
    %c2_i32 = arith.constant 2 : i32
    %c0_i32 = arith.constant 0 : i32
    %c0_i32_0 = arith.constant 0 : i32
    %c0_i32_1 = arith.constant 0 : i32
    return %c2_i32, %c0_i32, %c0_i32_0 : i32, i32, i32
  }
  func.func @transform_7(%arg0: i32) -> (i32, i32, i32) {
    %c2_i32 = arith.constant 2 : i32
    %c0_i32 = arith.constant 0 : i32
    %c0_i32_0 = arith.constant 0 : i32
    %c0_i32_1 = arith.constant 0 : i32
    return %c2_i32, %c0_i32, %c0_i32_0 : i32, i32, i32
  }
  func.func @transform_8(%arg0: i32) -> (i32, i32, i32) {
    %c2_i32 = arith.constant 2 : i32
    %c0_i32 = arith.constant 0 : i32
    %c0_i32_0 = arith.constant 0 : i32
    %c0_i32_1 = arith.constant 0 : i32
    return %c2_i32, %c0_i32, %c0_i32_0 : i32, i32, i32
  }
  func.func @transform_9(%arg0: i32) -> (i32, i32, i32) {
    %c2_i32 = arith.constant 2 : i32
    %c0_i32 = arith.constant 0 : i32
    %c0_i32_0 = arith.constant 0 : i32
    %c0_i32_1 = arith.constant 0 : i32
    return %c2_i32, %c0_i32, %c0_i32_0 : i32, i32, i32
  }
  func.func @transform_10(%arg0: i32) -> (i32, i32) {
    %c0_i32 = arith.constant 0 : i32
    %c0_i32_0 = arith.constant 0 : i32
    return %arg0, %c0_i32 : i32, i32
  }
  func.func @transform_11(%arg0: i32) -> (i32, i32) {
    %c0_i32 = arith.constant 0 : i32
    %c0_i32_0 = arith.constant 0 : i32
    %c0_i32_1 = arith.constant 0 : i32
    return %c0_i32, %c0_i32_0 : i32, i32
  }
}

module attributes {stable_mosaic.version = 14 : i64} {
  func.func @_dense2_body(%arg0: i32, %arg1: memref<1000x128xf32, #tpu.memory_space<vmem>>, %arg2: memref<8x128xf32, #tpu.memory_space<vmem>>, %arg3: memref<1x1x128xf32, #tpu.memory_space<vmem>>, %arg4: memref<1x1x128xf32, #tpu.memory_space<vmem>>, %arg5: memref<1000x128xf32, #tpu.memory_space<vmem>>) attributes {dimension_semantics = [#tpu.dimension_semantics<arbitrary>], iteration_bounds = array<i64: 10>, scalar_prefetch = 0 : i64, scratch_operands = 0 : i64, tpu.core_type = #tpu.core_type<tc>, window_params = [{transform_indices = @transform_0, window_bounds = array<i64: 1000, 128>}, {pipeline_mode = #tpu.pipeline_mode<synchronous>, transform_indices = @transform_1, window_bounds = array<i64: 8, 128>}, {transform_indices = @transform_2, window_bounds = array<i64: 1, 1, 128>}, {transform_indices = @transform_3, window_bounds = array<i64: 1, 1, 128>}, {transform_indices = @transform_4, window_bounds = array<i64: 1000, 128>}]} {
    %get3A = arith.constant 0 : index
    %get3A_0 = arith.constant 0 : index
    %get3A_1 = vector.load %arg1[%get3A, %get3A_0] : memref<1000x128xf32, #tpu.memory_space<vmem>>, vector<1000x128xf32>
    %get3A_2 = arith.constant 0 : index
    %get3A_3 = arith.constant 0 : index
    %get3A_4 = vector.load %arg2[%get3A_2, %get3A_3] : memref<8x128xf32, #tpu.memory_space<vmem>>, vector<1x128xf32>
    %mul3A = arith.constant 9.99999974E-5 : f32
    %mul3A_5 = vector.broadcast %mul3A : f32 to vector<1x128xf32>
    %mul3A_6 = arith.mulf %get3A_4, %mul3A_5 : vector<1x128xf32>
    %get3A_7 = arith.constant 1 : index
    %get3A_8 = arith.constant 0 : index
    %get3A_9 = vector.load %arg2[%get3A_7, %get3A_8] : memref<8x128xf32, #tpu.memory_space<vmem>>, vector<1x128xf32>
    %mul3A_10 = arith.constant 9.99999974E-5 : f32
    %mul3A_11 = vector.broadcast %mul3A_10 : f32 to vector<1x128xf32>
    %mul3A_12 = arith.mulf %get3A_9, %mul3A_11 : vector<1x128xf32>
    %mul3A_13 = arith.mulf %mul3A_6, %mul3A_6 : vector<1x128xf32>
    %sub3A = arith.subf %mul3A_12, %mul3A_13 : vector<1x128xf32>
    %sub3A_14 = vector.broadcast %mul3A_6 : vector<1x128xf32> to vector<1000x128xf32>
    %sub3A_15 = arith.subf %get3A_1, %sub3A_14 : vector<1000x128xf32>
    %add3A = arith.constant 9.99999974E-6 : f32
    %add3A_16 = vector.broadcast %add3A : f32 to vector<1x128xf32>
    %add3A_17 = arith.addf %sub3A, %add3A_16 : vector<1x128xf32>
    %rsqrt3A = math.rsqrt %add3A_17 : vector<1x128xf32>
    %mul3A_18 = vector.broadcast %rsqrt3A : vector<1x128xf32> to vector<1000x128xf32>
    %mul3A_19 = arith.mulf %sub3A_15, %mul3A_18 : vector<1000x128xf32>
    %get3A_20 = arith.constant 0 : index
    %get3A_21 = arith.constant 0 : index
    %get3A_22 = arith.constant 0 : index
    %get3A_23 = vector.load %arg3[%get3A_20, %get3A_21, %get3A_22] : memref<1x1x128xf32, #tpu.memory_space<vmem>>, vector<1x1x128xf32>
    %get3A_24 = vector.shape_cast %get3A_23 : vector<1x1x128xf32> to vector<1x128xf32>
    %mul3A_25 = vector.broadcast %get3A_24 : vector<1x128xf32> to vector<1000x128xf32>
    %mul3A_26 = arith.mulf %mul3A_19, %mul3A_25 : vector<1000x128xf32>
    %get3A_27 = arith.constant 0 : index
    %get3A_28 = arith.constant 0 : index
    %get3A_29 = arith.constant 0 : index
    %get3A_30 = vector.load %arg4[%get3A_27, %get3A_28, %get3A_29] : memref<1x1x128xf32, #tpu.memory_space<vmem>>, vector<1x1x128xf32>
    %get3A_31 = vector.shape_cast %get3A_30 : vector<1x1x128xf32> to vector<1x128xf32>
    %add3A_32 = vector.broadcast %get3A_31 : vector<1x128xf32> to vector<1000x128xf32>
    %add3A_33 = arith.addf %mul3A_26, %add3A_32 : vector<1000x128xf32>
    %swap3A = arith.constant 0 : index
    %swap3A_34 = arith.constant 0 : index
    %swap3A_35 = vector.load %arg5[%swap3A, %swap3A_34] : memref<1000x128xf32, #tpu.memory_space<vmem>>, vector<1000x128xf32>
    tpu.vector_store %arg5[%swap3A, %swap3A_34], %add3A_33 {strides = array<i32>} : memref<1000x128xf32, #tpu.memory_space<vmem>>, vector<1000x128xf32>,
    return
  }
  func.func @transform_0(%arg0: i32) -> (i32, i32) {
    %c0_i32 = arith.constant 0 : i32
    %c0_i32_0 = arith.constant 0 : i32
    return %arg0, %c0_i32 : i32, i32
  }
  func.func @transform_1(%arg0: i32) -> (i32, i32) {
    %c0_i32 = arith.constant 0 : i32
    %c0_i32_0 = arith.constant 0 : i32
    %c0_i32_1 = arith.constant 0 : i32
    return %c0_i32, %c0_i32_0 : i32, i32
  }
  func.func @transform_2(%arg0: i32) -> (i32, i32, i32) {
    %c2_i32 = arith.constant 2 : i32
    %c0_i32 = arith.constant 0 : i32
    %c0_i32_0 = arith.constant 0 : i32
    %c0_i32_1 = arith.constant 0 : i32
    return %c2_i32, %c0_i32, %c0_i32_0 : i32, i32, i32
  }
  func.func @transform_3(%arg0: i32) -> (i32, i32, i32) {
    %c2_i32 = arith.constant 2 : i32
    %c0_i32 = arith.constant 0 : i32
    %c0_i32_0 = arith.constant 0 : i32
    %c0_i32_1 = arith.constant 0 : i32
    return %c2_i32, %c0_i32, %c0_i32_0 : i32, i32, i32
  }
  func.func @transform_4(%arg0: i32) -> (i32, i32) {
    %c0_i32 = arith.constant 0 : i32
    %c0_i32_0 = arith.constant 0 : i32
    return %arg0, %c0_i32 : i32, i32
  }
}

</mosaic_0001>

<sc_bundles>
// kernel: kernel.14.cloned.1.call-start
scs
__scs_entry_jumppad:
0x0: {  	(pc) =	sbr.rel $0x88, $3  }
0x1: {  	(tag) =	ssettag $0x0;
	lr =	simm.s32 $0x1  }
0x2: {  	[smem:$0x3F90] =	sst lr;
	_ =	strace $0xD0000000  }
0x3: {  	_ = 	snop  }
0x4: {  	_ = 	snop  }
0x5: {  	_ = 	snop  }
0x6: {  	_ = 	snop  }
0x7: {  	_ = 	snop  }
__scs_overlays_trampoline_lowered:
0x8: {  	[smem:$0x3F9F] =	sst s0  }
0x9: {  	[smem:$0x3FA0] =	sst s1  }
0xa: {  	[smem:$0x3FA1] =	sst s2  }
0xb: {  	[smem:$0x3FA2] =	sst s3  }
0xc: {  	[smem:$0x3FA3] =	sst s4  }
0xd: {  	[smem:$0x3FA4] =	sst s5  }
0xe: {  	[smem:$0x3FA5] =	sst s6  }
0xf: {  	[smem:$0x3FA6] =	sst s7  }
0x10: {  	[smem:$0x3FA7] =	sst s8  }
0x11: {  	[smem:$0x3FA8] =	sst s9;
	s0 =	simm.s32 @!p0 $0x0  }
0x12: {  	s1 =	sld [smem:$0x3F8E];
	s0 =	simm.s32 @p0 $0x1  }
0x13: {  	[smem:$0x3FA9] =	sst s0;
	s0 =	simm.s32 @!p1 $0x0  }
0x14: {  	s2 =	sld [smem:$0x3F8D];
	s0 =	simm.s32 @p1 $0x1  }
0x15: {  	[smem:$0x3FAA] =	sst s0;
	s0 =	simm.s32 @!p2 $0x0  }
0x16: {  	s3 =	sld [smem:$0x3FDB];
	s0 =	simm.s32 @p2 $0x1  }
0x17: {  	s4 =	simm.s32 $0x1BF5;
	[smem:$0x3FAC] =	sst s0  }
0x18: {  	s0 =	sld [smem:$0x3F8F];
	_ =	swait.ge [sflag:s4], $0x0  }
0x19: {  	s7 =	sld [smem:$0x3F90]  }
0x1a: {  	s8 =	sadd.s32 $0xFFFFE003, lr  }
0x1b: {  	s9 =	sadd.s32 $0xFFFFFEF7, lr;
	s5 =	simm.s32 $0xFFFFFFFF;
	p2 =	slt.u32 s8, $0xFFFFF086  }
0x1c: {  	p1 =	slt.u32 s9, $0xF7A;
	s5 =	simm.s32 @!p2 $0x0  }
0x1d: {  	s5 =	simm.s32 @p1 $0x1;
	p0 =	seq.s32 s7, s2  }
0x1e: {  	s7 =	smul.u32 @!p0 $0xF7A, s2;
	p2 =	seq.s32 @!p0 s5, $0x0  }
0x1f: {  	s9 =	smul.u32 $0xF7A, s1;
	s8 =	simm.s32 @!p0 $0x1BF5;
	p2 =	por !p2, p0  }
0x20: {  	[sflag:s8] =	ssyncset.s32 @!p0 $0xFFFFF086;
	s6 =	sadd.s32 @!p0 s3, s7;
	s7 =	simm.s32 @!p0 $0x108  }
0x21: {  	s3 =	sadd.s32 s3, s9;
	s6 =	sadd.s32 @!p0 $0x88, s6;
	s7 =	simm.s32 @p2 $0x1082  }
0x22: {  	[simem:s7], [sflag:s8] =	dma.local @!p0 [hbm:s6], $0xF7A  }
0x23: {  	s9 =	sor.u32 $0xD0000000, s2;
	s6 =	simm.s32 $0x108;
	_ =	swait.ge @!p0 [sflag:s8], $0x0  }
0x24: {  	s3 =	sadd.s32 $0x88, s3;
	s6 =	simm.s32 @!p1 $0x1082;
	[sflag:s4] =	ssyncset.s32 $0xFFFFF086  }
0x25: {  	[simem:s6], [sflag:s4] =	dma.local [hbm:s3], $0xF7A  }
0x26: {  	[smem:$0x3F90] =	sst s1;
	(tag) =	ssettag s2;
	_ =	strace s9  }
0x27: {  	s1 =	sld [smem:$0x3FA0]  }
0x28: {  	s2 =	sld [smem:$0x3FA1]  }
0x29: {  	s4 =	sld [smem:$0x3FA3]  }
0x2a: {  	p0 =	seq.s32 s5, $0x0;
	s5 =	sld [smem:$0x3FA4]  }
0x2b: {  	s6 =	sld [smem:$0x3FA5]  }
0x2c: {  	s7 =	sld [smem:$0x3FA6]  }
0x2d: {  	s3 =	simm.s32 $0x108;
	s8 =	sld [smem:$0x3FA7]  }
0x2e: {  	s3 =	simm.s32 @!p0 $0x1082;
	s9 =	sld [smem:$0x3FA8]  }
0x2f: {  	lr =	sadd.s32 s0, s3;
	s0 =	sld [smem:$0x3F9F]  }
0x30: {  	s3 =	sld [smem:$0x3FA2]  }
0x31: {  	[smem:$0x3FAB] =	sst s10  }
0x32: {  	s10 =	sld [smem:$0x3FA9];
	_ =	sdelay $0x3  }
0x33: {  	p0 =	seq.s32 s10, $0x1;
	s10 =	sld [smem:$0x3FAB];
	_ =	sdelay $0x3  }
0x34: {  	[smem:$0x3FAB] =	sst s10  }
0x35: {  	s10 =	sld [smem:$0x3FAA];
	_ =	sdelay $0x3  }
0x36: {  	p1 =	seq.s32 s10, $0x1;
	s10 =	sld [smem:$0x3FAB];
	_ =	sdelay $0x3  }
0x37: {  	[smem:$0x3FAB] =	sst s10  }
0x38: {  	s10 =	sld [smem:$0x3FAC]  }
0x39: {  	_ = 	snop;
	(pc) =	sbr.ind lr, $3  }
0x3a: {  	_ = 	snop  }
0x3b: {  	_ = 	snop  }
0x3c: {  	p2 =	seq.s32 s10, $0x1;
	s10 =	sld [smem:$0x3FAB]  }
0x3d: {  	_ =	shalt  }
0x3e: {  	_ =	shalt  }
0x3f: {  	_ =	shalt  }
0x40: {  	_ =	shalt  }
0x41: {  	_ =	shalt  }
0x42: {  	_ =	shalt  }
0x43: {  	_ =	shalt  }
0x44: {  	_ =	shalt  }
0x45: {  	_ =	shalt  }
0x46: {  	_ =	shalt  }
0x47: {  	_ =	shalt  }
0x48: {  	_ =	shalt  }
0x49: {  	_ =	shalt  }
0x4a: {  	_ =	shalt  }
0x4b: {  	_ =	shalt  }
0x4c: {  	_ =	shalt  }
0x4d: {  	_ =	shalt  }
0x4e: {  	_ =	shalt  }
0x4f: {  	_ =	shalt  }
0x50: {  	_ =	shalt  }
0x51: {  	_ =	shalt  }
0x52: {  	_ =	shalt  }
0x53: {  	_ =	shalt  }
0x54: {  	_ =	shalt  }
0x55: {  	_ =	shalt  }
0x56: {  	_ =	shalt  }
0x57: {  	_ =	shalt  }
0x58: {  	_ =	shalt  }
0x59: {  	_ =	shalt  }
0x5a: {  	_ =	shalt  }
0x5b: {  	_ =	shalt  }
0x5c: {  	_ =	shalt  }
0x5d: {  	_ =	shalt  }
0x5e: {  	_ =	shalt  }
0x5f: {  	_ =	shalt  }
0x60: {  	_ =	shalt  }
0x61: {  	_ =	shalt  }
0x62: {  	_ =	shalt  }
0x63: {  	_ =	shalt  }
0x64: {  	_ =	shalt  }
0x65: {  	_ =	shalt  }
0x66: {  	_ =	shalt  }
0x67: {  	_ =	shalt  }
0x68: {  	_ =	shalt  }
0x69: {  	_ =	shalt  }
0x6a: {  	_ =	shalt  }
0x6b: {  	_ =	shalt  }
0x6c: {  	_ =	shalt  }
0x6d: {  	_ =	shalt  }
0x6e: {  	_ =	shalt  }
0x6f: {  	_ =	shalt  }
0x70: {  	_ =	shalt  }
0x71: {  	_ =	shalt  }
0x72: {  	_ =	shalt  }
0x73: {  	_ =	shalt  }
0x74: {  	_ =	shalt  }
0x75: {  	_ =	shalt  }
0x76: {  	_ =	shalt  }
0x77: {  	_ =	shalt  }
0x78: {  	_ =	shalt  }
0x79: {  	_ =	shalt  }
0x7a: {  	_ =	shalt  }
0x7b: {  	_ =	shalt  }
0x7c: {  	_ =	shalt  }
0x7d: {  	_ =	shalt  }
0x7e: {  	_ =	shalt  }
0x7f: {  	_ =	shalt  }
0x80: {  	_ =	shalt  }
0x81: {  	_ =	shalt  }
0x82: {  	_ =	shalt  }
0x83: {  	_ =	shalt  }
0x84: {  	_ =	shalt  }
0x85: {  	_ =	shalt  }
0x86: {  	_ =	shalt  }
0x87: {  	_ =	shalt  }
.Lfunc_end0:
.L_simem_size_0:
called_computation_lowered:
.L_overlay_start_0:
0x88: {  	s2 =	sld [smem:$0x3FD9]  }
0x89: {  	s3 =	sld [smem:$0x3FFE];
	_ =	sdelay $0x1  }
0x8a: {  	s1 =	srdreg.scid  }
0x8b: {  	s0 =	sand.u32 $0x1, s1  }
0x8c: {  	s16 =	sshll.u32 s0, $0xA;
	s2 =	sadd.s32 s3, s2  }
0x8d: {  	s2 =	sadd.s32 s2, s16  }
0x8e: {  	[smem:$0x3FB7] =	sst s2  }
0x8f: {  	_ = 	snop  }
0x90: {  	(tm) =	ssettm $0x1  }
0x91: {  	s17 =	sld [smem:$0x3FFB];
	_ =	sdelay $0x3  }
0x92: {  	_ =	strace s17  }
0x93: {  	s2 =	sld [smem:$0x3FFC];
	_ =	sdelay $0x3  }
0x94: {  	_ =	strace s2  }
0x95: {  	s2 =	sld [smem:$0x3FFD];
	_ =	sdelay $0x3  }
0x96: {  	_ =	strace s2  }
0x97: {  	_ =	strace $0x8FFFFFFF  }
0x98: {  	s18 =	sld [smem:$0x3FDB];
	_ =	sdelay $0x1  }
0x99: {  	s19 =	simm.s32 $_scs_section_size  }
0x9a: {  	s4 =	simm.s32 $_size__tile_overlayer_lowered;
	s5 =	simm.s32 $_tile_overlayer_lowered  }
0x9b: {  	s22 =	simm.s32 $0x1BFF;
	s21 =	sshll.u32 s5, $0x1;
	s2 =	sadd.s32 s19, s18  }
0x9c: {  	s6 =	simm.s32 $0x0;
	s20 =	sshll.u32 s4, $0x1;
	s4 =	sadd.s32 s21, s2  }
0x9d: {  	[timem:s6], [sflag:s22] =	dma.local [hbm:s4], s20  }
0x9e: {  	_ =	swait.ge [sflag:s22], s20  }
0x9f: {  	s3 =	ssub.s32 $0x0, s20;
	[sflag:s22] =	ssyncset.done $0x0  }
0xa0: {  	[sflag:s22] =	ssyncadd.s32 s3;
	_ =	sdelay $0x1  }
0xa1: {  	s23 =	simm.s32 $0x1B8B  }
0xa2: {  	_ =	swait.ge [sflag:s23], $0x1  }
0xa3: {  	[sflag:s23] =	ssyncset.done $0x0  }
0xa4: {  	s25 =	simm.s32 $0x1B8E;
	s24 =	sld [smem:$0x3FFE];
	[sflag:s23] =	ssyncadd.s32 $0xFFFFFFFF  }
0xa5: {  	s26 =	simm.s32 $execute0_lowered;
	[smem:$0x3FD2] =	sst s25  }
0xa6: {  	s4 =	sshll.u32 s26, $0x1;
	_ =	strace $0x80000046;
	[dreg:$0x1] =	wrdreg $0xFFFFFFFF  }
0xa7: {  	s28 =	simm.s32 $_size_execute0_lowered;
	s2 =	sadd.s32 s2, s4;
	[dreg:$0x0] =	wrdreg $0x0  }
0xa8: {  	s4 =	sshll.u32 s28, $0x1;
	[dreg:$0x2] =	wrdreg s2  }
0xa9: {  	[dreg:$0x3] =	wrdreg s4  }
0xaa: {  	[dreg:$0x4] =	wrdreg $0xC0  }
0xab: {  	_ =	task [dreg:s6], $0x5FFFF  }
0xac: {  	[dreg:$0x1] =	wrdreg $0xFFFFFFFF  }
0xad: {  	[dreg:$0x0] =	wrdreg $0x60  }
0xae: {  	[dreg:$0x2] =	wrdreg s24  }
0xaf: {  	[dreg:$0x3] =	wrdreg $0x66800  }
0xb0: {  	[dreg:$0x4] =	wrdreg $0x9  }
0xb1: {  	_ =	task.clear_ibuf [dreg:s6], $0x5FFFF;
	_ =	strace $0x90000046  }
0xb2: {  	s29 =	simm.s32 $0x9;
	_ =	strace $0x80000048  }
0xb3: {  	_ =	swait.ge [sflag:s29], $0x1  }
0xb4: {  	[sflag:s29] =	ssyncadd.s32 $0xFFFFFFFF  }
0xb5: {  	_ =	strace $0x90000048  }
0xb6: {  	_ =	sfence  }
0xb7: {  	s30 =	sld [smem:$0x0];
	_ =	sdelay $0x2  }
0xb8: {  	s31 =	sshll.u32 s1, $0xD;
	s1 =	sshrl.u32 s1, $0x2  }
0xb9: {  	s3 =	sand.u32 $0x4000, s31;
	s1 =	sadd.s32 s1, s30  }
0xba: {  	s0 =	sor.u32 s3, s0;
	s1 =	sshll.u32 s1, $0x11  }
0xbb: {  	s0 =	sor.u32 s1, s0  }
0xbc: {  	s0 =	sadd.s32 $0x8F2B, s0  }
0xbd: {  	[sflag:s0] =	ssyncadd.remote.s32 $0x1  }
0xbe: {  	_ =	sfence.sel $0xFFFF  }
0xbf: {  	[dreg:$0x0] =	wrdreg $0xFFFFFFFF;
	(pc) =	sbr.abs _section_cstart, $3  }
0xc0: {  	[dreg:$0x1] =	wrdreg $0xFFFFFFFF  }
0xc1: {  	_ =	task.clear_ibuf [dreg:s6], $0x2FFFF;
	_ =	strace $0x9FFFFFFF  }
0xc2: {  	(tm) =	ssettm $0x7FFFFFFF  }
0xc3: {  	_ =	shalt  }
tec
execute0_lowered:
.L_overlay_start_1:
0x0: {  	(tag) =	ssettag $0x1  }
0x1: {  	s14 =	stileid.u32  }
0x2: {  	s5 =	smul.u32 $0x3E80, s14  }
0x3: {  	s0 =	rddreg [dreg:$0x0];
	s6 =	smul.u32 $0x3E8, s14  }
0x4: {  	s1 =	srdreg.scid;
	s26 =	smul.u32 $0x2710, s14  }
0x5: {  	s2 =	rddreg [dreg:$0x1];
	s3 =	simm.s32 $0x0;
	s10 =	smul.u32 $0x7D000, s14  }
0x6: {  	s28 =	simm.s32 $0x1680;
	s1 =	sand.u32 $0x1, s1;
	s12 =	smul.u32 $0x27100, s14  }
0x7: {  	s29 =	simm.s32 $0x2A80;
	s30 =	simm.s32 $0x3E80;
	s4 =	smul.u32 $0x271000, s1  }
0x8: {  	s31 =	simm.s32 $0x5280;
	[smem:$0x7FF] =	sst s3;
	s7 =	smul.u32 $0x2710, s1  }
0x9: {  	s15 =	sadd.s32 $0x4E6A00, s0;
	s25 =	smul.u32 $0x27100, s1;
	s1 =	ssub.s32 $0x2, s1  }
0xa: {  	p0 =	sgt.u32 s14, $0x9;
	_ =	strace $0x80000047;
	s9 =	sshrl.u32 s1, $0x1  }
0xb: {  	s5 =	sadd.s32 s5, s0;
	s11 =	sshrl.u32 s10, $0x2;
	s8 =	sadd.s32 s4, s0  }
0xc: {  	s6 =	sadd.s32 s6, s7;
	s1 =	ssub.s32 s1, s9;
	s9 =	sadd.s32 s26, s25  }
0xd: {  	s18 =	sadd.s32 s11, s2;
	s4 =	sadd.s32 $0x4A00, s5;
	s6 =	sshll.u32 s6, $0x4  }
0xe: {  	s17 =	sadd.s32 s12, s8;
	s1 =	smax.u32 s1, $0x1;
	s20 =	sshrl.u32 s9, $0x3  }
0xf: {  	s21 =	sadd.s32 $0xA0, s9;
	s22 =	sadd.s32 $0x78, s9;
	s23 =	sadd.s32 $0x50, s9  }
0x10: {  	s25 =	sadd.s32 $0x28, s9;
	s18 =	sshrl.u32 @!p0 s18, $0x3;
	s0 =	sadd.s32 s6, s0  }
0x11: {  	[dreg:$0x6] =	wrdreg s1;
	s19 =	sadd.s32 $0x4FA600, s17;
	s10 =	sadd.s32 s20, s15  }
0x12: {  	s1 =	sshrl.u32 s21, $0x3;
	s5 =	sshrl.u32 s22, $0x3;
	s24 =	sshrl.u32 s23, $0x3  }
0x13: {  	s26 =	sadd.s32 $0x9DC600, s17;
	s20 =	simm.s32 $0x100;
	s21 =	simm.s32 $0x180  }
0x14: {  	s22 =	simm.s32 $0x200;
	s23 =	simm.s32 $0x280;
	s13 =	sadd.s32 $0x2BC00, s0  }
0x15: {  	s16 =	sadd.s32 $0x79E00, s0;
	s0 =	sadd.s32 $0xC8000, s0;
	[dreg:$0x7] =	wrdreg s19  }
0x16: {  	s11 =	sadd.s32 s1, s15;
	s12 =	sadd.s32 s5, s15;
	[dreg:$0x8] =	wrdreg s26  }
0x17: {  	s1 =	sshrl.u32 s25, $0x3;
	s5 =	sshll.u32 @!p0 s14, $0x6;
	[dreg:$0x3] =	wrdreg s13  }
0x18: {  	s19 =	simm.s32 $0x80;
	s25 =	simm.s32 $0x1;
	[dreg:$0x4] =	wrdreg s16  }
0x19: {  	s26 =	simm.s32 $0x28;
	[dreg:$0x5] =	wrdreg s0;
	s13 =	sadd.s32 s24, s15  }
0x1a: {  	s15 =	sadd.s32 s1, s15;
	s16 =	sadd.s32 $0xEBE600, s17;
	s17 =	sor.u32 @!p0 $0x1C03, s5  }
0x1b: {  	s24 =	simm.s32 $0x3;
	s0 =	simm.s32 $0x2;
	s1 =	simm.s32 $0x0  }
.LBB2_1:
0x1c: {  	[spmem:s18], [sflag:s17] =	dma.local @!p0 [hbm:s4], $0x3E80  }
0x1d: {  	s5 =	simm.s32 @!p0 $0x3  }
0x1e: {  	_ =	swait.ge @!p0 [sflag:s5], $0x3E80  }
0x1f: {  	[sflag:s5] =	ssyncset.done @!p0 $0x0  }
0x20: {  	[sflag:s5] =	ssyncadd.s32 @!p0 $0xFFFFC180  }
0x21: {  	s6 =	sadd.s32 $0x0, s10;
	[bflag:$0x0] =	sbarrier.arrive $0xFFFF  }
0x22: {  	[tilespmem:s3], [sflag:$0x1] =	stream.linear.gather [hbm4b:s6+s3], $0x28, $0x38;
	[tilespmem:$0x19F00] =	vst v63  }
0x23: {  	s7 =	sadd.s32 $0x0, s15  }
0x24: {  	[tilespmem:s19], [sflag:$0x1] =	stream.linear.gather [hbm4b:s7+s3], $0x28, $0x38;
	[tilespmem:$0x19F00] =	vst v63  }
0x25: {  	s8 =	sadd.s32 $0x0, s13  }
0x26: {  	[tilespmem:s20], [sflag:$0x1] =	stream.linear.gather [hbm4b:s8+s3], $0x28, $0x38;
	[tilespmem:$0x19F00] =	vst v63  }
0x27: {  	s9 =	sadd.s32 $0x0, s12  }
0x28: {  	[tilespmem:s21], [sflag:$0x1] =	stream.linear.gather [hbm4b:s9+s3], $0x28, $0x38;
	[tilespmem:$0x19F00] =	vst v63  }
0x29: {  	s14 =	sadd.s32 $0x0, s11  }
0x2a: {  	[tilespmem:s22], [sflag:$0x1] =	stream.linear.gather [hbm4b:s14+s3], $0x28, $0x38;
	[tilespmem:$0x19F00] =	vst v63  }
0x2b: {  	s6 =	rddreg [dreg:$0x7]  }
0x2c: {  	[tilespmem:s23], [sflag:$0x3] =	stream.linear.gather [hbm4b:s6+s3], $0x6400, $0x38;
	[tilespmem:$0x19F00] =	vst v63  }
0x2d: {  	_ =	swait.ge [sflag:s24], $0x6400  }
0x2e: {  	[sflag:s24] =	ssyncset.done $0x0  }
0x2f: {  	[sflag:s24] =	ssyncadd.s32 $0xFFFF9C00  }
0x30: {  	_ =	swait.ge [sflag:s25], $0x28  }
0x31: {  	[sflag:s25] =	ssyncset.done $0x0  }
0x32: {  	[sflag:s25] =	ssyncadd.s32 $0xFFFFFFD8  }
0x33: {  	_ =	swait.ge [sflag:s25], $0x28  }
0x34: {  	[sflag:s25] =	ssyncset.done $0x0  }
0x35: {  	[sflag:s25] =	ssyncadd.s32 $0xFFFFFFD8  }
0x36: {  	_ =	swait.ge [sflag:s25], $0x28  }
0x37: {  	[sflag:s25] =	ssyncset.done $0x0  }
0x38: {  	[sflag:s25] =	ssyncadd.s32 $0xFFFFFFD8  }
0x39: {  	_ =	swait.ge [sflag:s25], $0x28  }
0x3a: {  	[sflag:s25] =	ssyncset.done $0x0  }
0x3b: {  	[sflag:s25] =	ssyncadd.s32 $0xFFFFFFD8  }
0x3c: {  	_ =	swait.ge [sflag:s25], $0x28  }
0x3d: {  	[sflag:s25] =	ssyncset.done $0x0  }
0x3e: {  	[sflag:s25] =	ssyncadd.s32 $0xFFFFFFD8  }
0x3f: {  	[spmem:s2] =	stream.indirect.scatter.add.f32 [tilespmem:s23], [sflag:$0x2], $0x80, s3, s26, $0xb8;
	[tilespmem:$0x19F00] =	vst v63  }
0x40: {  	_ = 	snop  }
0x41: {  	[spmem:s2] =	stream.indirect.scatter.add.f32 [tilespmem:s28], [sflag:$0x2], $0x80, s19, s26, $0xb8;
	[tilespmem:$0x19F00] =	vst v63  }
0x42: {  	_ = 	snop  }
0x43: {  	[spmem:s2] =	stream.indirect.scatter.add.f32 [tilespmem:s29], [sflag:$0x2], $0x80, s20, s26, $0xb8;
	[tilespmem:$0x19F00] =	vst v63  }
0x44: {  	_ = 	snop  }
0x45: {  	[spmem:s2] =	stream.indirect.scatter.add.f32 [tilespmem:s30], [sflag:$0x2], $0x80, s21, s26, $0xb8;
	[tilespmem:$0x19F00] =	vst v63  }
0x46: {  	_ = 	snop  }
0x47: {  	[spmem:s2] =	stream.indirect.scatter.add.f32 [tilespmem:s31], [sflag:$0x2], $0x80, s22, s26, $0xb8;
	[tilespmem:$0x19F00] =	vst v63  }
0x48: {  	_ =	swait.ge [sflag:s0], $0x1400  }
0x49: {  	[sflag:s0] =	ssyncset.done $0x0  }
0x4a: {  	[sflag:s0] =	ssyncadd.s32 $0xFFFFEC00  }
0x4b: {  	_ =	swait.ge [sflag:s0], $0x1400  }
0x4c: {  	[sflag:s0] =	ssyncset.done $0x0  }
0x4d: {  	[sflag:s0] =	ssyncadd.s32 $0xFFFFEC00  }
0x4e: {  	_ =	swait.ge [sflag:s0], $0x1400  }
0x4f: {  	[sflag:s0] =	ssyncset.done $0x0  }
0x50: {  	[sflag:s0] =	ssyncadd.s32 $0xFFFFEC00  }
0x51: {  	_ =	swait.ge [sflag:s0], $0x1400  }
0x52: {  	[sflag:s0] =	ssyncset.done $0x0  }
0x53: {  	[sflag:s0] =	ssyncadd.s32 $0xFFFFEC00  }
0x54: {  	s5 =	simm.s32 $0x19;
	_ =	swait.ge [sflag:s0], $0x1400  }
0x55: {  	s7 =	simm.s32 $0x32;
	s6 =	sadd.s32 $0xC80, s6;
	[sflag:s0] =	ssyncset.done $0x0  }
.LBB2_2:
0x56: {  	s9 =	sadd.s32 s5, s10  }
0x57: {  	[sflag:s0] =	ssyncadd.s32 $0xFFFFEC00;
	s14 =	smov.u32 s7;
	s8 =	sadd.s32 $0x19, s7  }
0x58: {  	[tilespmem:s3], [sflag:$0x1] =	stream.linear.gather [hbm4b:s9+s3], $0x28, $0x38;
	[tilespmem:$0x19F00] =	vst v63  }
0x59: {  	p1 =	sne.s32 s7, $0x4C9;
	s7 =	sadd.s32 s5, s15  }
0x5a: {  	[tilespmem:s19], [sflag:$0x1] =	stream.linear.gather [hbm4b:s7+s3], $0x28, $0x38;
	[tilespmem:$0x19F00] =	vst v63  }
0x5b: {  	s7 =	sadd.s32 s5, s13  }
0x5c: {  	[tilespmem:s20], [sflag:$0x1] =	stream.linear.gather [hbm4b:s7+s3], $0x28, $0x38;
	[tilespmem:$0x19F00] =	vst v63  }
0x5d: {  	s7 =	sadd.s32 s5, s12  }
0x5e: {  	[tilespmem:s21], [sflag:$0x1] =	stream.linear.gather [hbm4b:s7+s3], $0x28, $0x38;
	[tilespmem:$0x19F00] =	vst v63  }
0x5f: {  	s7 =	sadd.s32 s5, s11;
	s5 =	smov.u32 s14  }
0x60: {  	[tilespmem:s22], [sflag:$0x1] =	stream.linear.gather [hbm4b:s7+s3], $0x28, $0x38;
	[tilespmem:$0x19F00] =	vst v63  }
0x61: {  	_ = 	snop  }
0x62: {  	[tilespmem:s23], [sflag:$0x3] =	stream.linear.gather [hbm4b:s6+s3], $0x6400, $0x38;
	[tilespmem:$0x19F00] =	vst v63  }
0x63: {  	_ =	swait.ge [sflag:s24], $0x6400  }
0x64: {  	[sflag:s24] =	ssyncset.done $0x0  }
0x65: {  	[sflag:s24] =	ssyncadd.s32 $0xFFFF9C00  }
0x66: {  	_ =	swait.ge [sflag:s25], $0x28  }
0x67: {  	[sflag:s25] =	ssyncset.done $0x0  }
0x68: {  	[sflag:s25] =	ssyncadd.s32 $0xFFFFFFD8  }
0x69: {  	_ =	swait.ge [sflag:s25], $0x28  }
0x6a: {  	[sflag:s25] =	ssyncset.done $0x0  }
0x6b: {  	[sflag:s25] =	ssyncadd.s32 $0xFFFFFFD8  }
0x6c: {  	_ =	swait.ge [sflag:s25], $0x28  }
0x6d: {  	[sflag:s25] =	ssyncset.done $0x0  }
0x6e: {  	[sflag:s25] =	ssyncadd.s32 $0xFFFFFFD8  }
0x6f: {  	_ =	swait.ge [sflag:s25], $0x28  }
0x70: {  	[sflag:s25] =	ssyncset.done $0x0  }
0x71: {  	[sflag:s25] =	ssyncadd.s32 $0xFFFFFFD8  }
0x72: {  	_ =	swait.ge [sflag:s25], $0x28  }
0x73: {  	[sflag:s25] =	ssyncset.done $0x0  }
0x74: {  	[sflag:s25] =	ssyncadd.s32 $0xFFFFFFD8  }
0x75: {  	[spmem:s2] =	stream.indirect.scatter.add.f32 [tilespmem:s23], [sflag:$0x2], $0x80, s3, s26, $0xb8;
	[tilespmem:$0x19F00] =	vst v63  }
0x76: {  	_ = 	snop  }
0x77: {  	[spmem:s2] =	stream.indirect.scatter.add.f32 [tilespmem:s28], [sflag:$0x2], $0x80, s19, s26, $0xb8;
	[tilespmem:$0x19F00] =	vst v63  }
0x78: {  	_ = 	snop  }
0x79: {  	[spmem:s2] =	stream.indirect.scatter.add.f32 [tilespmem:s29], [sflag:$0x2], $0x80, s20, s26, $0xb8;
	[tilespmem:$0x19F00] =	vst v63  }
0x7a: {  	_ = 	snop  }
0x7b: {  	[spmem:s2] =	stream.indirect.scatter.add.f32 [tilespmem:s30], [sflag:$0x2], $0x80, s21, s26, $0xb8;
	[tilespmem:$0x19F00] =	vst v63  }
0x7c: {  	_ = 	snop  }
0x7d: {  	[spmem:s2] =	stream.indirect.scatter.add.f32 [tilespmem:s31], [sflag:$0x2], $0x80, s22, s26, $0xb8;
	[tilespmem:$0x19F00] =	vst v63  }
0x7e: {  	_ =	swait.ge [sflag:s0], $0x1400  }
0x7f: {  	[sflag:s0] =	ssyncset.done $0x0  }
0x80: {  	[sflag:s0] =	ssyncadd.s32 $0xFFFFEC00  }
0x81: {  	_ =	swait.ge [sflag:s0], $0x1400  }
0x82: {  	[sflag:s0] =	ssyncset.done $0x0  }
0x83: {  	[sflag:s0] =	ssyncadd.s32 $0xFFFFEC00  }
0x84: {  	_ =	swait.ge [sflag:s0], $0x1400  }
0x85: {  	[sflag:s0] =	ssyncset.done $0x0  }
0x86: {  	[sflag:s0] =	ssyncadd.s32 $0xFFFFEC00  }
.Ltmp0:
0x87: {  	_ =	swait.ge [sflag:s0], $0x1400;
	(pc) =	sbr.rel @p1 .LBB2_2-.Ltmp0, $4  }
0x88: {  	[sflag:s0] =	ssyncset.done $0x0  }
0x89: {  	[sflag:s0] =	ssyncadd.s32 $0xFFFFEC00  }
0x8a: {  	_ =	swait.ge [sflag:s0], $0x1400  }
0x8b: {  	s7 =	smov.u32 s8;
	s6 =	sadd.s32 $0xC80, s6;
	[sflag:s0] =	ssyncset.done $0x0  }
0x8c: {  	s7 =	sadd.s32 s5, s10;
	[sflag:s0] =	ssyncadd.s32 $0xFFFFEC00  }
0x8d: {  	[tilespmem:s3], [sflag:$0x1] =	stream.linear.gather [hbm4b:s7+s3], $0x28, $0x38;
	[tilespmem:$0x19F00] =	vst v63  }
0x8e: {  	s9 =	sadd.s32 s5, s15  }
0x8f: {  	[tilespmem:s19], [sflag:$0x1] =	stream.linear.gather [hbm4b:s9+s3], $0x28, $0x38;
	[tilespmem:$0x19F00] =	vst v63  }
0x90: {  	s14 =	sadd.s32 s5, s13  }
0x91: {  	[tilespmem:s20], [sflag:$0x1] =	stream.linear.gather [hbm4b:s14+s3], $0x28, $0x38;
	[tilespmem:$0x19F00] =	vst v63  }
0x92: {  	s8 =	sadd.s32 s5, s12  }
0x93: {  	[tilespmem:s21], [sflag:$0x1] =	stream.linear.gather [hbm4b:s8+s3], $0x28, $0x38;
	[tilespmem:$0x19F00] =	vst v63  }
0x94: {  	s9 =	sadd.s32 s5, s11  }
0x95: {  	[tilespmem:s22], [sflag:$0x1] =	stream.linear.gather [hbm4b:s9+s3], $0x28, $0x38;
	[tilespmem:$0x19F00] =	vst v63  }
0x96: {  	_ = 	snop  }
0x97: {  	[tilespmem:s23], [sflag:$0x3] =	stream.linear.gather [hbm4b:s6+s3], $0x6400, $0x38;
	[tilespmem:$0x19F00] =	vst v63  }
0x98: {  	_ =	swait.ge [sflag:s24], $0x6400  }
0x99: {  	[sflag:s24] =	ssyncset.done $0x0  }
0x9a: {  	[sflag:s24] =	ssyncadd.s32 $0xFFFF9C00  }
0x9b: {  	_ =	swait.ge [sflag:s25], $0x28  }
0x9c: {  	[sflag:s25] =	ssyncset.done $0x0  }
0x9d: {  	[sflag:s25] =	ssyncadd.s32 $0xFFFFFFD8  }
0x9e: {  	_ =	swait.ge [sflag:s25], $0x28  }
0x9f: {  	[sflag:s25] =	ssyncset.done $0x0  }
0xa0: {  	[sflag:s25] =	ssyncadd.s32 $0xFFFFFFD8  }
0xa1: {  	_ =	swait.ge [sflag:s25], $0x28  }
0xa2: {  	[sflag:s25] =	ssyncset.done $0x0  }
0xa3: {  	[sflag:s25] =	ssyncadd.s32 $0xFFFFFFD8  }
0xa4: {  	_ =	swait.ge [sflag:s25], $0x28  }
0xa5: {  	[sflag:s25] =	ssyncset.done $0x0  }
0xa6: {  	[sflag:s25] =	ssyncadd.s32 $0xFFFFFFD8  }
0xa7: {  	_ =	swait.ge [sflag:s25], $0x28  }
0xa8: {  	[sflag:s25] =	ssyncset.done $0x0  }
0xa9: {  	[sflag:s25] =	ssyncadd.s32 $0xFFFFFFD8  }
0xaa: {  	[spmem:s2] =	stream.indirect.scatter.add.f32 [tilespmem:s23], [sflag:$0x2], $0x80, s3, s26, $0xb8;
	[tilespmem:$0x19F00] =	vst v63  }
0xab: {  	_ = 	snop  }
0xac: {  	[spmem:s2] =	stream.indirect.scatter.add.f32 [tilespmem:s28], [sflag:$0x2], $0x80, s19, s26, $0xb8;
	[tilespmem:$0x19F00] =	vst v63  }
0xad: {  	_ = 	snop  }
0xae: {  	[spmem:s2] =	stream.indirect.scatter.add.f32 [tilespmem:s29], [sflag:$0x2], $0x80, s20, s26, $0xb8;
	[tilespmem:$0x19F00] =	vst v63  }
0xaf: {  	_ = 	snop  }
0xb0: {  	[spmem:s2] =	stream.indirect.scatter.add.f32 [tilespmem:s30], [sflag:$0x2], $0x80, s21, s26, $0xb8;
	[tilespmem:$0x19F00] =	vst v63  }
0xb1: {  	_ = 	snop  }
0xb2: {  	[spmem:s2] =	stream.indirect.scatter.add.f32 [tilespmem:s31], [sflag:$0x2], $0x80, s22, s26, $0xb8;
	[tilespmem:$0x19F00] =	vst v63  }
0xb3: {  	_ =	swait.ge [sflag:s0], $0x1400  }
0xb4: {  	[sflag:s0] =	ssyncset.done $0x0  }
0xb5: {  	[sflag:s0] =	ssyncadd.s32 $0xFFFFEC00  }
0xb6: {  	_ =	swait.ge [sflag:s0], $0x1400  }
0xb7: {  	[sflag:s0] =	ssyncset.done $0x0  }
0xb8: {  	[sflag:s0] =	ssyncadd.s32 $0xFFFFEC00  }
0xb9: {  	_ =	swait.ge [sflag:s0], $0x1400  }
0xba: {  	[sflag:s0] =	ssyncset.done $0x0  }
0xbb: {  	[sflag:s0] =	ssyncadd.s32 $0xFFFFEC00  }
0xbc: {  	_ =	swait.ge [sflag:s0], $0x1400  }
0xbd: {  	[sflag:s0] =	ssyncset.done $0x0  }
0xbe: {  	[sflag:s0] =	ssyncadd.s32 $0xFFFFEC00  }
0xbf: {  	_ =	swait.ge [sflag:s0], $0x1400  }
0xc0: {  	[sflag:s0] =	ssyncset.done $0x0  }
0xc1: {  	[sflag:s0] =	ssyncadd.s32 $0xFFFFEC00  }
0xc2: {  	[bflag:$0x0] =	sbarrier.arrive $0xFFFF  }
0xc3: {  	[bflag:$0x0] =	sbarrier.arrive @p0 $0xFFFF  }
0xc4: {  	s5 =	rddreg [dreg:$0x3]  }
0xc5: {  	[hbm:s5], [sflag:s17] =	dma.local @!p0 [spmem:s18], $0x3E80  }
0xc6: {  	s5 =	simm.s32 @!p0 $0x3  }
0xc7: {  	_ =	swait.ge @!p0 [sflag:s5], $0x3E80  }
0xc8: {  	[sflag:s5] =	ssyncset.done @!p0 $0x0  }
0xc9: {  	[sflag:s5] =	ssyncadd.s32 @!p0 $0xFFFFC180  }
0xca: {  	[bflag:$0x0] =	sbarrier.arrive @!p0 $0xFFFF  }
0xcb: {  	[spmem:s18], [sflag:s17] =	dma.local @!p0 [hbm:s4], $0x3E80  }
0xcc: {  	_ =	swait.ge @!p0 [sflag:s5], $0x3E80  }
0xcd: {  	[sflag:s5] =	ssyncset.done @!p0 $0x0  }
0xce: {  	[sflag:s5] =	ssyncadd.s32 @!p0 $0xFFFFC180  }
0xcf: {  	s14 =	sadd.s32 $0x0, s10;
	[bflag:$0x0] =	sbarrier.arrive $0xFFFF  }
0xd0: {  	[tilespmem:s3], [sflag:$0x1] =	stream.linear.gather [hbm4b:s14+s3], $0x28, $0x38;
	[tilespmem:$0x19F00] =	vst v63  }
0xd1: {  	s6 =	sadd.s32 $0x0, s15  }
0xd2: {  	[tilespmem:s19], [sflag:$0x1] =	stream.linear.gather [hbm4b:s6+s3], $0x28, $0x38;
	[tilespmem:$0x19F00] =	vst v63  }
0xd3: {  	s7 =	sadd.s32 $0x0, s13  }
0xd4: {  	[tilespmem:s20], [sflag:$0x1] =	stream.linear.gather [hbm4b:s7+s3], $0x28, $0x38;
	[tilespmem:$0x19F00] =	vst v63  }
0xd5: {  	s8 =	sadd.s32 $0x0, s12  }
0xd6: {  	[tilespmem:s21], [sflag:$0x1] =	stream.linear.gather [hbm4b:s8+s3], $0x28, $0x38;
	[tilespmem:$0x19F00] =	vst v63  }
0xd7: {  	s9 =	sadd.s32 $0x0, s11  }
0xd8: {  	[tilespmem:s22], [sflag:$0x1] =	stream.linear.gather [hbm4b:s9+s3], $0x28, $0x38;
	[tilespmem:$0x19F00] =	vst v63  }
0xd9: {  	s14 =	rddreg [dreg:$0x8]  }
0xda: {  	[tilespmem:s23], [sflag:$0x3] =	stream.linear.gather [hbm4b:s14+s3], $0x6400, $0x38;
	[tilespmem:$0x19F00] =	vst v63  }
0xdb: {  	_ =	swait.ge [sflag:s24], $0x6400  }
0xdc: {  	[sflag:s24] =	ssyncset.done $0x0  }
0xdd: {  	[sflag:s24] =	ssyncadd.s32 $0xFFFF9C00  }
0xde: {  	_ =	swait.ge [sflag:s25], $0x28  }
0xdf: {  	[sflag:s25] =	ssyncset.done $0x0  }
0xe0: {  	[sflag:s25] =	ssyncadd.s32 $0xFFFFFFD8  }
0xe1: {  	_ =	swait.ge [sflag:s25], $0x28  }
0xe2: {  	[sflag:s25] =	ssyncset.done $0x0  }
0xe3: {  	[sflag:s25] =	ssyncadd.s32 $0xFFFFFFD8  }
0xe4: {  	_ =	swait.ge [sflag:s25], $0x28  }
0xe5: {  	[sflag:s25] =	ssyncset.done $0x0  }
0xe6: {  	[sflag:s25] =	ssyncadd.s32 $0xFFFFFFD8  }
0xe7: {  	_ =	swait.ge [sflag:s25], $0x28  }
0xe8: {  	[sflag:s25] =	ssyncset.done $0x0  }
0xe9: {  	[sflag:s25] =	ssyncadd.s32 $0xFFFFFFD8  }
0xea: {  	_ =	swait.ge [sflag:s25], $0x28  }
0xeb: {  	[sflag:s25] =	ssyncset.done $0x0  }
0xec: {  	[sflag:s25] =	ssyncadd.s32 $0xFFFFFFD8  }
0xed: {  	[spmem:s2] =	stream.indirect.scatter.add.f32 [tilespmem:s23], [sflag:$0x2], $0x80, s3, s26, $0xb8;
	[tilespmem:$0x19F00] =	vst v63  }
0xee: {  	_ = 	snop  }
0xef: {  	[spmem:s2] =	stream.indirect.scatter.add.f32 [tilespmem:s28], [sflag:$0x2], $0x80, s19, s26, $0xb8;
	[tilespmem:$0x19F00] =	vst v63  }
0xf0: {  	_ = 	snop  }
0xf1: {  	[spmem:s2] =	stream.indirect.scatter.add.f32 [tilespmem:s29], [sflag:$0x2], $0x80, s20, s26, $0xb8;
	[tilespmem:$0x19F00] =	vst v63  }
0xf2: {  	_ = 	snop  }
0xf3: {  	[spmem:s2] =	stream.indirect.scatter.add.f32 [tilespmem:s30], [sflag:$0x2], $0x80, s21, s26, $0xb8;
	[tilespmem:$0x19F00] =	vst v63  }
0xf4: {  	_ = 	snop  }
0xf5: {  	[spmem:s2] =	stream.indirect.scatter.add.f32 [tilespmem:s31], [sflag:$0x2], $0x80, s22, s26, $0xb8;
	[tilespmem:$0x19F00] =	vst v63  }
0xf6: {  	_ =	swait.ge [sflag:s0], $0x1400  }
0xf7: {  	[sflag:s0] =	ssyncset.done $0x0  }
0xf8: {  	[sflag:s0] =	ssyncadd.s32 $0xFFFFEC00  }
0xf9: {  	_ =	swait.ge [sflag:s0], $0x1400  }
0xfa: {  	[sflag:s0] =	ssyncset.done $0x0  }
0xfb: {  	[sflag:s0] =	ssyncadd.s32 $0xFFFFEC00  }
0xfc: {  	_ =	swait.ge [sflag:s0], $0x1400  }
0xfd: {  	[sflag:s0] =	ssyncset.done $0x0  }
0xfe: {  	[sflag:s0] =	ssyncadd.s32 $0xFFFFEC00  }
0xff: {  	_ =	swait.ge [sflag:s0], $0x1400  }
0x100: {  	[sflag:s0] =	ssyncset.done $0x0  }
0x101: {  	[sflag:s0] =	ssyncadd.s32 $0xFFFFEC00  }
0x102: {  	s5 =	simm.s32 $0x19;
	_ =	swait.ge [sflag:s0], $0x1400  }
0x103: {  	s6 =	sadd.s32 $0xC80, s14;
	s8 =	simm.s32 $0x32;
	[sflag:s0] =	ssyncset.done $0x0  }
.LBB2_4:
0x104: {  	s9 =	sadd.s32 s5, s10  }
0x105: {  	[sflag:s0] =	ssyncadd.s32 $0xFFFFEC00;
	s14 =	smov.u32 s8;
	s7 =	sadd.s32 $0x19, s8  }
0x106: {  	[tilespmem:s3], [sflag:$0x1] =	stream.linear.gather [hbm4b:s9+s3], $0x28, $0x38;
	[tilespmem:$0x19F00] =	vst v63  }
0x107: {  	p1 =	sne.s32 s8, $0x4C9;
	s8 =	sadd.s32 s5, s15  }
0x108: {  	[tilespmem:s19], [sflag:$0x1] =	stream.linear.gather [hbm4b:s8+s3], $0x28, $0x38;
	[tilespmem:$0x19F00] =	vst v63  }
0x109: {  	s8 =	sadd.s32 s5, s13  }
0x10a: {  	[tilespmem:s20], [sflag:$0x1] =	stream.linear.gather [hbm4b:s8+s3], $0x28, $0x38;
	[tilespmem:$0x19F00] =	vst v63  }
0x10b: {  	s8 =	sadd.s32 s5, s12  }
0x10c: {  	[tilespmem:s21], [sflag:$0x1] =	stream.linear.gather [hbm4b:s8+s3], $0x28, $0x38;
	[tilespmem:$0x19F00] =	vst v63  }
0x10d: {  	s8 =	sadd.s32 s5, s11;
	s5 =	smov.u32 s14  }
0x10e: {  	[tilespmem:s22], [sflag:$0x1] =	stream.linear.gather [hbm4b:s8+s3], $0x28, $0x38;
	[tilespmem:$0x19F00] =	vst v63  }
0x10f: {  	_ = 	snop  }
0x110: {  	[tilespmem:s23], [sflag:$0x3] =	stream.linear.gather [hbm4b:s6+s3], $0x6400, $0x38;
	[tilespmem:$0x19F00] =	vst v63  }
0x111: {  	_ =	swait.ge [sflag:s24], $0x6400  }
0x112: {  	[sflag:s24] =	ssyncset.done $0x0  }
0x113: {  	[sflag:s24] =	ssyncadd.s32 $0xFFFF9C00  }
0x114: {  	_ =	swait.ge [sflag:s25], $0x28  }
0x115: {  	[sflag:s25] =	ssyncset.done $0x0  }
0x116: {  	[sflag:s25] =	ssyncadd.s32 $0xFFFFFFD8  }
0x117: {  	_ =	swait.ge [sflag:s25], $0x28  }
0x118: {  	[sflag:s25] =	ssyncset.done $0x0  }
0x119: {  	[sflag:s25] =	ssyncadd.s32 $0xFFFFFFD8  }
0x11a: {  	_ =	swait.ge [sflag:s25], $0x28  }
0x11b: {  	[sflag:s25] =	ssyncset.done $0x0  }
0x11c: {  	[sflag:s25] =	ssyncadd.s32 $0xFFFFFFD8  }
0x11d: {  	_ =	swait.ge [sflag:s25], $0x28  }
0x11e: {  	[sflag:s25] =	ssyncset.done $0x0  }
0x11f: {  	[sflag:s25] =	ssyncadd.s32 $0xFFFFFFD8  }
0x120: {  	_ =	swait.ge [sflag:s25], $0x28  }
0x121: {  	[sflag:s25] =	ssyncset.done $0x0  }
0x122: {  	[sflag:s25] =	ssyncadd.s32 $0xFFFFFFD8  }
0x123: {  	[spmem:s2] =	stream.indirect.scatter.add.f32 [tilespmem:s23], [sflag:$0x2], $0x80, s3, s26, $0xb8;
	[tilespmem:$0x19F00] =	vst v63  }
0x124: {  	_ = 	snop  }
0x125: {  	[spmem:s2] =	stream.indirect.scatter.add.f32 [tilespmem:s28], [sflag:$0x2], $0x80, s19, s26, $0xb8;
	[tilespmem:$0x19F00] =	vst v63  }
0x126: {  	_ = 	snop  }
0x127: {  	[spmem:s2] =	stream.indirect.scatter.add.f32 [tilespmem:s29], [sflag:$0x2], $0x80, s20, s26, $0xb8;
	[tilespmem:$0x19F00] =	vst v63  }
0x128: {  	_ = 	snop  }
0x129: {  	[spmem:s2] =	stream.indirect.scatter.add.f32 [tilespmem:s30], [sflag:$0x2], $0x80, s21, s26, $0xb8;
	[tilespmem:$0x19F00] =	vst v63  }
0x12a: {  	_ = 	snop  }
0x12b: {  	[spmem:s2] =	stream.indirect.scatter.add.f32 [tilespmem:s31], [sflag:$0x2], $0x80, s22, s26, $0xb8;
	[tilespmem:$0x19F00] =	vst v63  }
0x12c: {  	_ =	swait.ge [sflag:s0], $0x1400  }
0x12d: {  	[sflag:s0] =	ssyncset.done $0x0  }
0x12e: {  	[sflag:s0] =	ssyncadd.s32 $0xFFFFEC00  }
0x12f: {  	_ =	swait.ge [sflag:s0], $0x1400  }
0x130: {  	[sflag:s0] =	ssyncset.done $0x0  }
0x131: {  	[sflag:s0] =	ssyncadd.s32 $0xFFFFEC00  }
0x132: {  	_ =	swait.ge [sflag:s0], $0x1400  }
0x133: {  	[sflag:s0] =	ssyncset.done $0x0  }
0x134: {  	[sflag:s0] =	ssyncadd.s32 $0xFFFFEC00  }
.Ltmp1:
0x135: {  	_ =	swait.ge [sflag:s0], $0x1400;
	(pc) =	sbr.rel @p1 .LBB2_4-.Ltmp1, $4  }
0x136: {  	[sflag:s0] =	ssyncset.done $0x0  }
0x137: {  	[sflag:s0] =	ssyncadd.s32 $0xFFFFEC00  }
0x138: {  	_ =	swait.ge [sflag:s0], $0x1400  }
0x139: {  	s8 =	smov.u32 s7;
	s6 =	sadd.s32 $0xC80, s6;
	[sflag:s0] =	ssyncset.done $0x0  }
0x13a: {  	s7 =	sadd.s32 s5, s10;
	[sflag:s0] =	ssyncadd.s32 $0xFFFFEC00  }
0x13b: {  	[tilespmem:s3], [sflag:$0x1] =	stream.linear.gather [hbm4b:s7+s3], $0x28, $0x38;
	[tilespmem:$0x19F00] =	vst v63  }
0x13c: {  	s14 =	sadd.s32 s5, s15  }
0x13d: {  	[tilespmem:s19], [sflag:$0x1] =	stream.linear.gather [hbm4b:s14+s3], $0x28, $0x38;
	[tilespmem:$0x19F00] =	vst v63  }
0x13e: {  	s8 =	sadd.s32 s5, s13  }
0x13f: {  	[tilespmem:s20], [sflag:$0x1] =	stream.linear.gather [hbm4b:s8+s3], $0x28, $0x38;
	[tilespmem:$0x19F00] =	vst v63  }
0x140: {  	s9 =	sadd.s32 s5, s12  }
0x141: {  	[tilespmem:s21], [sflag:$0x1] =	stream.linear.gather [hbm4b:s9+s3], $0x28, $0x38;
	[tilespmem:$0x19F00] =	vst v63  }
0x142: {  	s14 =	sadd.s32 s5, s11  }
0x143: {  	[tilespmem:s22], [sflag:$0x1] =	stream.linear.gather [hbm4b:s14+s3], $0x28, $0x38;
	[tilespmem:$0x19F00] =	vst v63  }
0x144: {  	_ = 	snop  }
0x145: {  	[tilespmem:s23], [sflag:$0x3] =	stream.linear.gather [hbm4b:s6+s3], $0x6400, $0x38;
	[tilespmem:$0x19F00] =	vst v63  }
0x146: {  	_ =	swait.ge [sflag:s24], $0x6400  }
0x147: {  	[sflag:s24] =	ssyncset.done $0x0  }
0x148: {  	[sflag:s24] =	ssyncadd.s32 $0xFFFF9C00  }
0x149: {  	_ =	swait.ge [sflag:s25], $0x28  }
0x14a: {  	[sflag:s25] =	ssyncset.done $0x0  }
0x14b: {  	[sflag:s25] =	ssyncadd.s32 $0xFFFFFFD8  }
0x14c: {  	_ =	swait.ge [sflag:s25], $0x28  }
0x14d: {  	[sflag:s25] =	ssyncset.done $0x0  }
0x14e: {  	[sflag:s25] =	ssyncadd.s32 $0xFFFFFFD8  }
0x14f: {  	_ =	swait.ge [sflag:s25], $0x28  }
0x150: {  	[sflag:s25] =	ssyncset.done $0x0  }
0x151: {  	[sflag:s25] =	ssyncadd.s32 $0xFFFFFFD8  }
0x152: {  	_ =	swait.ge [sflag:s25], $0x28  }
0x153: {  	[sflag:s25] =	ssyncset.done $0x0  }
0x154: {  	[sflag:s25] =	ssyncadd.s32 $0xFFFFFFD8  }
0x155: {  	_ =	swait.ge [sflag:s25], $0x28  }
0x156: {  	[sflag:s25] =	ssyncset.done $0x0  }
0x157: {  	[sflag:s25] =	ssyncadd.s32 $0xFFFFFFD8  }
0x158: {  	[spmem:s2] =	stream.indirect.scatter.add.f32 [tilespmem:s23], [sflag:$0x2], $0x80, s3, s26, $0xb8;
	[tilespmem:$0x19F00] =	vst v63  }
0x159: {  	_ = 	snop  }
0x15a: {  	[spmem:s2] =	stream.indirect.scatter.add.f32 [tilespmem:s28], [sflag:$0x2], $0x80, s19, s26, $0xb8;
	[tilespmem:$0x19F00] =	vst v63  }
0x15b: {  	_ = 	snop  }
0x15c: {  	[spmem:s2] =	stream.indirect.scatter.add.f32 [tilespmem:s29], [sflag:$0x2], $0x80, s20, s26, $0xb8;
	[tilespmem:$0x19F00] =	vst v63  }
0x15d: {  	_ = 	snop  }
0x15e: {  	[spmem:s2] =	stream.indirect.scatter.add.f32 [tilespmem:s30], [sflag:$0x2], $0x80, s21, s26, $0xb8;
	[tilespmem:$0x19F00] =	vst v63  }
0x15f: {  	_ = 	snop  }
0x160: {  	[spmem:s2] =	stream.indirect.scatter.add.f32 [tilespmem:s31], [sflag:$0x2], $0x80, s22, s26, $0xb8;
	[tilespmem:$0x19F00] =	vst v63  }
0x161: {  	_ =	swait.ge [sflag:s0], $0x1400  }
0x162: {  	[sflag:s0] =	ssyncset.done $0x0  }
0x163: {  	[sflag:s0] =	ssyncadd.s32 $0xFFFFEC00  }
0x164: {  	_ =	swait.ge [sflag:s0], $0x1400  }
0x165: {  	[sflag:s0] =	ssyncset.done $0x0  }
0x166: {  	[sflag:s0] =	ssyncadd.s32 $0xFFFFEC00  }
0x167: {  	_ =	swait.ge [sflag:s0], $0x1400  }
0x168: {  	[sflag:s0] =	ssyncset.done $0x0  }
0x169: {  	[sflag:s0] =	ssyncadd.s32 $0xFFFFEC00  }
0x16a: {  	_ =	swait.ge [sflag:s0], $0x1400  }
0x16b: {  	[sflag:s0] =	ssyncset.done $0x0  }
0x16c: {  	[sflag:s0] =	ssyncadd.s32 $0xFFFFEC00  }
0x16d: {  	_ =	swait.ge [sflag:s0], $0x1400  }
0x16e: {  	[sflag:s0] =	ssyncset.done $0x0  }
0x16f: {  	[sflag:s0] =	ssyncadd.s32 $0xFFFFEC00  }
0x170: {  	[bflag:$0x0] =	sbarrier.arrive $0xFFFF  }
0x171: {  	[bflag:$0x0] =	sbarrier.arrive @p0 $0xFFFF  }
0x172: {  	s5 =	rddreg [dreg:$0x4]  }
0x173: {  	[hbm:s5], [sflag:s17] =	dma.local @!p0 [spmem:s18], $0x3E80  }
0x174: {  	s5 =	simm.s32 @!p0 $0x3  }
0x175: {  	_ =	swait.ge @!p0 [sflag:s5], $0x3E80  }
0x176: {  	[sflag:s5] =	ssyncset.done @!p0 $0x0  }
0x177: {  	[sflag:s5] =	ssyncadd.s32 @!p0 $0xFFFFC180  }
0x178: {  	[bflag:$0x0] =	sbarrier.arrive @!p0 $0xFFFF  }
0x179: {  	[spmem:s18], [sflag:s17] =	dma.local @!p0 [hbm:s4], $0x3E80  }
0x17a: {  	_ =	swait.ge @!p0 [sflag:s5], $0x3E80  }
0x17b: {  	[sflag:s5] =	ssyncset.done @!p0 $0x0  }
0x17c: {  	[sflag:s5] =	ssyncadd.s32 @!p0 $0xFFFFC180  }
0x17d: {  	s6 =	sadd.s32 $0x0, s10;
	[bflag:$0x0] =	sbarrier.arrive $0xFFFF  }
0x17e: {  	[tilespmem:s3], [sflag:$0x1] =	stream.linear.gather [hbm4b:s6+s3], $0x28, $0x38;
	[tilespmem:$0x19F00] =	vst v63  }
0x17f: {  	s7 =	sadd.s32 $0x0, s15  }
0x180: {  	[tilespmem:s19], [sflag:$0x1] =	stream.linear.gather [hbm4b:s7+s3], $0x28, $0x38;
	[tilespmem:$0x19F00] =	vst v63  }
0x181: {  	s8 =	sadd.s32 $0x0, s13  }
0x182: {  	[tilespmem:s20], [sflag:$0x1] =	stream.linear.gather [hbm4b:s8+s3], $0x28, $0x38;
	[tilespmem:$0x19F00] =	vst v63  }
0x183: {  	s9 =	sadd.s32 $0x0, s12  }
0x184: {  	[tilespmem:s21], [sflag:$0x1] =	stream.linear.gather [hbm4b:s9+s3], $0x28, $0x38;
	[tilespmem:$0x19F00] =	vst v63  }
0x185: {  	s14 =	sadd.s32 $0x0, s11  }
0x186: {  	[tilespmem:s22], [sflag:$0x1] =	stream.linear.gather [hbm4b:s14+s3], $0x28, $0x38;
	[tilespmem:$0x19F00] =	vst v63  }
0x187: {  	_ = 	snop  }
0x188: {  	[tilespmem:s23], [sflag:$0x3] =	stream.linear.gather [hbm4b:s16+s3], $0x6400, $0x38;
	[tilespmem:$0x19F00] =	vst v63  }
0x189: {  	_ =	swait.ge [sflag:s24], $0x6400  }
0x18a: {  	[sflag:s24] =	ssyncset.done $0x0  }
0x18b: {  	[sflag:s24] =	ssyncadd.s32 $0xFFFF9C00  }
0x18c: {  	_ =	swait.ge [sflag:s25], $0x28  }
0x18d: {  	[sflag:s25] =	ssyncset.done $0x0  }
0x18e: {  	[sflag:s25] =	ssyncadd.s32 $0xFFFFFFD8  }
0x18f: {  	_ =	swait.ge [sflag:s25], $0x28  }
0x190: {  	[sflag:s25] =	ssyncset.done $0x0  }
0x191: {  	[sflag:s25] =	ssyncadd.s32 $0xFFFFFFD8  }
0x192: {  	_ =	swait.ge [sflag:s25], $0x28  }
0x193: {  	[sflag:s25] =	ssyncset.done $0x0  }
0x194: {  	[sflag:s25] =	ssyncadd.s32 $0xFFFFFFD8  }
0x195: {  	_ =	swait.ge [sflag:s25], $0x28  }
0x196: {  	[sflag:s25] =	ssyncset.done $0x0  }
0x197: {  	[sflag:s25] =	ssyncadd.s32 $0xFFFFFFD8  }
0x198: {  	_ =	swait.ge [sflag:s25], $0x28  }
0x199: {  	[sflag:s25] =	ssyncset.done $0x0  }
0x19a: {  	[sflag:s25] =	ssyncadd.s32 $0xFFFFFFD8  }
0x19b: {  	[spmem:s2] =	stream.indirect.scatter.add.f32 [tilespmem:s23], [sflag:$0x2], $0x80, s3, s26, $0xb8;
	[tilespmem:$0x19F00] =	vst v63  }
0x19c: {  	_ = 	snop  }
0x19d: {  	[spmem:s2] =	stream.indirect.scatter.add.f32 [tilespmem:s28], [sflag:$0x2], $0x80, s19, s26, $0xb8;
	[tilespmem:$0x19F00] =	vst v63  }
0x19e: {  	_ = 	snop  }
0x19f: {  	[spmem:s2] =	stream.indirect.scatter.add.f32 [tilespmem:s29], [sflag:$0x2], $0x80, s20, s26, $0xb8;
	[tilespmem:$0x19F00] =	vst v63  }
0x1a0: {  	_ = 	snop  }
0x1a1: {  	[spmem:s2] =	stream.indirect.scatter.add.f32 [tilespmem:s30], [sflag:$0x2], $0x80, s21, s26, $0xb8;
	[tilespmem:$0x19F00] =	vst v63  }
0x1a2: {  	_ = 	snop  }
0x1a3: {  	[spmem:s2] =	stream.indirect.scatter.add.f32 [tilespmem:s31], [sflag:$0x2], $0x80, s22, s26, $0xb8;
	[tilespmem:$0x19F00] =	vst v63  }
0x1a4: {  	_ =	swait.ge [sflag:s0], $0x1400  }
0x1a5: {  	[sflag:s0] =	ssyncset.done $0x0  }
0x1a6: {  	[sflag:s0] =	ssyncadd.s32 $0xFFFFEC00  }
0x1a7: {  	_ =	swait.ge [sflag:s0], $0x1400  }
0x1a8: {  	[sflag:s0] =	ssyncset.done $0x0  }
0x1a9: {  	[sflag:s0] =	ssyncadd.s32 $0xFFFFEC00  }
0x1aa: {  	_ =	swait.ge [sflag:s0], $0x1400  }
0x1ab: {  	[sflag:s0] =	ssyncset.done $0x0  }
0x1ac: {  	[sflag:s0] =	ssyncadd.s32 $0xFFFFEC00  }
0x1ad: {  	_ =	swait.ge [sflag:s0], $0x1400  }
0x1ae: {  	[sflag:s0] =	ssyncset.done $0x0  }
0x1af: {  	[sflag:s0] =	ssyncadd.s32 $0xFFFFEC00  }
0x1b0: {  	s5 =	simm.s32 $0x19;
	_ =	swait.ge [sflag:s0], $0x1400  }
0x1b1: {  	s6 =	sadd.s32 $0xC80, s16;
	s8 =	simm.s32 $0x32;
	[sflag:s0] =	ssyncset.done $0x0  }
.LBB2_6:
0x1b2: {  	s9 =	sadd.s32 s5, s10  }
0x1b3: {  	[sflag:s0] =	ssyncadd.s32 $0xFFFFEC00;
	s14 =	smov.u32 s8;
	s7 =	sadd.s32 $0x19, s8  }
0x1b4: {  	[tilespmem:s3], [sflag:$0x1] =	stream.linear.gather [hbm4b:s9+s3], $0x28, $0x38;
	[tilespmem:$0x19F00] =	vst v63  }
0x1b5: {  	p1 =	sne.s32 s8, $0x4C9;
	s8 =	sadd.s32 s5, s15  }
0x1b6: {  	[tilespmem:s19], [sflag:$0x1] =	stream.linear.gather [hbm4b:s8+s3], $0x28, $0x38;
	[tilespmem:$0x19F00] =	vst v63  }
0x1b7: {  	s8 =	sadd.s32 s5, s13  }
0x1b8: {  	[tilespmem:s20], [sflag:$0x1] =	stream.linear.gather [hbm4b:s8+s3], $0x28, $0x38;
	[tilespmem:$0x19F00] =	vst v63  }
0x1b9: {  	s8 =	sadd.s32 s5, s12  }
0x1ba: {  	[tilespmem:s21], [sflag:$0x1] =	stream.linear.gather [hbm4b:s8+s3], $0x28, $0x38;
	[tilespmem:$0x19F00] =	vst v63  }
0x1bb: {  	s8 =	sadd.s32 s5, s11;
	s5 =	smov.u32 s14  }
0x1bc: {  	[tilespmem:s22], [sflag:$0x1] =	stream.linear.gather [hbm4b:s8+s3], $0x28, $0x38;
	[tilespmem:$0x19F00] =	vst v63  }
0x1bd: {  	_ = 	snop  }
0x1be: {  	[tilespmem:s23], [sflag:$0x3] =	stream.linear.gather [hbm4b:s6+s3], $0x6400, $0x38;
	[tilespmem:$0x19F00] =	vst v63  }
0x1bf: {  	_ =	swait.ge [sflag:s24], $0x6400  }
0x1c0: {  	[sflag:s24] =	ssyncset.done $0x0  }
0x1c1: {  	[sflag:s24] =	ssyncadd.s32 $0xFFFF9C00  }
0x1c2: {  	_ =	swait.ge [sflag:s25], $0x28  }
0x1c3: {  	[sflag:s25] =	ssyncset.done $0x0  }
0x1c4: {  	[sflag:s25] =	ssyncadd.s32 $0xFFFFFFD8  }
0x1c5: {  	_ =	swait.ge [sflag:s25], $0x28  }
0x1c6: {  	[sflag:s25] =	ssyncset.done $0x0  }
0x1c7: {  	[sflag:s25] =	ssyncadd.s32 $0xFFFFFFD8  }
0x1c8: {  	_ =	swait.ge [sflag:s25], $0x28  }
0x1c9: {  	[sflag:s25] =	ssyncset.done $0x0  }
0x1ca: {  	[sflag:s25] =	ssyncadd.s32 $0xFFFFFFD8  }
0x1cb: {  	_ =	swait.ge [sflag:s25], $0x28  }
0x1cc: {  	[sflag:s25] =	ssyncset.done $0x0  }
0x1cd: {  	[sflag:s25] =	ssyncadd.s32 $0xFFFFFFD8  }
0x1ce: {  	_ =	swait.ge [sflag:s25], $0x28  }
0x1cf: {  	[sflag:s25] =	ssyncset.done $0x0  }
0x1d0: {  	[sflag:s25] =	ssyncadd.s32 $0xFFFFFFD8  }
0x1d1: {  	[spmem:s2] =	stream.indirect.scatter.add.f32 [tilespmem:s23], [sflag:$0x2], $0x80, s3, s26, $0xb8;
	[tilespmem:$0x19F00] =	vst v63  }
0x1d2: {  	_ = 	snop  }
0x1d3: {  	[spmem:s2] =	stream.indirect.scatter.add.f32 [tilespmem:s28], [sflag:$0x2], $0x80, s19, s26, $0xb8;
	[tilespmem:$0x19F00] =	vst v63  }
0x1d4: {  	_ = 	snop  }
0x1d5: {  	[spmem:s2] =	stream.indirect.scatter.add.f32 [tilespmem:s29], [sflag:$0x2], $0x80, s20, s26, $0xb8;
	[tilespmem:$0x19F00] =	vst v63  }
0x1d6: {  	_ = 	snop  }
0x1d7: {  	[spmem:s2] =	stream.indirect.scatter.add.f32 [tilespmem:s30], [sflag:$0x2], $0x80, s21, s26, $0xb8;
	[tilespmem:$0x19F00] =	vst v63  }
0x1d8: {  	_ = 	snop  }
0x1d9: {  	[spmem:s2] =	stream.indirect.scatter.add.f32 [tilespmem:s31], [sflag:$0x2], $0x80, s22, s26, $0xb8;
	[tilespmem:$0x19F00] =	vst v63  }
0x1da: {  	_ =	swait.ge [sflag:s0], $0x1400  }
0x1db: {  	[sflag:s0] =	ssyncset.done $0x0  }
0x1dc: {  	[sflag:s0] =	ssyncadd.s32 $0xFFFFEC00  }
0x1dd: {  	_ =	swait.ge [sflag:s0], $0x1400  }
0x1de: {  	[sflag:s0] =	ssyncset.done $0x0  }
0x1df: {  	[sflag:s0] =	ssyncadd.s32 $0xFFFFEC00  }
0x1e0: {  	_ =	swait.ge [sflag:s0], $0x1400  }
0x1e1: {  	[sflag:s0] =	ssyncset.done $0x0  }
0x1e2: {  	[sflag:s0] =	ssyncadd.s32 $0xFFFFEC00  }
.Ltmp2:
0x1e3: {  	_ =	swait.ge [sflag:s0], $0x1400;
	(pc) =	sbr.rel @p1 .LBB2_6-.Ltmp2, $4  }
0x1e4: {  	[sflag:s0] =	ssyncset.done $0x0  }
0x1e5: {  	[sflag:s0] =	ssyncadd.s32 $0xFFFFEC00  }
0x1e6: {  	_ =	swait.ge [sflag:s0], $0x1400  }
0x1e7: {  	s8 =	smov.u32 s7;
	s6 =	sadd.s32 $0xC80, s6;
	[sflag:s0] =	ssyncset.done $0x0  }
0x1e8: {  	s7 =	sadd.s32 s5, s10;
	[sflag:s0] =	ssyncadd.s32 $0xFFFFEC00  }
0x1e9: {  	[tilespmem:s3], [sflag:$0x1] =	stream.linear.gather [hbm4b:s7+s3], $0x28, $0x38;
	[tilespmem:$0x19F00] =	vst v63  }
0x1ea: {  	s9 =	sadd.s32 s5, s15  }
0x1eb: {  	[tilespmem:s19], [sflag:$0x1] =	stream.linear.gather [hbm4b:s9+s3], $0x28, $0x38;
	[tilespmem:$0x19F00] =	vst v63  }
0x1ec: {  	s14 =	sadd.s32 s5, s13  }
0x1ed: {  	[tilespmem:s20], [sflag:$0x1] =	stream.linear.gather [hbm4b:s14+s3], $0x28, $0x38;
	[tilespmem:$0x19F00] =	vst v63  }
0x1ee: {  	s8 =	sadd.s32 s5, s12  }
0x1ef: {  	[tilespmem:s21], [sflag:$0x1] =	stream.linear.gather [hbm4b:s8+s3], $0x28, $0x38;
	[tilespmem:$0x19F00] =	vst v63  }
0x1f0: {  	s9 =	sadd.s32 s5, s11  }
0x1f1: {  	[tilespmem:s22], [sflag:$0x1] =	stream.linear.gather [hbm4b:s9+s3], $0x28, $0x38;
	[tilespmem:$0x19F00] =	vst v63  }
0x1f2: {  	_ = 	snop  }
0x1f3: {  	[tilespmem:s23], [sflag:$0x3] =	stream.linear.gather [hbm4b:s6+s3], $0x6400, $0x38;
	[tilespmem:$0x19F00] =	vst v63  }
0x1f4: {  	_ =	swait.ge [sflag:s24], $0x6400  }
0x1f5: {  	[sflag:s24] =	ssyncset.done $0x0  }
0x1f6: {  	[sflag:s24] =	ssyncadd.s32 $0xFFFF9C00  }
0x1f7: {  	_ =	swait.ge [sflag:s25], $0x28  }
0x1f8: {  	[sflag:s25] =	ssyncset.done $0x0  }
0x1f9: {  	[sflag:s25] =	ssyncadd.s32 $0xFFFFFFD8  }
0x1fa: {  	_ =	swait.ge [sflag:s25], $0x28  }
0x1fb: {  	[sflag:s25] =	ssyncset.done $0x0  }
0x1fc: {  	[sflag:s25] =	ssyncadd.s32 $0xFFFFFFD8  }
0x1fd: {  	_ =	swait.ge [sflag:s25], $0x28  }
0x1fe: {  	[sflag:s25] =	ssyncset.done $0x0  }
0x1ff: {  	[sflag:s25] =	ssyncadd.s32 $0xFFFFFFD8  }
0x200: {  	_ =	swait.ge [sflag:s25], $0x28  }
0x201: {  	[sflag:s25] =	ssyncset.done $0x0  }
0x202: {  	[sflag:s25] =	ssyncadd.s32 $0xFFFFFFD8  }
0x203: {  	_ =	swait.ge [sflag:s25], $0x28  }
0x204: {  	[sflag:s25] =	ssyncset.done $0x0  }
0x205: {  	[sflag:s25] =	ssyncadd.s32 $0xFFFFFFD8  }
0x206: {  	[spmem:s2] =	stream.indirect.scatter.add.f32 [tilespmem:s23], [sflag:$0x2], $0x80, s3, s26, $0xb8;
	[tilespmem:$0x19F00] =	vst v63  }
0x207: {  	_ = 	snop  }
0x208: {  	[spmem:s2] =	stream.indirect.scatter.add.f32 [tilespmem:s28], [sflag:$0x2], $0x80, s19, s26, $0xb8;
	[tilespmem:$0x19F00] =	vst v63  }
0x209: {  	_ = 	snop  }
0x20a: {  	[spmem:s2] =	stream.indirect.scatter.add.f32 [tilespmem:s29], [sflag:$0x2], $0x80, s20, s26, $0xb8;
	[tilespmem:$0x19F00] =	vst v63  }
0x20b: {  	_ = 	snop  }
0x20c: {  	[spmem:s2] =	stream.indirect.scatter.add.f32 [tilespmem:s30], [sflag:$0x2], $0x80, s21, s26, $0xb8;
	[tilespmem:$0x19F00] =	vst v63  }
0x20d: {  	_ = 	snop  }
0x20e: {  	[spmem:s2] =	stream.indirect.scatter.add.f32 [tilespmem:s31], [sflag:$0x2], $0x80, s22, s26, $0xb8;
	[tilespmem:$0x19F00] =	vst v63  }
0x20f: {  	_ =	swait.ge [sflag:s0], $0x1400  }
0x210: {  	[sflag:s0] =	ssyncset.done $0x0  }
0x211: {  	[sflag:s0] =	ssyncadd.s32 $0xFFFFEC00  }
0x212: {  	_ =	swait.ge [sflag:s0], $0x1400  }
0x213: {  	[sflag:s0] =	ssyncset.done $0x0  }
0x214: {  	[sflag:s0] =	ssyncadd.s32 $0xFFFFEC00  }
0x215: {  	_ =	swait.ge [sflag:s0], $0x1400  }
0x216: {  	[sflag:s0] =	ssyncset.done $0x0  }
0x217: {  	[sflag:s0] =	ssyncadd.s32 $0xFFFFEC00  }
0x218: {  	_ =	swait.ge [sflag:s0], $0x1400  }
0x219: {  	[sflag:s0] =	ssyncset.done $0x0  }
0x21a: {  	[sflag:s0] =	ssyncadd.s32 $0xFFFFEC00  }
0x21b: {  	_ =	swait.ge [sflag:s0], $0x1400  }
0x21c: {  	[sflag:s0] =	ssyncset.done $0x0  }
0x21d: {  	[sflag:s0] =	ssyncadd.s32 $0xFFFFEC00  }
0x21e: {  	[bflag:$0x0] =	sbarrier.arrive $0xFFFF  }
0x21f: {  	s5 =	rddreg [dreg:$0x5]  }
0x220: {  	[hbm:s5], [sflag:s17] =	dma.local @!p0 [spmem:s18], $0x3E80  }
0x221: {  	s5 =	simm.s32 @!p0 $0x3  }
0x222: {  	_ =	swait.ge @!p0 [sflag:s5], $0x3E80  }
0x223: {  	s1 =	sadd.s32 $0x1, s1;
	s14 =	rddreg [dreg:$0x6]  }
0x224: {  	p1 =	sne.s32 s1, s14  }
.Ltmp3:
0x225: {  	_ = 	snop;
	(pc) =	sbr.rel @p1 .LBB2_1-.Ltmp3, $3  }
0x226: {  	[sflag:s5] =	ssyncset.done @!p0 $0x0  }
0x227: {  	[sflag:s5] =	ssyncadd.s32 @!p0 $0xFFFFC180  }
0x228: {  	[bflag:$0x0] =	sbarrier.arrive $0xFFFF;
	_ =	sdelay $0x1  }
0x229: {  	_ =	sfence.sel $0x180000  }
0x22a: {  	[bflag:$0x0] =	sbarrier.arrive $0xFFFF  }
0x22b: {  	_ =	strace $0x90000047  }
0x22c: {  	s0 =	stileid.u32;
	[bflag:$0x2] =	sbarrier.arrive $0xFFFF  }
0x22d: {  	p0 =	sne.s32 s0, $0x0;
	s0 =	rddreg [dreg:$0x2]  }
0x22e: {  	s0 =	sadd.s32 @!p0 $0x100000, s0  }
0x22f: {  	[sflag:s0] =	ssyncadd.tile.s32 @!p0 $0x1;
	_ =	shalt  }
.Lfunc_end2:
_tile_overlayer_lowered:
.L_overlay_start_2:
0x230: {  	(tag) =	ssettag $0x2  }
0x231: {  	s0 =	rddreg [dreg:$0x0];
	s2 =	stileid.u32  }
0x232: {  	s1 =	rddreg [dreg:$0x1];
	p0 =	sne.s32 s2, $0x0  }
0x233: {  	s3 =	rddreg [dreg:$0x2];
	[bflag:$0x3] =	sbarrier.arrive $0xFFFF;
	s2 =	simm.s32 @!p0 $0x1C03  }
0x234: {  	[timem:s3], [sflag:s2] =	dma.local @!p0 [hbm:s0], s1  }
0x235: {  	s0 =	simm.s32 @!p0 $0x3  }
0x236: {  	_ =	swait.ge @!p0 [sflag:s0], s1  }
0x237: {  	s1 =	ssub.s32 @!p0 $0x0, s1;
	[sflag:s0] =	ssyncset.done @!p0 $0x0  }
0x238: {  	[sflag:s0] =	ssyncadd.s32 @!p0 s1  }
0x239: {  	[bflag:$0x3] =	sbarrier.arrive $0xFFFF  }
0x23a: {  	_ =	shalt  }

// kernel: kernel.17.cloned.1.call-start
scs
__scs_entry_jumppad:
0x0: {  	(pc) =	sbr.rel $0x88, $3  }
0x1: {  	(tag) =	ssettag $0x0;
	lr =	simm.s32 $0x1  }
0x2: {  	[smem:$0x3F90] =	sst lr;
	_ =	strace $0xD0000000  }
0x3: {  	_ = 	snop  }
0x4: {  	_ = 	snop  }
0x5: {  	_ = 	snop  }
0x6: {  	_ = 	snop  }
0x7: {  	_ = 	snop  }
__scs_overlays_trampoline_lowered:
0x8: {  	[smem:$0x3F9F] =	sst s0  }
0x9: {  	[smem:$0x3FA0] =	sst s1  }
0xa: {  	[smem:$0x3FA1] =	sst s2  }
0xb: {  	[smem:$0x3FA2] =	sst s3  }
0xc: {  	[smem:$0x3FA3] =	sst s4  }
0xd: {  	[smem:$0x3FA4] =	sst s5  }
0xe: {  	[smem:$0x3FA5] =	sst s6  }
0xf: {  	[smem:$0x3FA6] =	sst s7  }
0x10: {  	[smem:$0x3FA7] =	sst s8  }
0x11: {  	[smem:$0x3FA8] =	sst s9;
	s0 =	simm.s32 @!p0 $0x0  }
0x12: {  	s1 =	sld [smem:$0x3F8E];
	s0 =	simm.s32 @p0 $0x1  }
0x13: {  	[smem:$0x3FA9] =	sst s0;
	s0 =	simm.s32 @!p1 $0x0  }
0x14: {  	s2 =	sld [smem:$0x3F8D];
	s0 =	simm.s32 @p1 $0x1  }
0x15: {  	[smem:$0x3FAA] =	sst s0;
	s0 =	simm.s32 @!p2 $0x0  }
0x16: {  	s3 =	sld [smem:$0x3FDB];
	s0 =	simm.s32 @p2 $0x1  }
0x17: {  	s4 =	simm.s32 $0x1BF5;
	[smem:$0x3FAC] =	sst s0  }
0x18: {  	s0 =	sld [smem:$0x3F8F];
	_ =	swait.ge [sflag:s4], $0x0  }
0x19: {  	s7 =	sld [smem:$0x3F90]  }
0x1a: {  	s8 =	sadd.s32 $0xFFFFE003, lr  }
0x1b: {  	s9 =	sadd.s32 $0xFFFFFEF7, lr;
	s5 =	simm.s32 $0xFFFFFFFF;
	p2 =	slt.u32 s8, $0xFFFFF086  }
0x1c: {  	p1 =	slt.u32 s9, $0xF7A;
	s5 =	simm.s32 @!p2 $0x0  }
0x1d: {  	s5 =	simm.s32 @p1 $0x1;
	p0 =	seq.s32 s7, s2  }
0x1e: {  	s7 =	smul.u32 @!p0 $0xF7A, s2;
	p2 =	seq.s32 @!p0 s5, $0x0  }
0x1f: {  	s9 =	smul.u32 $0xF7A, s1;
	s8 =	simm.s32 @!p0 $0x1BF5;
	p2 =	por !p2, p0  }
0x20: {  	[sflag:s8] =	ssyncset.s32 @!p0 $0xFFFFF086;
	s6 =	sadd.s32 @!p0 s3, s7;
	s7 =	simm.s32 @!p0 $0x108  }
0x21: {  	s3 =	sadd.s32 s3, s9;
	s6 =	sadd.s32 @!p0 $0x88, s6;
	s7 =	simm.s32 @p2 $0x1082  }
0x22: {  	[simem:s7], [sflag:s8] =	dma.local @!p0 [hbm:s6], $0xF7A  }
0x23: {  	s9 =	sor.u32 $0xD0000000, s2;
	s6 =	simm.s32 $0x108;
	_ =	swait.ge @!p0 [sflag:s8], $0x0  }
0x24: {  	s3 =	sadd.s32 $0x88, s3;
	s6 =	simm.s32 @!p1 $0x1082;
	[sflag:s4] =	ssyncset.s32 $0xFFFFF086  }
0x25: {  	[simem:s6], [sflag:s4] =	dma.local [hbm:s3], $0xF7A  }
0x26: {  	[smem:$0x3F90] =	sst s1;
	(tag) =	ssettag s2;
	_ =	strace s9  }
0x27: {  	s1 =	sld [smem:$0x3FA0]  }
0x28: {  	s2 =	sld [smem:$0x3FA1]  }
0x29: {  	s4 =	sld [smem:$0x3FA3]  }
0x2a: {  	p0 =	seq.s32 s5, $0x0;
	s5 =	sld [smem:$0x3FA4]  }
0x2b: {  	s6 =	sld [smem:$0x3FA5]  }
0x2c: {  	s7 =	sld [smem:$0x3FA6]  }
0x2d: {  	s3 =	simm.s32 $0x108;
	s8 =	sld [smem:$0x3FA7]  }
0x2e: {  	s3 =	simm.s32 @!p0 $0x1082;
	s9 =	sld [smem:$0x3FA8]  }
0x2f: {  	lr =	sadd.s32 s0, s3;
	s0 =	sld [smem:$0x3F9F]  }
0x30: {  	s3 =	sld [smem:$0x3FA2]  }
0x31: {  	[smem:$0x3FAB] =	sst s10  }
0x32: {  	s10 =	sld [smem:$0x3FA9];
	_ =	sdelay $0x3  }
0x33: {  	p0 =	seq.s32 s10, $0x1;
	s10 =	sld [smem:$0x3FAB];
	_ =	sdelay $0x3  }
0x34: {  	[smem:$0x3FAB] =	sst s10  }
0x35: {  	s10 =	sld [smem:$0x3FAA];
	_ =	sdelay $0x3  }
0x36: {  	p1 =	seq.s32 s10, $0x1;
	s10 =	sld [smem:$0x3FAB];
	_ =	sdelay $0x3  }
0x37: {  	[smem:$0x3FAB] =	sst s10  }
0x38: {  	s10 =	sld [smem:$0x3FAC]  }
0x39: {  	_ = 	snop;
	(pc) =	sbr.ind lr, $3  }
0x3a: {  	_ = 	snop  }
0x3b: {  	_ = 	snop  }
0x3c: {  	p2 =	seq.s32 s10, $0x1;
	s10 =	sld [smem:$0x3FAB]  }
0x3d: {  	_ =	shalt  }
0x3e: {  	_ =	shalt  }
0x3f: {  	_ =	shalt  }
0x40: {  	_ =	shalt  }
0x41: {  	_ =	shalt  }
0x42: {  	_ =	shalt  }
0x43: {  	_ =	shalt  }
0x44: {  	_ =	shalt  }
0x45: {  	_ =	shalt  }
0x46: {  	_ =	shalt  }
0x47: {  	_ =	shalt  }
0x48: {  	_ =	shalt  }
0x49: {  	_ =	shalt  }
0x4a: {  	_ =	shalt  }
0x4b: {  	_ =	shalt  }
0x4c: {  	_ =	shalt  }
0x4d: {  	_ =	shalt  }
0x4e: {  	_ =	shalt  }
0x4f: {  	_ =	shalt  }
0x50: {  	_ =	shalt  }
0x51: {  	_ =	shalt  }
0x52: {  	_ =	shalt  }
0x53: {  	_ =	shalt  }
0x54: {  	_ =	shalt  }
0x55: {  	_ =	shalt  }
0x56: {  	_ =	shalt  }
0x57: {  	_ =	shalt  }
0x58: {  	_ =	shalt  }
0x59: {  	_ =	shalt  }
0x5a: {  	_ =	shalt  }
0x5b: {  	_ =	shalt  }
0x5c: {  	_ =	shalt  }
0x5d: {  	_ =	shalt  }
0x5e: {  	_ =	shalt  }
0x5f: {  	_ =	shalt  }
0x60: {  	_ =	shalt  }
0x61: {  	_ =	shalt  }
0x62: {  	_ =	shalt  }
0x63: {  	_ =	shalt  }
0x64: {  	_ =	shalt  }
0x65: {  	_ =	shalt  }
0x66: {  	_ =	shalt  }
0x67: {  	_ =	shalt  }
0x68: {  	_ =	shalt  }
0x69: {  	_ =	shalt  }
0x6a: {  	_ =	shalt  }
0x6b: {  	_ =	shalt  }
0x6c: {  	_ =	shalt  }
0x6d: {  	_ =	shalt  }
0x6e: {  	_ =	shalt  }
0x6f: {  	_ =	shalt  }
0x70: {  	_ =	shalt  }
0x71: {  	_ =	shalt  }
0x72: {  	_ =	shalt  }
0x73: {  	_ =	shalt  }
0x74: {  	_ =	shalt  }
0x75: {  	_ =	shalt  }
0x76: {  	_ =	shalt  }
0x77: {  	_ =	shalt  }
0x78: {  	_ =	shalt  }
0x79: {  	_ =	shalt  }
0x7a: {  	_ =	shalt  }
0x7b: {  	_ =	shalt  }
0x7c: {  	_ =	shalt  }
0x7d: {  	_ =	shalt  }
0x7e: {  	_ =	shalt  }
0x7f: {  	_ =	shalt  }
0x80: {  	_ =	shalt  }
0x81: {  	_ =	shalt  }
0x82: {  	_ =	shalt  }
0x83: {  	_ =	shalt  }
0x84: {  	_ =	shalt  }
0x85: {  	_ =	shalt  }
0x86: {  	_ =	shalt  }
0x87: {  	_ =	shalt  }
.Lfunc_end0:
.L_simem_size_0:
called_computation.1_lowered:
.L_overlay_start_0:
0x88: {  	s2 =	sld [smem:$0x3FD9]  }
0x89: {  	s3 =	sld [smem:$0x3FFE];
	_ =	sdelay $0x1  }
0x8a: {  	s1 =	srdreg.scid  }
0x8b: {  	s0 =	sand.u32 $0x1, s1  }
0x8c: {  	s17 =	sshll.u32 s0, $0xA;
	s2 =	sadd.s32 s3, s2  }
0x8d: {  	s2 =	sadd.s32 s2, s17  }
0x8e: {  	[smem:$0x3FB7] =	sst s2  }
0x8f: {  	_ = 	snop  }
0x90: {  	s18 =	sld [smem:$0x3FD0];
	(tm) =	ssettm $0x1  }
0x91: {  	s19 =	sld [smem:$0x3FFB];
	_ =	sdelay $0x3  }
0x92: {  	_ =	strace s19  }
0x93: {  	s2 =	sld [smem:$0x3FFC];
	_ =	sdelay $0x3  }
0x94: {  	_ =	strace s2  }
0x95: {  	s2 =	sld [smem:$0x3FFD];
	_ =	sdelay $0x3  }
0x96: {  	_ =	strace s2  }
0x97: {  	_ =	strace $0x8FFFFFFF  }
0x98: {  	s20 =	sld [smem:$0x3FDB];
	_ =	sdelay $0x1  }
0x99: {  	s4 =	simm.s32 $_scs_section_size  }
0x9a: {  	s5 =	simm.s32 $_size__tile_overlayer_lowered;
	s6 =	simm.s32 $_tile_overlayer_lowered  }
0x9b: {  	s7 =	simm.s32 $0x1BFF;
	s21 =	sshll.u32 s6, $0x1;
	s4 =	sadd.s32 s4, s20  }
0x9c: {  	s22 =	simm.s32 $0x0;
	s5 =	sshll.u32 s5, $0x1;
	s6 =	sadd.s32 s21, s4  }
0x9d: {  	[timem:s22], [sflag:s7] =	dma.local [hbm:s6], s5  }
0x9e: {  	_ =	swait.ge [sflag:s7], s5  }
0x9f: {  	s5 =	ssub.s32 $0x0, s5;
	[sflag:s7] =	ssyncset.done $0x0  }
0xa0: {  	[sflag:s7] =	ssyncadd.s32 s5;
	_ =	sdelay $0x1  }
0xa1: {  	s23 =	simm.s32 $0x1B8B  }
0xa2: {  	_ =	swait.ge [sflag:s23], $0x1  }
0xa3: {  	[sflag:s23] =	ssyncset.done $0x0  }
0xa4: {  	[sflag:s23] =	ssyncadd.s32 $0xFFFFFFFF  }
0xa5: {  	s5 =	sld [smem:$0x0]  }
0xa6: {  	s6 =	sand.u32 $0xFFFFFFFE, s1  }
0xa7: {  	p0 =	sne.s32 s1, s6  }
0xa8: {  	s6 =	sshll.u32 @p0 s6, $0xE  }
0xa9: {  	s6 =	sadd.s32 @p0 $0x11B8D, s6;
	s7 =	sshll.u32 @p0 s5, $0x11  }
0xaa: {  	s6 =	sor.u32 @p0 s7, s6  }
0xab: {  	[sflag:s6] =	ssyncadd.remote.s32 @p0 $0x1;
	_ =	sdelay $0x1  }
0xac: {  	s6 =	simm.s32 @p0 $0x1B8D  }
0xad: {  	_ =	swait.eq @p0 [sflag:s6], $0x1  }
0xae: {  	[sflag:s6] =	ssyncadd.s32 @p0 $0xFFFFFFFF  }
0xaf: {  	s7 =	sshll.u32 @!p0 s1, $0xE  }
0xb0: {  	s7 =	sor.u32 @!p0 $0x4000, s7;
	s6 =	simm.s32 @!p0 $0x1B8D  }
0xb1: {  	s5 =	sshll.u32 @!p0 s5, $0x11;
	s7 =	sadd.s32 @!p0 $0x11B8D, s7;
	_ =	swait.eq @!p0 [sflag:s6], $0x1  }
0xb2: {  	s5 =	sor.u32 @!p0 s5, s7;
	[sflag:s6] =	ssyncadd.s32 @!p0 $0xFFFFFFFF  }
0xb3: {  	s25 =	simm.s32 $0x1B8E;
	s24 =	sld [smem:$0x3FFE];
	[sflag:s5] =	ssyncadd.remote.s32 @!p0 $0x1  }
0xb4: {  	s26 =	simm.s32 $execute0_lowered;
	[smem:$0x3FD2] =	sst s25  }
0xb5: {  	s6 =	sshll.u32 s26, $0x1;
	_ =	strace $0x80000049;
	[dreg:$0x1] =	wrdreg $0xFFFFFFFF  }
0xb6: {  	s28 =	simm.s32 $_size_execute0_lowered;
	s4 =	sadd.s32 s4, s6;
	[dreg:$0x0] =	wrdreg $0x0  }
0xb7: {  	s6 =	sshll.u32 s28, $0x1;
	[dreg:$0x2] =	wrdreg s4  }
0xb8: {  	[dreg:$0x3] =	wrdreg s6  }
0xb9: {  	[dreg:$0x4] =	wrdreg $0xC0  }
0xba: {  	_ =	task [dreg:s22], $0x5FFFF  }
0xbb: {  	[dreg:$0x1] =	wrdreg $0xFFFFFFFF  }
0xbc: {  	[dreg:$0x0] =	wrdreg $0x60  }
0xbd: {  	[dreg:$0x2] =	wrdreg s18  }
0xbe: {  	[dreg:$0x3] =	wrdreg s24  }
0xbf: {  	[dreg:$0x4] =	wrdreg $0x69000  }
0xc0: {  	[dreg:$0x5] =	wrdreg $0xA  }
0xc1: {  	_ =	task.clear_ibuf [dreg:s22], $0x6FFFF;
	_ =	strace $0x90000049  }
0xc2: {  	s29 =	simm.s32 $0xA;
	_ =	strace $0x8000004B  }
0xc3: {  	_ =	swait.ge [sflag:s29], $0x1  }
0xc4: {  	[sflag:s29] =	ssyncadd.s32 $0xFFFFFFFF  }
0xc5: {  	_ =	strace $0x9000004B  }
0xc6: {  	_ =	sfence  }
0xc7: {  	s30 =	sld [smem:$0x0];
	_ =	sdelay $0x2  }
0xc8: {  	s31 =	sshll.u32 s1, $0xD;
	s1 =	sshrl.u32 s1, $0x2  }
0xc9: {  	s4 =	sand.u32 $0x4000, s31;
	s1 =	sadd.s32 s1, s30  }
0xca: {  	s0 =	sor.u32 s4, s0;
	s1 =	sshll.u32 s1, $0x11  }
0xcb: {  	s0 =	sor.u32 s1, s0  }
0xcc: {  	s0 =	sadd.s32 $0x8F2B, s0  }
0xcd: {  	[sflag:s0] =	ssyncadd.remote.s32 $0x1  }
0xce: {  	_ =	sfence.sel $0xFFFF  }
0xcf: {  	[dreg:$0x0] =	wrdreg $0xFFFFFFFF;
	(pc) =	sbr.abs _section_cstart, $3  }
0xd0: {  	[dreg:$0x1] =	wrdreg $0xFFFFFFFF  }
0xd1: {  	_ =	task.clear_ibuf [dreg:s22], $0x2FFFF;
	_ =	strace $0x9FFFFFFF  }
0xd2: {  	(tm) =	ssettm $0x7FFFFFFF  }
0xd3: {  	_ =	shalt  }
tec
execute0_lowered:
.L_overlay_start_1:
0x0: {  	(tag) =	ssettag $0x1  }
0x1: {  	s1 =	rddreg [dreg:$0x0]  }
0x2: {  	s0 =	rddreg [dreg:$0x1]  }
0x3: {  	s3 =	rddreg [dreg:$0x2];
	s4 =	simm.s32 $0x0  }
0x4: {  	s13 =	stileid.u32;
	s2 =	srdreg.scid;
	s28 =	simm.s32 $0x0  }
0x5: {  	[smem:$0x7FF] =	sst s4;
	s5 =	smul.u32 $0x3E80, s13;
	s9 =	sadd.s32 $0x4F0800, s0  }
0x6: {  	s2 =	sand.u32 $0x1, s2;
	s7 =	smul.u32 $0x2710, s13;
	s8 =	sadd.s32 $0x4E6A00, s0  }
0x7: {  	s11 =	smul.u32 $0x7D000, s13;
	p0 =	sgt.u32 s13, $0x9;
	s13 =	simm.s32 $0x280  }
0x8: {  	_ =	strace $0x8000004A;
	s6 =	smul.u32 $0x27100, s2;
	s2 =	ssub.s32 $0x2, s2  }
0x9: {  	s12 =	sadd.s32 s5, s0;
	s29 =	sshrl.u32 s2, $0x1;
	s30 =	sshrl.u32 s11, $0x2  }
0xa: {  	s11 =	simm.s32 $0x180;
	s10 =	sadd.s32 s5, s6;
	s7 =	sadd.s32 s7, s6  }
0xb: {  	s2 =	ssub.s32 s2, s29;
	s31 =	sadd.s32 s30, s3;
	s12 =	sadd.s32 $0x4A00, s12  }
0xc: {  	s0 =	sadd.s32 s10, s0;
	[dreg:$0xe] =	wrdreg s31;
	s6 =	sshrl.u32 s7, $0x3  }
0xd: {  	[dreg:$0xf] =	wrdreg s12;
	s15 =	sadd.s32 $0xA0, s7;
	s18 =	sadd.s32 $0x78, s7  }
0xe: {  	s22 =	sadd.s32 $0x50, s7;
	s7 =	sadd.s32 $0x28, s7;
	s12 =	simm.s32 $0x200  }
0xf: {  	s14 =	sadd.s32 s6, s8;
	s10 =	sadd.s32 s6, s9;
	s16 =	sshrl.u32 s15, $0x3  }
0x10: {  	s20 =	sshrl.u32 s18, $0x3;
	s24 =	sshrl.u32 s22, $0x3;
	[dreg:$0x4] =	wrdreg s14  }
0x11: {  	s29 =	sshrl.u32 s7, $0x3;
	s0 =	sadd.s32 $0x116200, s0;
	[dreg:$0x5] =	wrdreg s10  }
0x12: {  	s15 =	simm.s32 $0x380;
	s17 =	sadd.s32 s16, s8;
	[dreg:$0x10] =	wrdreg s0  }
0x13: {  	s18 =	simm.s32 $0x1;
	s19 =	sadd.s32 s16, s9;
	[dreg:$0x6] =	wrdreg s17  }
0x14: {  	s22 =	simm.s32 $0x2D00;
	s21 =	sadd.s32 s20, s8;
	[dreg:$0x7] =	wrdreg s19  }
0x15: {  	s23 =	sadd.s32 s20, s9;
	s25 =	sadd.s32 s24, s8;
	[dreg:$0x8] =	wrdreg s21  }
0x16: {  	s26 =	sadd.s32 s24, s9;
	s30 =	sadd.s32 s29, s8;
	[dreg:$0x9] =	wrdreg s23  }
0x17: {  	s8 =	smax.u32 s2, $0x1;
	s31 =	sadd.s32 s29, s9;
	[dreg:$0xa] =	wrdreg s25  }
0x18: {  	s9 =	simm.s32 $0x80;
	s10 =	simm.s32 $0x100;
	[dreg:$0xb] =	wrdreg s26  }
0x19: {  	s14 =	simm.s32 $0x300;
	s16 =	simm.s32 $0x400;
	[dreg:$0xc] =	wrdreg s30  }
0x1a: {  	s20 =	simm.s32 $0x500;
	s24 =	simm.s32 $0x5500;
	[dreg:$0xd] =	wrdreg s31  }
0x1b: {  	s17 =	simm.s32 $0x480;
	s19 =	simm.s32 $0x28;
	s21 =	simm.s32 $0x1900  }
0x1c: {  	s23 =	simm.s32 $0x4100;
	s25 =	simm.s32 $0x2;
	s26 =	simm.s32 $0x3  }
.LBB2_1:
0x1d: {  	s0 =	stileid.u32  }
0x1e: {  	s0 =	sshll.u32 @!p0 s0, $0x6  }
0x1f: {  	s29 =	sor.u32 @!p0 $0x1C04, s0;
	s0 =	rddreg [dreg:$0xe]  }
0x20: {  	s30 =	sshrl.u32 @!p0 s0, $0x3;
	s0 =	rddreg [dreg:$0xf]  }
0x21: {  	[spmem:s30], [sflag:s29] =	dma.local @!p0 [hbm:s0], $0x3E80  }
0x22: {  	s0 =	simm.s32 @!p0 $0x4  }
0x23: {  	_ =	swait.ge @!p0 [sflag:s0], $0x3E80  }
0x24: {  	[sflag:s0] =	ssyncset.done @!p0 $0x0  }
0x25: {  	[sflag:s0] =	ssyncadd.s32 @!p0 $0xFFFFC180  }
0x26: {  	[bflag:$0x0] =	sbarrier.arrive $0xFFFF  }
0x27: {  	s7 =	rddreg [dreg:$0x5]  }
0x28: {  	s2 =	rddreg [dreg:$0xd];
	s0 =	sadd.s32 $0x0, s7  }
0x29: {  	[tilespmem:s4], [sflag:$0x1] =	stream.linear.gather [hbm4b:s0+s4], $0x28, $0x38;
	[tilespmem:$0x1A180] =	vst v63  }
0x2a: {  	s31 =	rddreg [dreg:$0xb];
	s5 =	sadd.s32 $0x0, s2  }
0x2b: {  	[tilespmem:s9], [sflag:$0x1] =	stream.linear.gather [hbm4b:s5+s4], $0x28, $0x38;
	[tilespmem:$0x1A180] =	vst v63  }
0x2c: {  	s6 =	rddreg [dreg:$0x9];
	s7 =	sadd.s32 $0x0, s31  }
0x2d: {  	[tilespmem:s10], [sflag:$0x1] =	stream.linear.gather [hbm4b:s7+s4], $0x28, $0x38;
	[tilespmem:$0x1A180] =	vst v63  }
0x2e: {  	s31 =	rddreg [dreg:$0x7];
	s5 =	sadd.s32 $0x0, s6  }
0x2f: {  	[tilespmem:s11], [sflag:$0x1] =	stream.linear.gather [hbm4b:s5+s4], $0x28, $0x38;
	[tilespmem:$0x1A180] =	vst v63  }
0x30: {  	s6 =	rddreg [dreg:$0x4];
	s7 =	sadd.s32 $0x0, s31  }
0x31: {  	[tilespmem:s12], [sflag:$0x1] =	stream.linear.gather [hbm4b:s7+s4], $0x28, $0x38;
	[tilespmem:$0x1A180] =	vst v63  }
0x32: {  	s31 =	rddreg [dreg:$0xc];
	s5 =	sadd.s32 $0x0, s6  }
0x33: {  	[tilespmem:s13], [sflag:$0x1] =	stream.linear.gather [hbm4b:s5+s4], $0x28, $0x38;
	[tilespmem:$0x1A180] =	vst v63  }
0x34: {  	s6 =	rddreg [dreg:$0xa];
	s7 =	sadd.s32 $0x0, s31  }
0x35: {  	[tilespmem:s14], [sflag:$0x1] =	stream.linear.gather [hbm4b:s7+s4], $0x28, $0x38;
	[tilespmem:$0x1A180] =	vst v63  }
0x36: {  	s2 =	sadd.s32 $0x0, s6;
	s31 =	rddreg [dreg:$0x8]  }
0x37: {  	[tilespmem:s15], [sflag:$0x1] =	stream.linear.gather [hbm4b:s2+s4], $0x28, $0x38;
	[tilespmem:$0x1A180] =	vst v63  }
0x38: {  	s6 =	sadd.s32 $0x0, s31;
	s5 =	rddreg [dreg:$0x6]  }
0x39: {  	[tilespmem:s16], [sflag:$0x1] =	stream.linear.gather [hbm4b:s6+s4], $0x28, $0x38;
	[tilespmem:$0x1A180] =	vst v63  }
0x3a: {  	s7 =	sadd.s32 $0x0, s5  }
0x3b: {  	[tilespmem:s17], [sflag:$0x1] =	stream.linear.gather [hbm4b:s7+s4], $0x28, $0x38;
	[tilespmem:$0x1A180] =	vst v63  }
0x3c: {  	_ =	swait.ge [sflag:s18], $0x28  }
0x3d: {  	[sflag:s18] =	ssyncset.done $0x0  }
0x3e: {  	[sflag:s18] =	ssyncadd.s32 $0xFFFFFFD8  }
0x3f: {  	_ =	swait.ge [sflag:s18], $0x28  }
0x40: {  	[sflag:s18] =	ssyncset.done $0x0  }
0x41: {  	[sflag:s18] =	ssyncadd.s32 $0xFFFFFFD8  }
0x42: {  	_ =	swait.ge [sflag:s18], $0x28  }
0x43: {  	[sflag:s18] =	ssyncset.done $0x0  }
0x44: {  	[sflag:s18] =	ssyncadd.s32 $0xFFFFFFD8  }
0x45: {  	_ =	swait.ge [sflag:s18], $0x28  }
0x46: {  	[sflag:s18] =	ssyncset.done $0x0  }
0x47: {  	[sflag:s18] =	ssyncadd.s32 $0xFFFFFFD8  }
0x48: {  	_ =	swait.ge [sflag:s18], $0x28  }
0x49: {  	[sflag:s18] =	ssyncset.done $0x0  }
0x4a: {  	[sflag:s18] =	ssyncadd.s32 $0xFFFFFFD8  }
0x4b: {  	_ =	swait.ge [sflag:s18], $0x28  }
0x4c: {  	[sflag:s18] =	ssyncset.done $0x0  }
0x4d: {  	[sflag:s18] =	ssyncadd.s32 $0xFFFFFFD8  }
0x4e: {  	_ =	swait.ge [sflag:s18], $0x28  }
0x4f: {  	[sflag:s18] =	ssyncset.done $0x0  }
0x50: {  	[sflag:s18] =	ssyncadd.s32 $0xFFFFFFD8  }
0x51: {  	_ =	swait.ge [sflag:s18], $0x28  }
0x52: {  	[sflag:s18] =	ssyncset.done $0x0  }
0x53: {  	[sflag:s18] =	ssyncadd.s32 $0xFFFFFFD8  }
0x54: {  	_ =	swait.ge [sflag:s18], $0x28  }
0x55: {  	[sflag:s18] =	ssyncset.done $0x0  }
0x56: {  	[sflag:s18] =	ssyncadd.s32 $0xFFFFFFD8  }
0x57: {  	_ =	swait.ge [sflag:s18], $0x28  }
0x58: {  	[sflag:s18] =	ssyncset.done $0x0  }
0x59: {  	[sflag:s18] =	ssyncadd.s32 $0xFFFFFFD8  }
0x5a: {  	[tilespmem:s20], [sflag:$0x2] =	stream.indirect.gather [hbm4b:s1+s19], $0x80, s4, s19, $0xb8;
	[tilespmem:$0x1A180] =	vst v63  }
0x5b: {  	_ = 	snop  }
0x5c: {  	[tilespmem:s21], [sflag:$0x2] =	stream.indirect.gather [hbm4b:s1+s19], $0x80, s9, s19, $0xb8;
	[tilespmem:$0x1A180] =	vst v63  }
0x5d: {  	_ = 	snop  }
0x5e: {  	[tilespmem:s22], [sflag:$0x2] =	stream.indirect.gather [hbm4b:s1+s19], $0x80, s10, s19, $0xb8;
	[tilespmem:$0x1A180] =	vst v63  }
0x5f: {  	_ = 	snop  }
0x60: {  	[tilespmem:s23], [sflag:$0x2] =	stream.indirect.gather [hbm4b:s1+s19], $0x80, s11, s19, $0xb8;
	[tilespmem:$0x1A180] =	vst v63  }
0x61: {  	_ = 	snop  }
0x62: {  	[tilespmem:s24], [sflag:$0x2] =	stream.indirect.gather [hbm4b:s1+s19], $0x80, s12, s19, $0xb8;
	[tilespmem:$0x1A180] =	vst v63  }
0x63: {  	_ =	swait.ge [sflag:s25], $0x1400  }
0x64: {  	[sflag:s25] =	ssyncset.done $0x0  }
0x65: {  	[sflag:s25] =	ssyncadd.s32 $0xFFFFEC00  }
0x66: {  	_ =	swait.ge [sflag:s25], $0x1400  }
0x67: {  	[sflag:s25] =	ssyncset.done $0x0  }
0x68: {  	[sflag:s25] =	ssyncadd.s32 $0xFFFFEC00  }
0x69: {  	_ =	swait.ge [sflag:s25], $0x1400  }
0x6a: {  	[sflag:s25] =	ssyncset.done $0x0  }
0x6b: {  	[sflag:s25] =	ssyncadd.s32 $0xFFFFEC00  }
0x6c: {  	_ =	swait.ge [sflag:s25], $0x1400  }
0x6d: {  	[sflag:s25] =	ssyncset.done $0x0  }
0x6e: {  	[sflag:s25] =	ssyncadd.s32 $0xFFFFEC00  }
0x6f: {  	_ =	swait.ge [sflag:s25], $0x1400  }
0x70: {  	[sflag:s25] =	ssyncset.done $0x0  }
0x71: {  	[sflag:s25] =	ssyncadd.s32 $0xFFFFEC00  }
0x72: {  	[spmem:s3] =	stream.indirect.scatter.add.f32 [tilespmem:s20], [sflag:$0x3], $0x80, s13, s19, $0xb8;
	[tilespmem:$0x1A180] =	vst v63  }
0x73: {  	_ = 	snop  }
0x74: {  	[spmem:s3] =	stream.indirect.scatter.add.f32 [tilespmem:s21], [sflag:$0x3], $0x80, s14, s19, $0xb8;
	[tilespmem:$0x1A180] =	vst v63  }
0x75: {  	_ = 	snop  }
0x76: {  	[spmem:s3] =	stream.indirect.scatter.add.f32 [tilespmem:s22], [sflag:$0x3], $0x80, s15, s19, $0xb8;
	[tilespmem:$0x1A180] =	vst v63  }
0x77: {  	_ = 	snop  }
0x78: {  	[spmem:s3] =	stream.indirect.scatter.add.f32 [tilespmem:s23], [sflag:$0x3], $0x80, s16, s19, $0xb8;
	[tilespmem:$0x1A180] =	vst v63  }
0x79: {  	_ = 	snop  }
0x7a: {  	[spmem:s3] =	stream.indirect.scatter.add.f32 [tilespmem:s24], [sflag:$0x3], $0x80, s17, s19, $0xb8;
	[tilespmem:$0x1A180] =	vst v63  }
0x7b: {  	_ =	swait.ge [sflag:s26], $0x1400  }
0x7c: {  	[sflag:s26] =	ssyncset.done $0x0  }
0x7d: {  	[sflag:s26] =	ssyncadd.s32 $0xFFFFEC00  }
0x7e: {  	_ =	swait.ge [sflag:s26], $0x1400  }
0x7f: {  	[sflag:s26] =	ssyncset.done $0x0  }
0x80: {  	[sflag:s26] =	ssyncadd.s32 $0xFFFFEC00  }
0x81: {  	_ =	swait.ge [sflag:s26], $0x1400  }
0x82: {  	[sflag:s26] =	ssyncset.done $0x0  }
0x83: {  	[sflag:s26] =	ssyncadd.s32 $0xFFFFEC00  }
0x84: {  	_ =	swait.ge [sflag:s26], $0x1400  }
0x85: {  	[sflag:s26] =	ssyncset.done $0x0  }
0x86: {  	[sflag:s26] =	ssyncadd.s32 $0xFFFFEC00  }
0x87: {  	s0 =	simm.s32 $0x32;
	_ =	swait.ge [sflag:s26], $0x1400  }
0x88: {  	s31 =	simm.s32 $0x19;
	s2 =	rddreg [dreg:$0x5];
	[sflag:s26] =	ssyncset.done $0x0  }
.LBB2_2:
0x89: {  	[sflag:s26] =	ssyncadd.s32 $0xFFFFEC00;
	s6 =	rddreg [dreg:$0xd];
	s2 =	sadd.s32 s31, s2  }
0x8a: {  	[tilespmem:s4], [sflag:$0x1] =	stream.linear.gather [hbm4b:s2+s4], $0x28, $0x38;
	[tilespmem:$0x1A180] =	vst v63  }
0x8b: {  	s7 =	rddreg [dreg:$0xb];
	s2 =	sadd.s32 s31, s6  }
0x8c: {  	[tilespmem:s9], [sflag:$0x1] =	stream.linear.gather [hbm4b:s2+s4], $0x28, $0x38;
	[tilespmem:$0x1A180] =	vst v63  }
0x8d: {  	s6 =	rddreg [dreg:$0x9];
	s2 =	sadd.s32 s31, s7  }
0x8e: {  	[tilespmem:s10], [sflag:$0x1] =	stream.linear.gather [hbm4b:s2+s4], $0x28, $0x38;
	[tilespmem:$0x1A180] =	vst v63  }
0x8f: {  	s7 =	rddreg [dreg:$0x7];
	s2 =	sadd.s32 s31, s6  }
0x90: {  	[tilespmem:s11], [sflag:$0x1] =	stream.linear.gather [hbm4b:s2+s4], $0x28, $0x38;
	[tilespmem:$0x1A180] =	vst v63  }
0x91: {  	s6 =	rddreg [dreg:$0x4];
	s2 =	sadd.s32 s31, s7  }
0x92: {  	[tilespmem:s12], [sflag:$0x1] =	stream.linear.gather [hbm4b:s2+s4], $0x28, $0x38;
	[tilespmem:$0x1A180] =	vst v63  }
0x93: {  	s7 =	rddreg [dreg:$0xc];
	s2 =	sadd.s32 s31, s6  }
0x94: {  	[tilespmem:s13], [sflag:$0x1] =	stream.linear.gather [hbm4b:s2+s4], $0x28, $0x38;
	[tilespmem:$0x1A180] =	vst v63  }
0x95: {  	s6 =	rddreg [dreg:$0xa];
	s2 =	sadd.s32 s31, s7  }
0x96: {  	[tilespmem:s14], [sflag:$0x1] =	stream.linear.gather [hbm4b:s2+s4], $0x28, $0x38;
	[tilespmem:$0x1A180] =	vst v63  }
0x97: {  	s7 =	rddreg [dreg:$0x8];
	s2 =	sadd.s32 s31, s6  }
0x98: {  	[tilespmem:s15], [sflag:$0x1] =	stream.linear.gather [hbm4b:s2+s4], $0x28, $0x38;
	[tilespmem:$0x1A180] =	vst v63  }
0x99: {  	s7 =	sadd.s32 s31, s7;
	s6 =	rddreg [dreg:$0x6]  }
0x9a: {  	[tilespmem:s16], [sflag:$0x1] =	stream.linear.gather [hbm4b:s7+s4], $0x28, $0x38;
	[tilespmem:$0x1A180] =	vst v63  }
0x9b: {  	s7 =	sadd.s32 s31, s6  }
0x9c: {  	[tilespmem:s17], [sflag:$0x1] =	stream.linear.gather [hbm4b:s7+s4], $0x28, $0x38;
	[tilespmem:$0x1A180] =	vst v63  }
0x9d: {  	_ =	swait.ge [sflag:s18], $0x28  }
0x9e: {  	[sflag:s18] =	ssyncset.done $0x0  }
0x9f: {  	[sflag:s18] =	ssyncadd.s32 $0xFFFFFFD8  }
0xa0: {  	_ =	swait.ge [sflag:s18], $0x28  }
0xa1: {  	[sflag:s18] =	ssyncset.done $0x0  }
0xa2: {  	[sflag:s18] =	ssyncadd.s32 $0xFFFFFFD8  }
0xa3: {  	_ =	swait.ge [sflag:s18], $0x28  }
0xa4: {  	[sflag:s18] =	ssyncset.done $0x0  }
0xa5: {  	[sflag:s18] =	ssyncadd.s32 $0xFFFFFFD8  }
0xa6: {  	_ =	swait.ge [sflag:s18], $0x28  }
0xa7: {  	[sflag:s18] =	ssyncset.done $0x0  }
0xa8: {  	[sflag:s18] =	ssyncadd.s32 $0xFFFFFFD8  }
0xa9: {  	_ =	swait.ge [sflag:s18], $0x28  }
0xaa: {  	[sflag:s18] =	ssyncset.done $0x0  }
0xab: {  	[sflag:s18] =	ssyncadd.s32 $0xFFFFFFD8  }
0xac: {  	_ =	swait.ge [sflag:s18], $0x28  }
0xad: {  	[sflag:s18] =	ssyncset.done $0x0  }
0xae: {  	[sflag:s18] =	ssyncadd.s32 $0xFFFFFFD8  }
0xaf: {  	_ =	swait.ge [sflag:s18], $0x28  }
0xb0: {  	[sflag:s18] =	ssyncset.done $0x0  }
0xb1: {  	[sflag:s18] =	ssyncadd.s32 $0xFFFFFFD8  }
0xb2: {  	_ =	swait.ge [sflag:s18], $0x28  }
0xb3: {  	[sflag:s18] =	ssyncset.done $0x0  }
0xb4: {  	[sflag:s18] =	ssyncadd.s32 $0xFFFFFFD8  }
0xb5: {  	_ =	swait.ge [sflag:s18], $0x28  }
0xb6: {  	[sflag:s18] =	ssyncset.done $0x0  }
0xb7: {  	[sflag:s18] =	ssyncadd.s32 $0xFFFFFFD8  }
0xb8: {  	_ =	swait.ge [sflag:s18], $0x28  }
0xb9: {  	[sflag:s18] =	ssyncset.done $0x0  }
0xba: {  	[sflag:s18] =	ssyncadd.s32 $0xFFFFFFD8  }
0xbb: {  	[tilespmem:s20], [sflag:$0x2] =	stream.indirect.gather [hbm4b:s1+s19], $0x80, s4, s19, $0xb8;
	[tilespmem:$0x1A180] =	vst v63  }
0xbc: {  	_ = 	snop  }
0xbd: {  	[tilespmem:s21], [sflag:$0x2] =	stream.indirect.gather [hbm4b:s1+s19], $0x80, s9, s19, $0xb8;
	[tilespmem:$0x1A180] =	vst v63  }
0xbe: {  	_ = 	snop  }
0xbf: {  	[tilespmem:s22], [sflag:$0x2] =	stream.indirect.gather [hbm4b:s1+s19], $0x80, s10, s19, $0xb8;
	[tilespmem:$0x1A180] =	vst v63  }
0xc0: {  	_ = 	snop  }
0xc1: {  	[tilespmem:s23], [sflag:$0x2] =	stream.indirect.gather [hbm4b:s1+s19], $0x80, s11, s19, $0xb8;
	[tilespmem:$0x1A180] =	vst v63  }
0xc2: {  	_ = 	snop  }
0xc3: {  	[tilespmem:s24], [sflag:$0x2] =	stream.indirect.gather [hbm4b:s1+s19], $0x80, s12, s19, $0xb8;
	[tilespmem:$0x1A180] =	vst v63  }
0xc4: {  	_ =	swait.ge [sflag:s25], $0x1400  }
0xc5: {  	[sflag:s25] =	ssyncset.done $0x0  }
0xc6: {  	[sflag:s25] =	ssyncadd.s32 $0xFFFFEC00  }
0xc7: {  	_ =	swait.ge [sflag:s25], $0x1400  }
0xc8: {  	[sflag:s25] =	ssyncset.done $0x0  }
0xc9: {  	[sflag:s25] =	ssyncadd.s32 $0xFFFFEC00  }
0xca: {  	_ =	swait.ge [sflag:s25], $0x1400  }
0xcb: {  	[sflag:s25] =	ssyncset.done $0x0  }
0xcc: {  	[sflag:s25] =	ssyncadd.s32 $0xFFFFEC00  }
0xcd: {  	_ =	swait.ge [sflag:s25], $0x1400  }
0xce: {  	[sflag:s25] =	ssyncset.done $0x0  }
0xcf: {  	[sflag:s25] =	ssyncadd.s32 $0xFFFFEC00  }
0xd0: {  	_ =	swait.ge [sflag:s25], $0x1400  }
0xd1: {  	[sflag:s25] =	ssyncset.done $0x0  }
0xd2: {  	[sflag:s25] =	ssyncadd.s32 $0xFFFFEC00  }
0xd3: {  	[spmem:s3] =	stream.indirect.scatter.add.f32 [tilespmem:s20], [sflag:$0x3], $0x80, s13, s19, $0xb8;
	[tilespmem:$0x1A180] =	vst v63  }
0xd4: {  	_ = 	snop  }
0xd5: {  	[spmem:s3] =	stream.indirect.scatter.add.f32 [tilespmem:s21], [sflag:$0x3], $0x80, s14, s19, $0xb8;
	[tilespmem:$0x1A180] =	vst v63  }
0xd6: {  	_ = 	snop  }
0xd7: {  	[spmem:s3] =	stream.indirect.scatter.add.f32 [tilespmem:s22], [sflag:$0x3], $0x80, s15, s19, $0xb8;
	[tilespmem:$0x1A180] =	vst v63  }
0xd8: {  	_ = 	snop  }
0xd9: {  	[spmem:s3] =	stream.indirect.scatter.add.f32 [tilespmem:s23], [sflag:$0x3], $0x80, s16, s19, $0xb8;
	[tilespmem:$0x1A180] =	vst v63  }
0xda: {  	_ = 	snop  }
0xdb: {  	[spmem:s3] =	stream.indirect.scatter.add.f32 [tilespmem:s24], [sflag:$0x3], $0x80, s17, s19, $0xb8;
	[tilespmem:$0x1A180] =	vst v63  }
0xdc: {  	_ =	swait.ge [sflag:s26], $0x1400  }
0xdd: {  	[sflag:s26] =	ssyncset.done $0x0  }
0xde: {  	[sflag:s26] =	ssyncadd.s32 $0xFFFFEC00  }
0xdf: {  	_ =	swait.ge [sflag:s26], $0x1400  }
0xe0: {  	[sflag:s26] =	ssyncset.done $0x0  }
0xe1: {  	[sflag:s26] =	ssyncadd.s32 $0xFFFFEC00  }
0xe2: {  	_ =	swait.ge [sflag:s26], $0x1400  }
0xe3: {  	[sflag:s26] =	ssyncset.done $0x0  }
0xe4: {  	p1 =	sne.s32 s0, $0x4C9;
	[sflag:s26] =	ssyncadd.s32 $0xFFFFEC00  }
.Ltmp0:
0xe5: {  	_ =	swait.ge [sflag:s26], $0x1400;
	(pc) =	sbr.rel @p1 .LBB2_2-.Ltmp0, $4  }
0xe6: {  	[sflag:s26] =	ssyncset.done $0x0  }
0xe7: {  	[sflag:s26] =	ssyncadd.s32 $0xFFFFEC00  }
0xe8: {  	s5 =	smov.u32 s0;
	s0 =	sadd.s32 $0x19, s0;
	_ =	swait.ge [sflag:s26], $0x1400  }
0xe9: {  	s31 =	smov.u32 s5;
	s2 =	rddreg [dreg:$0x5];
	[sflag:s26] =	ssyncset.done $0x0  }
0xea: {  	s0 =	rddreg [dreg:$0xd];
	[sflag:s26] =	ssyncadd.s32 $0xFFFFEC00;
	s2 =	sadd.s32 s31, s2  }
0xeb: {  	[tilespmem:s4], [sflag:$0x1] =	stream.linear.gather [hbm4b:s2+s4], $0x28, $0x38;
	[tilespmem:$0x1A180] =	vst v63  }
0xec: {  	s6 =	rddreg [dreg:$0xb];
	s0 =	sadd.s32 s31, s0  }
0xed: {  	[tilespmem:s9], [sflag:$0x1] =	stream.linear.gather [hbm4b:s0+s4], $0x28, $0x38;
	[tilespmem:$0x1A180] =	vst v63  }
0xee: {  	s7 =	rddreg [dreg:$0x9];
	s2 =	sadd.s32 s31, s6  }
0xef: {  	[tilespmem:s10], [sflag:$0x1] =	stream.linear.gather [hbm4b:s2+s4], $0x28, $0x38;
	[tilespmem:$0x1A180] =	vst v63  }
0xf0: {  	s5 =	rddreg [dreg:$0x7];
	s0 =	sadd.s32 s31, s7  }
0xf1: {  	[tilespmem:s11], [sflag:$0x1] =	stream.linear.gather [hbm4b:s0+s4], $0x28, $0x38;
	[tilespmem:$0x1A180] =	vst v63  }
0xf2: {  	s6 =	rddreg [dreg:$0x4];
	s2 =	sadd.s32 s31, s5  }
0xf3: {  	[tilespmem:s12], [sflag:$0x1] =	stream.linear.gather [hbm4b:s2+s4], $0x28, $0x38;
	[tilespmem:$0x1A180] =	vst v63  }
0xf4: {  	s7 =	rddreg [dreg:$0xc];
	s0 =	sadd.s32 s31, s6  }
0xf5: {  	[tilespmem:s13], [sflag:$0x1] =	stream.linear.gather [hbm4b:s0+s4], $0x28, $0x38;
	[tilespmem:$0x1A180] =	vst v63  }
0xf6: {  	s5 =	rddreg [dreg:$0xa];
	s2 =	sadd.s32 s31, s7  }
0xf7: {  	[tilespmem:s14], [sflag:$0x1] =	stream.linear.gather [hbm4b:s2+s4], $0x28, $0x38;
	[tilespmem:$0x1A180] =	vst v63  }
0xf8: {  	s6 =	rddreg [dreg:$0x8];
	s0 =	sadd.s32 s31, s5  }
0xf9: {  	[tilespmem:s15], [sflag:$0x1] =	stream.linear.gather [hbm4b:s0+s4], $0x28, $0x38;
	[tilespmem:$0x1A180] =	vst v63  }
0xfa: {  	s7 =	rddreg [dreg:$0x6];
	s2 =	sadd.s32 s31, s6  }
0xfb: {  	[tilespmem:s16], [sflag:$0x1] =	stream.linear.gather [hbm4b:s2+s4], $0x28, $0x38;
	[tilespmem:$0x1A180] =	vst v63  }
0xfc: {  	s0 =	sadd.s32 s31, s7  }
0xfd: {  	[tilespmem:s17], [sflag:$0x1] =	stream.linear.gather [hbm4b:s0+s4], $0x28, $0x38;
	[tilespmem:$0x1A180] =	vst v63  }
0xfe: {  	_ =	swait.ge [sflag:s18], $0x28  }
0xff: {  	[sflag:s18] =	ssyncset.done $0x0  }
0x100: {  	[sflag:s18] =	ssyncadd.s32 $0xFFFFFFD8  }
0x101: {  	_ =	swait.ge [sflag:s18], $0x28  }
0x102: {  	[sflag:s18] =	ssyncset.done $0x0  }
0x103: {  	[sflag:s18] =	ssyncadd.s32 $0xFFFFFFD8  }
0x104: {  	_ =	swait.ge [sflag:s18], $0x28  }
0x105: {  	[sflag:s18] =	ssyncset.done $0x0  }
0x106: {  	[sflag:s18] =	ssyncadd.s32 $0xFFFFFFD8  }
0x107: {  	_ =	swait.ge [sflag:s18], $0x28  }
0x108: {  	[sflag:s18] =	ssyncset.done $0x0  }
0x109: {  	[sflag:s18] =	ssyncadd.s32 $0xFFFFFFD8  }
0x10a: {  	_ =	swait.ge [sflag:s18], $0x28  }
0x10b: {  	[sflag:s18] =	ssyncset.done $0x0  }
0x10c: {  	[sflag:s18] =	ssyncadd.s32 $0xFFFFFFD8  }
0x10d: {  	_ =	swait.ge [sflag:s18], $0x28  }
0x10e: {  	[sflag:s18] =	ssyncset.done $0x0  }
0x10f: {  	[sflag:s18] =	ssyncadd.s32 $0xFFFFFFD8  }
0x110: {  	_ =	swait.ge [sflag:s18], $0x28  }
0x111: {  	[sflag:s18] =	ssyncset.done $0x0  }
0x112: {  	[sflag:s18] =	ssyncadd.s32 $0xFFFFFFD8  }
0x113: {  	_ =	swait.ge [sflag:s18], $0x28  }
0x114: {  	[sflag:s18] =	ssyncset.done $0x0  }
0x115: {  	[sflag:s18] =	ssyncadd.s32 $0xFFFFFFD8  }
0x116: {  	_ =	swait.ge [sflag:s18], $0x28  }
0x117: {  	[sflag:s18] =	ssyncset.done $0x0  }
0x118: {  	[sflag:s18] =	ssyncadd.s32 $0xFFFFFFD8  }
0x119: {  	_ =	swait.ge [sflag:s18], $0x28  }
0x11a: {  	[sflag:s18] =	ssyncset.done $0x0  }
0x11b: {  	[sflag:s18] =	ssyncadd.s32 $0xFFFFFFD8  }
0x11c: {  	[tilespmem:s20], [sflag:$0x2] =	stream.indirect.gather [hbm4b:s1+s19], $0x80, s4, s19, $0xb8;
	[tilespmem:$0x1A180] =	vst v63  }
0x11d: {  	_ = 	snop  }
0x11e: {  	[tilespmem:s21], [sflag:$0x2] =	stream.indirect.gather [hbm4b:s1+s19], $0x80, s9, s19, $0xb8;
	[tilespmem:$0x1A180] =	vst v63  }
0x11f: {  	_ = 	snop  }
0x120: {  	[tilespmem:s22], [sflag:$0x2] =	stream.indirect.gather [hbm4b:s1+s19], $0x80, s10, s19, $0xb8;
	[tilespmem:$0x1A180] =	vst v63  }
0x121: {  	_ = 	snop  }
0x122: {  	[tilespmem:s23], [sflag:$0x2] =	stream.indirect.gather [hbm4b:s1+s19], $0x80, s11, s19, $0xb8;
	[tilespmem:$0x1A180] =	vst v63  }
0x123: {  	_ = 	snop  }
0x124: {  	[tilespmem:s24], [sflag:$0x2] =	stream.indirect.gather [hbm4b:s1+s19], $0x80, s12, s19, $0xb8;
	[tilespmem:$0x1A180] =	vst v63  }
0x125: {  	_ =	swait.ge [sflag:s25], $0x1400  }
0x126: {  	[sflag:s25] =	ssyncset.done $0x0  }
0x127: {  	[sflag:s25] =	ssyncadd.s32 $0xFFFFEC00  }
0x128: {  	_ =	swait.ge [sflag:s25], $0x1400  }
0x129: {  	[sflag:s25] =	ssyncset.done $0x0  }
0x12a: {  	[sflag:s25] =	ssyncadd.s32 $0xFFFFEC00  }
0x12b: {  	_ =	swait.ge [sflag:s25], $0x1400  }
0x12c: {  	[sflag:s25] =	ssyncset.done $0x0  }
0x12d: {  	[sflag:s25] =	ssyncadd.s32 $0xFFFFEC00  }
0x12e: {  	_ =	swait.ge [sflag:s25], $0x1400  }
0x12f: {  	[sflag:s25] =	ssyncset.done $0x0  }
0x130: {  	[sflag:s25] =	ssyncadd.s32 $0xFFFFEC00  }
0x131: {  	_ =	swait.ge [sflag:s25], $0x1400  }
0x132: {  	[sflag:s25] =	ssyncset.done $0x0  }
0x133: {  	[sflag:s25] =	ssyncadd.s32 $0xFFFFEC00  }
0x134: {  	[spmem:s3] =	stream.indirect.scatter.add.f32 [tilespmem:s20], [sflag:$0x3], $0x80, s13, s19, $0xb8;
	[tilespmem:$0x1A180] =	vst v63  }
0x135: {  	_ = 	snop  }
0x136: {  	[spmem:s3] =	stream.indirect.scatter.add.f32 [tilespmem:s21], [sflag:$0x3], $0x80, s14, s19, $0xb8;
	[tilespmem:$0x1A180] =	vst v63  }
0x137: {  	_ = 	snop  }
0x138: {  	[spmem:s3] =	stream.indirect.scatter.add.f32 [tilespmem:s22], [sflag:$0x3], $0x80, s15, s19, $0xb8;
	[tilespmem:$0x1A180] =	vst v63  }
0x139: {  	_ = 	snop  }
0x13a: {  	[spmem:s3] =	stream.indirect.scatter.add.f32 [tilespmem:s23], [sflag:$0x3], $0x80, s16, s19, $0xb8;
	[tilespmem:$0x1A180] =	vst v63  }
0x13b: {  	_ = 	snop  }
0x13c: {  	[spmem:s3] =	stream.indirect.scatter.add.f32 [tilespmem:s24], [sflag:$0x3], $0x80, s17, s19, $0xb8;
	[tilespmem:$0x1A180] =	vst v63  }
0x13d: {  	_ =	swait.ge [sflag:s26], $0x1400  }
0x13e: {  	[sflag:s26] =	ssyncset.done $0x0  }
0x13f: {  	[sflag:s26] =	ssyncadd.s32 $0xFFFFEC00  }
0x140: {  	_ =	swait.ge [sflag:s26], $0x1400  }
0x141: {  	[sflag:s26] =	ssyncset.done $0x0  }
0x142: {  	[sflag:s26] =	ssyncadd.s32 $0xFFFFEC00  }
0x143: {  	_ =	swait.ge [sflag:s26], $0x1400  }
0x144: {  	[sflag:s26] =	ssyncset.done $0x0  }
0x145: {  	[sflag:s26] =	ssyncadd.s32 $0xFFFFEC00  }
0x146: {  	_ =	swait.ge [sflag:s26], $0x1400  }
0x147: {  	[sflag:s26] =	ssyncset.done $0x0  }
0x148: {  	[sflag:s26] =	ssyncadd.s32 $0xFFFFEC00  }
0x149: {  	_ =	swait.ge [sflag:s26], $0x1400  }
0x14a: {  	[sflag:s26] =	ssyncset.done $0x0  }
0x14b: {  	[sflag:s26] =	ssyncadd.s32 $0xFFFFEC00  }
0x14c: {  	s28 =	sadd.s32 $0x1, s28;
	[bflag:$0x0] =	sbarrier.arrive $0xFFFF  }
0x14d: {  	p1 =	sne.s32 s28, s8;
	s0 =	rddreg [dreg:$0x10]  }
0x14e: {  	[hbm:s0], [sflag:s29] =	dma.local @!p0 [spmem:s30], $0x3E80  }
.Ltmp1:
0x14f: {  	_ = 	snop;
	(pc) =	sbr.rel @p1 .LBB2_1-.Ltmp1, $4  }
0x150: {  	s0 =	simm.s32 @!p0 $0x4  }
0x151: {  	_ =	swait.ge @!p0 [sflag:s0], $0x3E80  }
0x152: {  	[sflag:s0] =	ssyncset.done @!p0 $0x0  }
0x153: {  	[sflag:s0] =	ssyncadd.s32 @!p0 $0xFFFFC180  }
0x154: {  	_ =	sfence.sel $0x180000  }
0x155: {  	[bflag:$0x0] =	sbarrier.arrive $0xFFFF  }
0x156: {  	_ =	strace $0x9000004A  }
0x157: {  	s0 =	stileid.u32;
	[bflag:$0x2] =	sbarrier.arrive $0xFFFF  }
0x158: {  	p0 =	sne.s32 s0, $0x0;
	s0 =	rddreg [dreg:$0x3]  }
0x159: {  	s0 =	sadd.s32 @!p0 $0x100000, s0  }
0x15a: {  	[sflag:s0] =	ssyncadd.tile.s32 @!p0 $0x1;
	_ =	shalt  }
.Lfunc_end2:
_tile_overlayer_lowered:
.L_overlay_start_2:
0x15b: {  	(tag) =	ssettag $0x2  }
0x15c: {  	s0 =	rddreg [dreg:$0x0];
	s2 =	stileid.u32  }
0x15d: {  	s1 =	rddreg [dreg:$0x1];
	p0 =	sne.s32 s2, $0x0  }
0x15e: {  	s3 =	rddreg [dreg:$0x2];
	[bflag:$0x3] =	sbarrier.arrive $0xFFFF;
	s2 =	simm.s32 @!p0 $0x1C04  }
0x15f: {  	[timem:s3], [sflag:s2] =	dma.local @!p0 [hbm:s0], s1  }
0x160: {  	s0 =	simm.s32 @!p0 $0x4  }
0x161: {  	_ =	swait.ge @!p0 [sflag:s0], s1  }
0x162: {  	s1 =	ssub.s32 @!p0 $0x0, s1;
	[sflag:s0] =	ssyncset.done @!p0 $0x0  }
0x163: {  	[sflag:s0] =	ssyncadd.s32 @!p0 s1  }
0x164: {  	[bflag:$0x3] =	sbarrier.arrive $0xFFFF  }
0x165: {  	_ =	shalt  }

// kernel: kernel.20.cloned.1.call-start
scs
__scs_entry_jumppad:
0x0: {  	(pc) =	sbr.rel $0x88, $3  }
0x1: {  	(tag) =	ssettag $0x0;
	lr =	simm.s32 $0x1  }
0x2: {  	[smem:$0x3F90] =	sst lr;
	_ =	strace $0xD0000000  }
0x3: {  	_ = 	snop  }
0x4: {  	_ = 	snop  }
0x5: {  	_ = 	snop  }
0x6: {  	_ = 	snop  }
0x7: {  	_ = 	snop  }
__scs_overlays_trampoline_lowered:
0x8: {  	[smem:$0x3F9F] =	sst s0  }
0x9: {  	[smem:$0x3FA0] =	sst s1  }
0xa: {  	[smem:$0x3FA1] =	sst s2  }
0xb: {  	[smem:$0x3FA2] =	sst s3  }
0xc: {  	[smem:$0x3FA3] =	sst s4  }
0xd: {  	[smem:$0x3FA4] =	sst s5  }
0xe: {  	[smem:$0x3FA5] =	sst s6  }
0xf: {  	[smem:$0x3FA6] =	sst s7  }
0x10: {  	[smem:$0x3FA7] =	sst s8  }
0x11: {  	[smem:$0x3FA8] =	sst s9;
	s0 =	simm.s32 @!p0 $0x0  }
0x12: {  	s1 =	sld [smem:$0x3F8E];
	s0 =	simm.s32 @p0 $0x1  }
0x13: {  	[smem:$0x3FA9] =	sst s0;
	s0 =	simm.s32 @!p1 $0x0  }
0x14: {  	s2 =	sld [smem:$0x3F8D];
	s0 =	simm.s32 @p1 $0x1  }
0x15: {  	[smem:$0x3FAA] =	sst s0;
	s0 =	simm.s32 @!p2 $0x0  }
0x16: {  	s3 =	sld [smem:$0x3FDB];
	s0 =	simm.s32 @p2 $0x1  }
0x17: {  	s4 =	simm.s32 $0x1BF5;
	[smem:$0x3FAC] =	sst s0  }
0x18: {  	s0 =	sld [smem:$0x3F8F];
	_ =	swait.ge [sflag:s4], $0x0  }
0x19: {  	s7 =	sld [smem:$0x3F90]  }
0x1a: {  	s8 =	sadd.s32 $0xFFFFE003, lr  }
0x1b: {  	s9 =	sadd.s32 $0xFFFFFEF7, lr;
	s5 =	simm.s32 $0xFFFFFFFF;
	p2 =	slt.u32 s8, $0xFFFFF086  }
0x1c: {  	p1 =	slt.u32 s9, $0xF7A;
	s5 =	simm.s32 @!p2 $0x0  }
0x1d: {  	s5 =	simm.s32 @p1 $0x1;
	p0 =	seq.s32 s7, s2  }
0x1e: {  	s7 =	smul.u32 @!p0 $0xF7A, s2;
	p2 =	seq.s32 @!p0 s5, $0x0  }
0x1f: {  	s9 =	smul.u32 $0xF7A, s1;
	s8 =	simm.s32 @!p0 $0x1BF5;
	p2 =	por !p2, p0  }
0x20: {  	[sflag:s8] =	ssyncset.s32 @!p0 $0xFFFFF086;
	s6 =	sadd.s32 @!p0 s3, s7;
	s7 =	simm.s32 @!p0 $0x108  }
0x21: {  	s3 =	sadd.s32 s3, s9;
	s6 =	sadd.s32 @!p0 $0x88, s6;
	s7 =	simm.s32 @p2 $0x1082  }
0x22: {  	[simem:s7], [sflag:s8] =	dma.local @!p0 [hbm:s6], $0xF7A  }
0x23: {  	s9 =	sor.u32 $0xD0000000, s2;
	s6 =	simm.s32 $0x108;
	_ =	swait.ge @!p0 [sflag:s8], $0x0  }
0x24: {  	s3 =	sadd.s32 $0x88, s3;
	s6 =	simm.s32 @!p1 $0x1082;
	[sflag:s4] =	ssyncset.s32 $0xFFFFF086  }
0x25: {  	[simem:s6], [sflag:s4] =	dma.local [hbm:s3], $0xF7A  }
0x26: {  	[smem:$0x3F90] =	sst s1;
	(tag) =	ssettag s2;
	_ =	strace s9  }
0x27: {  	s1 =	sld [smem:$0x3FA0]  }
0x28: {  	s2 =	sld [smem:$0x3FA1]  }
0x29: {  	s4 =	sld [smem:$0x3FA3]  }
0x2a: {  	p0 =	seq.s32 s5, $0x0;
	s5 =	sld [smem:$0x3FA4]  }
0x2b: {  	s6 =	sld [smem:$0x3FA5]  }
0x2c: {  	s7 =	sld [smem:$0x3FA6]  }
0x2d: {  	s3 =	simm.s32 $0x108;
	s8 =	sld [smem:$0x3FA7]  }
0x2e: {  	s3 =	simm.s32 @!p0 $0x1082;
	s9 =	sld [smem:$0x3FA8]  }
0x2f: {  	lr =	sadd.s32 s0, s3;
	s0 =	sld [smem:$0x3F9F]  }
0x30: {  	s3 =	sld [smem:$0x3FA2]  }
0x31: {  	[smem:$0x3FAB] =	sst s10  }
0x32: {  	s10 =	sld [smem:$0x3FA9];
	_ =	sdelay $0x3  }
0x33: {  	p0 =	seq.s32 s10, $0x1;
	s10 =	sld [smem:$0x3FAB];
	_ =	sdelay $0x3  }
0x34: {  	[smem:$0x3FAB] =	sst s10  }
0x35: {  	s10 =	sld [smem:$0x3FAA];
	_ =	sdelay $0x3  }
0x36: {  	p1 =	seq.s32 s10, $0x1;
	s10 =	sld [smem:$0x3FAB];
	_ =	sdelay $0x3  }
0x37: {  	[smem:$0x3FAB] =	sst s10  }
0x38: {  	s10 =	sld [smem:$0x3FAC]  }
0x39: {  	_ = 	snop;
	(pc) =	sbr.ind lr, $3  }
0x3a: {  	_ = 	snop  }
0x3b: {  	_ = 	snop  }
0x3c: {  	p2 =	seq.s32 s10, $0x1;
	s10 =	sld [smem:$0x3FAB]  }
0x3d: {  	_ =	shalt  }
0x3e: {  	_ =	shalt  }
0x3f: {  	_ =	shalt  }
0x40: {  	_ =	shalt  }
0x41: {  	_ =	shalt  }
0x42: {  	_ =	shalt  }
0x43: {  	_ =	shalt  }
0x44: {  	_ =	shalt  }
0x45: {  	_ =	shalt  }
0x46: {  	_ =	shalt  }
0x47: {  	_ =	shalt  }
0x48: {  	_ =	shalt  }
0x49: {  	_ =	shalt  }
0x4a: {  	_ =	shalt  }
0x4b: {  	_ =	shalt  }
0x4c: {  	_ =	shalt  }
0x4d: {  	_ =	shalt  }
0x4e: {  	_ =	shalt  }
0x4f: {  	_ =	shalt  }
0x50: {  	_ =	shalt  }
0x51: {  	_ =	shalt  }
0x52: {  	_ =	shalt  }
0x53: {  	_ =	shalt  }
0x54: {  	_ =	shalt  }
0x55: {  	_ =	shalt  }
0x56: {  	_ =	shalt  }
0x57: {  	_ =	shalt  }
0x58: {  	_ =	shalt  }
0x59: {  	_ =	shalt  }
0x5a: {  	_ =	shalt  }
0x5b: {  	_ =	shalt  }
0x5c: {  	_ =	shalt  }
0x5d: {  	_ =	shalt  }
0x5e: {  	_ =	shalt  }
0x5f: {  	_ =	shalt  }
0x60: {  	_ =	shalt  }
0x61: {  	_ =	shalt  }
0x62: {  	_ =	shalt  }
0x63: {  	_ =	shalt  }
0x64: {  	_ =	shalt  }
0x65: {  	_ =	shalt  }
0x66: {  	_ =	shalt  }
0x67: {  	_ =	shalt  }
0x68: {  	_ =	shalt  }
0x69: {  	_ =	shalt  }
0x6a: {  	_ =	shalt  }
0x6b: {  	_ =	shalt  }
0x6c: {  	_ =	shalt  }
0x6d: {  	_ =	shalt  }
0x6e: {  	_ =	shalt  }
0x6f: {  	_ =	shalt  }
0x70: {  	_ =	shalt  }
0x71: {  	_ =	shalt  }
0x72: {  	_ =	shalt  }
0x73: {  	_ =	shalt  }
0x74: {  	_ =	shalt  }
0x75: {  	_ =	shalt  }
0x76: {  	_ =	shalt  }
0x77: {  	_ =	shalt  }
0x78: {  	_ =	shalt  }
0x79: {  	_ =	shalt  }
0x7a: {  	_ =	shalt  }
0x7b: {  	_ =	shalt  }
0x7c: {  	_ =	shalt  }
0x7d: {  	_ =	shalt  }
0x7e: {  	_ =	shalt  }
0x7f: {  	_ =	shalt  }
0x80: {  	_ =	shalt  }
0x81: {  	_ =	shalt  }
0x82: {  	_ =	shalt  }
0x83: {  	_ =	shalt  }
0x84: {  	_ =	shalt  }
0x85: {  	_ =	shalt  }
0x86: {  	_ =	shalt  }
0x87: {  	_ =	shalt  }
.Lfunc_end0:
.L_simem_size_0:
called_computation.2_lowered:
.L_overlay_start_0:
0x88: {  	s2 =	sld [smem:$0x3FD9]  }
0x89: {  	s3 =	sld [smem:$0x3FFE];
	_ =	sdelay $0x1  }
0x8a: {  	s1 =	srdreg.scid  }
0x8b: {  	s0 =	sand.u32 $0x1, s1  }
0x8c: {  	s17 =	sshll.u32 s0, $0xA;
	s2 =	sadd.s32 s3, s2  }
0x8d: {  	s2 =	sadd.s32 s2, s17  }
0x8e: {  	[smem:$0x3FB7] =	sst s2  }
0x8f: {  	_ = 	snop  }
0x90: {  	s2 =	sld [smem:$0x3FD0];
	(tm) =	ssettm $0x1  }
0x91: {  	s18 =	sld [smem:$0x3FFB];
	_ =	sdelay $0x3  }
0x92: {  	_ =	strace s18  }
0x93: {  	s3 =	sld [smem:$0x3FFC];
	_ =	sdelay $0x3  }
0x94: {  	_ =	strace s3  }
0x95: {  	s3 =	sld [smem:$0x3FFD];
	_ =	sdelay $0x3  }
0x96: {  	_ =	strace s3  }
0x97: {  	_ =	strace $0x8FFFFFFF  }
0x98: {  	s19 =	sld [smem:$0x3FDB];
	_ =	sdelay $0x1  }
0x99: {  	s4 =	simm.s32 $_scs_section_size  }
0x9a: {  	s5 =	simm.s32 $_size__tile_overlayer_lowered;
	s6 =	simm.s32 $_tile_overlayer_lowered  }
0x9b: {  	s22 =	simm.s32 $0x1BFF;
	s21 =	sshll.u32 s6, $0x1;
	s3 =	sadd.s32 s4, s19  }
0x9c: {  	s7 =	simm.s32 $0x0;
	s20 =	sshll.u32 s5, $0x1;
	s5 =	sadd.s32 s21, s3  }
0x9d: {  	[timem:s7], [sflag:s22] =	dma.local [hbm:s5], s20  }
0x9e: {  	_ =	swait.ge [sflag:s22], s20  }
0x9f: {  	s4 =	ssub.s32 $0x0, s20;
	[sflag:s22] =	ssyncset.done $0x0  }
0xa0: {  	[sflag:s22] =	ssyncadd.s32 s4;
	_ =	sdelay $0x1  }
0xa1: {  	s23 =	simm.s32 $0x1B8B  }
0xa2: {  	_ =	swait.ge [sflag:s23], $0x1  }
0xa3: {  	[sflag:s23] =	ssyncset.done $0x0  }
0xa4: {  	s25 =	simm.s32 $0x1B8E;
	s24 =	sld [smem:$0x3FFE];
	[sflag:s23] =	ssyncadd.s32 $0xFFFFFFFF  }
0xa5: {  	s26 =	simm.s32 $execute0_lowered;
	[smem:$0x3FD2] =	sst s25  }
0xa6: {  	s5 =	sshll.u32 s26, $0x1;
	_ =	strace $0x8000004C;
	[dreg:$0x1] =	wrdreg $0xFFFFFFFF  }
0xa7: {  	s28 =	simm.s32 $_size_execute0_lowered;
	s3 =	sadd.s32 s3, s5;
	[dreg:$0x0] =	wrdreg $0x0  }
0xa8: {  	s5 =	sshll.u32 s28, $0x1;
	[dreg:$0x2] =	wrdreg s3  }
0xa9: {  	[dreg:$0x3] =	wrdreg s5  }
0xaa: {  	[dreg:$0x4] =	wrdreg $0xC0  }
0xab: {  	_ =	task [dreg:s7], $0x5FFFF  }
0xac: {  	[dreg:$0x1] =	wrdreg $0xFFFFFFFF  }
0xad: {  	[dreg:$0x0] =	wrdreg $0x60  }
0xae: {  	[dreg:$0x2] =	wrdreg s2  }
0xaf: {  	[dreg:$0x3] =	wrdreg s24  }
0xb0: {  	[dreg:$0x4] =	wrdreg $0x69000  }
0xb1: {  	[dreg:$0x5] =	wrdreg $0x9  }
0xb2: {  	_ =	task.clear_ibuf [dreg:s7], $0x6FFFF;
	_ =	strace $0x9000004C  }
0xb3: {  	s29 =	simm.s32 $0x9;
	_ =	strace $0x8000004E  }
0xb4: {  	_ =	swait.ge [sflag:s29], $0x1  }
0xb5: {  	[sflag:s29] =	ssyncadd.s32 $0xFFFFFFFF  }
0xb6: {  	_ =	strace $0x9000004E  }
0xb7: {  	_ =	sfence  }
0xb8: {  	s30 =	sld [smem:$0x0];
	_ =	sdelay $0x2  }
0xb9: {  	s31 =	sshll.u32 s1, $0xD;
	s1 =	sshrl.u32 s1, $0x2  }
0xba: {  	s3 =	sand.u32 $0x4000, s31;
	s1 =	sadd.s32 s1, s30  }
0xbb: {  	s0 =	sor.u32 s3, s0;
	s1 =	sshll.u32 s1, $0x11  }
0xbc: {  	s0 =	sor.u32 s1, s0  }
0xbd: {  	s0 =	sadd.s32 $0x8F2B, s0  }
0xbe: {  	[sflag:s0] =	ssyncadd.remote.s32 $0x1  }
0xbf: {  	_ =	sfence.sel $0xFFFF  }
0xc0: {  	[dreg:$0x0] =	wrdreg $0xFFFFFFFF;
	(pc) =	sbr.abs _section_cstart, $3  }
0xc1: {  	[dreg:$0x1] =	wrdreg $0xFFFFFFFF  }
0xc2: {  	_ =	task.clear_ibuf [dreg:s7], $0x2FFFF;
	_ =	strace $0x9FFFFFFF  }
0xc3: {  	(tm) =	ssettm $0x7FFFFFFF  }
tec
execute0_lowered:
.L_overlay_start_1:
0x0: {  	(tag) =	ssettag $0x1  }
0x1: {  	s1 =	rddreg [dreg:$0x0]  }
0x2: {  	s0 =	rddreg [dreg:$0x1]  }
0x3: {  	s3 =	rddreg [dreg:$0x2];
	s4 =	simm.s32 $0x0  }
0x4: {  	s13 =	stileid.u32;
	s2 =	srdreg.scid;
	s28 =	simm.s32 $0x0  }
0x5: {  	[smem:$0x7FF] =	sst s4;
	s5 =	smul.u32 $0x3E80, s13;
	s9 =	sadd.s32 $0x4F0800, s0  }
0x6: {  	s2 =	sand.u32 $0x1, s2;
	s7 =	smul.u32 $0x2710, s13;
	s8 =	sadd.s32 $0x4E6A00, s0  }
0x7: {  	s11 =	smul.u32 $0x7D000, s13;
	p0 =	sgt.u32 s13, $0x9;
	s13 =	simm.s32 $0x280  }
0x8: {  	_ =	strace $0x8000004D;
	s6 =	smul.u32 $0x27100, s2;
	s2 =	ssub.s32 $0x2, s2  }
0x9: {  	s12 =	sadd.s32 s5, s0;
	s29 =	sshrl.u32 s2, $0x1;
	s30 =	sshrl.u32 s11, $0x2  }
0xa: {  	s11 =	simm.s32 $0x180;
	s10 =	sadd.s32 s5, s6;
	s7 =	sadd.s32 s7, s6  }
0xb: {  	s2 =	ssub.s32 s2, s29;
	s31 =	sadd.s32 s30, s3;
	s12 =	sadd.s32 $0x4A00, s12  }
0xc: {  	s0 =	sadd.s32 s10, s0;
	[dreg:$0xe] =	wrdreg s31;
	s6 =	sshrl.u32 s7, $0x3  }
0xd: {  	[dreg:$0xf] =	wrdreg s12;
	s15 =	sadd.s32 $0xA0, s7;
	s18 =	sadd.s32 $0x78, s7  }
0xe: {  	s22 =	sadd.s32 $0x50, s7;
	s7 =	sadd.s32 $0x28, s7;
	s12 =	simm.s32 $0x200  }
0xf: {  	s14 =	sadd.s32 s6, s8;
	s10 =	sadd.s32 s6, s9;
	s16 =	sshrl.u32 s15, $0x3  }
0x10: {  	s20 =	sshrl.u32 s18, $0x3;
	s24 =	sshrl.u32 s22, $0x3;
	[dreg:$0x4] =	wrdreg s14  }
0x11: {  	s29 =	sshrl.u32 s7, $0x3;
	s0 =	sadd.s32 $0x116200, s0;
	[dreg:$0x5] =	wrdreg s10  }
0x12: {  	s15 =	simm.s32 $0x380;
	s17 =	sadd.s32 s16, s8;
	[dreg:$0x10] =	wrdreg s0  }
0x13: {  	s18 =	simm.s32 $0x1;
	s19 =	sadd.s32 s16, s9;
	[dreg:$0x6] =	wrdreg s17  }
0x14: {  	s22 =	simm.s32 $0x2D00;
	s21 =	sadd.s32 s20, s8;
	[dreg:$0x7] =	wrdreg s19  }
0x15: {  	s23 =	sadd.s32 s20, s9;
	s25 =	sadd.s32 s24, s8;
	[dreg:$0x8] =	wrdreg s21  }
0x16: {  	s26 =	sadd.s32 s24, s9;
	s30 =	sadd.s32 s29, s8;
	[dreg:$0x9] =	wrdreg s23  }
0x17: {  	s8 =	smax.u32 s2, $0x1;
	s31 =	sadd.s32 s29, s9;
	[dreg:$0xa] =	wrdreg s25  }
0x18: {  	s9 =	simm.s32 $0x80;
	s10 =	simm.s32 $0x100;
	[dreg:$0xb] =	wrdreg s26  }
0x19: {  	s14 =	simm.s32 $0x300;
	s16 =	simm.s32 $0x400;
	[dreg:$0xc] =	wrdreg s30  }
0x1a: {  	s20 =	simm.s32 $0x500;
	s24 =	simm.s32 $0x5500;
	[dreg:$0xd] =	wrdreg s31  }
0x1b: {  	s17 =	simm.s32 $0x480;
	s19 =	simm.s32 $0x28;
	s21 =	simm.s32 $0x1900  }
0x1c: {  	s23 =	simm.s32 $0x4100;
	s25 =	simm.s32 $0x2;
	s26 =	simm.s32 $0x3  }
.LBB2_1:
0x1d: {  	s0 =	stileid.u32  }
0x1e: {  	s0 =	sshll.u32 @!p0 s0, $0x6  }
0x1f: {  	s29 =	sor.u32 @!p0 $0x1C04, s0;
	s0 =	rddreg [dreg:$0xe]  }
0x20: {  	s30 =	sshrl.u32 @!p0 s0, $0x3;
	s0 =	rddreg [dreg:$0xf]  }
0x21: {  	[spmem:s30], [sflag:s29] =	dma.local @!p0 [hbm:s0], $0x3E80  }
0x22: {  	s0 =	simm.s32 @!p0 $0x4  }
0x23: {  	_ =	swait.ge @!p0 [sflag:s0], $0x3E80  }
0x24: {  	[sflag:s0] =	ssyncset.done @!p0 $0x0  }
0x25: {  	[sflag:s0] =	ssyncadd.s32 @!p0 $0xFFFFC180  }
0x26: {  	[bflag:$0x0] =	sbarrier.arrive $0xFFFF  }
0x27: {  	s7 =	rddreg [dreg:$0x5]  }
0x28: {  	s2 =	rddreg [dreg:$0xd];
	s0 =	sadd.s32 $0x0, s7  }
0x29: {  	[tilespmem:s4], [sflag:$0x1] =	stream.linear.gather [hbm4b:s0+s4], $0x28, $0x38;
	[tilespmem:$0x1A180] =	vst v63  }
0x2a: {  	s31 =	rddreg [dreg:$0xb];
	s5 =	sadd.s32 $0x0, s2  }
0x2b: {  	[tilespmem:s9], [sflag:$0x1] =	stream.linear.gather [hbm4b:s5+s4], $0x28, $0x38;
	[tilespmem:$0x1A180] =	vst v63  }
0x2c: {  	s6 =	rddreg [dreg:$0x9];
	s7 =	sadd.s32 $0x0, s31  }
0x2d: {  	[tilespmem:s10], [sflag:$0x1] =	stream.linear.gather [hbm4b:s7+s4], $0x28, $0x38;
	[tilespmem:$0x1A180] =	vst v63  }
0x2e: {  	s31 =	rddreg [dreg:$0x7];
	s5 =	sadd.s32 $0x0, s6  }
0x2f: {  	[tilespmem:s11], [sflag:$0x1] =	stream.linear.gather [hbm4b:s5+s4], $0x28, $0x38;
	[tilespmem:$0x1A180] =	vst v63  }
0x30: {  	s6 =	rddreg [dreg:$0x4];
	s7 =	sadd.s32 $0x0, s31  }
0x31: {  	[tilespmem:s12], [sflag:$0x1] =	stream.linear.gather [hbm4b:s7+s4], $0x28, $0x38;
	[tilespmem:$0x1A180] =	vst v63  }
0x32: {  	s31 =	rddreg [dreg:$0xc];
	s5 =	sadd.s32 $0x0, s6  }
0x33: {  	[tilespmem:s13], [sflag:$0x1] =	stream.linear.gather [hbm4b:s5+s4], $0x28, $0x38;
	[tilespmem:$0x1A180] =	vst v63  }
0x34: {  	s6 =	rddreg [dreg:$0xa];
	s7 =	sadd.s32 $0x0, s31  }
0x35: {  	[tilespmem:s14], [sflag:$0x1] =	stream.linear.gather [hbm4b:s7+s4], $0x28, $0x38;
	[tilespmem:$0x1A180] =	vst v63  }
0x36: {  	s2 =	sadd.s32 $0x0, s6;
	s31 =	rddreg [dreg:$0x8]  }
0x37: {  	[tilespmem:s15], [sflag:$0x1] =	stream.linear.gather [hbm4b:s2+s4], $0x28, $0x38;
	[tilespmem:$0x1A180] =	vst v63  }
0x38: {  	s6 =	sadd.s32 $0x0, s31;
	s5 =	rddreg [dreg:$0x6]  }
0x39: {  	[tilespmem:s16], [sflag:$0x1] =	stream.linear.gather [hbm4b:s6+s4], $0x28, $0x38;
	[tilespmem:$0x1A180] =	vst v63  }
0x3a: {  	s7 =	sadd.s32 $0x0, s5  }
0x3b: {  	[tilespmem:s17], [sflag:$0x1] =	stream.linear.gather [hbm4b:s7+s4], $0x28, $0x38;
	[tilespmem:$0x1A180] =	vst v63  }
0x3c: {  	_ =	swait.ge [sflag:s18], $0x28  }
0x3d: {  	[sflag:s18] =	ssyncset.done $0x0  }
0x3e: {  	[sflag:s18] =	ssyncadd.s32 $0xFFFFFFD8  }
0x3f: {  	_ =	swait.ge [sflag:s18], $0x28  }
0x40: {  	[sflag:s18] =	ssyncset.done $0x0  }
0x41: {  	[sflag:s18] =	ssyncadd.s32 $0xFFFFFFD8  }
0x42: {  	_ =	swait.ge [sflag:s18], $0x28  }
0x43: {  	[sflag:s18] =	ssyncset.done $0x0  }
0x44: {  	[sflag:s18] =	ssyncadd.s32 $0xFFFFFFD8  }
0x45: {  	_ =	swait.ge [sflag:s18], $0x28  }
0x46: {  	[sflag:s18] =	ssyncset.done $0x0  }
0x47: {  	[sflag:s18] =	ssyncadd.s32 $0xFFFFFFD8  }
0x48: {  	_ =	swait.ge [sflag:s18], $0x28  }
0x49: {  	[sflag:s18] =	ssyncset.done $0x0  }
0x4a: {  	[sflag:s18] =	ssyncadd.s32 $0xFFFFFFD8  }
0x4b: {  	_ =	swait.ge [sflag:s18], $0x28  }
0x4c: {  	[sflag:s18] =	ssyncset.done $0x0  }
0x4d: {  	[sflag:s18] =	ssyncadd.s32 $0xFFFFFFD8  }
0x4e: {  	_ =	swait.ge [sflag:s18], $0x28  }
0x4f: {  	[sflag:s18] =	ssyncset.done $0x0  }
0x50: {  	[sflag:s18] =	ssyncadd.s32 $0xFFFFFFD8  }
0x51: {  	_ =	swait.ge [sflag:s18], $0x28  }
0x52: {  	[sflag:s18] =	ssyncset.done $0x0  }
0x53: {  	[sflag:s18] =	ssyncadd.s32 $0xFFFFFFD8  }
0x54: {  	_ =	swait.ge [sflag:s18], $0x28  }
0x55: {  	[sflag:s18] =	ssyncset.done $0x0  }
0x56: {  	[sflag:s18] =	ssyncadd.s32 $0xFFFFFFD8  }
0x57: {  	_ =	swait.ge [sflag:s18], $0x28  }
0x58: {  	[sflag:s18] =	ssyncset.done $0x0  }
0x59: {  	[sflag:s18] =	ssyncadd.s32 $0xFFFFFFD8  }
0x5a: {  	[tilespmem:s20], [sflag:$0x2] =	stream.indirect.gather [hbm4b:s1+s19], $0x80, s4, s19, $0xb8;
	[tilespmem:$0x1A180] =	vst v63  }
0x5b: {  	_ = 	snop  }
0x5c: {  	[tilespmem:s21], [sflag:$0x2] =	stream.indirect.gather [hbm4b:s1+s19], $0x80, s9, s19, $0xb8;
	[tilespmem:$0x1A180] =	vst v63  }
0x5d: {  	_ = 	snop  }
0x5e: {  	[tilespmem:s22], [sflag:$0x2] =	stream.indirect.gather [hbm4b:s1+s19], $0x80, s10, s19, $0xb8;
	[tilespmem:$0x1A180] =	vst v63  }
0x5f: {  	_ = 	snop  }
0x60: {  	[tilespmem:s23], [sflag:$0x2] =	stream.indirect.gather [hbm4b:s1+s19], $0x80, s11, s19, $0xb8;
	[tilespmem:$0x1A180] =	vst v63  }
0x61: {  	_ = 	snop  }
0x62: {  	[tilespmem:s24], [sflag:$0x2] =	stream.indirect.gather [hbm4b:s1+s19], $0x80, s12, s19, $0xb8;
	[tilespmem:$0x1A180] =	vst v63  }
0x63: {  	_ =	swait.ge [sflag:s25], $0x1400  }
0x64: {  	[sflag:s25] =	ssyncset.done $0x0  }
0x65: {  	[sflag:s25] =	ssyncadd.s32 $0xFFFFEC00  }
0x66: {  	_ =	swait.ge [sflag:s25], $0x1400  }
0x67: {  	[sflag:s25] =	ssyncset.done $0x0  }
0x68: {  	[sflag:s25] =	ssyncadd.s32 $0xFFFFEC00  }
0x69: {  	_ =	swait.ge [sflag:s25], $0x1400  }
0x6a: {  	[sflag:s25] =	ssyncset.done $0x0  }
0x6b: {  	[sflag:s25] =	ssyncadd.s32 $0xFFFFEC00  }
0x6c: {  	_ =	swait.ge [sflag:s25], $0x1400  }
0x6d: {  	[sflag:s25] =	ssyncset.done $0x0  }
0x6e: {  	[sflag:s25] =	ssyncadd.s32 $0xFFFFEC00  }
0x6f: {  	_ =	swait.ge [sflag:s25], $0x1400  }
0x70: {  	[sflag:s25] =	ssyncset.done $0x0  }
0x71: {  	[sflag:s25] =	ssyncadd.s32 $0xFFFFEC00  }
0x72: {  	[spmem:s3] =	stream.indirect.scatter.add.f32 [tilespmem:s20], [sflag:$0x3], $0x80, s13, s19, $0xb8;
	[tilespmem:$0x1A180] =	vst v63  }
0x73: {  	_ = 	snop  }
0x74: {  	[spmem:s3] =	stream.indirect.scatter.add.f32 [tilespmem:s21], [sflag:$0x3], $0x80, s14, s19, $0xb8;
	[tilespmem:$0x1A180] =	vst v63  }
0x75: {  	_ = 	snop  }
0x76: {  	[spmem:s3] =	stream.indirect.scatter.add.f32 [tilespmem:s22], [sflag:$0x3], $0x80, s15, s19, $0xb8;
	[tilespmem:$0x1A180] =	vst v63  }
0x77: {  	_ = 	snop  }
0x78: {  	[spmem:s3] =	stream.indirect.scatter.add.f32 [tilespmem:s23], [sflag:$0x3], $0x80, s16, s19, $0xb8;
	[tilespmem:$0x1A180] =	vst v63  }
0x79: {  	_ = 	snop  }
0x7a: {  	[spmem:s3] =	stream.indirect.scatter.add.f32 [tilespmem:s24], [sflag:$0x3], $0x80, s17, s19, $0xb8;
	[tilespmem:$0x1A180] =	vst v63  }
0x7b: {  	_ =	swait.ge [sflag:s26], $0x1400  }
0x7c: {  	[sflag:s26] =	ssyncset.done $0x0  }
0x7d: {  	[sflag:s26] =	ssyncadd.s32 $0xFFFFEC00  }
0x7e: {  	_ =	swait.ge [sflag:s26], $0x1400  }
0x7f: {  	[sflag:s26] =	ssyncset.done $0x0  }
0x80: {  	[sflag:s26] =	ssyncadd.s32 $0xFFFFEC00  }
0x81: {  	_ =	swait.ge [sflag:s26], $0x1400  }
0x82: {  	[sflag:s26] =	ssyncset.done $0x0  }
0x83: {  	[sflag:s26] =	ssyncadd.s32 $0xFFFFEC00  }
0x84: {  	_ =	swait.ge [sflag:s26], $0x1400  }
0x85: {  	[sflag:s26] =	ssyncset.done $0x0  }
0x86: {  	[sflag:s26] =	ssyncadd.s32 $0xFFFFEC00  }
0x87: {  	s0 =	simm.s32 $0x32;
	_ =	swait.ge [sflag:s26], $0x1400  }
0x88: {  	s31 =	simm.s32 $0x19;
	s2 =	rddreg [dreg:$0x5];
	[sflag:s26] =	ssyncset.done $0x0  }
.LBB2_2:
0x89: {  	[sflag:s26] =	ssyncadd.s32 $0xFFFFEC00;
	s6 =	rddreg [dreg:$0xd];
	s2 =	sadd.s32 s31, s2  }
0x8a: {  	[tilespmem:s4], [sflag:$0x1] =	stream.linear.gather [hbm4b:s2+s4], $0x28, $0x38;
	[tilespmem:$0x1A180] =	vst v63  }
0x8b: {  	s7 =	rddreg [dreg:$0xb];
	s2 =	sadd.s32 s31, s6  }
0x8c: {  	[tilespmem:s9], [sflag:$0x1] =	stream.linear.gather [hbm4b:s2+s4], $0x28, $0x38;
	[tilespmem:$0x1A180] =	vst v63  }
0x8d: {  	s6 =	rddreg [dreg:$0x9];
	s2 =	sadd.s32 s31, s7  }
0x8e: {  	[tilespmem:s10], [sflag:$0x1] =	stream.linear.gather [hbm4b:s2+s4], $0x28, $0x38;
	[tilespmem:$0x1A180] =	vst v63  }
0x8f: {  	s7 =	rddreg [dreg:$0x7];
	s2 =	sadd.s32 s31, s6  }
0x90: {  	[tilespmem:s11], [sflag:$0x1] =	stream.linear.gather [hbm4b:s2+s4], $0x28, $0x38;
	[tilespmem:$0x1A180] =	vst v63  }
0x91: {  	s6 =	rddreg [dreg:$0x4];
	s2 =	sadd.s32 s31, s7  }
0x92: {  	[tilespmem:s12], [sflag:$0x1] =	stream.linear.gather [hbm4b:s2+s4], $0x28, $0x38;
	[tilespmem:$0x1A180] =	vst v63  }
0x93: {  	s7 =	rddreg [dreg:$0xc];
	s2 =	sadd.s32 s31, s6  }
0x94: {  	[tilespmem:s13], [sflag:$0x1] =	stream.linear.gather [hbm4b:s2+s4], $0x28, $0x38;
	[tilespmem:$0x1A180] =	vst v63  }
0x95: {  	s6 =	rddreg [dreg:$0xa];
	s2 =	sadd.s32 s31, s7  }
0x96: {  	[tilespmem:s14], [sflag:$0x1] =	stream.linear.gather [hbm4b:s2+s4], $0x28, $0x38;
	[tilespmem:$0x1A180] =	vst v63  }
0x97: {  	s7 =	rddreg [dreg:$0x8];
	s2 =	sadd.s32 s31, s6  }
0x98: {  	[tilespmem:s15], [sflag:$0x1] =	stream.linear.gather [hbm4b:s2+s4], $0x28, $0x38;
	[tilespmem:$0x1A180] =	vst v63  }
0x99: {  	s7 =	sadd.s32 s31, s7;
	s6 =	rddreg [dreg:$0x6]  }
0x9a: {  	[tilespmem:s16], [sflag:$0x1] =	stream.linear.gather [hbm4b:s7+s4], $0x28, $0x38;
	[tilespmem:$0x1A180] =	vst v63  }
0x9b: {  	s7 =	sadd.s32 s31, s6  }
0x9c: {  	[tilespmem:s17], [sflag:$0x1] =	stream.linear.gather [hbm4b:s7+s4], $0x28, $0x38;
	[tilespmem:$0x1A180] =	vst v63  }
0x9d: {  	_ =	swait.ge [sflag:s18], $0x28  }
0x9e: {  	[sflag:s18] =	ssyncset.done $0x0  }
0x9f: {  	[sflag:s18] =	ssyncadd.s32 $0xFFFFFFD8  }
0xa0: {  	_ =	swait.ge [sflag:s18], $0x28  }
0xa1: {  	[sflag:s18] =	ssyncset.done $0x0  }
0xa2: {  	[sflag:s18] =	ssyncadd.s32 $0xFFFFFFD8  }
0xa3: {  	_ =	swait.ge [sflag:s18], $0x28  }
0xa4: {  	[sflag:s18] =	ssyncset.done $0x0  }
0xa5: {  	[sflag:s18] =	ssyncadd.s32 $0xFFFFFFD8  }
0xa6: {  	_ =	swait.ge [sflag:s18], $0x28  }
0xa7: {  	[sflag:s18] =	ssyncset.done $0x0  }
0xa8: {  	[sflag:s18] =	ssyncadd.s32 $0xFFFFFFD8  }
0xa9: {  	_ =	swait.ge [sflag:s18], $0x28  }
0xaa: {  	[sflag:s18] =	ssyncset.done $0x0  }
0xab: {  	[sflag:s18] =	ssyncadd.s32 $0xFFFFFFD8  }
0xac: {  	_ =	swait.ge [sflag:s18], $0x28  }
0xad: {  	[sflag:s18] =	ssyncset.done $0x0  }
0xae: {  	[sflag:s18] =	ssyncadd.s32 $0xFFFFFFD8  }
0xaf: {  	_ =	swait.ge [sflag:s18], $0x28  }
0xb0: {  	[sflag:s18] =	ssyncset.done $0x0  }
0xb1: {  	[sflag:s18] =	ssyncadd.s32 $0xFFFFFFD8  }
0xb2: {  	_ =	swait.ge [sflag:s18], $0x28  }
0xb3: {  	[sflag:s18] =	ssyncset.done $0x0  }
0xb4: {  	[sflag:s18] =	ssyncadd.s32 $0xFFFFFFD8  }
0xb5: {  	_ =	swait.ge [sflag:s18], $0x28  }
0xb6: {  	[sflag:s18] =	ssyncset.done $0x0  }
0xb7: {  	[sflag:s18] =	ssyncadd.s32 $0xFFFFFFD8  }
0xb8: {  	_ =	swait.ge [sflag:s18], $0x28  }
0xb9: {  	[sflag:s18] =	ssyncset.done $0x0  }
0xba: {  	[sflag:s18] =	ssyncadd.s32 $0xFFFFFFD8  }
0xbb: {  	[tilespmem:s20], [sflag:$0x2] =	stream.indirect.gather [hbm4b:s1+s19], $0x80, s4, s19, $0xb8;
	[tilespmem:$0x1A180] =	vst v63  }
0xbc: {  	_ = 	snop  }
0xbd: {  	[tilespmem:s21], [sflag:$0x2] =	stream.indirect.gather [hbm4b:s1+s19], $0x80, s9, s19, $0xb8;
	[tilespmem:$0x1A180] =	vst v63  }
0xbe: {  	_ = 	snop  }
0xbf: {  	[tilespmem:s22], [sflag:$0x2] =	stream.indirect.gather [hbm4b:s1+s19], $0x80, s10, s19, $0xb8;
	[tilespmem:$0x1A180] =	vst v63  }
0xc0: {  	_ = 	snop  }
0xc1: {  	[tilespmem:s23], [sflag:$0x2] =	stream.indirect.gather [hbm4b:s1+s19], $0x80, s11, s19, $0xb8;
	[tilespmem:$0x1A180] =	vst v63  }
0xc2: {  	_ = 	snop  }
0xc3: {  	[tilespmem:s24], [sflag:$0x2] =	stream.indirect.gather [hbm4b:s1+s19], $0x80, s12, s19, $0xb8;
	[tilespmem:$0x1A180] =	vst v63  }
0xc4: {  	_ =	swait.ge [sflag:s25], $0x1400  }
0xc5: {  	[sflag:s25] =	ssyncset.done $0x0  }
0xc6: {  	[sflag:s25] =	ssyncadd.s32 $0xFFFFEC00  }
0xc7: {  	_ =	swait.ge [sflag:s25], $0x1400  }
0xc8: {  	[sflag:s25] =	ssyncset.done $0x0  }
0xc9: {  	[sflag:s25] =	ssyncadd.s32 $0xFFFFEC00  }
0xca: {  	_ =	swait.ge [sflag:s25], $0x1400  }
0xcb: {  	[sflag:s25] =	ssyncset.done $0x0  }
0xcc: {  	[sflag:s25] =	ssyncadd.s32 $0xFFFFEC00  }
0xcd: {  	_ =	swait.ge [sflag:s25], $0x1400  }
0xce: {  	[sflag:s25] =	ssyncset.done $0x0  }
0xcf: {  	[sflag:s25] =	ssyncadd.s32 $0xFFFFEC00  }
0xd0: {  	_ =	swait.ge [sflag:s25], $0x1400  }
0xd1: {  	[sflag:s25] =	ssyncset.done $0x0  }
0xd2: {  	[sflag:s25] =	ssyncadd.s32 $0xFFFFEC00  }
0xd3: {  	[spmem:s3] =	stream.indirect.scatter.add.f32 [tilespmem:s20], [sflag:$0x3], $0x80, s13, s19, $0xb8;
	[tilespmem:$0x1A180] =	vst v63  }
0xd4: {  	_ = 	snop  }
0xd5: {  	[spmem:s3] =	stream.indirect.scatter.add.f32 [tilespmem:s21], [sflag:$0x3], $0x80, s14, s19, $0xb8;
	[tilespmem:$0x1A180] =	vst v63  }
0xd6: {  	_ = 	snop  }
0xd7: {  	[spmem:s3] =	stream.indirect.scatter.add.f32 [tilespmem:s22], [sflag:$0x3], $0x80, s15, s19, $0xb8;
	[tilespmem:$0x1A180] =	vst v63  }
0xd8: {  	_ = 	snop  }
0xd9: {  	[spmem:s3] =	stream.indirect.scatter.add.f32 [tilespmem:s23], [sflag:$0x3], $0x80, s16, s19, $0xb8;
	[tilespmem:$0x1A180] =	vst v63  }
0xda: {  	_ = 	snop  }
0xdb: {  	[spmem:s3] =	stream.indirect.scatter.add.f32 [tilespmem:s24], [sflag:$0x3], $0x80, s17, s19, $0xb8;
	[tilespmem:$0x1A180] =	vst v63  }
0xdc: {  	_ =	swait.ge [sflag:s26], $0x1400  }
0xdd: {  	[sflag:s26] =	ssyncset.done $0x0  }
0xde: {  	[sflag:s26] =	ssyncadd.s32 $0xFFFFEC00  }
0xdf: {  	_ =	swait.ge [sflag:s26], $0x1400  }
0xe0: {  	[sflag:s26] =	ssyncset.done $0x0  }
0xe1: {  	[sflag:s26] =	ssyncadd.s32 $0xFFFFEC00  }
0xe2: {  	_ =	swait.ge [sflag:s26], $0x1400  }
0xe3: {  	[sflag:s26] =	ssyncset.done $0x0  }
0xe4: {  	p1 =	sne.s32 s0, $0x4C9;
	[sflag:s26] =	ssyncadd.s32 $0xFFFFEC00  }
.Ltmp0:
0xe5: {  	_ =	swait.ge [sflag:s26], $0x1400;
	(pc) =	sbr.rel @p1 .LBB2_2-.Ltmp0, $4  }
0xe6: {  	[sflag:s26] =	ssyncset.done $0x0  }
0xe7: {  	[sflag:s26] =	ssyncadd.s32 $0xFFFFEC00  }
0xe8: {  	s5 =	smov.u32 s0;
	s0 =	sadd.s32 $0x19, s0;
	_ =	swait.ge [sflag:s26], $0x1400  }
0xe9: {  	s31 =	smov.u32 s5;
	s2 =	rddreg [dreg:$0x5];
	[sflag:s26] =	ssyncset.done $0x0  }
0xea: {  	s0 =	rddreg [dreg:$0xd];
	[sflag:s26] =	ssyncadd.s32 $0xFFFFEC00;
	s2 =	sadd.s32 s31, s2  }
0xeb: {  	[tilespmem:s4], [sflag:$0x1] =	stream.linear.gather [hbm4b:s2+s4], $0x28, $0x38;
	[tilespmem:$0x1A180] =	vst v63  }
0xec: {  	s6 =	rddreg [dreg:$0xb];
	s0 =	sadd.s32 s31, s0  }
0xed: {  	[tilespmem:s9], [sflag:$0x1] =	stream.linear.gather [hbm4b:s0+s4], $0x28, $0x38;
	[tilespmem:$0x1A180] =	vst v63  }
0xee: {  	s7 =	rddreg [dreg:$0x9];
	s2 =	sadd.s32 s31, s6  }
0xef: {  	[tilespmem:s10], [sflag:$0x1] =	stream.linear.gather [hbm4b:s2+s4], $0x28, $0x38;
	[tilespmem:$0x1A180] =	vst v63  }
0xf0: {  	s5 =	rddreg [dreg:$0x7];
	s0 =	sadd.s32 s31, s7  }
0xf1: {  	[tilespmem:s11], [sflag:$0x1] =	stream.linear.gather [hbm4b:s0+s4], $0x28, $0x38;
	[tilespmem:$0x1A180] =	vst v63  }
0xf2: {  	s6 =	rddreg [dreg:$0x4];
	s2 =	sadd.s32 s31, s5  }
0xf3: {  	[tilespmem:s12], [sflag:$0x1] =	stream.linear.gather [hbm4b:s2+s4], $0x28, $0x38;
	[tilespmem:$0x1A180] =	vst v63  }
0xf4: {  	s7 =	rddreg [dreg:$0xc];
	s0 =	sadd.s32 s31, s6  }
0xf5: {  	[tilespmem:s13], [sflag:$0x1] =	stream.linear.gather [hbm4b:s0+s4], $0x28, $0x38;
	[tilespmem:$0x1A180] =	vst v63  }
0xf6: {  	s5 =	rddreg [dreg:$0xa];
	s2 =	sadd.s32 s31, s7  }
0xf7: {  	[tilespmem:s14], [sflag:$0x1] =	stream.linear.gather [hbm4b:s2+s4], $0x28, $0x38;
	[tilespmem:$0x1A180] =	vst v63  }
0xf8: {  	s6 =	rddreg [dreg:$0x8];
	s0 =	sadd.s32 s31, s5  }
0xf9: {  	[tilespmem:s15], [sflag:$0x1] =	stream.linear.gather [hbm4b:s0+s4], $0x28, $0x38;
	[tilespmem:$0x1A180] =	vst v63  }
0xfa: {  	s7 =	rddreg [dreg:$0x6];
	s2 =	sadd.s32 s31, s6  }
0xfb: {  	[tilespmem:s16], [sflag:$0x1] =	stream.linear.gather [hbm4b:s2+s4], $0x28, $0x38;
	[tilespmem:$0x1A180] =	vst v63  }
0xfc: {  	s0 =	sadd.s32 s31, s7  }
0xfd: {  	[tilespmem:s17], [sflag:$0x1] =	stream.linear.gather [hbm4b:s0+s4], $0x28, $0x38;
	[tilespmem:$0x1A180] =	vst v63  }
0xfe: {  	_ =	swait.ge [sflag:s18], $0x28  }
0xff: {  	[sflag:s18] =	ssyncset.done $0x0  }
0x100: {  	[sflag:s18] =	ssyncadd.s32 $0xFFFFFFD8  }
0x101: {  	_ =	swait.ge [sflag:s18], $0x28  }
0x102: {  	[sflag:s18] =	ssyncset.done $0x0  }
0x103: {  	[sflag:s18] =	ssyncadd.s32 $0xFFFFFFD8  }
0x104: {  	_ =	swait.ge [sflag:s18], $0x28  }
0x105: {  	[sflag:s18] =	ssyncset.done $0x0  }
0x106: {  	[sflag:s18] =	ssyncadd.s32 $0xFFFFFFD8  }
0x107: {  	_ =	swait.ge [sflag:s18], $0x28  }
0x108: {  	[sflag:s18] =	ssyncset.done $0x0  }
0x109: {  	[sflag:s18] =	ssyncadd.s32 $0xFFFFFFD8  }
0x10a: {  	_ =	swait.ge [sflag:s18], $0x28  }
0x10b: {  	[sflag:s18] =	ssyncset.done $0x0  }
0x10c: {  	[sflag:s18] =	ssyncadd.s32 $0xFFFFFFD8  }
0x10d: {  	_ =	swait.ge [sflag:s18], $0x28  }
0x10e: {  	[sflag:s18] =	ssyncset.done $0x0  }
0x10f: {  	[sflag:s18] =	ssyncadd.s32 $0xFFFFFFD8  }
0x110: {  	_ =	swait.ge [sflag:s18], $0x28  }
0x111: {  	[sflag:s18] =	ssyncset.done $0x0  }
0x112: {  	[sflag:s18] =	ssyncadd.s32 $0xFFFFFFD8  }
0x113: {  	_ =	swait.ge [sflag:s18], $0x28  }
0x114: {  	[sflag:s18] =	ssyncset.done $0x0  }
0x115: {  	[sflag:s18] =	ssyncadd.s32 $0xFFFFFFD8  }
0x116: {  	_ =	swait.ge [sflag:s18], $0x28  }
0x117: {  	[sflag:s18] =	ssyncset.done $0x0  }
0x118: {  	[sflag:s18] =	ssyncadd.s32 $0xFFFFFFD8  }
0x119: {  	_ =	swait.ge [sflag:s18], $0x28  }
0x11a: {  	[sflag:s18] =	ssyncset.done $0x0  }
0x11b: {  	[sflag:s18] =	ssyncadd.s32 $0xFFFFFFD8  }
0x11c: {  	[tilespmem:s20], [sflag:$0x2] =	stream.indirect.gather [hbm4b:s1+s19], $0x80, s4, s19, $0xb8;
	[tilespmem:$0x1A180] =	vst v63  }
0x11d: {  	_ = 	snop  }
0x11e: {  	[tilespmem:s21], [sflag:$0x2] =	stream.indirect.gather [hbm4b:s1+s19], $0x80, s9, s19, $0xb8;
	[tilespmem:$0x1A180] =	vst v63  }
0x11f: {  	_ = 	snop  }
0x120: {  	[tilespmem:s22], [sflag:$0x2] =	stream.indirect.gather [hbm4b:s1+s19], $0x80, s10, s19, $0xb8;
	[tilespmem:$0x1A180] =	vst v63  }
0x121: {  	_ = 	snop  }
0x122: {  	[tilespmem:s23], [sflag:$0x2] =	stream.indirect.gather [hbm4b:s1+s19], $0x80, s11, s19, $0xb8;
	[tilespmem:$0x1A180] =	vst v63  }
0x123: {  	_ = 	snop  }
0x124: {  	[tilespmem:s24], [sflag:$0x2] =	stream.indirect.gather [hbm4b:s1+s19], $0x80, s12, s19, $0xb8;
	[tilespmem:$0x1A180] =	vst v63  }
0x125: {  	_ =	swait.ge [sflag:s25], $0x1400  }
0x126: {  	[sflag:s25] =	ssyncset.done $0x0  }
0x127: {  	[sflag:s25] =	ssyncadd.s32 $0xFFFFEC00  }
0x128: {  	_ =	swait.ge [sflag:s25], $0x1400  }
0x129: {  	[sflag:s25] =	ssyncset.done $0x0  }
0x12a: {  	[sflag:s25] =	ssyncadd.s32 $0xFFFFEC00  }
0x12b: {  	_ =	swait.ge [sflag:s25], $0x1400  }
0x12c: {  	[sflag:s25] =	ssyncset.done $0x0  }
0x12d: {  	[sflag:s25] =	ssyncadd.s32 $0xFFFFEC00  }
0x12e: {  	_ =	swait.ge [sflag:s25], $0x1400  }
0x12f: {  	[sflag:s25] =	ssyncset.done $0x0  }
0x130: {  	[sflag:s25] =	ssyncadd.s32 $0xFFFFEC00  }
0x131: {  	_ =	swait.ge [sflag:s25], $0x1400  }
0x132: {  	[sflag:s25] =	ssyncset.done $0x0  }
0x133: {  	[sflag:s25] =	ssyncadd.s32 $0xFFFFEC00  }
0x134: {  	[spmem:s3] =	stream.indirect.scatter.add.f32 [tilespmem:s20], [sflag:$0x3], $0x80, s13, s19, $0xb8;
	[tilespmem:$0x1A180] =	vst v63  }
0x135: {  	_ = 	snop  }
0x136: {  	[spmem:s3] =	stream.indirect.scatter.add.f32 [tilespmem:s21], [sflag:$0x3], $0x80, s14, s19, $0xb8;
	[tilespmem:$0x1A180] =	vst v63  }
0x137: {  	_ = 	snop  }
0x138: {  	[spmem:s3] =	stream.indirect.scatter.add.f32 [tilespmem:s22], [sflag:$0x3], $0x80, s15, s19, $0xb8;
	[tilespmem:$0x1A180] =	vst v63  }
0x139: {  	_ = 	snop  }
0x13a: {  	[spmem:s3] =	stream.indirect.scatter.add.f32 [tilespmem:s23], [sflag:$0x3], $0x80, s16, s19, $0xb8;
	[tilespmem:$0x1A180] =	vst v63  }
0x13b: {  	_ = 	snop  }
0x13c: {  	[spmem:s3] =	stream.indirect.scatter.add.f32 [tilespmem:s24], [sflag:$0x3], $0x80, s17, s19, $0xb8;
	[tilespmem:$0x1A180] =	vst v63  }
0x13d: {  	_ =	swait.ge [sflag:s26], $0x1400  }
0x13e: {  	[sflag:s26] =	ssyncset.done $0x0  }
0x13f: {  	[sflag:s26] =	ssyncadd.s32 $0xFFFFEC00  }
0x140: {  	_ =	swait.ge [sflag:s26], $0x1400  }
0x141: {  	[sflag:s26] =	ssyncset.done $0x0  }
0x142: {  	[sflag:s26] =	ssyncadd.s32 $0xFFFFEC00  }
0x143: {  	_ =	swait.ge [sflag:s26], $0x1400  }
0x144: {  	[sflag:s26] =	ssyncset.done $0x0  }
0x145: {  	[sflag:s26] =	ssyncadd.s32 $0xFFFFEC00  }
0x146: {  	_ =	swait.ge [sflag:s26], $0x1400  }
0x147: {  	[sflag:s26] =	ssyncset.done $0x0  }
0x148: {  	[sflag:s26] =	ssyncadd.s32 $0xFFFFEC00  }
0x149: {  	_ =	swait.ge [sflag:s26], $0x1400  }
0x14a: {  	[sflag:s26] =	ssyncset.done $0x0  }
0x14b: {  	[sflag:s26] =	ssyncadd.s32 $0xFFFFEC00  }
0x14c: {  	s28 =	sadd.s32 $0x1, s28;
	[bflag:$0x0] =	sbarrier.arrive $0xFFFF  }
0x14d: {  	p1 =	sne.s32 s28, s8;
	s0 =	rddreg [dreg:$0x10]  }
0x14e: {  	[hbm:s0], [sflag:s29] =	dma.local @!p0 [spmem:s30], $0x3E80  }
.Ltmp1:
0x14f: {  	_ = 	snop;
	(pc) =	sbr.rel @p1 .LBB2_1-.Ltmp1, $4  }
0x150: {  	s0 =	simm.s32 @!p0 $0x4  }
0x151: {  	_ =	swait.ge @!p0 [sflag:s0], $0x3E80  }
0x152: {  	[sflag:s0] =	ssyncset.done @!p0 $0x0  }
0x153: {  	[sflag:s0] =	ssyncadd.s32 @!p0 $0xFFFFC180  }
0x154: {  	_ =	sfence.sel $0x180000  }
0x155: {  	[bflag:$0x0] =	sbarrier.arrive $0xFFFF  }
0x156: {  	_ =	strace $0x9000004D  }
0x157: {  	s0 =	stileid.u32;
	[bflag:$0x2] =	sbarrier.arrive $0xFFFF  }
0x158: {  	p0 =	sne.s32 s0, $0x0;
	s0 =	rddreg [dreg:$0x3]  }
0x159: {  	s0 =	sadd.s32 @!p0 $0x100000, s0  }
0x15a: {  	[sflag:s0] =	ssyncadd.tile.s32 @!p0 $0x1;
	_ =	shalt  }
.Lfunc_end2:
_tile_overlayer_lowered:
.L_overlay_start_2:
0x15b: {  	(tag) =	ssettag $0x2  }
0x15c: {  	s0 =	rddreg [dreg:$0x0];
	s2 =	stileid.u32  }
0x15d: {  	s1 =	rddreg [dreg:$0x1];
	p0 =	sne.s32 s2, $0x0  }
0x15e: {  	s3 =	rddreg [dreg:$0x2];
	[bflag:$0x3] =	sbarrier.arrive $0xFFFF;
	s2 =	simm.s32 @!p0 $0x1C04  }
0x15f: {  	[timem:s3], [sflag:s2] =	dma.local @!p0 [hbm:s0], s1  }
0x160: {  	s0 =	simm.s32 @!p0 $0x4  }
0x161: {  	_ =	swait.ge @!p0 [sflag:s0], s1  }
0x162: {  	s1 =	ssub.s32 @!p0 $0x0, s1;
	[sflag:s0] =	ssyncset.done @!p0 $0x0  }
0x163: {  	[sflag:s0] =	ssyncadd.s32 @!p0 s1  }
0x164: {  	[bflag:$0x3] =	sbarrier.arrive $0xFFFF  }
0x165: {  	_ =	shalt  }

// kernel: kernel.23.cloned.1.call-start
scs
__scs_entry_jumppad:
0x0: {  	(pc) =	sbr.rel $0x88, $3  }
0x1: {  	(tag) =	ssettag $0x0;
	lr =	simm.s32 $0x1  }
0x2: {  	[smem:$0x3F90] =	sst lr;
	_ =	strace $0xD0000000  }
0x3: {  	_ = 	snop  }
0x4: {  	_ = 	snop  }
0x5: {  	_ = 	snop  }
0x6: {  	_ = 	snop  }
0x7: {  	_ = 	snop  }
__scs_overlays_trampoline_lowered:
0x8: {  	[smem:$0x3F9F] =	sst s0  }
0x9: {  	[smem:$0x3FA0] =	sst s1  }
0xa: {  	[smem:$0x3FA1] =	sst s2  }
0xb: {  	[smem:$0x3FA2] =	sst s3  }
0xc: {  	[smem:$0x3FA3] =	sst s4  }
0xd: {  	[smem:$0x3FA4] =	sst s5  }
0xe: {  	[smem:$0x3FA5] =	sst s6  }
0xf: {  	[smem:$0x3FA6] =	sst s7  }
0x10: {  	[smem:$0x3FA7] =	sst s8  }
0x11: {  	[smem:$0x3FA8] =	sst s9;
	s0 =	simm.s32 @!p0 $0x0  }
0x12: {  	s1 =	sld [smem:$0x3F8E];
	s0 =	simm.s32 @p0 $0x1  }
0x13: {  	[smem:$0x3FA9] =	sst s0;
	s0 =	simm.s32 @!p1 $0x0  }
0x14: {  	s2 =	sld [smem:$0x3F8D];
	s0 =	simm.s32 @p1 $0x1  }
0x15: {  	[smem:$0x3FAA] =	sst s0;
	s0 =	simm.s32 @!p2 $0x0  }
0x16: {  	s3 =	sld [smem:$0x3FDB];
	s0 =	simm.s32 @p2 $0x1  }
0x17: {  	s4 =	simm.s32 $0x1BF5;
	[smem:$0x3FAC] =	sst s0  }
0x18: {  	s0 =	sld [smem:$0x3F8F];
	_ =	swait.ge [sflag:s4], $0x0  }
0x19: {  	s7 =	sld [smem:$0x3F90]  }
0x1a: {  	s8 =	sadd.s32 $0xFFFFE003, lr  }
0x1b: {  	s9 =	sadd.s32 $0xFFFFFEF7, lr;
	s5 =	simm.s32 $0xFFFFFFFF;
	p2 =	slt.u32 s8, $0xFFFFF086  }
0x1c: {  	p1 =	slt.u32 s9, $0xF7A;
	s5 =	simm.s32 @!p2 $0x0  }
0x1d: {  	s5 =	simm.s32 @p1 $0x1;
	p0 =	seq.s32 s7, s2  }
0x1e: {  	s7 =	smul.u32 @!p0 $0xF7A, s2;
	p2 =	seq.s32 @!p0 s5, $0x0  }
0x1f: {  	s9 =	smul.u32 $0xF7A, s1;
	s8 =	simm.s32 @!p0 $0x1BF5;
	p2 =	por !p2, p0  }
0x20: {  	[sflag:s8] =	ssyncset.s32 @!p0 $0xFFFFF086;
	s6 =	sadd.s32 @!p0 s3, s7;
	s7 =	simm.s32 @!p0 $0x108  }
0x21: {  	s3 =	sadd.s32 s3, s9;
	s6 =	sadd.s32 @!p0 $0x88, s6;
	s7 =	simm.s32 @p2 $0x1082  }
0x22: {  	[simem:s7], [sflag:s8] =	dma.local @!p0 [hbm:s6], $0xF7A  }
0x23: {  	s9 =	sor.u32 $0xD0000000, s2;
	s6 =	simm.s32 $0x108;
	_ =	swait.ge @!p0 [sflag:s8], $0x0  }
0x24: {  	s3 =	sadd.s32 $0x88, s3;
	s6 =	simm.s32 @!p1 $0x1082;
	[sflag:s4] =	ssyncset.s32 $0xFFFFF086  }
0x25: {  	[simem:s6], [sflag:s4] =	dma.local [hbm:s3], $0xF7A  }
0x26: {  	[smem:$0x3F90] =	sst s1;
	(tag) =	ssettag s2;
	_ =	strace s9  }
0x27: {  	s1 =	sld [smem:$0x3FA0]  }
0x28: {  	s2 =	sld [smem:$0x3FA1]  }
0x29: {  	s4 =	sld [smem:$0x3FA3]  }
0x2a: {  	p0 =	seq.s32 s5, $0x0;
	s5 =	sld [smem:$0x3FA4]  }
0x2b: {  	s6 =	sld [smem:$0x3FA5]  }
0x2c: {  	s7 =	sld [smem:$0x3FA6]  }
0x2d: {  	s3 =	simm.s32 $0x108;
	s8 =	sld [smem:$0x3FA7]  }
0x2e: {  	s3 =	simm.s32 @!p0 $0x1082;
	s9 =	sld [smem:$0x3FA8]  }
0x2f: {  	lr =	sadd.s32 s0, s3;
	s0 =	sld [smem:$0x3F9F]  }
0x30: {  	s3 =	sld [smem:$0x3FA2]  }
0x31: {  	[smem:$0x3FAB] =	sst s10  }
0x32: {  	s10 =	sld [smem:$0x3FA9];
	_ =	sdelay $0x3  }
0x33: {  	p0 =	seq.s32 s10, $0x1;
	s10 =	sld [smem:$0x3FAB];
	_ =	sdelay $0x3  }
0x34: {  	[smem:$0x3FAB] =	sst s10  }
0x35: {  	s10 =	sld [smem:$0x3FAA];
	_ =	sdelay $0x3  }
0x36: {  	p1 =	seq.s32 s10, $0x1;
	s10 =	sld [smem:$0x3FAB];
	_ =	sdelay $0x3  }
0x37: {  	[smem:$0x3FAB] =	sst s10  }
0x38: {  	s10 =	sld [smem:$0x3FAC]  }
0x39: {  	_ = 	snop;
	(pc) =	sbr.ind lr, $3  }
0x3a: {  	_ = 	snop  }
0x3b: {  	_ = 	snop  }
0x3c: {  	p2 =	seq.s32 s10, $0x1;
	s10 =	sld [smem:$0x3FAB]  }
0x3d: {  	_ =	shalt  }
0x3e: {  	_ =	shalt  }
0x3f: {  	_ =	shalt  }
0x40: {  	_ =	shalt  }
0x41: {  	_ =	shalt  }
0x42: {  	_ =	shalt  }
0x43: {  	_ =	shalt  }
0x44: {  	_ =	shalt  }
0x45: {  	_ =	shalt  }
0x46: {  	_ =	shalt  }
0x47: {  	_ =	shalt  }
0x48: {  	_ =	shalt  }
0x49: {  	_ =	shalt  }
0x4a: {  	_ =	shalt  }
0x4b: {  	_ =	shalt  }
0x4c: {  	_ =	shalt  }
0x4d: {  	_ =	shalt  }
0x4e: {  	_ =	shalt  }
0x4f: {  	_ =	shalt  }
0x50: {  	_ =	shalt  }
0x51: {  	_ =	shalt  }
0x52: {  	_ =	shalt  }
0x53: {  	_ =	shalt  }
0x54: {  	_ =	shalt  }
0x55: {  	_ =	shalt  }
0x56: {  	_ =	shalt  }
0x57: {  	_ =	shalt  }
0x58: {  	_ =	shalt  }
0x59: {  	_ =	shalt  }
0x5a: {  	_ =	shalt  }
0x5b: {  	_ =	shalt  }
0x5c: {  	_ =	shalt  }
0x5d: {  	_ =	shalt  }
0x5e: {  	_ =	shalt  }
0x5f: {  	_ =	shalt  }
0x60: {  	_ =	shalt  }
0x61: {  	_ =	shalt  }
0x62: {  	_ =	shalt  }
0x63: {  	_ =	shalt  }
0x64: {  	_ =	shalt  }
0x65: {  	_ =	shalt  }
0x66: {  	_ =	shalt  }
0x67: {  	_ =	shalt  }
0x68: {  	_ =	shalt  }
0x69: {  	_ =	shalt  }
0x6a: {  	_ =	shalt  }
0x6b: {  	_ =	shalt  }
0x6c: {  	_ =	shalt  }
0x6d: {  	_ =	shalt  }
0x6e: {  	_ =	shalt  }
0x6f: {  	_ =	shalt  }
0x70: {  	_ =	shalt  }
0x71: {  	_ =	shalt  }
0x72: {  	_ =	shalt  }
0x73: {  	_ =	shalt  }
0x74: {  	_ =	shalt  }
0x75: {  	_ =	shalt  }
0x76: {  	_ =	shalt  }
0x77: {  	_ =	shalt  }
0x78: {  	_ =	shalt  }
0x79: {  	_ =	shalt  }
0x7a: {  	_ =	shalt  }
0x7b: {  	_ =	shalt  }
0x7c: {  	_ =	shalt  }
0x7d: {  	_ =	shalt  }
0x7e: {  	_ =	shalt  }
0x7f: {  	_ =	shalt  }
0x80: {  	_ =	shalt  }
0x81: {  	_ =	shalt  }
0x82: {  	_ =	shalt  }
0x83: {  	_ =	shalt  }
0x84: {  	_ =	shalt  }
0x85: {  	_ =	shalt  }
0x86: {  	_ =	shalt  }
0x87: {  	_ =	shalt  }
.Lfunc_end0:
.L_simem_size_0:
called_computation.3_lowered:
.L_overlay_start_0:
0x88: {  	s2 =	sld [smem:$0x3FD9]  }
0x89: {  	s3 =	sld [smem:$0x3FFE];
	_ =	sdelay $0x1  }
0x8a: {  	s1 =	srdreg.scid  }
0x8b: {  	s0 =	sand.u32 $0x1, s1  }
0x8c: {  	s17 =	sshll.u32 s0, $0xA;
	s2 =	sadd.s32 s3, s2  }
0x8d: {  	s2 =	sadd.s32 s2, s17  }
0x8e: {  	[smem:$0x3FB7] =	sst s2  }
0x8f: {  	_ = 	snop  }
0x90: {  	s2 =	sld [smem:$0x3FD0];
	(tm) =	ssettm $0x1  }
0x91: {  	s18 =	sld [smem:$0x3FFB];
	_ =	sdelay $0x3  }
0x92: {  	_ =	strace s18  }
0x93: {  	s3 =	sld [smem:$0x3FFC];
	_ =	sdelay $0x3  }
0x94: {  	_ =	strace s3  }
0x95: {  	s3 =	sld [smem:$0x3FFD];
	_ =	sdelay $0x3  }
0x96: {  	_ =	strace s3  }
0x97: {  	_ =	strace $0x8FFFFFFF  }
0x98: {  	s19 =	sld [smem:$0x3FDB];
	_ =	sdelay $0x1  }
0x99: {  	s4 =	simm.s32 $_scs_section_size  }
0x9a: {  	s5 =	simm.s32 $_size__tile_overlayer_lowered;
	s6 =	simm.s32 $_tile_overlayer_lowered  }
0x9b: {  	s22 =	simm.s32 $0x1BFF;
	s21 =	sshll.u32 s6, $0x1;
	s3 =	sadd.s32 s4, s19  }
0x9c: {  	s7 =	simm.s32 $0x0;
	s20 =	sshll.u32 s5, $0x1;
	s5 =	sadd.s32 s21, s3  }
0x9d: {  	[timem:s7], [sflag:s22] =	dma.local [hbm:s5], s20  }
0x9e: {  	_ =	swait.ge [sflag:s22], s20  }
0x9f: {  	s4 =	ssub.s32 $0x0, s20;
	[sflag:s22] =	ssyncset.done $0x0  }
0xa0: {  	[sflag:s22] =	ssyncadd.s32 s4;
	_ =	sdelay $0x1  }
0xa1: {  	s23 =	simm.s32 $0x1B8B  }
0xa2: {  	_ =	swait.ge [sflag:s23], $0x1  }
0xa3: {  	[sflag:s23] =	ssyncset.done $0x0  }
0xa4: {  	s25 =	simm.s32 $0x1B8E;
	s24 =	sld [smem:$0x3FFE];
	[sflag:s23] =	ssyncadd.s32 $0xFFFFFFFF  }
0xa5: {  	s26 =	simm.s32 $execute0_lowered;
	[smem:$0x3FD2] =	sst s25  }
0xa6: {  	s5 =	sshll.u32 s26, $0x1;
	_ =	strace $0x8000004F;
	[dreg:$0x1] =	wrdreg $0xFFFFFFFF  }
0xa7: {  	s28 =	simm.s32 $_size_execute0_lowered;
	s3 =	sadd.s32 s3, s5;
	[dreg:$0x0] =	wrdreg $0x0  }
0xa8: {  	s5 =	sshll.u32 s28, $0x1;
	[dreg:$0x2] =	wrdreg s3  }
0xa9: {  	[dreg:$0x3] =	wrdreg s5  }
0xaa: {  	[dreg:$0x4] =	wrdreg $0xC0  }
0xab: {  	_ =	task [dreg:s7], $0x5FFFF  }
0xac: {  	[dreg:$0x1] =	wrdreg $0xFFFFFFFF  }
0xad: {  	[dreg:$0x0] =	wrdreg $0x60  }
0xae: {  	[dreg:$0x2] =	wrdreg s2  }
0xaf: {  	[dreg:$0x3] =	wrdreg s24  }
0xb0: {  	[dreg:$0x4] =	wrdreg $0x69000  }
0xb1: {  	[dreg:$0x5] =	wrdreg $0x9  }
0xb2: {  	_ =	task.clear_ibuf [dreg:s7], $0x6FFFF;
	_ =	strace $0x9000004F  }
0xb3: {  	s29 =	simm.s32 $0x9;
	_ =	strace $0x80000051  }
0xb4: {  	_ =	swait.ge [sflag:s29], $0x1  }
0xb5: {  	[sflag:s29] =	ssyncadd.s32 $0xFFFFFFFF  }
0xb6: {  	_ =	strace $0x90000051  }
0xb7: {  	_ =	sfence  }
0xb8: {  	s30 =	sld [smem:$0x0];
	_ =	sdelay $0x2  }
0xb9: {  	s31 =	sshll.u32 s1, $0xD;
	s1 =	sshrl.u32 s1, $0x2  }
0xba: {  	s3 =	sand.u32 $0x4000, s31;
	s1 =	sadd.s32 s1, s30  }
0xbb: {  	s0 =	sor.u32 s3, s0;
	s1 =	sshll.u32 s1, $0x11  }
0xbc: {  	s0 =	sor.u32 s1, s0  }
0xbd: {  	s0 =	sadd.s32 $0x8F2B, s0  }
0xbe: {  	[sflag:s0] =	ssyncadd.remote.s32 $0x1  }
0xbf: {  	_ =	sfence.sel $0xFFFF  }
0xc0: {  	[dreg:$0x0] =	wrdreg $0xFFFFFFFF;
	(pc) =	sbr.abs _section_cstart, $3  }
0xc1: {  	[dreg:$0x1] =	wrdreg $0xFFFFFFFF  }
0xc2: {  	_ =	task.clear_ibuf [dreg:s7], $0x2FFFF;
	_ =	strace $0x9FFFFFFF  }
0xc3: {  	(tm) =	ssettm $0x7FFFFFFF  }
tec
execute0_lowered:
.L_overlay_start_1:
0x0: {  	(tag) =	ssettag $0x1  }
0x1: {  	s1 =	rddreg [dreg:$0x0]  }
0x2: {  	s0 =	rddreg [dreg:$0x1]  }
0x3: {  	s3 =	rddreg [dreg:$0x2];
	s4 =	simm.s32 $0x0  }
0x4: {  	s13 =	stileid.u32;
	s2 =	srdreg.scid;
	s28 =	simm.s32 $0x0  }
0x5: {  	[smem:$0x7FF] =	sst s4;
	s5 =	smul.u32 $0x3E80, s13;
	s9 =	sadd.s32 $0x4F0800, s0  }
0x6: {  	s2 =	sand.u32 $0x1, s2;
	s7 =	smul.u32 $0x2710, s13;
	s8 =	sadd.s32 $0x4E6A00, s0  }
0x7: {  	s11 =	smul.u32 $0x7D000, s13;
	p0 =	sgt.u32 s13, $0x9;
	s13 =	simm.s32 $0x280  }
0x8: {  	_ =	strace $0x80000050;
	s6 =	smul.u32 $0x27100, s2;
	s2 =	ssub.s32 $0x2, s2  }
0x9: {  	s12 =	sadd.s32 s5, s0;
	s29 =	sshrl.u32 s2, $0x1;
	s30 =	sshrl.u32 s11, $0x2  }
0xa: {  	s11 =	simm.s32 $0x180;
	s10 =	sadd.s32 s5, s6;
	s7 =	sadd.s32 s7, s6  }
0xb: {  	s2 =	ssub.s32 s2, s29;
	s31 =	sadd.s32 s30, s3;
	s12 =	sadd.s32 $0x4A00, s12  }
0xc: {  	s0 =	sadd.s32 s10, s0;
	[dreg:$0xe] =	wrdreg s31;
	s6 =	sshrl.u32 s7, $0x3  }
0xd: {  	[dreg:$0xf] =	wrdreg s12;
	s15 =	sadd.s32 $0xA0, s7;
	s18 =	sadd.s32 $0x78, s7  }
0xe: {  	s22 =	sadd.s32 $0x50, s7;
	s7 =	sadd.s32 $0x28, s7;
	s12 =	simm.s32 $0x200  }
0xf: {  	s14 =	sadd.s32 s6, s8;
	s10 =	sadd.s32 s6, s9;
	s16 =	sshrl.u32 s15, $0x3  }
0x10: {  	s20 =	sshrl.u32 s18, $0x3;
	s24 =	sshrl.u32 s22, $0x3;
	[dreg:$0x4] =	wrdreg s14  }
0x11: {  	s29 =	sshrl.u32 s7, $0x3;
	s0 =	sadd.s32 $0x116200, s0;
	[dreg:$0x5] =	wrdreg s10  }
0x12: {  	s15 =	simm.s32 $0x380;
	s17 =	sadd.s32 s16, s8;
	[dreg:$0x10] =	wrdreg s0  }
0x13: {  	s18 =	simm.s32 $0x1;
	s19 =	sadd.s32 s16, s9;
	[dreg:$0x6] =	wrdreg s17  }
0x14: {  	s22 =	simm.s32 $0x2D00;
	s21 =	sadd.s32 s20, s8;
	[dreg:$0x7] =	wrdreg s19  }
0x15: {  	s23 =	sadd.s32 s20, s9;
	s25 =	sadd.s32 s24, s8;
	[dreg:$0x8] =	wrdreg s21  }
0x16: {  	s26 =	sadd.s32 s24, s9;
	s30 =	sadd.s32 s29, s8;
	[dreg:$0x9] =	wrdreg s23  }
0x17: {  	s8 =	smax.u32 s2, $0x1;
	s31 =	sadd.s32 s29, s9;
	[dreg:$0xa] =	wrdreg s25  }
0x18: {  	s9 =	simm.s32 $0x80;
	s10 =	simm.s32 $0x100;
	[dreg:$0xb] =	wrdreg s26  }
0x19: {  	s14 =	simm.s32 $0x300;
	s16 =	simm.s32 $0x400;
	[dreg:$0xc] =	wrdreg s30  }
0x1a: {  	s20 =	simm.s32 $0x500;
	s24 =	simm.s32 $0x5500;
	[dreg:$0xd] =	wrdreg s31  }
0x1b: {  	s17 =	simm.s32 $0x480;
	s19 =	simm.s32 $0x28;
	s21 =	simm.s32 $0x1900  }
0x1c: {  	s23 =	simm.s32 $0x4100;
	s25 =	simm.s32 $0x2;
	s26 =	simm.s32 $0x3  }
.LBB2_1:
0x1d: {  	s0 =	stileid.u32  }
0x1e: {  	s0 =	sshll.u32 @!p0 s0, $0x6  }
0x1f: {  	s29 =	sor.u32 @!p0 $0x1C04, s0;
	s0 =	rddreg [dreg:$0xe]  }
0x20: {  	s30 =	sshrl.u32 @!p0 s0, $0x3;
	s0 =	rddreg [dreg:$0xf]  }
0x21: {  	[spmem:s30], [sflag:s29] =	dma.local @!p0 [hbm:s0], $0x3E80  }
0x22: {  	s0 =	simm.s32 @!p0 $0x4  }
0x23: {  	_ =	swait.ge @!p0 [sflag:s0], $0x3E80  }
0x24: {  	[sflag:s0] =	ssyncset.done @!p0 $0x0  }
0x25: {  	[sflag:s0] =	ssyncadd.s32 @!p0 $0xFFFFC180  }
0x26: {  	[bflag:$0x0] =	sbarrier.arrive $0xFFFF  }
0x27: {  	s7 =	rddreg [dreg:$0x5]  }
0x28: {  	s2 =	rddreg [dreg:$0xd];
	s0 =	sadd.s32 $0x0, s7  }
0x29: {  	[tilespmem:s4], [sflag:$0x1] =	stream.linear.gather [hbm4b:s0+s4], $0x28, $0x38;
	[tilespmem:$0x1A180] =	vst v63  }
0x2a: {  	s31 =	rddreg [dreg:$0xb];
	s5 =	sadd.s32 $0x0, s2  }
0x2b: {  	[tilespmem:s9], [sflag:$0x1] =	stream.linear.gather [hbm4b:s5+s4], $0x28, $0x38;
	[tilespmem:$0x1A180] =	vst v63  }
0x2c: {  	s6 =	rddreg [dreg:$0x9];
	s7 =	sadd.s32 $0x0, s31  }
0x2d: {  	[tilespmem:s10], [sflag:$0x1] =	stream.linear.gather [hbm4b:s7+s4], $0x28, $0x38;
	[tilespmem:$0x1A180] =	vst v63  }
0x2e: {  	s31 =	rddreg [dreg:$0x7];
	s5 =	sadd.s32 $0x0, s6  }
0x2f: {  	[tilespmem:s11], [sflag:$0x1] =	stream.linear.gather [hbm4b:s5+s4], $0x28, $0x38;
	[tilespmem:$0x1A180] =	vst v63  }
0x30: {  	s6 =	rddreg [dreg:$0x4];
	s7 =	sadd.s32 $0x0, s31  }
0x31: {  	[tilespmem:s12], [sflag:$0x1] =	stream.linear.gather [hbm4b:s7+s4], $0x28, $0x38;
	[tilespmem:$0x1A180] =	vst v63  }
0x32: {  	s31 =	rddreg [dreg:$0xc];
	s5 =	sadd.s32 $0x0, s6  }
0x33: {  	[tilespmem:s13], [sflag:$0x1] =	stream.linear.gather [hbm4b:s5+s4], $0x28, $0x38;
	[tilespmem:$0x1A180] =	vst v63  }
0x34: {  	s6 =	rddreg [dreg:$0xa];
	s7 =	sadd.s32 $0x0, s31  }
0x35: {  	[tilespmem:s14], [sflag:$0x1] =	stream.linear.gather [hbm4b:s7+s4], $0x28, $0x38;
	[tilespmem:$0x1A180] =	vst v63  }
0x36: {  	s2 =	sadd.s32 $0x0, s6;
	s31 =	rddreg [dreg:$0x8]  }
0x37: {  	[tilespmem:s15], [sflag:$0x1] =	stream.linear.gather [hbm4b:s2+s4], $0x28, $0x38;
	[tilespmem:$0x1A180] =	vst v63  }
0x38: {  	s6 =	sadd.s32 $0x0, s31;
	s5 =	rddreg [dreg:$0x6]  }
0x39: {  	[tilespmem:s16], [sflag:$0x1] =	stream.linear.gather [hbm4b:s6+s4], $0x28, $0x38;
	[tilespmem:$0x1A180] =	vst v63  }
0x3a: {  	s7 =	sadd.s32 $0x0, s5  }
0x3b: {  	[tilespmem:s17], [sflag:$0x1] =	stream.linear.gather [hbm4b:s7+s4], $0x28, $0x38;
	[tilespmem:$0x1A180] =	vst v63  }
0x3c: {  	_ =	swait.ge [sflag:s18], $0x28  }
0x3d: {  	[sflag:s18] =	ssyncset.done $0x0  }
0x3e: {  	[sflag:s18] =	ssyncadd.s32 $0xFFFFFFD8  }
0x3f: {  	_ =	swait.ge [sflag:s18], $0x28  }
0x40: {  	[sflag:s18] =	ssyncset.done $0x0  }
0x41: {  	[sflag:s18] =	ssyncadd.s32 $0xFFFFFFD8  }
0x42: {  	_ =	swait.ge [sflag:s18], $0x28  }
0x43: {  	[sflag:s18] =	ssyncset.done $0x0  }
0x44: {  	[sflag:s18] =	ssyncadd.s32 $0xFFFFFFD8  }
0x45: {  	_ =	swait.ge [sflag:s18], $0x28  }
0x46: {  	[sflag:s18] =	ssyncset.done $0x0  }
0x47: {  	[sflag:s18] =	ssyncadd.s32 $0xFFFFFFD8  }
0x48: {  	_ =	swait.ge [sflag:s18], $0x28  }
0x49: {  	[sflag:s18] =	ssyncset.done $0x0  }
0x4a: {  	[sflag:s18] =	ssyncadd.s32 $0xFFFFFFD8  }
0x4b: {  	_ =	swait.ge [sflag:s18], $0x28  }
0x4c: {  	[sflag:s18] =	ssyncset.done $0x0  }
0x4d: {  	[sflag:s18] =	ssyncadd.s32 $0xFFFFFFD8  }
0x4e: {  	_ =	swait.ge [sflag:s18], $0x28  }
0x4f: {  	[sflag:s18] =	ssyncset.done $0x0  }
0x50: {  	[sflag:s18] =	ssyncadd.s32 $0xFFFFFFD8  }
0x51: {  	_ =	swait.ge [sflag:s18], $0x28  }
0x52: {  	[sflag:s18] =	ssyncset.done $0x0  }
0x53: {  	[sflag:s18] =	ssyncadd.s32 $0xFFFFFFD8  }
0x54: {  	_ =	swait.ge [sflag:s18], $0x28  }
0x55: {  	[sflag:s18] =	ssyncset.done $0x0  }
0x56: {  	[sflag:s18] =	ssyncadd.s32 $0xFFFFFFD8  }
0x57: {  	_ =	swait.ge [sflag:s18], $0x28  }
0x58: {  	[sflag:s18] =	ssyncset.done $0x0  }
0x59: {  	[sflag:s18] =	ssyncadd.s32 $0xFFFFFFD8  }
0x5a: {  	[tilespmem:s20], [sflag:$0x2] =	stream.indirect.gather [hbm4b:s1+s19], $0x80, s4, s19, $0xb8;
	[tilespmem:$0x1A180] =	vst v63  }
0x5b: {  	_ = 	snop  }
0x5c: {  	[tilespmem:s21], [sflag:$0x2] =	stream.indirect.gather [hbm4b:s1+s19], $0x80, s9, s19, $0xb8;
	[tilespmem:$0x1A180] =	vst v63  }
0x5d: {  	_ = 	snop  }
0x5e: {  	[tilespmem:s22], [sflag:$0x2] =	stream.indirect.gather [hbm4b:s1+s19], $0x80, s10, s19, $0xb8;
	[tilespmem:$0x1A180] =	vst v63  }
0x5f: {  	_ = 	snop  }
0x60: {  	[tilespmem:s23], [sflag:$0x2] =	stream.indirect.gather [hbm4b:s1+s19], $0x80, s11, s19, $0xb8;
	[tilespmem:$0x1A180] =	vst v63  }
0x61: {  	_ = 	snop  }
0x62: {  	[tilespmem:s24], [sflag:$0x2] =	stream.indirect.gather [hbm4b:s1+s19], $0x80, s12, s19, $0xb8;
	[tilespmem:$0x1A180] =	vst v63  }
0x63: {  	_ =	swait.ge [sflag:s25], $0x1400  }
0x64: {  	[sflag:s25] =	ssyncset.done $0x0  }
0x65: {  	[sflag:s25] =	ssyncadd.s32 $0xFFFFEC00  }
0x66: {  	_ =	swait.ge [sflag:s25], $0x1400  }
0x67: {  	[sflag:s25] =	ssyncset.done $0x0  }
0x68: {  	[sflag:s25] =	ssyncadd.s32 $0xFFFFEC00  }
0x69: {  	_ =	swait.ge [sflag:s25], $0x1400  }
0x6a: {  	[sflag:s25] =	ssyncset.done $0x0  }
0x6b: {  	[sflag:s25] =	ssyncadd.s32 $0xFFFFEC00  }
0x6c: {  	_ =	swait.ge [sflag:s25], $0x1400  }
0x6d: {  	[sflag:s25] =	ssyncset.done $0x0  }
0x6e: {  	[sflag:s25] =	ssyncadd.s32 $0xFFFFEC00  }
0x6f: {  	_ =	swait.ge [sflag:s25], $0x1400  }
0x70: {  	[sflag:s25] =	ssyncset.done $0x0  }
0x71: {  	[sflag:s25] =	ssyncadd.s32 $0xFFFFEC00  }
0x72: {  	[spmem:s3] =	stream.indirect.scatter.add.f32 [tilespmem:s20], [sflag:$0x3], $0x80, s13, s19, $0xb8;
	[tilespmem:$0x1A180] =	vst v63  }
0x73: {  	_ = 	snop  }
0x74: {  	[spmem:s3] =	stream.indirect.scatter.add.f32 [tilespmem:s21], [sflag:$0x3], $0x80, s14, s19, $0xb8;
	[tilespmem:$0x1A180] =	vst v63  }
0x75: {  	_ = 	snop  }
0x76: {  	[spmem:s3] =	stream.indirect.scatter.add.f32 [tilespmem:s22], [sflag:$0x3], $0x80, s15, s19, $0xb8;
	[tilespmem:$0x1A180] =	vst v63  }
0x77: {  	_ = 	snop  }
0x78: {  	[spmem:s3] =	stream.indirect.scatter.add.f32 [tilespmem:s23], [sflag:$0x3], $0x80, s16, s19, $0xb8;
	[tilespmem:$0x1A180] =	vst v63  }
0x79: {  	_ = 	snop  }
0x7a: {  	[spmem:s3] =	stream.indirect.scatter.add.f32 [tilespmem:s24], [sflag:$0x3], $0x80, s17, s19, $0xb8;
	[tilespmem:$0x1A180] =	vst v63  }
0x7b: {  	_ =	swait.ge [sflag:s26], $0x1400  }
0x7c: {  	[sflag:s26] =	ssyncset.done $0x0  }
0x7d: {  	[sflag:s26] =	ssyncadd.s32 $0xFFFFEC00  }
0x7e: {  	_ =	swait.ge [sflag:s26], $0x1400  }
0x7f: {  	[sflag:s26] =	ssyncset.done $0x0  }
0x80: {  	[sflag:s26] =	ssyncadd.s32 $0xFFFFEC00  }
0x81: {  	_ =	swait.ge [sflag:s26], $0x1400  }
0x82: {  	[sflag:s26] =	ssyncset.done $0x0  }
0x83: {  	[sflag:s26] =	ssyncadd.s32 $0xFFFFEC00  }
0x84: {  	_ =	swait.ge [sflag:s26], $0x1400  }
0x85: {  	[sflag:s26] =	ssyncset.done $0x0  }
0x86: {  	[sflag:s26] =	ssyncadd.s32 $0xFFFFEC00  }
0x87: {  	s0 =	simm.s32 $0x32;
	_ =	swait.ge [sflag:s26], $0x1400  }
0x88: {  	s31 =	simm.s32 $0x19;
	s2 =	rddreg [dreg:$0x5];
	[sflag:s26] =	ssyncset.done $0x0  }
.LBB2_2:
0x89: {  	[sflag:s26] =	ssyncadd.s32 $0xFFFFEC00;
	s6 =	rddreg [dreg:$0xd];
	s2 =	sadd.s32 s31, s2  }
0x8a: {  	[tilespmem:s4], [sflag:$0x1] =	stream.linear.gather [hbm4b:s2+s4], $0x28, $0x38;
	[tilespmem:$0x1A180] =	vst v63  }
0x8b: {  	s7 =	rddreg [dreg:$0xb];
	s2 =	sadd.s32 s31, s6  }
0x8c: {  	[tilespmem:s9], [sflag:$0x1] =	stream.linear.gather [hbm4b:s2+s4], $0x28, $0x38;
	[tilespmem:$0x1A180] =	vst v63  }
0x8d: {  	s6 =	rddreg [dreg:$0x9];
	s2 =	sadd.s32 s31, s7  }
0x8e: {  	[tilespmem:s10], [sflag:$0x1] =	stream.linear.gather [hbm4b:s2+s4], $0x28, $0x38;
	[tilespmem:$0x1A180] =	vst v63  }
0x8f: {  	s7 =	rddreg [dreg:$0x7];
	s2 =	sadd.s32 s31, s6  }
0x90: {  	[tilespmem:s11], [sflag:$0x1] =	stream.linear.gather [hbm4b:s2+s4], $0x28, $0x38;
	[tilespmem:$0x1A180] =	vst v63  }
0x91: {  	s6 =	rddreg [dreg:$0x4];
	s2 =	sadd.s32 s31, s7  }
0x92: {  	[tilespmem:s12], [sflag:$0x1] =	stream.linear.gather [hbm4b:s2+s4], $0x28, $0x38;
	[tilespmem:$0x1A180] =	vst v63  }
0x93: {  	s7 =	rddreg [dreg:$0xc];
	s2 =	sadd.s32 s31, s6  }
0x94: {  	[tilespmem:s13], [sflag:$0x1] =	stream.linear.gather [hbm4b:s2+s4], $0x28, $0x38;
	[tilespmem:$0x1A180] =	vst v63  }
0x95: {  	s6 =	rddreg [dreg:$0xa];
	s2 =	sadd.s32 s31, s7  }
0x96: {  	[tilespmem:s14], [sflag:$0x1] =	stream.linear.gather [hbm4b:s2+s4], $0x28, $0x38;
	[tilespmem:$0x1A180] =	vst v63  }
0x97: {  	s7 =	rddreg [dreg:$0x8];
	s2 =	sadd.s32 s31, s6  }
0x98: {  	[tilespmem:s15], [sflag:$0x1] =	stream.linear.gather [hbm4b:s2+s4], $0x28, $0x38;
	[tilespmem:$0x1A180] =	vst v63  }
0x99: {  	s7 =	sadd.s32 s31, s7;
	s6 =	rddreg [dreg:$0x6]  }
0x9a: {  	[tilespmem:s16], [sflag:$0x1] =	stream.linear.gather [hbm4b:s7+s4], $0x28, $0x38;
	[tilespmem:$0x1A180] =	vst v63  }
0x9b: {  	s7 =	sadd.s32 s31, s6  }
0x9c: {  	[tilespmem:s17], [sflag:$0x1] =	stream.linear.gather [hbm4b:s7+s4], $0x28, $0x38;
	[tilespmem:$0x1A180] =	vst v63  }
0x9d: {  	_ =	swait.ge [sflag:s18], $0x28  }
0x9e: {  	[sflag:s18] =	ssyncset.done $0x0  }
0x9f: {  	[sflag:s18] =	ssyncadd.s32 $0xFFFFFFD8  }
0xa0: {  	_ =	swait.ge [sflag:s18], $0x28  }
0xa1: {  	[sflag:s18] =	ssyncset.done $0x0  }
0xa2: {  	[sflag:s18] =	ssyncadd.s32 $0xFFFFFFD8  }
0xa3: {  	_ =	swait.ge [sflag:s18], $0x28  }
0xa4: {  	[sflag:s18] =	ssyncset.done $0x0  }
0xa5: {  	[sflag:s18] =	ssyncadd.s32 $0xFFFFFFD8  }
0xa6: {  	_ =	swait.ge [sflag:s18], $0x28  }
0xa7: {  	[sflag:s18] =	ssyncset.done $0x0  }
0xa8: {  	[sflag:s18] =	ssyncadd.s32 $0xFFFFFFD8  }
0xa9: {  	_ =	swait.ge [sflag:s18], $0x28  }
0xaa: {  	[sflag:s18] =	ssyncset.done $0x0  }
0xab: {  	[sflag:s18] =	ssyncadd.s32 $0xFFFFFFD8  }
0xac: {  	_ =	swait.ge [sflag:s18], $0x28  }
0xad: {  	[sflag:s18] =	ssyncset.done $0x0  }
0xae: {  	[sflag:s18] =	ssyncadd.s32 $0xFFFFFFD8  }
0xaf: {  	_ =	swait.ge [sflag:s18], $0x28  }
0xb0: {  	[sflag:s18] =	ssyncset.done $0x0  }
0xb1: {  	[sflag:s18] =	ssyncadd.s32 $0xFFFFFFD8  }
0xb2: {  	_ =	swait.ge [sflag:s18], $0x28  }
0xb3: {  	[sflag:s18] =	ssyncset.done $0x0  }
0xb4: {  	[sflag:s18] =	ssyncadd.s32 $0xFFFFFFD8  }
0xb5: {  	_ =	swait.ge [sflag:s18], $0x28  }
0xb6: {  	[sflag:s18] =	ssyncset.done $0x0  }
0xb7: {  	[sflag:s18] =	ssyncadd.s32 $0xFFFFFFD8  }
0xb8: {  	_ =	swait.ge [sflag:s18], $0x28  }
0xb9: {  	[sflag:s18] =	ssyncset.done $0x0  }
0xba: {  	[sflag:s18] =	ssyncadd.s32 $0xFFFFFFD8  }
0xbb: {  	[tilespmem:s20], [sflag:$0x2] =	stream.indirect.gather [hbm4b:s1+s19], $0x80, s4, s19, $0xb8;
	[tilespmem:$0x1A180] =	vst v63  }
0xbc: {  	_ = 	snop  }
0xbd: {  	[tilespmem:s21], [sflag:$0x2] =	stream.indirect.gather [hbm4b:s1+s19], $0x80, s9, s19, $0xb8;
	[tilespmem:$0x1A180] =	vst v63  }
0xbe: {  	_ = 	snop  }
0xbf: {  	[tilespmem:s22], [sflag:$0x2] =	stream.indirect.gather [hbm4b:s1+s19], $0x80, s10, s19, $0xb8;
	[tilespmem:$0x1A180] =	vst v63  }
0xc0: {  	_ = 	snop  }
0xc1: {  	[tilespmem:s23], [sflag:$0x2] =	stream.indirect.gather [hbm4b:s1+s19], $0x80, s11, s19, $0xb8;
	[tilespmem:$0x1A180] =	vst v63  }
0xc2: {  	_ = 	snop  }
0xc3: {  	[tilespmem:s24], [sflag:$0x2] =	stream.indirect.gather [hbm4b:s1+s19], $0x80, s12, s19, $0xb8;
	[tilespmem:$0x1A180] =	vst v63  }
0xc4: {  	_ =	swait.ge [sflag:s25], $0x1400  }
0xc5: {  	[sflag:s25] =	ssyncset.done $0x0  }
0xc6: {  	[sflag:s25] =	ssyncadd.s32 $0xFFFFEC00  }
0xc7: {  	_ =	swait.ge [sflag:s25], $0x1400  }
0xc8: {  	[sflag:s25] =	ssyncset.done $0x0  }
0xc9: {  	[sflag:s25] =	ssyncadd.s32 $0xFFFFEC00  }
0xca: {  	_ =	swait.ge [sflag:s25], $0x1400  }
0xcb: {  	[sflag:s25] =	ssyncset.done $0x0  }
0xcc: {  	[sflag:s25] =	ssyncadd.s32 $0xFFFFEC00  }
0xcd: {  	_ =	swait.ge [sflag:s25], $0x1400  }
0xce: {  	[sflag:s25] =	ssyncset.done $0x0  }
0xcf: {  	[sflag:s25] =	ssyncadd.s32 $0xFFFFEC00  }
0xd0: {  	_ =	swait.ge [sflag:s25], $0x1400  }
0xd1: {  	[sflag:s25] =	ssyncset.done $0x0  }
0xd2: {  	[sflag:s25] =	ssyncadd.s32 $0xFFFFEC00  }
0xd3: {  	[spmem:s3] =	stream.indirect.scatter.add.f32 [tilespmem:s20], [sflag:$0x3], $0x80, s13, s19, $0xb8;
	[tilespmem:$0x1A180] =	vst v63  }
0xd4: {  	_ = 	snop  }
0xd5: {  	[spmem:s3] =	stream.indirect.scatter.add.f32 [tilespmem:s21], [sflag:$0x3], $0x80, s14, s19, $0xb8;
	[tilespmem:$0x1A180] =	vst v63  }
0xd6: {  	_ = 	snop  }
0xd7: {  	[spmem:s3] =	stream.indirect.scatter.add.f32 [tilespmem:s22], [sflag:$0x3], $0x80, s15, s19, $0xb8;
	[tilespmem:$0x1A180] =	vst v63  }
0xd8: {  	_ = 	snop  }
0xd9: {  	[spmem:s3] =	stream.indirect.scatter.add.f32 [tilespmem:s23], [sflag:$0x3], $0x80, s16, s19, $0xb8;
	[tilespmem:$0x1A180] =	vst v63  }
0xda: {  	_ = 	snop  }
0xdb: {  	[spmem:s3] =	stream.indirect.scatter.add.f32 [tilespmem:s24], [sflag:$0x3], $0x80, s17, s19, $0xb8;
	[tilespmem:$0x1A180] =	vst v63  }
0xdc: {  	_ =	swait.ge [sflag:s26], $0x1400  }
0xdd: {  	[sflag:s26] =	ssyncset.done $0x0  }
0xde: {  	[sflag:s26] =	ssyncadd.s32 $0xFFFFEC00  }
0xdf: {  	_ =	swait.ge [sflag:s26], $0x1400  }
0xe0: {  	[sflag:s26] =	ssyncset.done $0x0  }
0xe1: {  	[sflag:s26] =	ssyncadd.s32 $0xFFFFEC00  }
0xe2: {  	_ =	swait.ge [sflag:s26], $0x1400  }
0xe3: {  	[sflag:s26] =	ssyncset.done $0x0  }
0xe4: {  	p1 =	sne.s32 s0, $0x4C9;
	[sflag:s26] =	ssyncadd.s32 $0xFFFFEC00  }
.Ltmp0:
0xe5: {  	_ =	swait.ge [sflag:s26], $0x1400;
	(pc) =	sbr.rel @p1 .LBB2_2-.Ltmp0, $4  }
0xe6: {  	[sflag:s26] =	ssyncset.done $0x0  }
0xe7: {  	[sflag:s26] =	ssyncadd.s32 $0xFFFFEC00  }
0xe8: {  	s5 =	smov.u32 s0;
	s0 =	sadd.s32 $0x19, s0;
	_ =	swait.ge [sflag:s26], $0x1400  }
0xe9: {  	s31 =	smov.u32 s5;
	s2 =	rddreg [dreg:$0x5];
	[sflag:s26] =	ssyncset.done $0x0  }
0xea: {  	s0 =	rddreg [dreg:$0xd];
	[sflag:s26] =	ssyncadd.s32 $0xFFFFEC00;
	s2 =	sadd.s32 s31, s2  }
0xeb: {  	[tilespmem:s4], [sflag:$0x1] =	stream.linear.gather [hbm4b:s2+s4], $0x28, $0x38;
	[tilespmem:$0x1A180] =	vst v63  }
0xec: {  	s6 =	rddreg [dreg:$0xb];
	s0 =	sadd.s32 s31, s0  }
0xed: {  	[tilespmem:s9], [sflag:$0x1] =	stream.linear.gather [hbm4b:s0+s4], $0x28, $0x38;
	[tilespmem:$0x1A180] =	vst v63  }
0xee: {  	s7 =	rddreg [dreg:$0x9];
	s2 =	sadd.s32 s31, s6  }
0xef: {  	[tilespmem:s10], [sflag:$0x1] =	stream.linear.gather [hbm4b:s2+s4], $0x28, $0x38;
	[tilespmem:$0x1A180] =	vst v63  }
0xf0: {  	s5 =	rddreg [dreg:$0x7];
	s0 =	sadd.s32 s31, s7  }
0xf1: {  	[tilespmem:s11], [sflag:$0x1] =	stream.linear.gather [hbm4b:s0+s4], $0x28, $0x38;
	[tilespmem:$0x1A180] =	vst v63  }
0xf2: {  	s6 =	rddreg [dreg:$0x4];
	s2 =	sadd.s32 s31, s5  }
0xf3: {  	[tilespmem:s12], [sflag:$0x1] =	stream.linear.gather [hbm4b:s2+s4], $0x28, $0x38;
	[tilespmem:$0x1A180] =	vst v63  }
0xf4: {  	s7 =	rddreg [dreg:$0xc];
	s0 =	sadd.s32 s31, s6  }
0xf5: {  	[tilespmem:s13], [sflag:$0x1] =	stream.linear.gather [hbm4b:s0+s4], $0x28, $0x38;
	[tilespmem:$0x1A180] =	vst v63  }
0xf6: {  	s5 =	rddreg [dreg:$0xa];
	s2 =	sadd.s32 s31, s7  }
0xf7: {  	[tilespmem:s14], [sflag:$0x1] =	stream.linear.gather [hbm4b:s2+s4], $0x28, $0x38;
	[tilespmem:$0x1A180] =	vst v63  }
0xf8: {  	s6 =	rddreg [dreg:$0x8];
	s0 =	sadd.s32 s31, s5  }
0xf9: {  	[tilespmem:s15], [sflag:$0x1] =	stream.linear.gather [hbm4b:s0+s4], $0x28, $0x38;
	[tilespmem:$0x1A180] =	vst v63  }
0xfa: {  	s7 =	rddreg [dreg:$0x6];
	s2 =	sadd.s32 s31, s6  }
0xfb: {  	[tilespmem:s16], [sflag:$0x1] =	stream.linear.gather [hbm4b:s2+s4], $0x28, $0x38;
	[tilespmem:$0x1A180] =	vst v63  }
0xfc: {  	s0 =	sadd.s32 s31, s7  }
0xfd: {  	[tilespmem:s17], [sflag:$0x1] =	stream.linear.gather [hbm4b:s0+s4], $0x28, $0x38;
	[tilespmem:$0x1A180] =	vst v63  }
0xfe: {  	_ =	swait.ge [sflag:s18], $0x28  }
0xff: {  	[sflag:s18] =	ssyncset.done $0x0  }
0x100: {  	[sflag:s18] =	ssyncadd.s32 $0xFFFFFFD8  }
0x101: {  	_ =	swait.ge [sflag:s18], $0x28  }
0x102: {  	[sflag:s18] =	ssyncset.done $0x0  }
0x103: {  	[sflag:s18] =	ssyncadd.s32 $0xFFFFFFD8  }
0x104: {  	_ =	swait.ge [sflag:s18], $0x28  }
0x105: {  	[sflag:s18] =	ssyncset.done $0x0  }
0x106: {  	[sflag:s18] =	ssyncadd.s32 $0xFFFFFFD8  }
0x107: {  	_ =	swait.ge [sflag:s18], $0x28  }
0x108: {  	[sflag:s18] =	ssyncset.done $0x0  }
0x109: {  	[sflag:s18] =	ssyncadd.s32 $0xFFFFFFD8  }
0x10a: {  	_ =	swait.ge [sflag:s18], $0x28  }
0x10b: {  	[sflag:s18] =	ssyncset.done $0x0  }
0x10c: {  	[sflag:s18] =	ssyncadd.s32 $0xFFFFFFD8  }
0x10d: {  	_ =	swait.ge [sflag:s18], $0x28  }
0x10e: {  	[sflag:s18] =	ssyncset.done $0x0  }
0x10f: {  	[sflag:s18] =	ssyncadd.s32 $0xFFFFFFD8  }
0x110: {  	_ =	swait.ge [sflag:s18], $0x28  }
0x111: {  	[sflag:s18] =	ssyncset.done $0x0  }
0x112: {  	[sflag:s18] =	ssyncadd.s32 $0xFFFFFFD8  }
0x113: {  	_ =	swait.ge [sflag:s18], $0x28  }
0x114: {  	[sflag:s18] =	ssyncset.done $0x0  }
0x115: {  	[sflag:s18] =	ssyncadd.s32 $0xFFFFFFD8  }
0x116: {  	_ =	swait.ge [sflag:s18], $0x28  }
0x117: {  	[sflag:s18] =	ssyncset.done $0x0  }
0x118: {  	[sflag:s18] =	ssyncadd.s32 $0xFFFFFFD8  }
0x119: {  	_ =	swait.ge [sflag:s18], $0x28  }
0x11a: {  	[sflag:s18] =	ssyncset.done $0x0  }
0x11b: {  	[sflag:s18] =	ssyncadd.s32 $0xFFFFFFD8  }
0x11c: {  	[tilespmem:s20], [sflag:$0x2] =	stream.indirect.gather [hbm4b:s1+s19], $0x80, s4, s19, $0xb8;
	[tilespmem:$0x1A180] =	vst v63  }
0x11d: {  	_ = 	snop  }
0x11e: {  	[tilespmem:s21], [sflag:$0x2] =	stream.indirect.gather [hbm4b:s1+s19], $0x80, s9, s19, $0xb8;
	[tilespmem:$0x1A180] =	vst v63  }
0x11f: {  	_ = 	snop  }
0x120: {  	[tilespmem:s22], [sflag:$0x2] =	stream.indirect.gather [hbm4b:s1+s19], $0x80, s10, s19, $0xb8;
	[tilespmem:$0x1A180] =	vst v63  }
0x121: {  	_ = 	snop  }
0x122: {  	[tilespmem:s23], [sflag:$0x2] =	stream.indirect.gather [hbm4b:s1+s19], $0x80, s11, s19, $0xb8;
	[tilespmem:$0x1A180] =	vst v63  }
0x123: {  	_ = 	snop  }
0x124: {  	[tilespmem:s24], [sflag:$0x2] =	stream.indirect.gather [hbm4b:s1+s19], $0x80, s12, s19, $0xb8;
	[tilespmem:$0x1A180] =	vst v63  }
0x125: {  	_ =	swait.ge [sflag:s25], $0x1400  }
0x126: {  	[sflag:s25] =	ssyncset.done $0x0  }
0x127: {  	[sflag:s25] =	ssyncadd.s32 $0xFFFFEC00  }
0x128: {  	_ =	swait.ge [sflag:s25], $0x1400  }
0x129: {  	[sflag:s25] =	ssyncset.done $0x0  }
0x12a: {  	[sflag:s25] =	ssyncadd.s32 $0xFFFFEC00  }
0x12b: {  	_ =	swait.ge [sflag:s25], $0x1400  }
0x12c: {  	[sflag:s25] =	ssyncset.done $0x0  }
0x12d: {  	[sflag:s25] =	ssyncadd.s32 $0xFFFFEC00  }
0x12e: {  	_ =	swait.ge [sflag:s25], $0x1400  }
0x12f: {  	[sflag:s25] =	ssyncset.done $0x0  }
0x130: {  	[sflag:s25] =	ssyncadd.s32 $0xFFFFEC00  }
0x131: {  	_ =	swait.ge [sflag:s25], $0x1400  }
0x132: {  	[sflag:s25] =	ssyncset.done $0x0  }
0x133: {  	[sflag:s25] =	ssyncadd.s32 $0xFFFFEC00  }
0x134: {  	[spmem:s3] =	stream.indirect.scatter.add.f32 [tilespmem:s20], [sflag:$0x3], $0x80, s13, s19, $0xb8;
	[tilespmem:$0x1A180] =	vst v63  }
0x135: {  	_ = 	snop  }
0x136: {  	[spmem:s3] =	stream.indirect.scatter.add.f32 [tilespmem:s21], [sflag:$0x3], $0x80, s14, s19, $0xb8;
	[tilespmem:$0x1A180] =	vst v63  }
0x137: {  	_ = 	snop  }
0x138: {  	[spmem:s3] =	stream.indirect.scatter.add.f32 [tilespmem:s22], [sflag:$0x3], $0x80, s15, s19, $0xb8;
	[tilespmem:$0x1A180] =	vst v63  }
0x139: {  	_ = 	snop  }
0x13a: {  	[spmem:s3] =	stream.indirect.scatter.add.f32 [tilespmem:s23], [sflag:$0x3], $0x80, s16, s19, $0xb8;
	[tilespmem:$0x1A180] =	vst v63  }
0x13b: {  	_ = 	snop  }
0x13c: {  	[spmem:s3] =	stream.indirect.scatter.add.f32 [tilespmem:s24], [sflag:$0x3], $0x80, s17, s19, $0xb8;
	[tilespmem:$0x1A180] =	vst v63  }
0x13d: {  	_ =	swait.ge [sflag:s26], $0x1400  }
0x13e: {  	[sflag:s26] =	ssyncset.done $0x0  }
0x13f: {  	[sflag:s26] =	ssyncadd.s32 $0xFFFFEC00  }
0x140: {  	_ =	swait.ge [sflag:s26], $0x1400  }
0x141: {  	[sflag:s26] =	ssyncset.done $0x0  }
0x142: {  	[sflag:s26] =	ssyncadd.s32 $0xFFFFEC00  }
0x143: {  	_ =	swait.ge [sflag:s26], $0x1400  }
0x144: {  	[sflag:s26] =	ssyncset.done $0x0  }
0x145: {  	[sflag:s26] =	ssyncadd.s32 $0xFFFFEC00  }
0x146: {  	_ =	swait.ge [sflag:s26], $0x1400  }
0x147: {  	[sflag:s26] =	ssyncset.done $0x0  }
0x148: {  	[sflag:s26] =	ssyncadd.s32 $0xFFFFEC00  }
0x149: {  	_ =	swait.ge [sflag:s26], $0x1400  }
0x14a: {  	[sflag:s26] =	ssyncset.done $0x0  }
0x14b: {  	[sflag:s26] =	ssyncadd.s32 $0xFFFFEC00  }
0x14c: {  	s28 =	sadd.s32 $0x1, s28;
	[bflag:$0x0] =	sbarrier.arrive $0xFFFF  }
0x14d: {  	p1 =	sne.s32 s28, s8;
	s0 =	rddreg [dreg:$0x10]  }
0x14e: {  	[hbm:s0], [sflag:s29] =	dma.local @!p0 [spmem:s30], $0x3E80  }
.Ltmp1:
0x14f: {  	_ = 	snop;
	(pc) =	sbr.rel @p1 .LBB2_1-.Ltmp1, $4  }
0x150: {  	s0 =	simm.s32 @!p0 $0x4  }
0x151: {  	_ =	swait.ge @!p0 [sflag:s0], $0x3E80  }
0x152: {  	[sflag:s0] =	ssyncset.done @!p0 $0x0  }
0x153: {  	[sflag:s0] =	ssyncadd.s32 @!p0 $0xFFFFC180  }
0x154: {  	_ =	sfence.sel $0x180000  }
0x155: {  	[bflag:$0x0] =	sbarrier.arrive $0xFFFF  }
0x156: {  	_ =	strace $0x90000050  }
0x157: {  	s0 =	stileid.u32;
	[bflag:$0x2] =	sbarrier.arrive $0xFFFF  }
0x158: {  	p0 =	sne.s32 s0, $0x0;
	s0 =	rddreg [dreg:$0x3]  }
0x159: {  	s0 =	sadd.s32 @!p0 $0x100000, s0  }
0x15a: {  	[sflag:s0] =	ssyncadd.tile.s32 @!p0 $0x1;
	_ =	shalt  }
.Lfunc_end2:
_tile_overlayer_lowered:
.L_overlay_start_2:
0x15b: {  	(tag) =	ssettag $0x2  }
0x15c: {  	s0 =	rddreg [dreg:$0x0];
	s2 =	stileid.u32  }
0x15d: {  	s1 =	rddreg [dreg:$0x1];
	p0 =	sne.s32 s2, $0x0  }
0x15e: {  	s3 =	rddreg [dreg:$0x2];
	[bflag:$0x3] =	sbarrier.arrive $0xFFFF;
	s2 =	simm.s32 @!p0 $0x1C04  }
0x15f: {  	[timem:s3], [sflag:s2] =	dma.local @!p0 [hbm:s0], s1  }
0x160: {  	s0 =	simm.s32 @!p0 $0x4  }
0x161: {  	_ =	swait.ge @!p0 [sflag:s0], s1  }
0x162: {  	s1 =	ssub.s32 @!p0 $0x0, s1;
	[sflag:s0] =	ssyncset.done @!p0 $0x0  }
0x163: {  	[sflag:s0] =	ssyncadd.s32 @!p0 s1  }
0x164: {  	[bflag:$0x3] =	sbarrier.arrive $0xFFFF  }
0x165: {  	_ =	shalt  }

</sc_bundles>
